<compile_context>
chip_gen: v7x
topology: tpu7x:2x2x1
jax: 0.10.2.dev20260603
libtpu: 0.0.44.dev20260713+nightly
codegen_flags: <defaults>
</compile_context>

<pallas_src>
import functools

import jax
import jax.numpy as jnp
from jax import lax
from jax.experimental import pallas as pl
from jax.experimental.pallas import tpu as pltpu
from jax.experimental.pallas import tpu_sc as plsc

_N = 10000
_E = 320000
_H = 64
_OUT = 3
_MP = 5
_CW = 80
_NW = 32
_EPW = _E // _NW
_CPW = _EPW // _CW
_BE = 4000
_NPAD = 10240
_NPT = _NPAD // 16

_F32 = jnp.float32


def _ln(t, g, b):
    mu = jnp.mean(t, axis=-1, keepdims=True)
    var = jnp.mean((t - mu) ** 2, axis=-1, keepdims=True)
    return (t - mu) / jnp.sqrt(var + 1e-5) * g + b


def _dot(a, b):
    return jnp.dot(a, b, preferred_element_type=_F32)


def _full(a):
    nd = a.ndim
    return pl.BlockSpec(a.shape, lambda i, _n=nd: (0,) * _n)



def _edge_enc_body(ef, w1, b1, w2, b2, w3, b3, g, bb, out):
    t = jnp.maximum(_dot(ef[...], w1[...]) + b1[...], 0.0)
    t = jnp.maximum(_dot(t, w2[...]) + b2[...], 0.0)
    t = _dot(t, w3[...]) + b3[...]
    out[...] = _ln(t, g[...], bb[...])


def _edge_encode(ef, p):
    w1, w2, w3 = p['W']
    b1, b2, b3 = [b.reshape(1, -1) for b in p['b']]
    g = p['ln_g'].reshape(1, -1)
    bb = p['ln_b'].reshape(1, -1)
    args = (w1, b1, w2, b2, w3, b3, g, bb)
    return pl.pallas_call(
        _edge_enc_body,
        grid=(_E // _BE,),
        in_specs=[pl.BlockSpec((_BE, 16), lambda i: (i, 0))] + [_full(a) for a in args],
        out_specs=pl.BlockSpec((_BE, _H), lambda i: (i, 0)),
        out_shape=jax.ShapeDtypeStruct((_E, _H), _F32),
    )(ef, *args)


def _edge_mlp_body(h, e, w1e, b1, w2, b2, w3, b3, g, bb, newe, enext):
    ev = e[...]
    t = jnp.maximum(h[...] + _dot(ev, w1e[...]) + b1[...], 0.0)
    t = jnp.maximum(_dot(t, w2[...]) + b2[...], 0.0)
    t = _dot(t, w3[...]) + b3[...]
    ne = _ln(t, g[...], bb[...])
    newe[...] = ne
    enext[...] = ev + ne


def _edge_mlp(h, e, p):
    w1 = p['W'][0]
    w1e = w1[2 * _H:, :]
    b1, b2, b3 = [b.reshape(1, -1) for b in p['b']]
    w2, w3 = p['W'][1], p['W'][2]
    g = p['ln_g'].reshape(1, -1)
    bb = p['ln_b'].reshape(1, -1)
    args = (w1e, b1, w2, b2, w3, b3, g, bb)
    return pl.pallas_call(
        _edge_mlp_body,
        grid=(_E // _BE,),
        in_specs=[pl.BlockSpec((_BE, _H), lambda i: (i, 0)),
                  pl.BlockSpec((_BE, _H), lambda i: (i, 0))] + [_full(a) for a in args],
        out_specs=[pl.BlockSpec((_BE, _H), lambda i: (i, 0)),
                   pl.BlockSpec((_BE, _H), lambda i: (i, 0))],
        out_shape=[jax.ShapeDtypeStruct((_E, _H), _F32),
                   jax.ShapeDtypeStruct((_E, _H), _F32)],
    )(h, e, *args)


def _node_enc_body(nf, w1, b1, w2, b2, w3, b3, g, bb, ws, wr, xo, xso, xro):
    t = jnp.maximum(_dot(nf[...], w1[...]) + b1[...], 0.0)
    t = jnp.maximum(_dot(t, w2[...]) + b2[...], 0.0)
    t = _dot(t, w3[...]) + b3[...]
    x = _ln(t, g[...], bb[...])
    xo[...] = x
    xso[...] = _dot(x, ws[...])
    xro[...] = _dot(x, wr[...])


def _node_encode(nf, p, ws, wr):
    w1, w2, w3 = p['W']
    b1, b2, b3 = [b.reshape(1, -1) for b in p['b']]
    g = p['ln_g'].reshape(1, -1)
    bb = p['ln_b'].reshape(1, -1)
    sh = jax.ShapeDtypeStruct((_N, _H), _F32)
    return pl.pallas_call(
        _node_enc_body,
        out_shape=[sh, sh, sh],
    )(nf, w1, b1, w2, b2, w3, b3, g, bb, ws, wr)


def _node_mlp_body(x, parts, wnx, wna, b1, w2, b2, w3, b3, g, bb, ws, wr,
                   xo, xso, xro):
    xv = x[...]
    pv = parts[...]
    agg = pv[0, :_N] + pv[1, :_N]
    t = jnp.maximum(_dot(xv, wnx[...]) + _dot(agg, wna[...]) + b1[...], 0.0)
    t = jnp.maximum(_dot(t, w2[...]) + b2[...], 0.0)
    t = _dot(t, w3[...]) + b3[...]
    xn = xv + _ln(t, g[...], bb[...])
    xo[...] = xn
    xso[...] = _dot(xn, ws[...])
    xro[...] = _dot(xn, wr[...])


def _node_mlp(x, parts, p, ws, wr):
    w1 = p['W'][0]
    wnx = w1[:_H, :]
    wna = w1[_H:, :]
    b1, b2, b3 = [b.reshape(1, -1) for b in p['b']]
    w2, w3 = p['W'][1], p['W'][2]
    g = p['ln_g'].reshape(1, -1)
    bb = p['ln_b'].reshape(1, -1)
    sh = jax.ShapeDtypeStruct((_N, _H), _F32)
    return pl.pallas_call(
        _node_mlp_body,
        out_shape=[sh, sh, sh],
    )(x, parts, wnx, wna, b1, w2, b2, w3, b3, g, bb, ws, wr)


def _decode_body(x, w1, b1, w2, b2, w3, b3, out):
    t = jnp.maximum(_dot(x[...], w1[...]) + b1[...], 0.0)
    t = jnp.maximum(_dot(t, w2[...]) + b2[...], 0.0)
    out[...] = _dot(t, w3[...]) + b3[...]


def _decode(x, p):
    w1, w2, w3 = p['W']
    b1, b2, b3 = [b.reshape(1, -1) for b in p['b']]
    return pl.pallas_call(
        _decode_body,
        out_shape=jax.ShapeDtypeStruct((_N, _OUT), _F32),
    )(x, w1, b1, w2, b2, w3, b3)



_mesh = plsc.VectorSubcoreMesh(core_axis_name="c", subcore_axis_name="s")


@functools.partial(
    pl.kernel,
    out_type=jax.ShapeDtypeStruct((_E, _H), _F32),
    mesh=_mesh,
    compiler_params=pltpu.CompilerParams(use_tc_tiling_on_sc=False),
    scratch_types=[
        pltpu.VMEM((_CPW, _CW), jnp.int32),
        pltpu.VMEM((_CPW, _CW), jnp.int32),
        pltpu.VMEM((_CW, _H), _F32),
        pltpu.SemaphoreType.DMA,
    ],
)
def _sc_gather_add(xs_hbm, xr_hbm, s2_hbm, r2_hbm, out_hbm, sidx, ridx, rows, sem):
    w = lax.axis_index("c") * 16 + lax.axis_index("s")
    pltpu.sync_copy(s2_hbm.at[w], sidx)
    pltpu.sync_copy(r2_hbm.at[w], ridx)

    def body(j, carry):
        pltpu.async_copy(xs_hbm.at[sidx.at[j]], rows, sem).wait()
        pltpu.async_copy(xr_hbm.at[ridx.at[j]], rows, sem, add=True).wait()
        pltpu.sync_copy(rows, out_hbm.at[pl.ds(w * _EPW + j * _CW, _CW)])
        return carry

    lax.fori_loop(0, _CPW, body, 0)


@functools.partial(
    pl.kernel,
    out_type=jax.ShapeDtypeStruct((2, _NPAD, _H), _F32),
    mesh=_mesh,
    compiler_params=pltpu.CompilerParams(use_tc_tiling_on_sc=False),
    scratch_types=[
        pltpu.VMEM((_CPW, _CW), jnp.int32),
        pltpu.VMEM((_CW, _H), _F32),
        pltpu.VMEM_SHARED((_NPAD, _H), _F32),
    ],
)
def _sc_scatter_add(newe_hbm, r2_hbm, zeros_hbm, out_hbm, ridx, rows, aggsh):
    c = lax.axis_index("c")
    s = lax.axis_index("s")
    w = c * 16 + s
    pltpu.sync_copy(zeros_hbm, aggsh.at[pl.ds(s * _NPT, _NPT)])
    pltpu.sync_copy(r2_hbm.at[w], ridx)
    plsc.subcore_barrier()

    def body(j, carry):
        pltpu.sync_copy(newe_hbm.at[pl.ds(w * _EPW + j * _CW, _CW)], rows)
        pltpu.sync_copy(rows, aggsh.at[ridx.at[j]], add=True)
        return carry

    lax.fori_loop(0, _CPW, body, 0)
    plsc.subcore_barrier()
    pltpu.sync_copy(aggsh.at[pl.ds(s * _NPT, _NPT)],
                    out_hbm.at[c].at[pl.ds(s * _NPT, _NPT)])



def kernel(node_features, edge_features, senders, receivers, params):
    s2 = senders.astype(jnp.int32).reshape(_NW, _CPW, _CW)
    r2 = receivers.astype(jnp.int32).reshape(_NW, _CPW, _CW)
    zeros = jnp.zeros((_NPT, _H), _F32)

    blocks = params['blocks']
    w1_0 = blocks[0]['edge']['W'][0]
    e = _edge_encode(edge_features, params['enc_edge'])
    x, xs, xr = _node_encode(node_features, params['enc_node'],
                             w1_0[:_H, :], w1_0[_H:2 * _H, :])

    for k in range(_MP):
        blk = blocks[k]
        h = _sc_gather_add(xs, xr, s2, r2)
        new_e, e = _edge_mlp(h, e, blk['edge'])
        parts = _sc_scatter_add(new_e, r2, zeros)
        if k + 1 < _MP:
            w1n = blocks[k + 1]['edge']['W'][0]
            wsn, wrn = w1n[:_H, :], w1n[_H:2 * _H, :]
        else:
            wsn, wrn = w1_0[:_H, :], w1_0[_H:2 * _H, :]
        x, xs, xr = _node_mlp(x, parts, blk['node'], wsn, wrn)

    return _decode(x, params['dec'])

# --- scband reference (transcript-rebuilt; emitter-appended) ---
"""Pipeline reference for scband-encode-process-decode-24945170055802 (READ-ONLY COPY).

The authoritative reference and input builder live on the scoring server;
editing this copy changes nothing except your own understanding.
"""

import jax, jax.numpy as jnp
import numpy as np

N = 10000
E = 320000
D_NODE_IN = 128
D_EDGE_IN = 16
LN = 64
LE = 64
OUT = 3
MP = 5


def _mlp_params(key, sizes, layer_norm):
    p = {'W': [], 'b': []}
    for i in range(len(sizes) - 1):
        key, k = jax.random.split(key)
        p['W'].append(jax.random.normal(k, (sizes[i], sizes[i + 1]), jnp.float32) / np.sqrt(sizes[i]))
        p['b'].append(jnp.zeros((sizes[i + 1],), jnp.float32))
    if layer_norm:
        p['ln_g'] = jnp.ones((sizes[-1],), jnp.float32)
        p['ln_b'] = jnp.zeros((sizes[-1],), jnp.float32)
    return p


def _mlp_apply(p, x):
    n = len(p['W'])
    for i in range(n):
        x = x @ p['W'][i] + p['b'][i]
        if i < n - 1:
            x = jax.nn.relu(x)
    if 'ln_g' in p:
        mu = x.mean(-1, keepdims=True)
        var = ((x - mu) ** 2).mean(-1, keepdims=True)
        x = (x - mu) / jnp.sqrt(var + 1e-5) * p['ln_g'] + p['ln_b']
    return x


def setup_inputs(seed: int = 0) -> dict:
    key = jax.random.key(seed)
    ks = jax.random.split(key, 8)
    node_features = jax.random.normal(ks[0], (N, D_NODE_IN), jnp.float32)
    edge_features = jax.random.normal(ks[1], (E, D_EDGE_IN), jnp.float32)
    senders = jax.random.randint(ks[2], (E,), 0, N, dtype=jnp.int32).astype(jnp.int64)
    receivers = jax.random.randint(ks[3], (E,), 0, N, dtype=jnp.int32).astype(jnp.int64)
    # num_layers=2 -> widths=[nhid]*2 -> 3 linear layers per MLP
    params = {
        'enc_node': _mlp_params(ks[4], [D_NODE_IN, LN, LN, LN], True),
        'enc_edge': _mlp_params(ks[5], [D_EDGE_IN, LE, LE, LE], True),
        'blocks': [
            {
                'edge': _mlp_params(jax.random.fold_in(ks[6], 2 * i), [LE + 2 * LN, LE, LE, LE], True),
                'node': _mlp_params(jax.random.fold_in(ks[6], 2 * i + 1), [LN + LE, LN, LN, LN], True),
            }
            for i in range(MP)
        ],
        'dec': _mlp_params(ks[7], [LN, LN, LN, OUT], False),
    }
    return {
        'node_features': node_features,
        'edge_features': edge_features,
        'senders': senders,
        'receivers': receivers,
        'params': params,
    }


def _forward(node_features, edge_features, senders, receivers, params):
    # encode
    x = _mlp_apply(params['enc_node'], node_features)
    e = _mlp_apply(params['enc_edge'], edge_features)
    # process: message passing with residual connections
    for blk in params['blocks']:
        sf = x[senders]
        rf = x[receivers]
        new_e = _mlp_apply(blk['edge'], jnp.concatenate([sf, rf, e], axis=-1))
        agg = jnp.zeros((x.shape[0], new_e.shape[1]), new_e.dtype).at[receivers].add(new_e)
        new_x = _mlp_apply(blk['node'], jnp.concatenate([x, agg], axis=-1))
        x = new_x + x
        e = new_e + e
    # decode
    return _mlp_apply(params['dec'], x)


def reference(node_features, edge_features, senders, receivers, params):
    return _forward(node_features, edge_features, senders, receivers, params)

if __name__ == "__main__":
    import jax
    _d = setup_inputs()
    print(jax.jit(kernel)(*tuple(_d.values())))

</pallas_src>

<mosaic_0001>
#map = affine_map<(d0, d1) -> (0, 0)>
#map1 = affine_map<(d0, d1) -> (0, 0, 0)>
module attributes {stable_mosaic.version = 14 : i64} {
  func.func @_sc_scatter_add(%arg0: i32, %arg1: i32, %arg2: memref<320000x64xf32, #tpu.memory_space<hbm>>, %arg3: memref<32x125x80xi32, #tpu.memory_space<hbm>>, %arg4: memref<640x64xf32, #tpu.memory_space<hbm>>, %arg5: memref<2x10240x64xf32, #tpu.memory_space<hbm>>, %arg6: memref<125x80xi32, #tpu.memory_space<vmem>>, %arg7: memref<80x64xf32, #tpu.memory_space<vmem>>, %arg8: memref<10240x64xf32, #tpu.memory_space<vmem_shared>>) attributes {dimension_semantics = [#tpu.dimension_semantics<core_parallel>, #tpu.dimension_semantics<subcore_parallel>], iteration_bounds = array<i64: 2, 16>, scalar_prefetch = 0 : i64, scratch_operands = 3 : i64, tpu.core_type = #tpu.core_type<sc_vector_subcore>, window_params = [{transform_indices = #map}, {transform_indices = #map1}, {transform_indices = #map}, {transform_indices = #map1}]} {
    %mul3A = arith.constant 16 : i32
    %mul3A_0 = arith.muli %arg0, %mul3A : i32
    %add3A = arith.addi %mul3A_0, %arg1 : i32
    %mul3A_1 = arith.constant 640 : i32
    %mul3A_2 = arith.muli %arg1, %mul3A_1 : i32
    "tpu.region"() ({
      %run_scoped3A = tpu.sem_alloc : memref<!tpu.dma_semaphore, #tpu.memory_space<semaphore_mem>>
      %dma_start3A = arith.constant 0 : i32
      %dma_start3A_13 = tpu.memref_slice %arg8[%mul3A_2, %dma_start3A] : memref<10240x64xf32, #tpu.memory_space<vmem_shared>> -> memref<640x64xf32, #tpu.memory_space<vmem_shared>>
      tpu.enqueue_dma source(%arg4 : memref<640x64xf32, #tpu.memory_space<hbm>>) target(%dma_start3A_13 : memref<640x64xf32, #tpu.memory_space<vmem_shared>>) target_semaphore(%run_scoped3A : memref<!tpu.dma_semaphore, #tpu.memory_space<semaphore_mem>>)
      %dma_wait3A = arith.constant 0 : i32
      %dma_wait3A_14 = tpu.memref_slice %arg8[%mul3A_2, %dma_wait3A] : memref<10240x64xf32, #tpu.memory_space<vmem_shared>> -> memref<640x64xf32, #tpu.memory_space<vmem_shared>>
      tpu.wait_dma2 semaphore(%run_scoped3A : memref<!tpu.dma_semaphore, #tpu.memory_space<semaphore_mem>>) src(%arg4 : memref<640x64xf32, #tpu.memory_space<hbm>>) dst(%dma_wait3A_14 : memref<640x64xf32, #tpu.memory_space<vmem_shared>>)
      tpu.yield
    }) : () -> ()
    "tpu.region"() ({
      %run_scoped3A = tpu.sem_alloc : memref<!tpu.dma_semaphore, #tpu.memory_space<semaphore_mem>>
      %dma_start3A = arith.constant 0 : i32
      %dma_start3A_13 = arith.constant 0 : i32
      %dma_start3A_14 = tpu.memref_slice %arg3[%add3A, %dma_start3A, %dma_start3A_13] : memref<32x125x80xi32, #tpu.memory_space<hbm>> -> memref<1x125x80xi32, #tpu.memory_space<hbm>>
      %dma_start3A_15 = tpu.memref_squeeze %dma_start3A_14 : memref<1x125x80xi32, #tpu.memory_space<hbm>> -> memref<125x80xi32, #tpu.memory_space<hbm>>
      %dma_start3A_16 = arith.constant 0 : i32
      %dma_start3A_17 = arith.constant 0 : i32
      %dma_start3A_18 = tpu.memref_slice %arg3[%add3A, %dma_start3A_16, %dma_start3A_17] : memref<32x125x80xi32, #tpu.memory_space<hbm>> -> memref<1x125x80xi32, #tpu.memory_space<hbm>>
      %dma_start3A_19 = tpu.memref_squeeze %dma_start3A_18 : memref<1x125x80xi32, #tpu.memory_space<hbm>> -> memref<125x80xi32, #tpu.memory_space<hbm>>
      tpu.enqueue_dma source(%dma_start3A_19 : memref<125x80xi32, #tpu.memory_space<hbm>>) target(%arg6 : memref<125x80xi32, #tpu.memory_space<vmem>>) target_semaphore(%run_scoped3A : memref<!tpu.dma_semaphore, #tpu.memory_space<semaphore_mem>>)
      %dma_wait3A = arith.constant 0 : i32
      %dma_wait3A_20 = arith.constant 0 : i32
      %dma_wait3A_21 = tpu.memref_slice %arg3[%add3A, %dma_wait3A, %dma_wait3A_20] : memref<32x125x80xi32, #tpu.memory_space<hbm>> -> memref<1x125x80xi32, #tpu.memory_space<hbm>>
      %dma_wait3A_22 = tpu.memref_squeeze %dma_wait3A_21 : memref<1x125x80xi32, #tpu.memory_space<hbm>> -> memref<125x80xi32, #tpu.memory_space<hbm>>
      %dma_wait3A_23 = arith.constant 0 : i32
      %dma_wait3A_24 = arith.constant 0 : i32
      %dma_wait3A_25 = tpu.memref_slice %arg3[%add3A, %dma_wait3A_23, %dma_wait3A_24] : memref<32x125x80xi32, #tpu.memory_space<hbm>> -> memref<1x125x80xi32, #tpu.memory_space<hbm>>
      %dma_wait3A_26 = tpu.memref_squeeze %dma_wait3A_25 : memref<1x125x80xi32, #tpu.memory_space<hbm>> -> memref<125x80xi32, #tpu.memory_space<hbm>>
      tpu.wait_dma2 semaphore(%run_scoped3A : memref<!tpu.dma_semaphore, #tpu.memory_space<semaphore_mem>>) src(%dma_wait3A_26 : memref<125x80xi32, #tpu.memory_space<hbm>>) dst(%arg6 : memref<125x80xi32, #tpu.memory_space<vmem>>)
      tpu.yield
    }) : () -> ()
    %barrier3A = arith.constant 0 : index
    tpu.barrier barrier_id(%barrier3A)
    %scan3A = arith.constant 0 : i32
    %scan3A_3 = arith.constant 0 : i32
    %scan3A_4 = arith.constant 125 : i32
    %scan3A_5 = arith.addi %scan3A_3, %scan3A_4 : i32
    %scan3A_6 = arith.constant 1 : i32
    scf.for %scan3A_13 = %scan3A_3 to %scan3A_5 step %scan3A_6  : i32 {
      %mul3A_14 = arith.constant 10000 : i32
      %mul3A_15 = arith.muli %add3A, %mul3A_14 : i32
      %mul3A_16 = arith.constant 80 : i32
      %mul3A_17 = arith.muli %scan3A_13, %mul3A_16 : i32
      %add3A_18 = arith.addi %mul3A_15, %mul3A_17 : i32
      "tpu.region"() ({
        %run_scoped3A = tpu.sem_alloc : memref<!tpu.dma_semaphore, #tpu.memory_space<semaphore_mem>>
        %dma_start3A = arith.constant 0 : i32
        %dma_start3A_19 = tpu.memref_slice %arg2[%add3A_18, %dma_start3A] : memref<320000x64xf32, #tpu.memory_space<hbm>> -> memref<80x64xf32, #tpu.memory_space<hbm>>
        %dma_start3A_20 = arith.constant 0 : i32
        %dma_start3A_21 = tpu.memref_slice %arg2[%add3A_18, %dma_start3A_20] : memref<320000x64xf32, #tpu.memory_space<hbm>> -> memref<80x64xf32, #tpu.memory_space<hbm>>
        tpu.enqueue_dma source(%dma_start3A_21 : memref<80x64xf32, #tpu.memory_space<hbm>>) target(%arg7 : memref<80x64xf32, #tpu.memory_space<vmem>>) target_semaphore(%run_scoped3A : memref<!tpu.dma_semaphore, #tpu.memory_space<semaphore_mem>>)
        %dma_wait3A = arith.constant 0 : i32
        %dma_wait3A_22 = tpu.memref_slice %arg2[%add3A_18, %dma_wait3A] : memref<320000x64xf32, #tpu.memory_space<hbm>> -> memref<80x64xf32, #tpu.memory_space<hbm>>
        %dma_wait3A_23 = arith.constant 0 : i32
        %dma_wait3A_24 = tpu.memref_slice %arg2[%add3A_18, %dma_wait3A_23] : memref<320000x64xf32, #tpu.memory_space<hbm>> -> memref<80x64xf32, #tpu.memory_space<hbm>>
        tpu.wait_dma2 semaphore(%run_scoped3A : memref<!tpu.dma_semaphore, #tpu.memory_space<semaphore_mem>>) src(%dma_wait3A_24 : memref<80x64xf32, #tpu.memory_space<hbm>>) dst(%arg7 : memref<80x64xf32, #tpu.memory_space<vmem>>)
        tpu.yield
      }) : () -> ()
      "tpu.region"() ({
        %run_scoped3A = tpu.sem_alloc : memref<!tpu.dma_semaphore, #tpu.memory_space<semaphore_mem>>
        %dma_start3A = arith.constant 0 : i32
        %dma_start3A_19 = tpu.memref_slice %arg6[%scan3A_13, %dma_start3A] : memref<125x80xi32, #tpu.memory_space<vmem>> -> memref<1x80xi32, #tpu.memory_space<vmem>>
        %dma_start3A_20 = tpu.memref_squeeze %dma_start3A_19 : memref<1x80xi32, #tpu.memory_space<vmem>> -> memref<80xi32, #tpu.memory_space<vmem>>
        %dma_start3A_21 = arith.constant 0 : i32
        %dma_start3A_22 = arith.constant 0 : i32
        %dma_start3A_23 = tpu.memref_slice %arg8[%dma_start3A_21, %dma_start3A_22] : memref<10240x64xf32, #tpu.memory_space<vmem_shared>> -> memref<10240x64xf32, #tpu.memory_space<vmem_shared>>
        tpu.enqueue_indirect_dma source(%arg7 : memref<80x64xf32, #tpu.memory_space<vmem>>) target(%dma_start3A_23 : memref<10240x64xf32, #tpu.memory_space<vmem_shared>>) offsets(%dma_start3A_20 : memref<80xi32, #tpu.memory_space<vmem>>) semaphore(%run_scoped3A : memref<!tpu.dma_semaphore, #tpu.memory_space<semaphore_mem>>) {add = true}
        %dma_wait3A = arith.constant 0 : i32
        %dma_wait3A_24 = tpu.memref_slice %arg6[%scan3A_13, %dma_wait3A] : memref<125x80xi32, #tpu.memory_space<vmem>> -> memref<1x80xi32, #tpu.memory_space<vmem>>
        %dma_wait3A_25 = tpu.memref_squeeze %dma_wait3A_24 : memref<1x80xi32, #tpu.memory_space<vmem>> -> memref<80xi32, #tpu.memory_space<vmem>>
        %dma_wait3A_26 = arith.constant 0 : i32
        %dma_wait3A_27 = arith.constant 0 : i32
        %dma_wait3A_28 = tpu.memref_slice %arg8[%dma_wait3A_26, %dma_wait3A_27] : memref<10240x64xf32, #tpu.memory_space<vmem_shared>> -> memref<10240x64xf32, #tpu.memory_space<vmem_shared>>
        tpu.wait_indirect_dma semaphore(%run_scoped3A : memref<!tpu.dma_semaphore, #tpu.memory_space<semaphore_mem>>) src(%arg7 : memref<80x64xf32, #tpu.memory_space<vmem>>) dst(%dma_wait3A_28 : memref<10240x64xf32, #tpu.memory_space<vmem_shared>>)
        tpu.yield
      }) : () -> ()
    }
    %scan3A_7 = arith.constant 125 : i32
    %barrier3A_8 = arith.constant 0 : index
    tpu.barrier barrier_id(%barrier3A_8)
    %mul3A_9 = arith.constant 640 : i32
    %mul3A_10 = arith.muli %arg1, %mul3A_9 : i32
    %mul3A_11 = arith.constant 640 : i32
    %mul3A_12 = arith.muli %arg1, %mul3A_11 : i32
    "tpu.region"() ({
      %run_scoped3A = tpu.sem_alloc : memref<!tpu.dma_semaphore, #tpu.memory_space<semaphore_mem>>
      %dma_start3A = arith.constant 0 : i32
      %dma_start3A_13 = arith.constant 0 : i32
      %dma_start3A_14 = tpu.memref_slice %arg5[%arg0, %dma_start3A, %dma_start3A_13] : memref<2x10240x64xf32, #tpu.memory_space<hbm>> -> memref<1x10240x64xf32, #tpu.memory_space<hbm>>
      %dma_start3A_15 = tpu.memref_squeeze %dma_start3A_14 : memref<1x10240x64xf32, #tpu.memory_space<hbm>> -> memref<10240x64xf32, #tpu.memory_space<hbm>>
      %dma_start3A_16 = arith.constant 0 : i32
      %dma_start3A_17 = tpu.memref_slice %dma_start3A_15[%mul3A_12, %dma_start3A_16] : memref<10240x64xf32, #tpu.memory_space<hbm>> -> memref<640x64xf32, #tpu.memory_space<hbm>>
      %dma_start3A_18 = arith.constant 0 : i32
      %dma_start3A_19 = tpu.memref_slice %arg8[%mul3A_10, %dma_start3A_18] : memref<10240x64xf32, #tpu.memory_space<vmem_shared>> -> memref<640x64xf32, #tpu.memory_space<vmem_shared>>
      tpu.enqueue_dma source(%dma_start3A_19 : memref<640x64xf32, #tpu.memory_space<vmem_shared>>) target(%dma_start3A_17 : memref<640x64xf32, #tpu.memory_space<hbm>>) target_semaphore(%run_scoped3A : memref<!tpu.dma_semaphore, #tpu.memory_space<semaphore_mem>>)
      %dma_wait3A = arith.constant 0 : i32
      %dma_wait3A_20 = arith.constant 0 : i32
      %dma_wait3A_21 = tpu.memref_slice %arg5[%arg0, %dma_wait3A, %dma_wait3A_20] : memref<2x10240x64xf32, #tpu.memory_space<hbm>> -> memref<1x10240x64xf32, #tpu.memory_space<hbm>>
      %dma_wait3A_22 = tpu.memref_squeeze %dma_wait3A_21 : memref<1x10240x64xf32, #tpu.memory_space<hbm>> -> memref<10240x64xf32, #tpu.memory_space<hbm>>
      %dma_wait3A_23 = arith.constant 0 : i32
      %dma_wait3A_24 = tpu.memref_slice %dma_wait3A_22[%mul3A_12, %dma_wait3A_23] : memref<10240x64xf32, #tpu.memory_space<hbm>> -> memref<640x64xf32, #tpu.memory_space<hbm>>
      %dma_wait3A_25 = arith.constant 0 : i32
      %dma_wait3A_26 = tpu.memref_slice %arg8[%mul3A_10, %dma_wait3A_25] : memref<10240x64xf32, #tpu.memory_space<vmem_shared>> -> memref<640x64xf32, #tpu.memory_space<vmem_shared>>
      tpu.wait_dma2 semaphore(%run_scoped3A : memref<!tpu.dma_semaphore, #tpu.memory_space<semaphore_mem>>) src(%dma_wait3A_26 : memref<640x64xf32, #tpu.memory_space<vmem_shared>>) dst(%dma_wait3A_24 : memref<640x64xf32, #tpu.memory_space<hbm>>)
      tpu.yield
    }) : () -> ()
    return
  }
}

#map = affine_map<(d0, d1) -> (0, 0)>
#map1 = affine_map<(d0, d1) -> (0, 0, 0)>
module attributes {stable_mosaic.version = 14 : i64} {
  func.func @_sc_gather_add(%arg0: i32, %arg1: i32, %arg2: memref<10000x64xf32, #tpu.memory_space<hbm>>, %arg3: memref<10000x64xf32, #tpu.memory_space<hbm>>, %arg4: memref<32x125x80xi32, #tpu.memory_space<hbm>>, %arg5: memref<32x125x80xi32, #tpu.memory_space<hbm>>, %arg6: memref<320000x64xf32, #tpu.memory_space<hbm>>, %arg7: memref<125x80xi32, #tpu.memory_space<vmem>>, %arg8: memref<125x80xi32, #tpu.memory_space<vmem>>, %arg9: memref<80x64xf32, #tpu.memory_space<vmem>>, %arg10: memref<!tpu.dma_semaphore, #tpu.memory_space<semaphore_mem>>) attributes {dimension_semantics = [#tpu.dimension_semantics<core_parallel>, #tpu.dimension_semantics<subcore_parallel>], iteration_bounds = array<i64: 2, 16>, scalar_prefetch = 0 : i64, scratch_operands = 4 : i64, tpu.core_type = #tpu.core_type<sc_vector_subcore>, window_params = [{transform_indices = #map}, {transform_indices = #map}, {transform_indices = #map1}, {transform_indices = #map1}, {transform_indices = #map}]} {
    %mul3A = arith.constant 16 : i32
    %mul3A_0 = arith.muli %arg0, %mul3A : i32
    %add3A = arith.addi %mul3A_0, %arg1 : i32
    "tpu.region"() ({
      %run_scoped3A = tpu.sem_alloc : memref<!tpu.dma_semaphore, #tpu.memory_space<semaphore_mem>>
      %dma_start3A = arith.constant 0 : i32
      %dma_start3A_6 = arith.constant 0 : i32
      %dma_start3A_7 = tpu.memref_slice %arg4[%add3A, %dma_start3A, %dma_start3A_6] : memref<32x125x80xi32, #tpu.memory_space<hbm>> -> memref<1x125x80xi32, #tpu.memory_space<hbm>>
      %dma_start3A_8 = tpu.memref_squeeze %dma_start3A_7 : memref<1x125x80xi32, #tpu.memory_space<hbm>> -> memref<125x80xi32, #tpu.memory_space<hbm>>
      %dma_start3A_9 = arith.constant 0 : i32
      %dma_start3A_10 = arith.constant 0 : i32
      %dma_start3A_11 = tpu.memref_slice %arg4[%add3A, %dma_start3A_9, %dma_start3A_10] : memref<32x125x80xi32, #tpu.memory_space<hbm>> -> memref<1x125x80xi32, #tpu.memory_space<hbm>>
      %dma_start3A_12 = tpu.memref_squeeze %dma_start3A_11 : memref<1x125x80xi32, #tpu.memory_space<hbm>> -> memref<125x80xi32, #tpu.memory_space<hbm>>
      tpu.enqueue_dma source(%dma_start3A_12 : memref<125x80xi32, #tpu.memory_space<hbm>>) target(%arg7 : memref<125x80xi32, #tpu.memory_space<vmem>>) target_semaphore(%run_scoped3A : memref<!tpu.dma_semaphore, #tpu.memory_space<semaphore_mem>>)
      %dma_wait3A = arith.constant 0 : i32
      %dma_wait3A_13 = arith.constant 0 : i32
      %dma_wait3A_14 = tpu.memref_slice %arg4[%add3A, %dma_wait3A, %dma_wait3A_13] : memref<32x125x80xi32, #tpu.memory_space<hbm>> -> memref<1x125x80xi32, #tpu.memory_space<hbm>>
      %dma_wait3A_15 = tpu.memref_squeeze %dma_wait3A_14 : memref<1x125x80xi32, #tpu.memory_space<hbm>> -> memref<125x80xi32, #tpu.memory_space<hbm>>
      %dma_wait3A_16 = arith.constant 0 : i32
      %dma_wait3A_17 = arith.constant 0 : i32
      %dma_wait3A_18 = tpu.memref_slice %arg4[%add3A, %dma_wait3A_16, %dma_wait3A_17] : memref<32x125x80xi32, #tpu.memory_space<hbm>> -> memref<1x125x80xi32, #tpu.memory_space<hbm>>
      %dma_wait3A_19 = tpu.memref_squeeze %dma_wait3A_18 : memref<1x125x80xi32, #tpu.memory_space<hbm>> -> memref<125x80xi32, #tpu.memory_space<hbm>>
      tpu.wait_dma2 semaphore(%run_scoped3A : memref<!tpu.dma_semaphore, #tpu.memory_space<semaphore_mem>>) src(%dma_wait3A_19 : memref<125x80xi32, #tpu.memory_space<hbm>>) dst(%arg7 : memref<125x80xi32, #tpu.memory_space<vmem>>)
      tpu.yield
    }) : () -> ()
    "tpu.region"() ({
      %run_scoped3A = tpu.sem_alloc : memref<!tpu.dma_semaphore, #tpu.memory_space<semaphore_mem>>
      %dma_start3A = arith.constant 0 : i32
      %dma_start3A_6 = arith.constant 0 : i32
      %dma_start3A_7 = tpu.memref_slice %arg5[%add3A, %dma_start3A, %dma_start3A_6] : memref<32x125x80xi32, #tpu.memory_space<hbm>> -> memref<1x125x80xi32, #tpu.memory_space<hbm>>
      %dma_start3A_8 = tpu.memref_squeeze %dma_start3A_7 : memref<1x125x80xi32, #tpu.memory_space<hbm>> -> memref<125x80xi32, #tpu.memory_space<hbm>>
      %dma_start3A_9 = arith.constant 0 : i32
      %dma_start3A_10 = arith.constant 0 : i32
      %dma_start3A_11 = tpu.memref_slice %arg5[%add3A, %dma_start3A_9, %dma_start3A_10] : memref<32x125x80xi32, #tpu.memory_space<hbm>> -> memref<1x125x80xi32, #tpu.memory_space<hbm>>
      %dma_start3A_12 = tpu.memref_squeeze %dma_start3A_11 : memref<1x125x80xi32, #tpu.memory_space<hbm>> -> memref<125x80xi32, #tpu.memory_space<hbm>>
      tpu.enqueue_dma source(%dma_start3A_12 : memref<125x80xi32, #tpu.memory_space<hbm>>) target(%arg8 : memref<125x80xi32, #tpu.memory_space<vmem>>) target_semaphore(%run_scoped3A : memref<!tpu.dma_semaphore, #tpu.memory_space<semaphore_mem>>)
      %dma_wait3A = arith.constant 0 : i32
      %dma_wait3A_13 = arith.constant 0 : i32
      %dma_wait3A_14 = tpu.memref_slice %arg5[%add3A, %dma_wait3A, %dma_wait3A_13] : memref<32x125x80xi32, #tpu.memory_space<hbm>> -> memref<1x125x80xi32, #tpu.memory_space<hbm>>
      %dma_wait3A_15 = tpu.memref_squeeze %dma_wait3A_14 : memref<1x125x80xi32, #tpu.memory_space<hbm>> -> memref<125x80xi32, #tpu.memory_space<hbm>>
      %dma_wait3A_16 = arith.constant 0 : i32
      %dma_wait3A_17 = arith.constant 0 : i32
      %dma_wait3A_18 = tpu.memref_slice %arg5[%add3A, %dma_wait3A_16, %dma_wait3A_17] : memref<32x125x80xi32, #tpu.memory_space<hbm>> -> memref<1x125x80xi32, #tpu.memory_space<hbm>>
      %dma_wait3A_19 = tpu.memref_squeeze %dma_wait3A_18 : memref<1x125x80xi32, #tpu.memory_space<hbm>> -> memref<125x80xi32, #tpu.memory_space<hbm>>
      tpu.wait_dma2 semaphore(%run_scoped3A : memref<!tpu.dma_semaphore, #tpu.memory_space<semaphore_mem>>) src(%dma_wait3A_19 : memref<125x80xi32, #tpu.memory_space<hbm>>) dst(%arg8 : memref<125x80xi32, #tpu.memory_space<vmem>>)
      tpu.yield
    }) : () -> ()
    %scan3A = arith.constant 0 : i32
    %scan3A_1 = arith.constant 0 : i32
    %scan3A_2 = arith.constant 125 : i32
    %scan3A_3 = arith.addi %scan3A_1, %scan3A_2 : i32
    %scan3A_4 = arith.constant 1 : i32
    scf.for %scan3A_6 = %scan3A_1 to %scan3A_3 step %scan3A_4  : i32 {
      %dma_start3A = arith.constant 0 : i32
      %dma_start3A_7 = tpu.memref_slice %arg7[%scan3A_6, %dma_start3A] : memref<125x80xi32, #tpu.memory_space<vmem>> -> memref<1x80xi32, #tpu.memory_space<vmem>>
      %dma_start3A_8 = tpu.memref_squeeze %dma_start3A_7 : memref<1x80xi32, #tpu.memory_space<vmem>> -> memref<80xi32, #tpu.memory_space<vmem>>
      %dma_start3A_9 = arith.constant 0 : i32
      %dma_start3A_10 = arith.constant 0 : i32
      %dma_start3A_11 = tpu.memref_slice %arg2[%dma_start3A_9, %dma_start3A_10] : memref<10000x64xf32, #tpu.memory_space<hbm>> -> memref<10000x64xf32, #tpu.memory_space<hbm>>
      tpu.enqueue_indirect_dma source(%dma_start3A_11 : memref<10000x64xf32, #tpu.memory_space<hbm>>) target(%arg9 : memref<80x64xf32, #tpu.memory_space<vmem>>) offsets(%dma_start3A_8 : memref<80xi32, #tpu.memory_space<vmem>>) semaphore(%arg10 : memref<!tpu.dma_semaphore, #tpu.memory_space<semaphore_mem>>)
      %dma_wait3A = arith.constant 0 : i32
      %dma_wait3A_12 = tpu.memref_slice %arg7[%scan3A_6, %dma_wait3A] : memref<125x80xi32, #tpu.memory_space<vmem>> -> memref<1x80xi32, #tpu.memory_space<vmem>>
      %dma_wait3A_13 = tpu.memref_squeeze %dma_wait3A_12 : memref<1x80xi32, #tpu.memory_space<vmem>> -> memref<80xi32, #tpu.memory_space<vmem>>
      %dma_wait3A_14 = arith.constant 0 : i32
      %dma_wait3A_15 = arith.constant 0 : i32
      %dma_wait3A_16 = tpu.memref_slice %arg2[%dma_wait3A_14, %dma_wait3A_15] : memref<10000x64xf32, #tpu.memory_space<hbm>> -> memref<10000x64xf32, #tpu.memory_space<hbm>>
      tpu.wait_indirect_dma semaphore(%arg10 : memref<!tpu.dma_semaphore, #tpu.memory_space<semaphore_mem>>) src(%dma_wait3A_16 : memref<10000x64xf32, #tpu.memory_space<hbm>>) dst(%arg9 : memref<80x64xf32, #tpu.memory_space<vmem>>)
      %dma_start3A_17 = arith.constant 0 : i32
      %dma_start3A_18 = tpu.memref_slice %arg8[%scan3A_6, %dma_start3A_17] : memref<125x80xi32, #tpu.memory_space<vmem>> -> memref<1x80xi32, #tpu.memory_space<vmem>>
      %dma_start3A_19 = tpu.memref_squeeze %dma_start3A_18 : memref<1x80xi32, #tpu.memory_space<vmem>> -> memref<80xi32, #tpu.memory_space<vmem>>
      %dma_start3A_20 = arith.constant 0 : i32
      %dma_start3A_21 = arith.constant 0 : i32
      %dma_start3A_22 = tpu.memref_slice %arg3[%dma_start3A_20, %dma_start3A_21] : memref<10000x64xf32, #tpu.memory_space<hbm>> -> memref<10000x64xf32, #tpu.memory_space<hbm>>
      tpu.enqueue_indirect_dma source(%dma_start3A_22 : memref<10000x64xf32, #tpu.memory_space<hbm>>) target(%arg9 : memref<80x64xf32, #tpu.memory_space<vmem>>) offsets(%dma_start3A_19 : memref<80xi32, #tpu.memory_space<vmem>>) semaphore(%arg10 : memref<!tpu.dma_semaphore, #tpu.memory_space<semaphore_mem>>) {add = true}
      %dma_wait3A_23 = arith.constant 0 : i32
      %dma_wait3A_24 = tpu.memref_slice %arg8[%scan3A_6, %dma_wait3A_23] : memref<125x80xi32, #tpu.memory_space<vmem>> -> memref<1x80xi32, #tpu.memory_space<vmem>>
      %dma_wait3A_25 = tpu.memref_squeeze %dma_wait3A_24 : memref<1x80xi32, #tpu.memory_space<vmem>> -> memref<80xi32, #tpu.memory_space<vmem>>
      %dma_wait3A_26 = arith.constant 0 : i32
      %dma_wait3A_27 = arith.constant 0 : i32
      %dma_wait3A_28 = tpu.memref_slice %arg3[%dma_wait3A_26, %dma_wait3A_27] : memref<10000x64xf32, #tpu.memory_space<hbm>> -> memref<10000x64xf32, #tpu.memory_space<hbm>>
      tpu.wait_indirect_dma semaphore(%arg10 : memref<!tpu.dma_semaphore, #tpu.memory_space<semaphore_mem>>) src(%dma_wait3A_28 : memref<10000x64xf32, #tpu.memory_space<hbm>>) dst(%arg9 : memref<80x64xf32, #tpu.memory_space<vmem>>)
      %mul3A_29 = arith.constant 10000 : i32
      %mul3A_30 = arith.muli %add3A, %mul3A_29 : i32
      %mul3A_31 = arith.constant 80 : i32
      %mul3A_32 = arith.muli %scan3A_6, %mul3A_31 : i32
      %add3A_33 = arith.addi %mul3A_30, %mul3A_32 : i32
      "tpu.region"() ({
        %run_scoped3A = tpu.sem_alloc : memref<!tpu.dma_semaphore, #tpu.memory_space<semaphore_mem>>
        %dma_start3A_34 = arith.constant 0 : i32
        %dma_start3A_35 = tpu.memref_slice %arg6[%add3A_33, %dma_start3A_34] : memref<320000x64xf32, #tpu.memory_space<hbm>> -> memref<80x64xf32, #tpu.memory_space<hbm>>
        %dma_start3A_36 = arith.constant 0 : i32
        %dma_start3A_37 = tpu.memref_slice %arg6[%add3A_33, %dma_start3A_36] : memref<320000x64xf32, #tpu.memory_space<hbm>> -> memref<80x64xf32, #tpu.memory_space<hbm>>
        tpu.enqueue_dma source(%arg9 : memref<80x64xf32, #tpu.memory_space<vmem>>) target(%dma_start3A_37 : memref<80x64xf32, #tpu.memory_space<hbm>>) target_semaphore(%run_scoped3A : memref<!tpu.dma_semaphore, #tpu.memory_space<semaphore_mem>>)
        %dma_wait3A_38 = arith.constant 0 : i32
        %dma_wait3A_39 = tpu.memref_slice %arg6[%add3A_33, %dma_wait3A_38] : memref<320000x64xf32, #tpu.memory_space<hbm>> -> memref<80x64xf32, #tpu.memory_space<hbm>>
        %dma_wait3A_40 = arith.constant 0 : i32
        %dma_wait3A_41 = tpu.memref_slice %arg6[%add3A_33, %dma_wait3A_40] : memref<320000x64xf32, #tpu.memory_space<hbm>> -> memref<80x64xf32, #tpu.memory_space<hbm>>
        tpu.wait_dma2 semaphore(%run_scoped3A : memref<!tpu.dma_semaphore, #tpu.memory_space<semaphore_mem>>) src(%arg9 : memref<80x64xf32, #tpu.memory_space<vmem>>) dst(%dma_wait3A_41 : memref<80x64xf32, #tpu.memory_space<hbm>>)
        tpu.yield
      }) : () -> ()
    }
    %scan3A_5 = arith.constant 125 : i32
    return
  }
}

#map = affine_map<(d0, d1) -> (0, 0)>
#map1 = affine_map<(d0, d1) -> (0, 0, 0)>
module attributes {stable_mosaic.version = 14 : i64} {
  func.func @_sc_gather_add(%arg0: i32, %arg1: i32, %arg2: memref<10000x64xf32, #tpu.memory_space<hbm>>, %arg3: memref<10000x64xf32, #tpu.memory_space<hbm>>, %arg4: memref<32x125x80xi32, #tpu.memory_space<hbm>>, %arg5: memref<32x125x80xi32, #tpu.memory_space<hbm>>, %arg6: memref<320000x64xf32, #tpu.memory_space<hbm>>, %arg7: memref<125x80xi32, #tpu.memory_space<vmem>>, %arg8: memref<125x80xi32, #tpu.memory_space<vmem>>, %arg9: memref<80x64xf32, #tpu.memory_space<vmem>>, %arg10: memref<!tpu.dma_semaphore, #tpu.memory_space<semaphore_mem>>) attributes {dimension_semantics = [#tpu.dimension_semantics<core_parallel>, #tpu.dimension_semantics<subcore_parallel>], iteration_bounds = array<i64: 2, 16>, scalar_prefetch = 0 : i64, scratch_operands = 4 : i64, tpu.core_type = #tpu.core_type<sc_vector_subcore>, window_params = [{transform_indices = #map}, {transform_indices = #map}, {transform_indices = #map1}, {transform_indices = #map1}, {transform_indices = #map}]} {
    %mul3A = arith.constant 16 : i32
    %mul3A_0 = arith.muli %arg0, %mul3A : i32
    %add3A = arith.addi %mul3A_0, %arg1 : i32
    "tpu.region"() ({
      %run_scoped3A = tpu.sem_alloc : memref<!tpu.dma_semaphore, #tpu.memory_space<semaphore_mem>>
      %dma_start3A = arith.constant 0 : i32
      %dma_start3A_6 = arith.constant 0 : i32
      %dma_start3A_7 = tpu.memref_slice %arg4[%add3A, %dma_start3A, %dma_start3A_6] : memref<32x125x80xi32, #tpu.memory_space<hbm>> -> memref<1x125x80xi32, #tpu.memory_space<hbm>>
      %dma_start3A_8 = tpu.memref_squeeze %dma_start3A_7 : memref<1x125x80xi32, #tpu.memory_space<hbm>> -> memref<125x80xi32, #tpu.memory_space<hbm>>
      %dma_start3A_9 = arith.constant 0 : i32
      %dma_start3A_10 = arith.constant 0 : i32
      %dma_start3A_11 = tpu.memref_slice %arg4[%add3A, %dma_start3A_9, %dma_start3A_10] : memref<32x125x80xi32, #tpu.memory_space<hbm>> -> memref<1x125x80xi32, #tpu.memory_space<hbm>>
      %dma_start3A_12 = tpu.memref_squeeze %dma_start3A_11 : memref<1x125x80xi32, #tpu.memory_space<hbm>> -> memref<125x80xi32, #tpu.memory_space<hbm>>
      tpu.enqueue_dma source(%dma_start3A_12 : memref<125x80xi32, #tpu.memory_space<hbm>>) target(%arg7 : memref<125x80xi32, #tpu.memory_space<vmem>>) target_semaphore(%run_scoped3A : memref<!tpu.dma_semaphore, #tpu.memory_space<semaphore_mem>>)
      %dma_wait3A = arith.constant 0 : i32
      %dma_wait3A_13 = arith.constant 0 : i32
      %dma_wait3A_14 = tpu.memref_slice %arg4[%add3A, %dma_wait3A, %dma_wait3A_13] : memref<32x125x80xi32, #tpu.memory_space<hbm>> -> memref<1x125x80xi32, #tpu.memory_space<hbm>>
      %dma_wait3A_15 = tpu.memref_squeeze %dma_wait3A_14 : memref<1x125x80xi32, #tpu.memory_space<hbm>> -> memref<125x80xi32, #tpu.memory_space<hbm>>
      %dma_wait3A_16 = arith.constant 0 : i32
      %dma_wait3A_17 = arith.constant 0 : i32
      %dma_wait3A_18 = tpu.memref_slice %arg4[%add3A, %dma_wait3A_16, %dma_wait3A_17] : memref<32x125x80xi32, #tpu.memory_space<hbm>> -> memref<1x125x80xi32, #tpu.memory_space<hbm>>
      %dma_wait3A_19 = tpu.memref_squeeze %dma_wait3A_18 : memref<1x125x80xi32, #tpu.memory_space<hbm>> -> memref<125x80xi32, #tpu.memory_space<hbm>>
      tpu.wait_dma2 semaphore(%run_scoped3A : memref<!tpu.dma_semaphore, #tpu.memory_space<semaphore_mem>>) src(%dma_wait3A_19 : memref<125x80xi32, #tpu.memory_space<hbm>>) dst(%arg7 : memref<125x80xi32, #tpu.memory_space<vmem>>)
      tpu.yield
    }) : () -> ()
    "tpu.region"() ({
      %run_scoped3A = tpu.sem_alloc : memref<!tpu.dma_semaphore, #tpu.memory_space<semaphore_mem>>
      %dma_start3A = arith.constant 0 : i32
      %dma_start3A_6 = arith.constant 0 : i32
      %dma_start3A_7 = tpu.memref_slice %arg5[%add3A, %dma_start3A, %dma_start3A_6] : memref<32x125x80xi32, #tpu.memory_space<hbm>> -> memref<1x125x80xi32, #tpu.memory_space<hbm>>
      %dma_start3A_8 = tpu.memref_squeeze %dma_start3A_7 : memref<1x125x80xi32, #tpu.memory_space<hbm>> -> memref<125x80xi32, #tpu.memory_space<hbm>>
      %dma_start3A_9 = arith.constant 0 : i32
      %dma_start3A_10 = arith.constant 0 : i32
      %dma_start3A_11 = tpu.memref_slice %arg5[%add3A, %dma_start3A_9, %dma_start3A_10] : memref<32x125x80xi32, #tpu.memory_space<hbm>> -> memref<1x125x80xi32, #tpu.memory_space<hbm>>
      %dma_start3A_12 = tpu.memref_squeeze %dma_start3A_11 : memref<1x125x80xi32, #tpu.memory_space<hbm>> -> memref<125x80xi32, #tpu.memory_space<hbm>>
      tpu.enqueue_dma source(%dma_start3A_12 : memref<125x80xi32, #tpu.memory_space<hbm>>) target(%arg8 : memref<125x80xi32, #tpu.memory_space<vmem>>) target_semaphore(%run_scoped3A : memref<!tpu.dma_semaphore, #tpu.memory_space<semaphore_mem>>)
      %dma_wait3A = arith.constant 0 : i32
      %dma_wait3A_13 = arith.constant 0 : i32
      %dma_wait3A_14 = tpu.memref_slice %arg5[%add3A, %dma_wait3A, %dma_wait3A_13] : memref<32x125x80xi32, #tpu.memory_space<hbm>> -> memref<1x125x80xi32, #tpu.memory_space<hbm>>
      %dma_wait3A_15 = tpu.memref_squeeze %dma_wait3A_14 : memref<1x125x80xi32, #tpu.memory_space<hbm>> -> memref<125x80xi32, #tpu.memory_space<hbm>>
      %dma_wait3A_16 = arith.constant 0 : i32
      %dma_wait3A_17 = arith.constant 0 : i32
      %dma_wait3A_18 = tpu.memref_slice %arg5[%add3A, %dma_wait3A_16, %dma_wait3A_17] : memref<32x125x80xi32, #tpu.memory_space<hbm>> -> memref<1x125x80xi32, #tpu.memory_space<hbm>>
      %dma_wait3A_19 = tpu.memref_squeeze %dma_wait3A_18 : memref<1x125x80xi32, #tpu.memory_space<hbm>> -> memref<125x80xi32, #tpu.memory_space<hbm>>
      tpu.wait_dma2 semaphore(%run_scoped3A : memref<!tpu.dma_semaphore, #tpu.memory_space<semaphore_mem>>) src(%dma_wait3A_19 : memref<125x80xi32, #tpu.memory_space<hbm>>) dst(%arg8 : memref<125x80xi32, #tpu.memory_space<vmem>>)
      tpu.yield
    }) : () -> ()
    %scan3A = arith.constant 0 : i32
    %scan3A_1 = arith.constant 0 : i32
    %scan3A_2 = arith.constant 125 : i32
    %scan3A_3 = arith.addi %scan3A_1, %scan3A_2 : i32
    %scan3A_4 = arith.constant 1 : i32
    scf.for %scan3A_6 = %scan3A_1 to %scan3A_3 step %scan3A_4  : i32 {
      %dma_start3A = arith.constant 0 : i32
      %dma_start3A_7 = tpu.memref_slice %arg7[%scan3A_6, %dma_start3A] : memref<125x80xi32, #tpu.memory_space<vmem>> -> memref<1x80xi32, #tpu.memory_space<vmem>>
      %dma_start3A_8 = tpu.memref_squeeze %dma_start3A_7 : memref<1x80xi32, #tpu.memory_space<vmem>> -> memref<80xi32, #tpu.memory_space<vmem>>
      %dma_start3A_9 = arith.constant 0 : i32
      %dma_start3A_10 = arith.constant 0 : i32
      %dma_start3A_11 = tpu.memref_slice %arg2[%dma_start3A_9, %dma_start3A_10] : memref<10000x64xf32, #tpu.memory_space<hbm>> -> memref<10000x64xf32, #tpu.memory_space<hbm>>
      tpu.enqueue_indirect_dma source(%dma_start3A_11 : memref<10000x64xf32, #tpu.memory_space<hbm>>) target(%arg9 : memref<80x64xf32, #tpu.memory_space<vmem>>) offsets(%dma_start3A_8 : memref<80xi32, #tpu.memory_space<vmem>>) semaphore(%arg10 : memref<!tpu.dma_semaphore, #tpu.memory_space<semaphore_mem>>)
      %dma_wait3A = arith.constant 0 : i32
      %dma_wait3A_12 = tpu.memref_slice %arg7[%scan3A_6, %dma_wait3A] : memref<125x80xi32, #tpu.memory_space<vmem>> -> memref<1x80xi32, #tpu.memory_space<vmem>>
      %dma_wait3A_13 = tpu.memref_squeeze %dma_wait3A_12 : memref<1x80xi32, #tpu.memory_space<vmem>> -> memref<80xi32, #tpu.memory_space<vmem>>
      %dma_wait3A_14 = arith.constant 0 : i32
      %dma_wait3A_15 = arith.constant 0 : i32
      %dma_wait3A_16 = tpu.memref_slice %arg2[%dma_wait3A_14, %dma_wait3A_15] : memref<10000x64xf32, #tpu.memory_space<hbm>> -> memref<10000x64xf32, #tpu.memory_space<hbm>>
      tpu.wait_indirect_dma semaphore(%arg10 : memref<!tpu.dma_semaphore, #tpu.memory_space<semaphore_mem>>) src(%dma_wait3A_16 : memref<10000x64xf32, #tpu.memory_space<hbm>>) dst(%arg9 : memref<80x64xf32, #tpu.memory_space<vmem>>)
      %dma_start3A_17 = arith.constant 0 : i32
      %dma_start3A_18 = tpu.memref_slice %arg8[%scan3A_6, %dma_start3A_17] : memref<125x80xi32, #tpu.memory_space<vmem>> -> memref<1x80xi32, #tpu.memory_space<vmem>>
      %dma_start3A_19 = tpu.memref_squeeze %dma_start3A_18 : memref<1x80xi32, #tpu.memory_space<vmem>> -> memref<80xi32, #tpu.memory_space<vmem>>
      %dma_start3A_20 = arith.constant 0 : i32
      %dma_start3A_21 = arith.constant 0 : i32
      %dma_start3A_22 = tpu.memref_slice %arg3[%dma_start3A_20, %dma_start3A_21] : memref<10000x64xf32, #tpu.memory_space<hbm>> -> memref<10000x64xf32, #tpu.memory_space<hbm>>
      tpu.enqueue_indirect_dma source(%dma_start3A_22 : memref<10000x64xf32, #tpu.memory_space<hbm>>) target(%arg9 : memref<80x64xf32, #tpu.memory_space<vmem>>) offsets(%dma_start3A_19 : memref<80xi32, #tpu.memory_space<vmem>>) semaphore(%arg10 : memref<!tpu.dma_semaphore, #tpu.memory_space<semaphore_mem>>) {add = true}
      %dma_wait3A_23 = arith.constant 0 : i32
      %dma_wait3A_24 = tpu.memref_slice %arg8[%scan3A_6, %dma_wait3A_23] : memref<125x80xi32, #tpu.memory_space<vmem>> -> memref<1x80xi32, #tpu.memory_space<vmem>>
      %dma_wait3A_25 = tpu.memref_squeeze %dma_wait3A_24 : memref<1x80xi32, #tpu.memory_space<vmem>> -> memref<80xi32, #tpu.memory_space<vmem>>
      %dma_wait3A_26 = arith.constant 0 : i32
      %dma_wait3A_27 = arith.constant 0 : i32
      %dma_wait3A_28 = tpu.memref_slice %arg3[%dma_wait3A_26, %dma_wait3A_27] : memref<10000x64xf32, #tpu.memory_space<hbm>> -> memref<10000x64xf32, #tpu.memory_space<hbm>>
      tpu.wait_indirect_dma semaphore(%arg10 : memref<!tpu.dma_semaphore, #tpu.memory_space<semaphore_mem>>) src(%dma_wait3A_28 : memref<10000x64xf32, #tpu.memory_space<hbm>>) dst(%arg9 : memref<80x64xf32, #tpu.memory_space<vmem>>)
      %mul3A_29 = arith.constant 10000 : i32
      %mul3A_30 = arith.muli %add3A, %mul3A_29 : i32
      %mul3A_31 = arith.constant 80 : i32
      %mul3A_32 = arith.muli %scan3A_6, %mul3A_31 : i32
      %add3A_33 = arith.addi %mul3A_30, %mul3A_32 : i32
      "tpu.region"() ({
        %run_scoped3A = tpu.sem_alloc : memref<!tpu.dma_semaphore, #tpu.memory_space<semaphore_mem>>
        %dma_start3A_34 = arith.constant 0 : i32
        %dma_start3A_35 = tpu.memref_slice %arg6[%add3A_33, %dma_start3A_34] : memref<320000x64xf32, #tpu.memory_space<hbm>> -> memref<80x64xf32, #tpu.memory_space<hbm>>
        %dma_start3A_36 = arith.constant 0 : i32
        %dma_start3A_37 = tpu.memref_slice %arg6[%add3A_33, %dma_start3A_36] : memref<320000x64xf32, #tpu.memory_space<hbm>> -> memref<80x64xf32, #tpu.memory_space<hbm>>
        tpu.enqueue_dma source(%arg9 : memref<80x64xf32, #tpu.memory_space<vmem>>) target(%dma_start3A_37 : memref<80x64xf32, #tpu.memory_space<hbm>>) target_semaphore(%run_scoped3A : memref<!tpu.dma_semaphore, #tpu.memory_space<semaphore_mem>>)
        %dma_wait3A_38 = arith.constant 0 : i32
        %dma_wait3A_39 = tpu.memref_slice %arg6[%add3A_33, %dma_wait3A_38] : memref<320000x64xf32, #tpu.memory_space<hbm>> -> memref<80x64xf32, #tpu.memory_space<hbm>>
        %dma_wait3A_40 = arith.constant 0 : i32
        %dma_wait3A_41 = tpu.memref_slice %arg6[%add3A_33, %dma_wait3A_40] : memref<320000x64xf32, #tpu.memory_space<hbm>> -> memref<80x64xf32, #tpu.memory_space<hbm>>
        tpu.wait_dma2 semaphore(%run_scoped3A : memref<!tpu.dma_semaphore, #tpu.memory_space<semaphore_mem>>) src(%arg9 : memref<80x64xf32, #tpu.memory_space<vmem>>) dst(%dma_wait3A_41 : memref<80x64xf32, #tpu.memory_space<hbm>>)
        tpu.yield
      }) : () -> ()
    }
    %scan3A_5 = arith.constant 125 : i32
    return
  }
}

#map = affine_map<(d0, d1) -> (0, 0)>
#map1 = affine_map<(d0, d1) -> (0, 0, 0)>
module attributes {stable_mosaic.version = 14 : i64} {
  func.func @_sc_scatter_add(%arg0: i32, %arg1: i32, %arg2: memref<320000x64xf32, #tpu.memory_space<hbm>>, %arg3: memref<32x125x80xi32, #tpu.memory_space<hbm>>, %arg4: memref<640x64xf32, #tpu.memory_space<hbm>>, %arg5: memref<2x10240x64xf32, #tpu.memory_space<hbm>>, %arg6: memref<125x80xi32, #tpu.memory_space<vmem>>, %arg7: memref<80x64xf32, #tpu.memory_space<vmem>>, %arg8: memref<10240x64xf32, #tpu.memory_space<vmem_shared>>) attributes {dimension_semantics = [#tpu.dimension_semantics<core_parallel>, #tpu.dimension_semantics<subcore_parallel>], iteration_bounds = array<i64: 2, 16>, scalar_prefetch = 0 : i64, scratch_operands = 3 : i64, tpu.core_type = #tpu.core_type<sc_vector_subcore>, window_params = [{transform_indices = #map}, {transform_indices = #map1}, {transform_indices = #map}, {transform_indices = #map1}]} {
    %mul3A = arith.constant 16 : i32
    %mul3A_0 = arith.muli %arg0, %mul3A : i32
    %add3A = arith.addi %mul3A_0, %arg1 : i32
    %mul3A_1 = arith.constant 640 : i32
    %mul3A_2 = arith.muli %arg1, %mul3A_1 : i32
    "tpu.region"() ({
      %run_scoped3A = tpu.sem_alloc : memref<!tpu.dma_semaphore, #tpu.memory_space<semaphore_mem>>
      %dma_start3A = arith.constant 0 : i32
      %dma_start3A_13 = tpu.memref_slice %arg8[%mul3A_2, %dma_start3A] : memref<10240x64xf32, #tpu.memory_space<vmem_shared>> -> memref<640x64xf32, #tpu.memory_space<vmem_shared>>
      tpu.enqueue_dma source(%arg4 : memref<640x64xf32, #tpu.memory_space<hbm>>) target(%dma_start3A_13 : memref<640x64xf32, #tpu.memory_space<vmem_shared>>) target_semaphore(%run_scoped3A : memref<!tpu.dma_semaphore, #tpu.memory_space<semaphore_mem>>)
      %dma_wait3A = arith.constant 0 : i32
      %dma_wait3A_14 = tpu.memref_slice %arg8[%mul3A_2, %dma_wait3A] : memref<10240x64xf32, #tpu.memory_space<vmem_shared>> -> memref<640x64xf32, #tpu.memory_space<vmem_shared>>
      tpu.wait_dma2 semaphore(%run_scoped3A : memref<!tpu.dma_semaphore, #tpu.memory_space<semaphore_mem>>) src(%arg4 : memref<640x64xf32, #tpu.memory_space<hbm>>) dst(%dma_wait3A_14 : memref<640x64xf32, #tpu.memory_space<vmem_shared>>)
      tpu.yield
    }) : () -> ()
    "tpu.region"() ({
      %run_scoped3A = tpu.sem_alloc : memref<!tpu.dma_semaphore, #tpu.memory_space<semaphore_mem>>
      %dma_start3A = arith.constant 0 : i32
      %dma_start3A_13 = arith.constant 0 : i32
      %dma_start3A_14 = tpu.memref_slice %arg3[%add3A, %dma_start3A, %dma_start3A_13] : memref<32x125x80xi32, #tpu.memory_space<hbm>> -> memref<1x125x80xi32, #tpu.memory_space<hbm>>
      %dma_start3A_15 = tpu.memref_squeeze %dma_start3A_14 : memref<1x125x80xi32, #tpu.memory_space<hbm>> -> memref<125x80xi32, #tpu.memory_space<hbm>>
      %dma_start3A_16 = arith.constant 0 : i32
      %dma_start3A_17 = arith.constant 0 : i32
      %dma_start3A_18 = tpu.memref_slice %arg3[%add3A, %dma_start3A_16, %dma_start3A_17] : memref<32x125x80xi32, #tpu.memory_space<hbm>> -> memref<1x125x80xi32, #tpu.memory_space<hbm>>
      %dma_start3A_19 = tpu.memref_squeeze %dma_start3A_18 : memref<1x125x80xi32, #tpu.memory_space<hbm>> -> memref<125x80xi32, #tpu.memory_space<hbm>>
      tpu.enqueue_dma source(%dma_start3A_19 : memref<125x80xi32, #tpu.memory_space<hbm>>) target(%arg6 : memref<125x80xi32, #tpu.memory_space<vmem>>) target_semaphore(%run_scoped3A : memref<!tpu.dma_semaphore, #tpu.memory_space<semaphore_mem>>)
      %dma_wait3A = arith.constant 0 : i32
      %dma_wait3A_20 = arith.constant 0 : i32
      %dma_wait3A_21 = tpu.memref_slice %arg3[%add3A, %dma_wait3A, %dma_wait3A_20] : memref<32x125x80xi32, #tpu.memory_space<hbm>> -> memref<1x125x80xi32, #tpu.memory_space<hbm>>
      %dma_wait3A_22 = tpu.memref_squeeze %dma_wait3A_21 : memref<1x125x80xi32, #tpu.memory_space<hbm>> -> memref<125x80xi32, #tpu.memory_space<hbm>>
      %dma_wait3A_23 = arith.constant 0 : i32
      %dma_wait3A_24 = arith.constant 0 : i32
      %dma_wait3A_25 = tpu.memref_slice %arg3[%add3A, %dma_wait3A_23, %dma_wait3A_24] : memref<32x125x80xi32, #tpu.memory_space<hbm>> -> memref<1x125x80xi32, #tpu.memory_space<hbm>>
      %dma_wait3A_26 = tpu.memref_squeeze %dma_wait3A_25 : memref<1x125x80xi32, #tpu.memory_space<hbm>> -> memref<125x80xi32, #tpu.memory_space<hbm>>
      tpu.wait_dma2 semaphore(%run_scoped3A : memref<!tpu.dma_semaphore, #tpu.memory_space<semaphore_mem>>) src(%dma_wait3A_26 : memref<125x80xi32, #tpu.memory_space<hbm>>) dst(%arg6 : memref<125x80xi32, #tpu.memory_space<vmem>>)
      tpu.yield
    }) : () -> ()
    %barrier3A = arith.constant 0 : index
    tpu.barrier barrier_id(%barrier3A)
    %scan3A = arith.constant 0 : i32
    %scan3A_3 = arith.constant 0 : i32
    %scan3A_4 = arith.constant 125 : i32
    %scan3A_5 = arith.addi %scan3A_3, %scan3A_4 : i32
    %scan3A_6 = arith.constant 1 : i32
    scf.for %scan3A_13 = %scan3A_3 to %scan3A_5 step %scan3A_6  : i32 {
      %mul3A_14 = arith.constant 10000 : i32
      %mul3A_15 = arith.muli %add3A, %mul3A_14 : i32
      %mul3A_16 = arith.constant 80 : i32
      %mul3A_17 = arith.muli %scan3A_13, %mul3A_16 : i32
      %add3A_18 = arith.addi %mul3A_15, %mul3A_17 : i32
      "tpu.region"() ({
        %run_scoped3A = tpu.sem_alloc : memref<!tpu.dma_semaphore, #tpu.memory_space<semaphore_mem>>
        %dma_start3A = arith.constant 0 : i32
        %dma_start3A_19 = tpu.memref_slice %arg2[%add3A_18, %dma_start3A] : memref<320000x64xf32, #tpu.memory_space<hbm>> -> memref<80x64xf32, #tpu.memory_space<hbm>>
        %dma_start3A_20 = arith.constant 0 : i32
        %dma_start3A_21 = tpu.memref_slice %arg2[%add3A_18, %dma_start3A_20] : memref<320000x64xf32, #tpu.memory_space<hbm>> -> memref<80x64xf32, #tpu.memory_space<hbm>>
        tpu.enqueue_dma source(%dma_start3A_21 : memref<80x64xf32, #tpu.memory_space<hbm>>) target(%arg7 : memref<80x64xf32, #tpu.memory_space<vmem>>) target_semaphore(%run_scoped3A : memref<!tpu.dma_semaphore, #tpu.memory_space<semaphore_mem>>)
        %dma_wait3A = arith.constant 0 : i32
        %dma_wait3A_22 = tpu.memref_slice %arg2[%add3A_18, %dma_wait3A] : memref<320000x64xf32, #tpu.memory_space<hbm>> -> memref<80x64xf32, #tpu.memory_space<hbm>>
        %dma_wait3A_23 = arith.constant 0 : i32
        %dma_wait3A_24 = tpu.memref_slice %arg2[%add3A_18, %dma_wait3A_23] : memref<320000x64xf32, #tpu.memory_space<hbm>> -> memref<80x64xf32, #tpu.memory_space<hbm>>
        tpu.wait_dma2 semaphore(%run_scoped3A : memref<!tpu.dma_semaphore, #tpu.memory_space<semaphore_mem>>) src(%dma_wait3A_24 : memref<80x64xf32, #tpu.memory_space<hbm>>) dst(%arg7 : memref<80x64xf32, #tpu.memory_space<vmem>>)
        tpu.yield
      }) : () -> ()
      "tpu.region"() ({
        %run_scoped3A = tpu.sem_alloc : memref<!tpu.dma_semaphore, #tpu.memory_space<semaphore_mem>>
        %dma_start3A = arith.constant 0 : i32
        %dma_start3A_19 = tpu.memref_slice %arg6[%scan3A_13, %dma_start3A] : memref<125x80xi32, #tpu.memory_space<vmem>> -> memref<1x80xi32, #tpu.memory_space<vmem>>
        %dma_start3A_20 = tpu.memref_squeeze %dma_start3A_19 : memref<1x80xi32, #tpu.memory_space<vmem>> -> memref<80xi32, #tpu.memory_space<vmem>>
        %dma_start3A_21 = arith.constant 0 : i32
        %dma_start3A_22 = arith.constant 0 : i32
        %dma_start3A_23 = tpu.memref_slice %arg8[%dma_start3A_21, %dma_start3A_22] : memref<10240x64xf32, #tpu.memory_space<vmem_shared>> -> memref<10240x64xf32, #tpu.memory_space<vmem_shared>>
        tpu.enqueue_indirect_dma source(%arg7 : memref<80x64xf32, #tpu.memory_space<vmem>>) target(%dma_start3A_23 : memref<10240x64xf32, #tpu.memory_space<vmem_shared>>) offsets(%dma_start3A_20 : memref<80xi32, #tpu.memory_space<vmem>>) semaphore(%run_scoped3A : memref<!tpu.dma_semaphore, #tpu.memory_space<semaphore_mem>>) {add = true}
        %dma_wait3A = arith.constant 0 : i32
        %dma_wait3A_24 = tpu.memref_slice %arg6[%scan3A_13, %dma_wait3A] : memref<125x80xi32, #tpu.memory_space<vmem>> -> memref<1x80xi32, #tpu.memory_space<vmem>>
        %dma_wait3A_25 = tpu.memref_squeeze %dma_wait3A_24 : memref<1x80xi32, #tpu.memory_space<vmem>> -> memref<80xi32, #tpu.memory_space<vmem>>
        %dma_wait3A_26 = arith.constant 0 : i32
        %dma_wait3A_27 = arith.constant 0 : i32
        %dma_wait3A_28 = tpu.memref_slice %arg8[%dma_wait3A_26, %dma_wait3A_27] : memref<10240x64xf32, #tpu.memory_space<vmem_shared>> -> memref<10240x64xf32, #tpu.memory_space<vmem_shared>>
        tpu.wait_indirect_dma semaphore(%run_scoped3A : memref<!tpu.dma_semaphore, #tpu.memory_space<semaphore_mem>>) src(%arg7 : memref<80x64xf32, #tpu.memory_space<vmem>>) dst(%dma_wait3A_28 : memref<10240x64xf32, #tpu.memory_space<vmem_shared>>)
        tpu.yield
      }) : () -> ()
    }
    %scan3A_7 = arith.constant 125 : i32
    %barrier3A_8 = arith.constant 0 : index
    tpu.barrier barrier_id(%barrier3A_8)
    %mul3A_9 = arith.constant 640 : i32
    %mul3A_10 = arith.muli %arg1, %mul3A_9 : i32
    %mul3A_11 = arith.constant 640 : i32
    %mul3A_12 = arith.muli %arg1, %mul3A_11 : i32
    "tpu.region"() ({
      %run_scoped3A = tpu.sem_alloc : memref<!tpu.dma_semaphore, #tpu.memory_space<semaphore_mem>>
      %dma_start3A = arith.constant 0 : i32
      %dma_start3A_13 = arith.constant 0 : i32
      %dma_start3A_14 = tpu.memref_slice %arg5[%arg0, %dma_start3A, %dma_start3A_13] : memref<2x10240x64xf32, #tpu.memory_space<hbm>> -> memref<1x10240x64xf32, #tpu.memory_space<hbm>>
      %dma_start3A_15 = tpu.memref_squeeze %dma_start3A_14 : memref<1x10240x64xf32, #tpu.memory_space<hbm>> -> memref<10240x64xf32, #tpu.memory_space<hbm>>
      %dma_start3A_16 = arith.constant 0 : i32
      %dma_start3A_17 = tpu.memref_slice %dma_start3A_15[%mul3A_12, %dma_start3A_16] : memref<10240x64xf32, #tpu.memory_space<hbm>> -> memref<640x64xf32, #tpu.memory_space<hbm>>
      %dma_start3A_18 = arith.constant 0 : i32
      %dma_start3A_19 = tpu.memref_slice %arg8[%mul3A_10, %dma_start3A_18] : memref<10240x64xf32, #tpu.memory_space<vmem_shared>> -> memref<640x64xf32, #tpu.memory_space<vmem_shared>>
      tpu.enqueue_dma source(%dma_start3A_19 : memref<640x64xf32, #tpu.memory_space<vmem_shared>>) target(%dma_start3A_17 : memref<640x64xf32, #tpu.memory_space<hbm>>) target_semaphore(%run_scoped3A : memref<!tpu.dma_semaphore, #tpu.memory_space<semaphore_mem>>)
      %dma_wait3A = arith.constant 0 : i32
      %dma_wait3A_20 = arith.constant 0 : i32
      %dma_wait3A_21 = tpu.memref_slice %arg5[%arg0, %dma_wait3A, %dma_wait3A_20] : memref<2x10240x64xf32, #tpu.memory_space<hbm>> -> memref<1x10240x64xf32, #tpu.memory_space<hbm>>
      %dma_wait3A_22 = tpu.memref_squeeze %dma_wait3A_21 : memref<1x10240x64xf32, #tpu.memory_space<hbm>> -> memref<10240x64xf32, #tpu.memory_space<hbm>>
      %dma_wait3A_23 = arith.constant 0 : i32
      %dma_wait3A_24 = tpu.memref_slice %dma_wait3A_22[%mul3A_12, %dma_wait3A_23] : memref<10240x64xf32, #tpu.memory_space<hbm>> -> memref<640x64xf32, #tpu.memory_space<hbm>>
      %dma_wait3A_25 = arith.constant 0 : i32
      %dma_wait3A_26 = tpu.memref_slice %arg8[%mul3A_10, %dma_wait3A_25] : memref<10240x64xf32, #tpu.memory_space<vmem_shared>> -> memref<640x64xf32, #tpu.memory_space<vmem_shared>>
      tpu.wait_dma2 semaphore(%run_scoped3A : memref<!tpu.dma_semaphore, #tpu.memory_space<semaphore_mem>>) src(%dma_wait3A_26 : memref<640x64xf32, #tpu.memory_space<vmem_shared>>) dst(%dma_wait3A_24 : memref<640x64xf32, #tpu.memory_space<hbm>>)
      tpu.yield
    }) : () -> ()
    return
  }
}

#map = affine_map<(d0, d1) -> (0, 0)>
#map1 = affine_map<(d0, d1) -> (0, 0, 0)>
module attributes {stable_mosaic.version = 14 : i64} {
  func.func @_sc_gather_add(%arg0: i32, %arg1: i32, %arg2: memref<10000x64xf32, #tpu.memory_space<hbm>>, %arg3: memref<10000x64xf32, #tpu.memory_space<hbm>>, %arg4: memref<32x125x80xi32, #tpu.memory_space<hbm>>, %arg5: memref<32x125x80xi32, #tpu.memory_space<hbm>>, %arg6: memref<320000x64xf32, #tpu.memory_space<hbm>>, %arg7: memref<125x80xi32, #tpu.memory_space<vmem>>, %arg8: memref<125x80xi32, #tpu.memory_space<vmem>>, %arg9: memref<80x64xf32, #tpu.memory_space<vmem>>, %arg10: memref<!tpu.dma_semaphore, #tpu.memory_space<semaphore_mem>>) attributes {dimension_semantics = [#tpu.dimension_semantics<core_parallel>, #tpu.dimension_semantics<subcore_parallel>], iteration_bounds = array<i64: 2, 16>, scalar_prefetch = 0 : i64, scratch_operands = 4 : i64, tpu.core_type = #tpu.core_type<sc_vector_subcore>, window_params = [{transform_indices = #map}, {transform_indices = #map}, {transform_indices = #map1}, {transform_indices = #map1}, {transform_indices = #map}]} {
    %mul3A = arith.constant 16 : i32
    %mul3A_0 = arith.muli %arg0, %mul3A : i32
    %add3A = arith.addi %mul3A_0, %arg1 : i32
    "tpu.region"() ({
      %run_scoped3A = tpu.sem_alloc : memref<!tpu.dma_semaphore, #tpu.memory_space<semaphore_mem>>
      %dma_start3A = arith.constant 0 : i32
      %dma_start3A_6 = arith.constant 0 : i32
      %dma_start3A_7 = tpu.memref_slice %arg4[%add3A, %dma_start3A, %dma_start3A_6] : memref<32x125x80xi32, #tpu.memory_space<hbm>> -> memref<1x125x80xi32, #tpu.memory_space<hbm>>
      %dma_start3A_8 = tpu.memref_squeeze %dma_start3A_7 : memref<1x125x80xi32, #tpu.memory_space<hbm>> -> memref<125x80xi32, #tpu.memory_space<hbm>>
      %dma_start3A_9 = arith.constant 0 : i32
      %dma_start3A_10 = arith.constant 0 : i32
      %dma_start3A_11 = tpu.memref_slice %arg4[%add3A, %dma_start3A_9, %dma_start3A_10] : memref<32x125x80xi32, #tpu.memory_space<hbm>> -> memref<1x125x80xi32, #tpu.memory_space<hbm>>
      %dma_start3A_12 = tpu.memref_squeeze %dma_start3A_11 : memref<1x125x80xi32, #tpu.memory_space<hbm>> -> memref<125x80xi32, #tpu.memory_space<hbm>>
      tpu.enqueue_dma source(%dma_start3A_12 : memref<125x80xi32, #tpu.memory_space<hbm>>) target(%arg7 : memref<125x80xi32, #tpu.memory_space<vmem>>) target_semaphore(%run_scoped3A : memref<!tpu.dma_semaphore, #tpu.memory_space<semaphore_mem>>)
      %dma_wait3A = arith.constant 0 : i32
      %dma_wait3A_13 = arith.constant 0 : i32
      %dma_wait3A_14 = tpu.memref_slice %arg4[%add3A, %dma_wait3A, %dma_wait3A_13] : memref<32x125x80xi32, #tpu.memory_space<hbm>> -> memref<1x125x80xi32, #tpu.memory_space<hbm>>
      %dma_wait3A_15 = tpu.memref_squeeze %dma_wait3A_14 : memref<1x125x80xi32, #tpu.memory_space<hbm>> -> memref<125x80xi32, #tpu.memory_space<hbm>>
      %dma_wait3A_16 = arith.constant 0 : i32
      %dma_wait3A_17 = arith.constant 0 : i32
      %dma_wait3A_18 = tpu.memref_slice %arg4[%add3A, %dma_wait3A_16, %dma_wait3A_17] : memref<32x125x80xi32, #tpu.memory_space<hbm>> -> memref<1x125x80xi32, #tpu.memory_space<hbm>>
      %dma_wait3A_19 = tpu.memref_squeeze %dma_wait3A_18 : memref<1x125x80xi32, #tpu.memory_space<hbm>> -> memref<125x80xi32, #tpu.memory_space<hbm>>
      tpu.wait_dma2 semaphore(%run_scoped3A : memref<!tpu.dma_semaphore, #tpu.memory_space<semaphore_mem>>) src(%dma_wait3A_19 : memref<125x80xi32, #tpu.memory_space<hbm>>) dst(%arg7 : memref<125x80xi32, #tpu.memory_space<vmem>>)
      tpu.yield
    }) : () -> ()
    "tpu.region"() ({
      %run_scoped3A = tpu.sem_alloc : memref<!tpu.dma_semaphore, #tpu.memory_space<semaphore_mem>>
      %dma_start3A = arith.constant 0 : i32
      %dma_start3A_6 = arith.constant 0 : i32
      %dma_start3A_7 = tpu.memref_slice %arg5[%add3A, %dma_start3A, %dma_start3A_6] : memref<32x125x80xi32, #tpu.memory_space<hbm>> -> memref<1x125x80xi32, #tpu.memory_space<hbm>>
      %dma_start3A_8 = tpu.memref_squeeze %dma_start3A_7 : memref<1x125x80xi32, #tpu.memory_space<hbm>> -> memref<125x80xi32, #tpu.memory_space<hbm>>
      %dma_start3A_9 = arith.constant 0 : i32
      %dma_start3A_10 = arith.constant 0 : i32
      %dma_start3A_11 = tpu.memref_slice %arg5[%add3A, %dma_start3A_9, %dma_start3A_10] : memref<32x125x80xi32, #tpu.memory_space<hbm>> -> memref<1x125x80xi32, #tpu.memory_space<hbm>>
      %dma_start3A_12 = tpu.memref_squeeze %dma_start3A_11 : memref<1x125x80xi32, #tpu.memory_space<hbm>> -> memref<125x80xi32, #tpu.memory_space<hbm>>
      tpu.enqueue_dma source(%dma_start3A_12 : memref<125x80xi32, #tpu.memory_space<hbm>>) target(%arg8 : memref<125x80xi32, #tpu.memory_space<vmem>>) target_semaphore(%run_scoped3A : memref<!tpu.dma_semaphore, #tpu.memory_space<semaphore_mem>>)
      %dma_wait3A = arith.constant 0 : i32
      %dma_wait3A_13 = arith.constant 0 : i32
      %dma_wait3A_14 = tpu.memref_slice %arg5[%add3A, %dma_wait3A, %dma_wait3A_13] : memref<32x125x80xi32, #tpu.memory_space<hbm>> -> memref<1x125x80xi32, #tpu.memory_space<hbm>>
      %dma_wait3A_15 = tpu.memref_squeeze %dma_wait3A_14 : memref<1x125x80xi32, #tpu.memory_space<hbm>> -> memref<125x80xi32, #tpu.memory_space<hbm>>
      %dma_wait3A_16 = arith.constant 0 : i32
      %dma_wait3A_17 = arith.constant 0 : i32
      %dma_wait3A_18 = tpu.memref_slice %arg5[%add3A, %dma_wait3A_16, %dma_wait3A_17] : memref<32x125x80xi32, #tpu.memory_space<hbm>> -> memref<1x125x80xi32, #tpu.memory_space<hbm>>
      %dma_wait3A_19 = tpu.memref_squeeze %dma_wait3A_18 : memref<1x125x80xi32, #tpu.memory_space<hbm>> -> memref<125x80xi32, #tpu.memory_space<hbm>>
      tpu.wait_dma2 semaphore(%run_scoped3A : memref<!tpu.dma_semaphore, #tpu.memory_space<semaphore_mem>>) src(%dma_wait3A_19 : memref<125x80xi32, #tpu.memory_space<hbm>>) dst(%arg8 : memref<125x80xi32, #tpu.memory_space<vmem>>)
      tpu.yield
    }) : () -> ()
    %scan3A = arith.constant 0 : i32
    %scan3A_1 = arith.constant 0 : i32
    %scan3A_2 = arith.constant 125 : i32
    %scan3A_3 = arith.addi %scan3A_1, %scan3A_2 : i32
    %scan3A_4 = arith.constant 1 : i32
    scf.for %scan3A_6 = %scan3A_1 to %scan3A_3 step %scan3A_4  : i32 {
      %dma_start3A = arith.constant 0 : i32
      %dma_start3A_7 = tpu.memref_slice %arg7[%scan3A_6, %dma_start3A] : memref<125x80xi32, #tpu.memory_space<vmem>> -> memref<1x80xi32, #tpu.memory_space<vmem>>
      %dma_start3A_8 = tpu.memref_squeeze %dma_start3A_7 : memref<1x80xi32, #tpu.memory_space<vmem>> -> memref<80xi32, #tpu.memory_space<vmem>>
      %dma_start3A_9 = arith.constant 0 : i32
      %dma_start3A_10 = arith.constant 0 : i32
      %dma_start3A_11 = tpu.memref_slice %arg2[%dma_start3A_9, %dma_start3A_10] : memref<10000x64xf32, #tpu.memory_space<hbm>> -> memref<10000x64xf32, #tpu.memory_space<hbm>>
      tpu.enqueue_indirect_dma source(%dma_start3A_11 : memref<10000x64xf32, #tpu.memory_space<hbm>>) target(%arg9 : memref<80x64xf32, #tpu.memory_space<vmem>>) offsets(%dma_start3A_8 : memref<80xi32, #tpu.memory_space<vmem>>) semaphore(%arg10 : memref<!tpu.dma_semaphore, #tpu.memory_space<semaphore_mem>>)
      %dma_wait3A = arith.constant 0 : i32
      %dma_wait3A_12 = tpu.memref_slice %arg7[%scan3A_6, %dma_wait3A] : memref<125x80xi32, #tpu.memory_space<vmem>> -> memref<1x80xi32, #tpu.memory_space<vmem>>
      %dma_wait3A_13 = tpu.memref_squeeze %dma_wait3A_12 : memref<1x80xi32, #tpu.memory_space<vmem>> -> memref<80xi32, #tpu.memory_space<vmem>>
      %dma_wait3A_14 = arith.constant 0 : i32
      %dma_wait3A_15 = arith.constant 0 : i32
      %dma_wait3A_16 = tpu.memref_slice %arg2[%dma_wait3A_14, %dma_wait3A_15] : memref<10000x64xf32, #tpu.memory_space<hbm>> -> memref<10000x64xf32, #tpu.memory_space<hbm>>
      tpu.wait_indirect_dma semaphore(%arg10 : memref<!tpu.dma_semaphore, #tpu.memory_space<semaphore_mem>>) src(%dma_wait3A_16 : memref<10000x64xf32, #tpu.memory_space<hbm>>) dst(%arg9 : memref<80x64xf32, #tpu.memory_space<vmem>>)
      %dma_start3A_17 = arith.constant 0 : i32
      %dma_start3A_18 = tpu.memref_slice %arg8[%scan3A_6, %dma_start3A_17] : memref<125x80xi32, #tpu.memory_space<vmem>> -> memref<1x80xi32, #tpu.memory_space<vmem>>
      %dma_start3A_19 = tpu.memref_squeeze %dma_start3A_18 : memref<1x80xi32, #tpu.memory_space<vmem>> -> memref<80xi32, #tpu.memory_space<vmem>>
      %dma_start3A_20 = arith.constant 0 : i32
      %dma_start3A_21 = arith.constant 0 : i32
      %dma_start3A_22 = tpu.memref_slice %arg3[%dma_start3A_20, %dma_start3A_21] : memref<10000x64xf32, #tpu.memory_space<hbm>> -> memref<10000x64xf32, #tpu.memory_space<hbm>>
      tpu.enqueue_indirect_dma source(%dma_start3A_22 : memref<10000x64xf32, #tpu.memory_space<hbm>>) target(%arg9 : memref<80x64xf32, #tpu.memory_space<vmem>>) offsets(%dma_start3A_19 : memref<80xi32, #tpu.memory_space<vmem>>) semaphore(%arg10 : memref<!tpu.dma_semaphore, #tpu.memory_space<semaphore_mem>>) {add = true}
      %dma_wait3A_23 = arith.constant 0 : i32
      %dma_wait3A_24 = tpu.memref_slice %arg8[%scan3A_6, %dma_wait3A_23] : memref<125x80xi32, #tpu.memory_space<vmem>> -> memref<1x80xi32, #tpu.memory_space<vmem>>
      %dma_wait3A_25 = tpu.memref_squeeze %dma_wait3A_24 : memref<1x80xi32, #tpu.memory_space<vmem>> -> memref<80xi32, #tpu.memory_space<vmem>>
      %dma_wait3A_26 = arith.constant 0 : i32
      %dma_wait3A_27 = arith.constant 0 : i32
      %dma_wait3A_28 = tpu.memref_slice %arg3[%dma_wait3A_26, %dma_wait3A_27] : memref<10000x64xf32, #tpu.memory_space<hbm>> -> memref<10000x64xf32, #tpu.memory_space<hbm>>
      tpu.wait_indirect_dma semaphore(%arg10 : memref<!tpu.dma_semaphore, #tpu.memory_space<semaphore_mem>>) src(%dma_wait3A_28 : memref<10000x64xf32, #tpu.memory_space<hbm>>) dst(%arg9 : memref<80x64xf32, #tpu.memory_space<vmem>>)
      %mul3A_29 = arith.constant 10000 : i32
      %mul3A_30 = arith.muli %add3A, %mul3A_29 : i32
      %mul3A_31 = arith.constant 80 : i32
      %mul3A_32 = arith.muli %scan3A_6, %mul3A_31 : i32
      %add3A_33 = arith.addi %mul3A_30, %mul3A_32 : i32
      "tpu.region"() ({
        %run_scoped3A = tpu.sem_alloc : memref<!tpu.dma_semaphore, #tpu.memory_space<semaphore_mem>>
        %dma_start3A_34 = arith.constant 0 : i32
        %dma_start3A_35 = tpu.memref_slice %arg6[%add3A_33, %dma_start3A_34] : memref<320000x64xf32, #tpu.memory_space<hbm>> -> memref<80x64xf32, #tpu.memory_space<hbm>>
        %dma_start3A_36 = arith.constant 0 : i32
        %dma_start3A_37 = tpu.memref_slice %arg6[%add3A_33, %dma_start3A_36] : memref<320000x64xf32, #tpu.memory_space<hbm>> -> memref<80x64xf32, #tpu.memory_space<hbm>>
        tpu.enqueue_dma source(%arg9 : memref<80x64xf32, #tpu.memory_space<vmem>>) target(%dma_start3A_37 : memref<80x64xf32, #tpu.memory_space<hbm>>) target_semaphore(%run_scoped3A : memref<!tpu.dma_semaphore, #tpu.memory_space<semaphore_mem>>)
        %dma_wait3A_38 = arith.constant 0 : i32
        %dma_wait3A_39 = tpu.memref_slice %arg6[%add3A_33, %dma_wait3A_38] : memref<320000x64xf32, #tpu.memory_space<hbm>> -> memref<80x64xf32, #tpu.memory_space<hbm>>
        %dma_wait3A_40 = arith.constant 0 : i32
        %dma_wait3A_41 = tpu.memref_slice %arg6[%add3A_33, %dma_wait3A_40] : memref<320000x64xf32, #tpu.memory_space<hbm>> -> memref<80x64xf32, #tpu.memory_space<hbm>>
        tpu.wait_dma2 semaphore(%run_scoped3A : memref<!tpu.dma_semaphore, #tpu.memory_space<semaphore_mem>>) src(%arg9 : memref<80x64xf32, #tpu.memory_space<vmem>>) dst(%dma_wait3A_41 : memref<80x64xf32, #tpu.memory_space<hbm>>)
        tpu.yield
      }) : () -> ()
    }
    %scan3A_5 = arith.constant 125 : i32
    return
  }
}

#map = affine_map<(d0, d1) -> (0, 0)>
#map1 = affine_map<(d0, d1) -> (0, 0, 0)>
module attributes {stable_mosaic.version = 14 : i64} {
  func.func @_sc_scatter_add(%arg0: i32, %arg1: i32, %arg2: memref<320000x64xf32, #tpu.memory_space<hbm>>, %arg3: memref<32x125x80xi32, #tpu.memory_space<hbm>>, %arg4: memref<640x64xf32, #tpu.memory_space<hbm>>, %arg5: memref<2x10240x64xf32, #tpu.memory_space<hbm>>, %arg6: memref<125x80xi32, #tpu.memory_space<vmem>>, %arg7: memref<80x64xf32, #tpu.memory_space<vmem>>, %arg8: memref<10240x64xf32, #tpu.memory_space<vmem_shared>>) attributes {dimension_semantics = [#tpu.dimension_semantics<core_parallel>, #tpu.dimension_semantics<subcore_parallel>], iteration_bounds = array<i64: 2, 16>, scalar_prefetch = 0 : i64, scratch_operands = 3 : i64, tpu.core_type = #tpu.core_type<sc_vector_subcore>, window_params = [{transform_indices = #map}, {transform_indices = #map1}, {transform_indices = #map}, {transform_indices = #map1}]} {
    %mul3A = arith.constant 16 : i32
    %mul3A_0 = arith.muli %arg0, %mul3A : i32
    %add3A = arith.addi %mul3A_0, %arg1 : i32
    %mul3A_1 = arith.constant 640 : i32
    %mul3A_2 = arith.muli %arg1, %mul3A_1 : i32
    "tpu.region"() ({
      %run_scoped3A = tpu.sem_alloc : memref<!tpu.dma_semaphore, #tpu.memory_space<semaphore_mem>>
      %dma_start3A = arith.constant 0 : i32
      %dma_start3A_13 = tpu.memref_slice %arg8[%mul3A_2, %dma_start3A] : memref<10240x64xf32, #tpu.memory_space<vmem_shared>> -> memref<640x64xf32, #tpu.memory_space<vmem_shared>>
      tpu.enqueue_dma source(%arg4 : memref<640x64xf32, #tpu.memory_space<hbm>>) target(%dma_start3A_13 : memref<640x64xf32, #tpu.memory_space<vmem_shared>>) target_semaphore(%run_scoped3A : memref<!tpu.dma_semaphore, #tpu.memory_space<semaphore_mem>>)
      %dma_wait3A = arith.constant 0 : i32
      %dma_wait3A_14 = tpu.memref_slice %arg8[%mul3A_2, %dma_wait3A] : memref<10240x64xf32, #tpu.memory_space<vmem_shared>> -> memref<640x64xf32, #tpu.memory_space<vmem_shared>>
      tpu.wait_dma2 semaphore(%run_scoped3A : memref<!tpu.dma_semaphore, #tpu.memory_space<semaphore_mem>>) src(%arg4 : memref<640x64xf32, #tpu.memory_space<hbm>>) dst(%dma_wait3A_14 : memref<640x64xf32, #tpu.memory_space<vmem_shared>>)
      tpu.yield
    }) : () -> ()
    "tpu.region"() ({
      %run_scoped3A = tpu.sem_alloc : memref<!tpu.dma_semaphore, #tpu.memory_space<semaphore_mem>>
      %dma_start3A = arith.constant 0 : i32
      %dma_start3A_13 = arith.constant 0 : i32
      %dma_start3A_14 = tpu.memref_slice %arg3[%add3A, %dma_start3A, %dma_start3A_13] : memref<32x125x80xi32, #tpu.memory_space<hbm>> -> memref<1x125x80xi32, #tpu.memory_space<hbm>>
      %dma_start3A_15 = tpu.memref_squeeze %dma_start3A_14 : memref<1x125x80xi32, #tpu.memory_space<hbm>> -> memref<125x80xi32, #tpu.memory_space<hbm>>
      %dma_start3A_16 = arith.constant 0 : i32
      %dma_start3A_17 = arith.constant 0 : i32
      %dma_start3A_18 = tpu.memref_slice %arg3[%add3A, %dma_start3A_16, %dma_start3A_17] : memref<32x125x80xi32, #tpu.memory_space<hbm>> -> memref<1x125x80xi32, #tpu.memory_space<hbm>>
      %dma_start3A_19 = tpu.memref_squeeze %dma_start3A_18 : memref<1x125x80xi32, #tpu.memory_space<hbm>> -> memref<125x80xi32, #tpu.memory_space<hbm>>
      tpu.enqueue_dma source(%dma_start3A_19 : memref<125x80xi32, #tpu.memory_space<hbm>>) target(%arg6 : memref<125x80xi32, #tpu.memory_space<vmem>>) target_semaphore(%run_scoped3A : memref<!tpu.dma_semaphore, #tpu.memory_space<semaphore_mem>>)
      %dma_wait3A = arith.constant 0 : i32
      %dma_wait3A_20 = arith.constant 0 : i32
      %dma_wait3A_21 = tpu.memref_slice %arg3[%add3A, %dma_wait3A, %dma_wait3A_20] : memref<32x125x80xi32, #tpu.memory_space<hbm>> -> memref<1x125x80xi32, #tpu.memory_space<hbm>>
      %dma_wait3A_22 = tpu.memref_squeeze %dma_wait3A_21 : memref<1x125x80xi32, #tpu.memory_space<hbm>> -> memref<125x80xi32, #tpu.memory_space<hbm>>
      %dma_wait3A_23 = arith.constant 0 : i32
      %dma_wait3A_24 = arith.constant 0 : i32
      %dma_wait3A_25 = tpu.memref_slice %arg3[%add3A, %dma_wait3A_23, %dma_wait3A_24] : memref<32x125x80xi32, #tpu.memory_space<hbm>> -> memref<1x125x80xi32, #tpu.memory_space<hbm>>
      %dma_wait3A_26 = tpu.memref_squeeze %dma_wait3A_25 : memref<1x125x80xi32, #tpu.memory_space<hbm>> -> memref<125x80xi32, #tpu.memory_space<hbm>>
      tpu.wait_dma2 semaphore(%run_scoped3A : memref<!tpu.dma_semaphore, #tpu.memory_space<semaphore_mem>>) src(%dma_wait3A_26 : memref<125x80xi32, #tpu.memory_space<hbm>>) dst(%arg6 : memref<125x80xi32, #tpu.memory_space<vmem>>)
      tpu.yield
    }) : () -> ()
    %barrier3A = arith.constant 0 : index
    tpu.barrier barrier_id(%barrier3A)
    %scan3A = arith.constant 0 : i32
    %scan3A_3 = arith.constant 0 : i32
    %scan3A_4 = arith.constant 125 : i32
    %scan3A_5 = arith.addi %scan3A_3, %scan3A_4 : i32
    %scan3A_6 = arith.constant 1 : i32
    scf.for %scan3A_13 = %scan3A_3 to %scan3A_5 step %scan3A_6  : i32 {
      %mul3A_14 = arith.constant 10000 : i32
      %mul3A_15 = arith.muli %add3A, %mul3A_14 : i32
      %mul3A_16 = arith.constant 80 : i32
      %mul3A_17 = arith.muli %scan3A_13, %mul3A_16 : i32
      %add3A_18 = arith.addi %mul3A_15, %mul3A_17 : i32
      "tpu.region"() ({
        %run_scoped3A = tpu.sem_alloc : memref<!tpu.dma_semaphore, #tpu.memory_space<semaphore_mem>>
        %dma_start3A = arith.constant 0 : i32
        %dma_start3A_19 = tpu.memref_slice %arg2[%add3A_18, %dma_start3A] : memref<320000x64xf32, #tpu.memory_space<hbm>> -> memref<80x64xf32, #tpu.memory_space<hbm>>
        %dma_start3A_20 = arith.constant 0 : i32
        %dma_start3A_21 = tpu.memref_slice %arg2[%add3A_18, %dma_start3A_20] : memref<320000x64xf32, #tpu.memory_space<hbm>> -> memref<80x64xf32, #tpu.memory_space<hbm>>
        tpu.enqueue_dma source(%dma_start3A_21 : memref<80x64xf32, #tpu.memory_space<hbm>>) target(%arg7 : memref<80x64xf32, #tpu.memory_space<vmem>>) target_semaphore(%run_scoped3A : memref<!tpu.dma_semaphore, #tpu.memory_space<semaphore_mem>>)
        %dma_wait3A = arith.constant 0 : i32
        %dma_wait3A_22 = tpu.memref_slice %arg2[%add3A_18, %dma_wait3A] : memref<320000x64xf32, #tpu.memory_space<hbm>> -> memref<80x64xf32, #tpu.memory_space<hbm>>
        %dma_wait3A_23 = arith.constant 0 : i32
        %dma_wait3A_24 = tpu.memref_slice %arg2[%add3A_18, %dma_wait3A_23] : memref<320000x64xf32, #tpu.memory_space<hbm>> -> memref<80x64xf32, #tpu.memory_space<hbm>>
        tpu.wait_dma2 semaphore(%run_scoped3A : memref<!tpu.dma_semaphore, #tpu.memory_space<semaphore_mem>>) src(%dma_wait3A_24 : memref<80x64xf32, #tpu.memory_space<hbm>>) dst(%arg7 : memref<80x64xf32, #tpu.memory_space<vmem>>)
        tpu.yield
      }) : () -> ()
      "tpu.region"() ({
        %run_scoped3A = tpu.sem_alloc : memref<!tpu.dma_semaphore, #tpu.memory_space<semaphore_mem>>
        %dma_start3A = arith.constant 0 : i32
        %dma_start3A_19 = tpu.memref_slice %arg6[%scan3A_13, %dma_start3A] : memref<125x80xi32, #tpu.memory_space<vmem>> -> memref<1x80xi32, #tpu.memory_space<vmem>>
        %dma_start3A_20 = tpu.memref_squeeze %dma_start3A_19 : memref<1x80xi32, #tpu.memory_space<vmem>> -> memref<80xi32, #tpu.memory_space<vmem>>
        %dma_start3A_21 = arith.constant 0 : i32
        %dma_start3A_22 = arith.constant 0 : i32
        %dma_start3A_23 = tpu.memref_slice %arg8[%dma_start3A_21, %dma_start3A_22] : memref<10240x64xf32, #tpu.memory_space<vmem_shared>> -> memref<10240x64xf32, #tpu.memory_space<vmem_shared>>
        tpu.enqueue_indirect_dma source(%arg7 : memref<80x64xf32, #tpu.memory_space<vmem>>) target(%dma_start3A_23 : memref<10240x64xf32, #tpu.memory_space<vmem_shared>>) offsets(%dma_start3A_20 : memref<80xi32, #tpu.memory_space<vmem>>) semaphore(%run_scoped3A : memref<!tpu.dma_semaphore, #tpu.memory_space<semaphore_mem>>) {add = true}
        %dma_wait3A = arith.constant 0 : i32
        %dma_wait3A_24 = tpu.memref_slice %arg6[%scan3A_13, %dma_wait3A] : memref<125x80xi32, #tpu.memory_space<vmem>> -> memref<1x80xi32, #tpu.memory_space<vmem>>
        %dma_wait3A_25 = tpu.memref_squeeze %dma_wait3A_24 : memref<1x80xi32, #tpu.memory_space<vmem>> -> memref<80xi32, #tpu.memory_space<vmem>>
        %dma_wait3A_26 = arith.constant 0 : i32
        %dma_wait3A_27 = arith.constant 0 : i32
        %dma_wait3A_28 = tpu.memref_slice %arg8[%dma_wait3A_26, %dma_wait3A_27] : memref<10240x64xf32, #tpu.memory_space<vmem_shared>> -> memref<10240x64xf32, #tpu.memory_space<vmem_shared>>
        tpu.wait_indirect_dma semaphore(%run_scoped3A : memref<!tpu.dma_semaphore, #tpu.memory_space<semaphore_mem>>) src(%arg7 : memref<80x64xf32, #tpu.memory_space<vmem>>) dst(%dma_wait3A_28 : memref<10240x64xf32, #tpu.memory_space<vmem_shared>>)
        tpu.yield
      }) : () -> ()
    }
    %scan3A_7 = arith.constant 125 : i32
    %barrier3A_8 = arith.constant 0 : index
    tpu.barrier barrier_id(%barrier3A_8)
    %mul3A_9 = arith.constant 640 : i32
    %mul3A_10 = arith.muli %arg1, %mul3A_9 : i32
    %mul3A_11 = arith.constant 640 : i32
    %mul3A_12 = arith.muli %arg1, %mul3A_11 : i32
    "tpu.region"() ({
      %run_scoped3A = tpu.sem_alloc : memref<!tpu.dma_semaphore, #tpu.memory_space<semaphore_mem>>
      %dma_start3A = arith.constant 0 : i32
      %dma_start3A_13 = arith.constant 0 : i32
      %dma_start3A_14 = tpu.memref_slice %arg5[%arg0, %dma_start3A, %dma_start3A_13] : memref<2x10240x64xf32, #tpu.memory_space<hbm>> -> memref<1x10240x64xf32, #tpu.memory_space<hbm>>
      %dma_start3A_15 = tpu.memref_squeeze %dma_start3A_14 : memref<1x10240x64xf32, #tpu.memory_space<hbm>> -> memref<10240x64xf32, #tpu.memory_space<hbm>>
      %dma_start3A_16 = arith.constant 0 : i32
      %dma_start3A_17 = tpu.memref_slice %dma_start3A_15[%mul3A_12, %dma_start3A_16] : memref<10240x64xf32, #tpu.memory_space<hbm>> -> memref<640x64xf32, #tpu.memory_space<hbm>>
      %dma_start3A_18 = arith.constant 0 : i32
      %dma_start3A_19 = tpu.memref_slice %arg8[%mul3A_10, %dma_start3A_18] : memref<10240x64xf32, #tpu.memory_space<vmem_shared>> -> memref<640x64xf32, #tpu.memory_space<vmem_shared>>
      tpu.enqueue_dma source(%dma_start3A_19 : memref<640x64xf32, #tpu.memory_space<vmem_shared>>) target(%dma_start3A_17 : memref<640x64xf32, #tpu.memory_space<hbm>>) target_semaphore(%run_scoped3A : memref<!tpu.dma_semaphore, #tpu.memory_space<semaphore_mem>>)
      %dma_wait3A = arith.constant 0 : i32
      %dma_wait3A_20 = arith.constant 0 : i32
      %dma_wait3A_21 = tpu.memref_slice %arg5[%arg0, %dma_wait3A, %dma_wait3A_20] : memref<2x10240x64xf32, #tpu.memory_space<hbm>> -> memref<1x10240x64xf32, #tpu.memory_space<hbm>>
      %dma_wait3A_22 = tpu.memref_squeeze %dma_wait3A_21 : memref<1x10240x64xf32, #tpu.memory_space<hbm>> -> memref<10240x64xf32, #tpu.memory_space<hbm>>
      %dma_wait3A_23 = arith.constant 0 : i32
      %dma_wait3A_24 = tpu.memref_slice %dma_wait3A_22[%mul3A_12, %dma_wait3A_23] : memref<10240x64xf32, #tpu.memory_space<hbm>> -> memref<640x64xf32, #tpu.memory_space<hbm>>
      %dma_wait3A_25 = arith.constant 0 : i32
      %dma_wait3A_26 = tpu.memref_slice %arg8[%mul3A_10, %dma_wait3A_25] : memref<10240x64xf32, #tpu.memory_space<vmem_shared>> -> memref<640x64xf32, #tpu.memory_space<vmem_shared>>
      tpu.wait_dma2 semaphore(%run_scoped3A : memref<!tpu.dma_semaphore, #tpu.memory_space<semaphore_mem>>) src(%dma_wait3A_26 : memref<640x64xf32, #tpu.memory_space<vmem_shared>>) dst(%dma_wait3A_24 : memref<640x64xf32, #tpu.memory_space<hbm>>)
      tpu.yield
    }) : () -> ()
    return
  }
}

#map = affine_map<(d0, d1) -> (0, 0)>
#map1 = affine_map<(d0, d1) -> (0, 0, 0)>
module attributes {stable_mosaic.version = 14 : i64} {
  func.func @_sc_gather_add(%arg0: i32, %arg1: i32, %arg2: memref<10000x64xf32, #tpu.memory_space<hbm>>, %arg3: memref<10000x64xf32, #tpu.memory_space<hbm>>, %arg4: memref<32x125x80xi32, #tpu.memory_space<hbm>>, %arg5: memref<32x125x80xi32, #tpu.memory_space<hbm>>, %arg6: memref<320000x64xf32, #tpu.memory_space<hbm>>, %arg7: memref<125x80xi32, #tpu.memory_space<vmem>>, %arg8: memref<125x80xi32, #tpu.memory_space<vmem>>, %arg9: memref<80x64xf32, #tpu.memory_space<vmem>>, %arg10: memref<!tpu.dma_semaphore, #tpu.memory_space<semaphore_mem>>) attributes {dimension_semantics = [#tpu.dimension_semantics<core_parallel>, #tpu.dimension_semantics<subcore_parallel>], iteration_bounds = array<i64: 2, 16>, scalar_prefetch = 0 : i64, scratch_operands = 4 : i64, tpu.core_type = #tpu.core_type<sc_vector_subcore>, window_params = [{transform_indices = #map}, {transform_indices = #map}, {transform_indices = #map1}, {transform_indices = #map1}, {transform_indices = #map}]} {
    %mul3A = arith.constant 16 : i32
    %mul3A_0 = arith.muli %arg0, %mul3A : i32
    %add3A = arith.addi %mul3A_0, %arg1 : i32
    "tpu.region"() ({
      %run_scoped3A = tpu.sem_alloc : memref<!tpu.dma_semaphore, #tpu.memory_space<semaphore_mem>>
      %dma_start3A = arith.constant 0 : i32
      %dma_start3A_6 = arith.constant 0 : i32
      %dma_start3A_7 = tpu.memref_slice %arg4[%add3A, %dma_start3A, %dma_start3A_6] : memref<32x125x80xi32, #tpu.memory_space<hbm>> -> memref<1x125x80xi32, #tpu.memory_space<hbm>>
      %dma_start3A_8 = tpu.memref_squeeze %dma_start3A_7 : memref<1x125x80xi32, #tpu.memory_space<hbm>> -> memref<125x80xi32, #tpu.memory_space<hbm>>
      %dma_start3A_9 = arith.constant 0 : i32
      %dma_start3A_10 = arith.constant 0 : i32
      %dma_start3A_11 = tpu.memref_slice %arg4[%add3A, %dma_start3A_9, %dma_start3A_10] : memref<32x125x80xi32, #tpu.memory_space<hbm>> -> memref<1x125x80xi32, #tpu.memory_space<hbm>>
      %dma_start3A_12 = tpu.memref_squeeze %dma_start3A_11 : memref<1x125x80xi32, #tpu.memory_space<hbm>> -> memref<125x80xi32, #tpu.memory_space<hbm>>
      tpu.enqueue_dma source(%dma_start3A_12 : memref<125x80xi32, #tpu.memory_space<hbm>>) target(%arg7 : memref<125x80xi32, #tpu.memory_space<vmem>>) target_semaphore(%run_scoped3A : memref<!tpu.dma_semaphore, #tpu.memory_space<semaphore_mem>>)
      %dma_wait3A = arith.constant 0 : i32
      %dma_wait3A_13 = arith.constant 0 : i32
      %dma_wait3A_14 = tpu.memref_slice %arg4[%add3A, %dma_wait3A, %dma_wait3A_13] : memref<32x125x80xi32, #tpu.memory_space<hbm>> -> memref<1x125x80xi32, #tpu.memory_space<hbm>>
      %dma_wait3A_15 = tpu.memref_squeeze %dma_wait3A_14 : memref<1x125x80xi32, #tpu.memory_space<hbm>> -> memref<125x80xi32, #tpu.memory_space<hbm>>
      %dma_wait3A_16 = arith.constant 0 : i32
      %dma_wait3A_17 = arith.constant 0 : i32
      %dma_wait3A_18 = tpu.memref_slice %arg4[%add3A, %dma_wait3A_16, %dma_wait3A_17] : memref<32x125x80xi32, #tpu.memory_space<hbm>> -> memref<1x125x80xi32, #tpu.memory_space<hbm>>
      %dma_wait3A_19 = tpu.memref_squeeze %dma_wait3A_18 : memref<1x125x80xi32, #tpu.memory_space<hbm>> -> memref<125x80xi32, #tpu.memory_space<hbm>>
      tpu.wait_dma2 semaphore(%run_scoped3A : memref<!tpu.dma_semaphore, #tpu.memory_space<semaphore_mem>>) src(%dma_wait3A_19 : memref<125x80xi32, #tpu.memory_space<hbm>>) dst(%arg7 : memref<125x80xi32, #tpu.memory_space<vmem>>)
      tpu.yield
    }) : () -> ()
    "tpu.region"() ({
      %run_scoped3A = tpu.sem_alloc : memref<!tpu.dma_semaphore, #tpu.memory_space<semaphore_mem>>
      %dma_start3A = arith.constant 0 : i32
      %dma_start3A_6 = arith.constant 0 : i32
      %dma_start3A_7 = tpu.memref_slice %arg5[%add3A, %dma_start3A, %dma_start3A_6] : memref<32x125x80xi32, #tpu.memory_space<hbm>> -> memref<1x125x80xi32, #tpu.memory_space<hbm>>
      %dma_start3A_8 = tpu.memref_squeeze %dma_start3A_7 : memref<1x125x80xi32, #tpu.memory_space<hbm>> -> memref<125x80xi32, #tpu.memory_space<hbm>>
      %dma_start3A_9 = arith.constant 0 : i32
      %dma_start3A_10 = arith.constant 0 : i32
      %dma_start3A_11 = tpu.memref_slice %arg5[%add3A, %dma_start3A_9, %dma_start3A_10] : memref<32x125x80xi32, #tpu.memory_space<hbm>> -> memref<1x125x80xi32, #tpu.memory_space<hbm>>
      %dma_start3A_12 = tpu.memref_squeeze %dma_start3A_11 : memref<1x125x80xi32, #tpu.memory_space<hbm>> -> memref<125x80xi32, #tpu.memory_space<hbm>>
      tpu.enqueue_dma source(%dma_start3A_12 : memref<125x80xi32, #tpu.memory_space<hbm>>) target(%arg8 : memref<125x80xi32, #tpu.memory_space<vmem>>) target_semaphore(%run_scoped3A : memref<!tpu.dma_semaphore, #tpu.memory_space<semaphore_mem>>)
      %dma_wait3A = arith.constant 0 : i32
      %dma_wait3A_13 = arith.constant 0 : i32
      %dma_wait3A_14 = tpu.memref_slice %arg5[%add3A, %dma_wait3A, %dma_wait3A_13] : memref<32x125x80xi32, #tpu.memory_space<hbm>> -> memref<1x125x80xi32, #tpu.memory_space<hbm>>
      %dma_wait3A_15 = tpu.memref_squeeze %dma_wait3A_14 : memref<1x125x80xi32, #tpu.memory_space<hbm>> -> memref<125x80xi32, #tpu.memory_space<hbm>>
      %dma_wait3A_16 = arith.constant 0 : i32
      %dma_wait3A_17 = arith.constant 0 : i32
      %dma_wait3A_18 = tpu.memref_slice %arg5[%add3A, %dma_wait3A_16, %dma_wait3A_17] : memref<32x125x80xi32, #tpu.memory_space<hbm>> -> memref<1x125x80xi32, #tpu.memory_space<hbm>>
      %dma_wait3A_19 = tpu.memref_squeeze %dma_wait3A_18 : memref<1x125x80xi32, #tpu.memory_space<hbm>> -> memref<125x80xi32, #tpu.memory_space<hbm>>
      tpu.wait_dma2 semaphore(%run_scoped3A : memref<!tpu.dma_semaphore, #tpu.memory_space<semaphore_mem>>) src(%dma_wait3A_19 : memref<125x80xi32, #tpu.memory_space<hbm>>) dst(%arg8 : memref<125x80xi32, #tpu.memory_space<vmem>>)
      tpu.yield
    }) : () -> ()
    %scan3A = arith.constant 0 : i32
    %scan3A_1 = arith.constant 0 : i32
    %scan3A_2 = arith.constant 125 : i32
    %scan3A_3 = arith.addi %scan3A_1, %scan3A_2 : i32
    %scan3A_4 = arith.constant 1 : i32
    scf.for %scan3A_6 = %scan3A_1 to %scan3A_3 step %scan3A_4  : i32 {
      %dma_start3A = arith.constant 0 : i32
      %dma_start3A_7 = tpu.memref_slice %arg7[%scan3A_6, %dma_start3A] : memref<125x80xi32, #tpu.memory_space<vmem>> -> memref<1x80xi32, #tpu.memory_space<vmem>>
      %dma_start3A_8 = tpu.memref_squeeze %dma_start3A_7 : memref<1x80xi32, #tpu.memory_space<vmem>> -> memref<80xi32, #tpu.memory_space<vmem>>
      %dma_start3A_9 = arith.constant 0 : i32
      %dma_start3A_10 = arith.constant 0 : i32
      %dma_start3A_11 = tpu.memref_slice %arg2[%dma_start3A_9, %dma_start3A_10] : memref<10000x64xf32, #tpu.memory_space<hbm>> -> memref<10000x64xf32, #tpu.memory_space<hbm>>
      tpu.enqueue_indirect_dma source(%dma_start3A_11 : memref<10000x64xf32, #tpu.memory_space<hbm>>) target(%arg9 : memref<80x64xf32, #tpu.memory_space<vmem>>) offsets(%dma_start3A_8 : memref<80xi32, #tpu.memory_space<vmem>>) semaphore(%arg10 : memref<!tpu.dma_semaphore, #tpu.memory_space<semaphore_mem>>)
      %dma_wait3A = arith.constant 0 : i32
      %dma_wait3A_12 = tpu.memref_slice %arg7[%scan3A_6, %dma_wait3A] : memref<125x80xi32, #tpu.memory_space<vmem>> -> memref<1x80xi32, #tpu.memory_space<vmem>>
      %dma_wait3A_13 = tpu.memref_squeeze %dma_wait3A_12 : memref<1x80xi32, #tpu.memory_space<vmem>> -> memref<80xi32, #tpu.memory_space<vmem>>
      %dma_wait3A_14 = arith.constant 0 : i32
      %dma_wait3A_15 = arith.constant 0 : i32
      %dma_wait3A_16 = tpu.memref_slice %arg2[%dma_wait3A_14, %dma_wait3A_15] : memref<10000x64xf32, #tpu.memory_space<hbm>> -> memref<10000x64xf32, #tpu.memory_space<hbm>>
      tpu.wait_indirect_dma semaphore(%arg10 : memref<!tpu.dma_semaphore, #tpu.memory_space<semaphore_mem>>) src(%dma_wait3A_16 : memref<10000x64xf32, #tpu.memory_space<hbm>>) dst(%arg9 : memref<80x64xf32, #tpu.memory_space<vmem>>)
      %dma_start3A_17 = arith.constant 0 : i32
      %dma_start3A_18 = tpu.memref_slice %arg8[%scan3A_6, %dma_start3A_17] : memref<125x80xi32, #tpu.memory_space<vmem>> -> memref<1x80xi32, #tpu.memory_space<vmem>>
      %dma_start3A_19 = tpu.memref_squeeze %dma_start3A_18 : memref<1x80xi32, #tpu.memory_space<vmem>> -> memref<80xi32, #tpu.memory_space<vmem>>
      %dma_start3A_20 = arith.constant 0 : i32
      %dma_start3A_21 = arith.constant 0 : i32
      %dma_start3A_22 = tpu.memref_slice %arg3[%dma_start3A_20, %dma_start3A_21] : memref<10000x64xf32, #tpu.memory_space<hbm>> -> memref<10000x64xf32, #tpu.memory_space<hbm>>
      tpu.enqueue_indirect_dma source(%dma_start3A_22 : memref<10000x64xf32, #tpu.memory_space<hbm>>) target(%arg9 : memref<80x64xf32, #tpu.memory_space<vmem>>) offsets(%dma_start3A_19 : memref<80xi32, #tpu.memory_space<vmem>>) semaphore(%arg10 : memref<!tpu.dma_semaphore, #tpu.memory_space<semaphore_mem>>) {add = true}
      %dma_wait3A_23 = arith.constant 0 : i32
      %dma_wait3A_24 = tpu.memref_slice %arg8[%scan3A_6, %dma_wait3A_23] : memref<125x80xi32, #tpu.memory_space<vmem>> -> memref<1x80xi32, #tpu.memory_space<vmem>>
      %dma_wait3A_25 = tpu.memref_squeeze %dma_wait3A_24 : memref<1x80xi32, #tpu.memory_space<vmem>> -> memref<80xi32, #tpu.memory_space<vmem>>
      %dma_wait3A_26 = arith.constant 0 : i32
      %dma_wait3A_27 = arith.constant 0 : i32
      %dma_wait3A_28 = tpu.memref_slice %arg3[%dma_wait3A_26, %dma_wait3A_27] : memref<10000x64xf32, #tpu.memory_space<hbm>> -> memref<10000x64xf32, #tpu.memory_space<hbm>>
      tpu.wait_indirect_dma semaphore(%arg10 : memref<!tpu.dma_semaphore, #tpu.memory_space<semaphore_mem>>) src(%dma_wait3A_28 : memref<10000x64xf32, #tpu.memory_space<hbm>>) dst(%arg9 : memref<80x64xf32, #tpu.memory_space<vmem>>)
      %mul3A_29 = arith.constant 10000 : i32
      %mul3A_30 = arith.muli %add3A, %mul3A_29 : i32
      %mul3A_31 = arith.constant 80 : i32
      %mul3A_32 = arith.muli %scan3A_6, %mul3A_31 : i32
      %add3A_33 = arith.addi %mul3A_30, %mul3A_32 : i32
      "tpu.region"() ({
        %run_scoped3A = tpu.sem_alloc : memref<!tpu.dma_semaphore, #tpu.memory_space<semaphore_mem>>
        %dma_start3A_34 = arith.constant 0 : i32
        %dma_start3A_35 = tpu.memref_slice %arg6[%add3A_33, %dma_start3A_34] : memref<320000x64xf32, #tpu.memory_space<hbm>> -> memref<80x64xf32, #tpu.memory_space<hbm>>
        %dma_start3A_36 = arith.constant 0 : i32
        %dma_start3A_37 = tpu.memref_slice %arg6[%add3A_33, %dma_start3A_36] : memref<320000x64xf32, #tpu.memory_space<hbm>> -> memref<80x64xf32, #tpu.memory_space<hbm>>
        tpu.enqueue_dma source(%arg9 : memref<80x64xf32, #tpu.memory_space<vmem>>) target(%dma_start3A_37 : memref<80x64xf32, #tpu.memory_space<hbm>>) target_semaphore(%run_scoped3A : memref<!tpu.dma_semaphore, #tpu.memory_space<semaphore_mem>>)
        %dma_wait3A_38 = arith.constant 0 : i32
        %dma_wait3A_39 = tpu.memref_slice %arg6[%add3A_33, %dma_wait3A_38] : memref<320000x64xf32, #tpu.memory_space<hbm>> -> memref<80x64xf32, #tpu.memory_space<hbm>>
        %dma_wait3A_40 = arith.constant 0 : i32
        %dma_wait3A_41 = tpu.memref_slice %arg6[%add3A_33, %dma_wait3A_40] : memref<320000x64xf32, #tpu.memory_space<hbm>> -> memref<80x64xf32, #tpu.memory_space<hbm>>
        tpu.wait_dma2 semaphore(%run_scoped3A : memref<!tpu.dma_semaphore, #tpu.memory_space<semaphore_mem>>) src(%arg9 : memref<80x64xf32, #tpu.memory_space<vmem>>) dst(%dma_wait3A_41 : memref<80x64xf32, #tpu.memory_space<hbm>>)
        tpu.yield
      }) : () -> ()
    }
    %scan3A_5 = arith.constant 125 : i32
    return
  }
}

#map = affine_map<(d0, d1) -> (0, 0)>
#map1 = affine_map<(d0, d1) -> (0, 0, 0)>
module attributes {stable_mosaic.version = 14 : i64} {
  func.func @_sc_scatter_add(%arg0: i32, %arg1: i32, %arg2: memref<320000x64xf32, #tpu.memory_space<hbm>>, %arg3: memref<32x125x80xi32, #tpu.memory_space<hbm>>, %arg4: memref<640x64xf32, #tpu.memory_space<hbm>>, %arg5: memref<2x10240x64xf32, #tpu.memory_space<hbm>>, %arg6: memref<125x80xi32, #tpu.memory_space<vmem>>, %arg7: memref<80x64xf32, #tpu.memory_space<vmem>>, %arg8: memref<10240x64xf32, #tpu.memory_space<vmem_shared>>) attributes {dimension_semantics = [#tpu.dimension_semantics<core_parallel>, #tpu.dimension_semantics<subcore_parallel>], iteration_bounds = array<i64: 2, 16>, scalar_prefetch = 0 : i64, scratch_operands = 3 : i64, tpu.core_type = #tpu.core_type<sc_vector_subcore>, window_params = [{transform_indices = #map}, {transform_indices = #map1}, {transform_indices = #map}, {transform_indices = #map1}]} {
    %mul3A = arith.constant 16 : i32
    %mul3A_0 = arith.muli %arg0, %mul3A : i32
    %add3A = arith.addi %mul3A_0, %arg1 : i32
    %mul3A_1 = arith.constant 640 : i32
    %mul3A_2 = arith.muli %arg1, %mul3A_1 : i32
    "tpu.region"() ({
      %run_scoped3A = tpu.sem_alloc : memref<!tpu.dma_semaphore, #tpu.memory_space<semaphore_mem>>
      %dma_start3A = arith.constant 0 : i32
      %dma_start3A_13 = tpu.memref_slice %arg8[%mul3A_2, %dma_start3A] : memref<10240x64xf32, #tpu.memory_space<vmem_shared>> -> memref<640x64xf32, #tpu.memory_space<vmem_shared>>
      tpu.enqueue_dma source(%arg4 : memref<640x64xf32, #tpu.memory_space<hbm>>) target(%dma_start3A_13 : memref<640x64xf32, #tpu.memory_space<vmem_shared>>) target_semaphore(%run_scoped3A : memref<!tpu.dma_semaphore, #tpu.memory_space<semaphore_mem>>)
      %dma_wait3A = arith.constant 0 : i32
      %dma_wait3A_14 = tpu.memref_slice %arg8[%mul3A_2, %dma_wait3A] : memref<10240x64xf32, #tpu.memory_space<vmem_shared>> -> memref<640x64xf32, #tpu.memory_space<vmem_shared>>
      tpu.wait_dma2 semaphore(%run_scoped3A : memref<!tpu.dma_semaphore, #tpu.memory_space<semaphore_mem>>) src(%arg4 : memref<640x64xf32, #tpu.memory_space<hbm>>) dst(%dma_wait3A_14 : memref<640x64xf32, #tpu.memory_space<vmem_shared>>)
      tpu.yield
    }) : () -> ()
    "tpu.region"() ({
      %run_scoped3A = tpu.sem_alloc : memref<!tpu.dma_semaphore, #tpu.memory_space<semaphore_mem>>
      %dma_start3A = arith.constant 0 : i32
      %dma_start3A_13 = arith.constant 0 : i32
      %dma_start3A_14 = tpu.memref_slice %arg3[%add3A, %dma_start3A, %dma_start3A_13] : memref<32x125x80xi32, #tpu.memory_space<hbm>> -> memref<1x125x80xi32, #tpu.memory_space<hbm>>
      %dma_start3A_15 = tpu.memref_squeeze %dma_start3A_14 : memref<1x125x80xi32, #tpu.memory_space<hbm>> -> memref<125x80xi32, #tpu.memory_space<hbm>>
      %dma_start3A_16 = arith.constant 0 : i32
      %dma_start3A_17 = arith.constant 0 : i32
      %dma_start3A_18 = tpu.memref_slice %arg3[%add3A, %dma_start3A_16, %dma_start3A_17] : memref<32x125x80xi32, #tpu.memory_space<hbm>> -> memref<1x125x80xi32, #tpu.memory_space<hbm>>
      %dma_start3A_19 = tpu.memref_squeeze %dma_start3A_18 : memref<1x125x80xi32, #tpu.memory_space<hbm>> -> memref<125x80xi32, #tpu.memory_space<hbm>>
      tpu.enqueue_dma source(%dma_start3A_19 : memref<125x80xi32, #tpu.memory_space<hbm>>) target(%arg6 : memref<125x80xi32, #tpu.memory_space<vmem>>) target_semaphore(%run_scoped3A : memref<!tpu.dma_semaphore, #tpu.memory_space<semaphore_mem>>)
      %dma_wait3A = arith.constant 0 : i32
      %dma_wait3A_20 = arith.constant 0 : i32
      %dma_wait3A_21 = tpu.memref_slice %arg3[%add3A, %dma_wait3A, %dma_wait3A_20] : memref<32x125x80xi32, #tpu.memory_space<hbm>> -> memref<1x125x80xi32, #tpu.memory_space<hbm>>
      %dma_wait3A_22 = tpu.memref_squeeze %dma_wait3A_21 : memref<1x125x80xi32, #tpu.memory_space<hbm>> -> memref<125x80xi32, #tpu.memory_space<hbm>>
      %dma_wait3A_23 = arith.constant 0 : i32
      %dma_wait3A_24 = arith.constant 0 : i32
      %dma_wait3A_25 = tpu.memref_slice %arg3[%add3A, %dma_wait3A_23, %dma_wait3A_24] : memref<32x125x80xi32, #tpu.memory_space<hbm>> -> memref<1x125x80xi32, #tpu.memory_space<hbm>>
      %dma_wait3A_26 = tpu.memref_squeeze %dma_wait3A_25 : memref<1x125x80xi32, #tpu.memory_space<hbm>> -> memref<125x80xi32, #tpu.memory_space<hbm>>
      tpu.wait_dma2 semaphore(%run_scoped3A : memref<!tpu.dma_semaphore, #tpu.memory_space<semaphore_mem>>) src(%dma_wait3A_26 : memref<125x80xi32, #tpu.memory_space<hbm>>) dst(%arg6 : memref<125x80xi32, #tpu.memory_space<vmem>>)
      tpu.yield
    }) : () -> ()
    %barrier3A = arith.constant 0 : index
    tpu.barrier barrier_id(%barrier3A)
    %scan3A = arith.constant 0 : i32
    %scan3A_3 = arith.constant 0 : i32
    %scan3A_4 = arith.constant 125 : i32
    %scan3A_5 = arith.addi %scan3A_3, %scan3A_4 : i32
    %scan3A_6 = arith.constant 1 : i32
    scf.for %scan3A_13 = %scan3A_3 to %scan3A_5 step %scan3A_6  : i32 {
      %mul3A_14 = arith.constant 10000 : i32
      %mul3A_15 = arith.muli %add3A, %mul3A_14 : i32
      %mul3A_16 = arith.constant 80 : i32
      %mul3A_17 = arith.muli %scan3A_13, %mul3A_16 : i32
      %add3A_18 = arith.addi %mul3A_15, %mul3A_17 : i32
      "tpu.region"() ({
        %run_scoped3A = tpu.sem_alloc : memref<!tpu.dma_semaphore, #tpu.memory_space<semaphore_mem>>
        %dma_start3A = arith.constant 0 : i32
        %dma_start3A_19 = tpu.memref_slice %arg2[%add3A_18, %dma_start3A] : memref<320000x64xf32, #tpu.memory_space<hbm>> -> memref<80x64xf32, #tpu.memory_space<hbm>>
        %dma_start3A_20 = arith.constant 0 : i32
        %dma_start3A_21 = tpu.memref_slice %arg2[%add3A_18, %dma_start3A_20] : memref<320000x64xf32, #tpu.memory_space<hbm>> -> memref<80x64xf32, #tpu.memory_space<hbm>>
        tpu.enqueue_dma source(%dma_start3A_21 : memref<80x64xf32, #tpu.memory_space<hbm>>) target(%arg7 : memref<80x64xf32, #tpu.memory_space<vmem>>) target_semaphore(%run_scoped3A : memref<!tpu.dma_semaphore, #tpu.memory_space<semaphore_mem>>)
        %dma_wait3A = arith.constant 0 : i32
        %dma_wait3A_22 = tpu.memref_slice %arg2[%add3A_18, %dma_wait3A] : memref<320000x64xf32, #tpu.memory_space<hbm>> -> memref<80x64xf32, #tpu.memory_space<hbm>>
        %dma_wait3A_23 = arith.constant 0 : i32
        %dma_wait3A_24 = tpu.memref_slice %arg2[%add3A_18, %dma_wait3A_23] : memref<320000x64xf32, #tpu.memory_space<hbm>> -> memref<80x64xf32, #tpu.memory_space<hbm>>
        tpu.wait_dma2 semaphore(%run_scoped3A : memref<!tpu.dma_semaphore, #tpu.memory_space<semaphore_mem>>) src(%dma_wait3A_24 : memref<80x64xf32, #tpu.memory_space<hbm>>) dst(%arg7 : memref<80x64xf32, #tpu.memory_space<vmem>>)
        tpu.yield
      }) : () -> ()
      "tpu.region"() ({
        %run_scoped3A = tpu.sem_alloc : memref<!tpu.dma_semaphore, #tpu.memory_space<semaphore_mem>>
        %dma_start3A = arith.constant 0 : i32
        %dma_start3A_19 = tpu.memref_slice %arg6[%scan3A_13, %dma_start3A] : memref<125x80xi32, #tpu.memory_space<vmem>> -> memref<1x80xi32, #tpu.memory_space<vmem>>
        %dma_start3A_20 = tpu.memref_squeeze %dma_start3A_19 : memref<1x80xi32, #tpu.memory_space<vmem>> -> memref<80xi32, #tpu.memory_space<vmem>>
        %dma_start3A_21 = arith.constant 0 : i32
        %dma_start3A_22 = arith.constant 0 : i32
        %dma_start3A_23 = tpu.memref_slice %arg8[%dma_start3A_21, %dma_start3A_22] : memref<10240x64xf32, #tpu.memory_space<vmem_shared>> -> memref<10240x64xf32, #tpu.memory_space<vmem_shared>>
        tpu.enqueue_indirect_dma source(%arg7 : memref<80x64xf32, #tpu.memory_space<vmem>>) target(%dma_start3A_23 : memref<10240x64xf32, #tpu.memory_space<vmem_shared>>) offsets(%dma_start3A_20 : memref<80xi32, #tpu.memory_space<vmem>>) semaphore(%run_scoped3A : memref<!tpu.dma_semaphore, #tpu.memory_space<semaphore_mem>>) {add = true}
        %dma_wait3A = arith.constant 0 : i32
        %dma_wait3A_24 = tpu.memref_slice %arg6[%scan3A_13, %dma_wait3A] : memref<125x80xi32, #tpu.memory_space<vmem>> -> memref<1x80xi32, #tpu.memory_space<vmem>>
        %dma_wait3A_25 = tpu.memref_squeeze %dma_wait3A_24 : memref<1x80xi32, #tpu.memory_space<vmem>> -> memref<80xi32, #tpu.memory_space<vmem>>
        %dma_wait3A_26 = arith.constant 0 : i32
        %dma_wait3A_27 = arith.constant 0 : i32
        %dma_wait3A_28 = tpu.memref_slice %arg8[%dma_wait3A_26, %dma_wait3A_27] : memref<10240x64xf32, #tpu.memory_space<vmem_shared>> -> memref<10240x64xf32, #tpu.memory_space<vmem_shared>>
        tpu.wait_indirect_dma semaphore(%run_scoped3A : memref<!tpu.dma_semaphore, #tpu.memory_space<semaphore_mem>>) src(%arg7 : memref<80x64xf32, #tpu.memory_space<vmem>>) dst(%dma_wait3A_28 : memref<10240x64xf32, #tpu.memory_space<vmem_shared>>)
        tpu.yield
      }) : () -> ()
    }
    %scan3A_7 = arith.constant 125 : i32
    %barrier3A_8 = arith.constant 0 : index
    tpu.barrier barrier_id(%barrier3A_8)
    %mul3A_9 = arith.constant 640 : i32
    %mul3A_10 = arith.muli %arg1, %mul3A_9 : i32
    %mul3A_11 = arith.constant 640 : i32
    %mul3A_12 = arith.muli %arg1, %mul3A_11 : i32
    "tpu.region"() ({
      %run_scoped3A = tpu.sem_alloc : memref<!tpu.dma_semaphore, #tpu.memory_space<semaphore_mem>>
      %dma_start3A = arith.constant 0 : i32
      %dma_start3A_13 = arith.constant 0 : i32
      %dma_start3A_14 = tpu.memref_slice %arg5[%arg0, %dma_start3A, %dma_start3A_13] : memref<2x10240x64xf32, #tpu.memory_space<hbm>> -> memref<1x10240x64xf32, #tpu.memory_space<hbm>>
      %dma_start3A_15 = tpu.memref_squeeze %dma_start3A_14 : memref<1x10240x64xf32, #tpu.memory_space<hbm>> -> memref<10240x64xf32, #tpu.memory_space<hbm>>
      %dma_start3A_16 = arith.constant 0 : i32
      %dma_start3A_17 = tpu.memref_slice %dma_start3A_15[%mul3A_12, %dma_start3A_16] : memref<10240x64xf32, #tpu.memory_space<hbm>> -> memref<640x64xf32, #tpu.memory_space<hbm>>
      %dma_start3A_18 = arith.constant 0 : i32
      %dma_start3A_19 = tpu.memref_slice %arg8[%mul3A_10, %dma_start3A_18] : memref<10240x64xf32, #tpu.memory_space<vmem_shared>> -> memref<640x64xf32, #tpu.memory_space<vmem_shared>>
      tpu.enqueue_dma source(%dma_start3A_19 : memref<640x64xf32, #tpu.memory_space<vmem_shared>>) target(%dma_start3A_17 : memref<640x64xf32, #tpu.memory_space<hbm>>) target_semaphore(%run_scoped3A : memref<!tpu.dma_semaphore, #tpu.memory_space<semaphore_mem>>)
      %dma_wait3A = arith.constant 0 : i32
      %dma_wait3A_20 = arith.constant 0 : i32
      %dma_wait3A_21 = tpu.memref_slice %arg5[%arg0, %dma_wait3A, %dma_wait3A_20] : memref<2x10240x64xf32, #tpu.memory_space<hbm>> -> memref<1x10240x64xf32, #tpu.memory_space<hbm>>
      %dma_wait3A_22 = tpu.memref_squeeze %dma_wait3A_21 : memref<1x10240x64xf32, #tpu.memory_space<hbm>> -> memref<10240x64xf32, #tpu.memory_space<hbm>>
      %dma_wait3A_23 = arith.constant 0 : i32
      %dma_wait3A_24 = tpu.memref_slice %dma_wait3A_22[%mul3A_12, %dma_wait3A_23] : memref<10240x64xf32, #tpu.memory_space<hbm>> -> memref<640x64xf32, #tpu.memory_space<hbm>>
      %dma_wait3A_25 = arith.constant 0 : i32
      %dma_wait3A_26 = tpu.memref_slice %arg8[%mul3A_10, %dma_wait3A_25] : memref<10240x64xf32, #tpu.memory_space<vmem_shared>> -> memref<640x64xf32, #tpu.memory_space<vmem_shared>>
      tpu.wait_dma2 semaphore(%run_scoped3A : memref<!tpu.dma_semaphore, #tpu.memory_space<semaphore_mem>>) src(%dma_wait3A_26 : memref<640x64xf32, #tpu.memory_space<vmem_shared>>) dst(%dma_wait3A_24 : memref<640x64xf32, #tpu.memory_space<hbm>>)
      tpu.yield
    }) : () -> ()
    return
  }
}

#map = affine_map<(d0, d1) -> (0, 0)>
#map1 = affine_map<(d0, d1) -> (0, 0, 0)>
module attributes {stable_mosaic.version = 14 : i64} {
  func.func @_sc_scatter_add(%arg0: i32, %arg1: i32, %arg2: memref<320000x64xf32, #tpu.memory_space<hbm>>, %arg3: memref<32x125x80xi32, #tpu.memory_space<hbm>>, %arg4: memref<640x64xf32, #tpu.memory_space<hbm>>, %arg5: memref<2x10240x64xf32, #tpu.memory_space<hbm>>, %arg6: memref<125x80xi32, #tpu.memory_space<vmem>>, %arg7: memref<80x64xf32, #tpu.memory_space<vmem>>, %arg8: memref<10240x64xf32, #tpu.memory_space<vmem_shared>>) attributes {dimension_semantics = [#tpu.dimension_semantics<core_parallel>, #tpu.dimension_semantics<subcore_parallel>], iteration_bounds = array<i64: 2, 16>, scalar_prefetch = 0 : i64, scratch_operands = 3 : i64, tpu.core_type = #tpu.core_type<sc_vector_subcore>, window_params = [{transform_indices = #map}, {transform_indices = #map1}, {transform_indices = #map}, {transform_indices = #map1}]} {
    %mul3A = arith.constant 16 : i32
    %mul3A_0 = arith.muli %arg0, %mul3A : i32
    %add3A = arith.addi %mul3A_0, %arg1 : i32
    %mul3A_1 = arith.constant 640 : i32
    %mul3A_2 = arith.muli %arg1, %mul3A_1 : i32
    "tpu.region"() ({
      %run_scoped3A = tpu.sem_alloc : memref<!tpu.dma_semaphore, #tpu.memory_space<semaphore_mem>>
      %dma_start3A = arith.constant 0 : i32
      %dma_start3A_13 = tpu.memref_slice %arg8[%mul3A_2, %dma_start3A] : memref<10240x64xf32, #tpu.memory_space<vmem_shared>> -> memref<640x64xf32, #tpu.memory_space<vmem_shared>>
      tpu.enqueue_dma source(%arg4 : memref<640x64xf32, #tpu.memory_space<hbm>>) target(%dma_start3A_13 : memref<640x64xf32, #tpu.memory_space<vmem_shared>>) target_semaphore(%run_scoped3A : memref<!tpu.dma_semaphore, #tpu.memory_space<semaphore_mem>>)
      %dma_wait3A = arith.constant 0 : i32
      %dma_wait3A_14 = tpu.memref_slice %arg8[%mul3A_2, %dma_wait3A] : memref<10240x64xf32, #tpu.memory_space<vmem_shared>> -> memref<640x64xf32, #tpu.memory_space<vmem_shared>>
      tpu.wait_dma2 semaphore(%run_scoped3A : memref<!tpu.dma_semaphore, #tpu.memory_space<semaphore_mem>>) src(%arg4 : memref<640x64xf32, #tpu.memory_space<hbm>>) dst(%dma_wait3A_14 : memref<640x64xf32, #tpu.memory_space<vmem_shared>>)
      tpu.yield
    }) : () -> ()
    "tpu.region"() ({
      %run_scoped3A = tpu.sem_alloc : memref<!tpu.dma_semaphore, #tpu.memory_space<semaphore_mem>>
      %dma_start3A = arith.constant 0 : i32
      %dma_start3A_13 = arith.constant 0 : i32
      %dma_start3A_14 = tpu.memref_slice %arg3[%add3A, %dma_start3A, %dma_start3A_13] : memref<32x125x80xi32, #tpu.memory_space<hbm>> -> memref<1x125x80xi32, #tpu.memory_space<hbm>>
      %dma_start3A_15 = tpu.memref_squeeze %dma_start3A_14 : memref<1x125x80xi32, #tpu.memory_space<hbm>> -> memref<125x80xi32, #tpu.memory_space<hbm>>
      %dma_start3A_16 = arith.constant 0 : i32
      %dma_start3A_17 = arith.constant 0 : i32
      %dma_start3A_18 = tpu.memref_slice %arg3[%add3A, %dma_start3A_16, %dma_start3A_17] : memref<32x125x80xi32, #tpu.memory_space<hbm>> -> memref<1x125x80xi32, #tpu.memory_space<hbm>>
      %dma_start3A_19 = tpu.memref_squeeze %dma_start3A_18 : memref<1x125x80xi32, #tpu.memory_space<hbm>> -> memref<125x80xi32, #tpu.memory_space<hbm>>
      tpu.enqueue_dma source(%dma_start3A_19 : memref<125x80xi32, #tpu.memory_space<hbm>>) target(%arg6 : memref<125x80xi32, #tpu.memory_space<vmem>>) target_semaphore(%run_scoped3A : memref<!tpu.dma_semaphore, #tpu.memory_space<semaphore_mem>>)
      %dma_wait3A = arith.constant 0 : i32
      %dma_wait3A_20 = arith.constant 0 : i32
      %dma_wait3A_21 = tpu.memref_slice %arg3[%add3A, %dma_wait3A, %dma_wait3A_20] : memref<32x125x80xi32, #tpu.memory_space<hbm>> -> memref<1x125x80xi32, #tpu.memory_space<hbm>>
      %dma_wait3A_22 = tpu.memref_squeeze %dma_wait3A_21 : memref<1x125x80xi32, #tpu.memory_space<hbm>> -> memref<125x80xi32, #tpu.memory_space<hbm>>
      %dma_wait3A_23 = arith.constant 0 : i32
      %dma_wait3A_24 = arith.constant 0 : i32
      %dma_wait3A_25 = tpu.memref_slice %arg3[%add3A, %dma_wait3A_23, %dma_wait3A_24] : memref<32x125x80xi32, #tpu.memory_space<hbm>> -> memref<1x125x80xi32, #tpu.memory_space<hbm>>
      %dma_wait3A_26 = tpu.memref_squeeze %dma_wait3A_25 : memref<1x125x80xi32, #tpu.memory_space<hbm>> -> memref<125x80xi32, #tpu.memory_space<hbm>>
      tpu.wait_dma2 semaphore(%run_scoped3A : memref<!tpu.dma_semaphore, #tpu.memory_space<semaphore_mem>>) src(%dma_wait3A_26 : memref<125x80xi32, #tpu.memory_space<hbm>>) dst(%arg6 : memref<125x80xi32, #tpu.memory_space<vmem>>)
      tpu.yield
    }) : () -> ()
    %barrier3A = arith.constant 0 : index
    tpu.barrier barrier_id(%barrier3A)
    %scan3A = arith.constant 0 : i32
    %scan3A_3 = arith.constant 0 : i32
    %scan3A_4 = arith.constant 125 : i32
    %scan3A_5 = arith.addi %scan3A_3, %scan3A_4 : i32
    %scan3A_6 = arith.constant 1 : i32
    scf.for %scan3A_13 = %scan3A_3 to %scan3A_5 step %scan3A_6  : i32 {
      %mul3A_14 = arith.constant 10000 : i32
      %mul3A_15 = arith.muli %add3A, %mul3A_14 : i32
      %mul3A_16 = arith.constant 80 : i32
      %mul3A_17 = arith.muli %scan3A_13, %mul3A_16 : i32
      %add3A_18 = arith.addi %mul3A_15, %mul3A_17 : i32
      "tpu.region"() ({
        %run_scoped3A = tpu.sem_alloc : memref<!tpu.dma_semaphore, #tpu.memory_space<semaphore_mem>>
        %dma_start3A = arith.constant 0 : i32
        %dma_start3A_19 = tpu.memref_slice %arg2[%add3A_18, %dma_start3A] : memref<320000x64xf32, #tpu.memory_space<hbm>> -> memref<80x64xf32, #tpu.memory_space<hbm>>
        %dma_start3A_20 = arith.constant 0 : i32
        %dma_start3A_21 = tpu.memref_slice %arg2[%add3A_18, %dma_start3A_20] : memref<320000x64xf32, #tpu.memory_space<hbm>> -> memref<80x64xf32, #tpu.memory_space<hbm>>
        tpu.enqueue_dma source(%dma_start3A_21 : memref<80x64xf32, #tpu.memory_space<hbm>>) target(%arg7 : memref<80x64xf32, #tpu.memory_space<vmem>>) target_semaphore(%run_scoped3A : memref<!tpu.dma_semaphore, #tpu.memory_space<semaphore_mem>>)
        %dma_wait3A = arith.constant 0 : i32
        %dma_wait3A_22 = tpu.memref_slice %arg2[%add3A_18, %dma_wait3A] : memref<320000x64xf32, #tpu.memory_space<hbm>> -> memref<80x64xf32, #tpu.memory_space<hbm>>
        %dma_wait3A_23 = arith.constant 0 : i32
        %dma_wait3A_24 = tpu.memref_slice %arg2[%add3A_18, %dma_wait3A_23] : memref<320000x64xf32, #tpu.memory_space<hbm>> -> memref<80x64xf32, #tpu.memory_space<hbm>>
        tpu.wait_dma2 semaphore(%run_scoped3A : memref<!tpu.dma_semaphore, #tpu.memory_space<semaphore_mem>>) src(%dma_wait3A_24 : memref<80x64xf32, #tpu.memory_space<hbm>>) dst(%arg7 : memref<80x64xf32, #tpu.memory_space<vmem>>)
        tpu.yield
      }) : () -> ()
      "tpu.region"() ({
        %run_scoped3A = tpu.sem_alloc : memref<!tpu.dma_semaphore, #tpu.memory_space<semaphore_mem>>
        %dma_start3A = arith.constant 0 : i32
        %dma_start3A_19 = tpu.memref_slice %arg6[%scan3A_13, %dma_start3A] : memref<125x80xi32, #tpu.memory_space<vmem>> -> memref<1x80xi32, #tpu.memory_space<vmem>>
        %dma_start3A_20 = tpu.memref_squeeze %dma_start3A_19 : memref<1x80xi32, #tpu.memory_space<vmem>> -> memref<80xi32, #tpu.memory_space<vmem>>
        %dma_start3A_21 = arith.constant 0 : i32
        %dma_start3A_22 = arith.constant 0 : i32
        %dma_start3A_23 = tpu.memref_slice %arg8[%dma_start3A_21, %dma_start3A_22] : memref<10240x64xf32, #tpu.memory_space<vmem_shared>> -> memref<10240x64xf32, #tpu.memory_space<vmem_shared>>
        tpu.enqueue_indirect_dma source(%arg7 : memref<80x64xf32, #tpu.memory_space<vmem>>) target(%dma_start3A_23 : memref<10240x64xf32, #tpu.memory_space<vmem_shared>>) offsets(%dma_start3A_20 : memref<80xi32, #tpu.memory_space<vmem>>) semaphore(%run_scoped3A : memref<!tpu.dma_semaphore, #tpu.memory_space<semaphore_mem>>) {add = true}
        %dma_wait3A = arith.constant 0 : i32
        %dma_wait3A_24 = tpu.memref_slice %arg6[%scan3A_13, %dma_wait3A] : memref<125x80xi32, #tpu.memory_space<vmem>> -> memref<1x80xi32, #tpu.memory_space<vmem>>
        %dma_wait3A_25 = tpu.memref_squeeze %dma_wait3A_24 : memref<1x80xi32, #tpu.memory_space<vmem>> -> memref<80xi32, #tpu.memory_space<vmem>>
        %dma_wait3A_26 = arith.constant 0 : i32
        %dma_wait3A_27 = arith.constant 0 : i32
        %dma_wait3A_28 = tpu.memref_slice %arg8[%dma_wait3A_26, %dma_wait3A_27] : memref<10240x64xf32, #tpu.memory_space<vmem_shared>> -> memref<10240x64xf32, #tpu.memory_space<vmem_shared>>
        tpu.wait_indirect_dma semaphore(%run_scoped3A : memref<!tpu.dma_semaphore, #tpu.memory_space<semaphore_mem>>) src(%arg7 : memref<80x64xf32, #tpu.memory_space<vmem>>) dst(%dma_wait3A_28 : memref<10240x64xf32, #tpu.memory_space<vmem_shared>>)
        tpu.yield
      }) : () -> ()
    }
    %scan3A_7 = arith.constant 125 : i32
    %barrier3A_8 = arith.constant 0 : index
    tpu.barrier barrier_id(%barrier3A_8)
    %mul3A_9 = arith.constant 640 : i32
    %mul3A_10 = arith.muli %arg1, %mul3A_9 : i32
    %mul3A_11 = arith.constant 640 : i32
    %mul3A_12 = arith.muli %arg1, %mul3A_11 : i32
    "tpu.region"() ({
      %run_scoped3A = tpu.sem_alloc : memref<!tpu.dma_semaphore, #tpu.memory_space<semaphore_mem>>
      %dma_start3A = arith.constant 0 : i32
      %dma_start3A_13 = arith.constant 0 : i32
      %dma_start3A_14 = tpu.memref_slice %arg5[%arg0, %dma_start3A, %dma_start3A_13] : memref<2x10240x64xf32, #tpu.memory_space<hbm>> -> memref<1x10240x64xf32, #tpu.memory_space<hbm>>
      %dma_start3A_15 = tpu.memref_squeeze %dma_start3A_14 : memref<1x10240x64xf32, #tpu.memory_space<hbm>> -> memref<10240x64xf32, #tpu.memory_space<hbm>>
      %dma_start3A_16 = arith.constant 0 : i32
      %dma_start3A_17 = tpu.memref_slice %dma_start3A_15[%mul3A_12, %dma_start3A_16] : memref<10240x64xf32, #tpu.memory_space<hbm>> -> memref<640x64xf32, #tpu.memory_space<hbm>>
      %dma_start3A_18 = arith.constant 0 : i32
      %dma_start3A_19 = tpu.memref_slice %arg8[%mul3A_10, %dma_start3A_18] : memref<10240x64xf32, #tpu.memory_space<vmem_shared>> -> memref<640x64xf32, #tpu.memory_space<vmem_shared>>
      tpu.enqueue_dma source(%dma_start3A_19 : memref<640x64xf32, #tpu.memory_space<vmem_shared>>) target(%dma_start3A_17 : memref<640x64xf32, #tpu.memory_space<hbm>>) target_semaphore(%run_scoped3A : memref<!tpu.dma_semaphore, #tpu.memory_space<semaphore_mem>>)
      %dma_wait3A = arith.constant 0 : i32
      %dma_wait3A_20 = arith.constant 0 : i32
      %dma_wait3A_21 = tpu.memref_slice %arg5[%arg0, %dma_wait3A, %dma_wait3A_20] : memref<2x10240x64xf32, #tpu.memory_space<hbm>> -> memref<1x10240x64xf32, #tpu.memory_space<hbm>>
      %dma_wait3A_22 = tpu.memref_squeeze %dma_wait3A_21 : memref<1x10240x64xf32, #tpu.memory_space<hbm>> -> memref<10240x64xf32, #tpu.memory_space<hbm>>
      %dma_wait3A_23 = arith.constant 0 : i32
      %dma_wait3A_24 = tpu.memref_slice %dma_wait3A_22[%mul3A_12, %dma_wait3A_23] : memref<10240x64xf32, #tpu.memory_space<hbm>> -> memref<640x64xf32, #tpu.memory_space<hbm>>
      %dma_wait3A_25 = arith.constant 0 : i32
      %dma_wait3A_26 = tpu.memref_slice %arg8[%mul3A_10, %dma_wait3A_25] : memref<10240x64xf32, #tpu.memory_space<vmem_shared>> -> memref<640x64xf32, #tpu.memory_space<vmem_shared>>
      tpu.wait_dma2 semaphore(%run_scoped3A : memref<!tpu.dma_semaphore, #tpu.memory_space<semaphore_mem>>) src(%dma_wait3A_26 : memref<640x64xf32, #tpu.memory_space<vmem_shared>>) dst(%dma_wait3A_24 : memref<640x64xf32, #tpu.memory_space<hbm>>)
      tpu.yield
    }) : () -> ()
    return
  }
}

#map = affine_map<(d0, d1) -> (0, 0)>
#map1 = affine_map<(d0, d1) -> (0, 0, 0)>
module attributes {stable_mosaic.version = 14 : i64} {
  func.func @_sc_gather_add(%arg0: i32, %arg1: i32, %arg2: memref<10000x64xf32, #tpu.memory_space<hbm>>, %arg3: memref<10000x64xf32, #tpu.memory_space<hbm>>, %arg4: memref<32x125x80xi32, #tpu.memory_space<hbm>>, %arg5: memref<32x125x80xi32, #tpu.memory_space<hbm>>, %arg6: memref<320000x64xf32, #tpu.memory_space<hbm>>, %arg7: memref<125x80xi32, #tpu.memory_space<vmem>>, %arg8: memref<125x80xi32, #tpu.memory_space<vmem>>, %arg9: memref<80x64xf32, #tpu.memory_space<vmem>>, %arg10: memref<!tpu.dma_semaphore, #tpu.memory_space<semaphore_mem>>) attributes {dimension_semantics = [#tpu.dimension_semantics<core_parallel>, #tpu.dimension_semantics<subcore_parallel>], iteration_bounds = array<i64: 2, 16>, scalar_prefetch = 0 : i64, scratch_operands = 4 : i64, tpu.core_type = #tpu.core_type<sc_vector_subcore>, window_params = [{transform_indices = #map}, {transform_indices = #map}, {transform_indices = #map1}, {transform_indices = #map1}, {transform_indices = #map}]} {
    %mul3A = arith.constant 16 : i32
    %mul3A_0 = arith.muli %arg0, %mul3A : i32
    %add3A = arith.addi %mul3A_0, %arg1 : i32
    "tpu.region"() ({
      %run_scoped3A = tpu.sem_alloc : memref<!tpu.dma_semaphore, #tpu.memory_space<semaphore_mem>>
      %dma_start3A = arith.constant 0 : i32
      %dma_start3A_6 = arith.constant 0 : i32
      %dma_start3A_7 = tpu.memref_slice %arg4[%add3A, %dma_start3A, %dma_start3A_6] : memref<32x125x80xi32, #tpu.memory_space<hbm>> -> memref<1x125x80xi32, #tpu.memory_space<hbm>>
      %dma_start3A_8 = tpu.memref_squeeze %dma_start3A_7 : memref<1x125x80xi32, #tpu.memory_space<hbm>> -> memref<125x80xi32, #tpu.memory_space<hbm>>
      %dma_start3A_9 = arith.constant 0 : i32
      %dma_start3A_10 = arith.constant 0 : i32
      %dma_start3A_11 = tpu.memref_slice %arg4[%add3A, %dma_start3A_9, %dma_start3A_10] : memref<32x125x80xi32, #tpu.memory_space<hbm>> -> memref<1x125x80xi32, #tpu.memory_space<hbm>>
      %dma_start3A_12 = tpu.memref_squeeze %dma_start3A_11 : memref<1x125x80xi32, #tpu.memory_space<hbm>> -> memref<125x80xi32, #tpu.memory_space<hbm>>
      tpu.enqueue_dma source(%dma_start3A_12 : memref<125x80xi32, #tpu.memory_space<hbm>>) target(%arg7 : memref<125x80xi32, #tpu.memory_space<vmem>>) target_semaphore(%run_scoped3A : memref<!tpu.dma_semaphore, #tpu.memory_space<semaphore_mem>>)
      %dma_wait3A = arith.constant 0 : i32
      %dma_wait3A_13 = arith.constant 0 : i32
      %dma_wait3A_14 = tpu.memref_slice %arg4[%add3A, %dma_wait3A, %dma_wait3A_13] : memref<32x125x80xi32, #tpu.memory_space<hbm>> -> memref<1x125x80xi32, #tpu.memory_space<hbm>>
      %dma_wait3A_15 = tpu.memref_squeeze %dma_wait3A_14 : memref<1x125x80xi32, #tpu.memory_space<hbm>> -> memref<125x80xi32, #tpu.memory_space<hbm>>
      %dma_wait3A_16 = arith.constant 0 : i32
      %dma_wait3A_17 = arith.constant 0 : i32
      %dma_wait3A_18 = tpu.memref_slice %arg4[%add3A, %dma_wait3A_16, %dma_wait3A_17] : memref<32x125x80xi32, #tpu.memory_space<hbm>> -> memref<1x125x80xi32, #tpu.memory_space<hbm>>
      %dma_wait3A_19 = tpu.memref_squeeze %dma_wait3A_18 : memref<1x125x80xi32, #tpu.memory_space<hbm>> -> memref<125x80xi32, #tpu.memory_space<hbm>>
      tpu.wait_dma2 semaphore(%run_scoped3A : memref<!tpu.dma_semaphore, #tpu.memory_space<semaphore_mem>>) src(%dma_wait3A_19 : memref<125x80xi32, #tpu.memory_space<hbm>>) dst(%arg7 : memref<125x80xi32, #tpu.memory_space<vmem>>)
      tpu.yield
    }) : () -> ()
    "tpu.region"() ({
      %run_scoped3A = tpu.sem_alloc : memref<!tpu.dma_semaphore, #tpu.memory_space<semaphore_mem>>
      %dma_start3A = arith.constant 0 : i32
      %dma_start3A_6 = arith.constant 0 : i32
      %dma_start3A_7 = tpu.memref_slice %arg5[%add3A, %dma_start3A, %dma_start3A_6] : memref<32x125x80xi32, #tpu.memory_space<hbm>> -> memref<1x125x80xi32, #tpu.memory_space<hbm>>
      %dma_start3A_8 = tpu.memref_squeeze %dma_start3A_7 : memref<1x125x80xi32, #tpu.memory_space<hbm>> -> memref<125x80xi32, #tpu.memory_space<hbm>>
      %dma_start3A_9 = arith.constant 0 : i32
      %dma_start3A_10 = arith.constant 0 : i32
      %dma_start3A_11 = tpu.memref_slice %arg5[%add3A, %dma_start3A_9, %dma_start3A_10] : memref<32x125x80xi32, #tpu.memory_space<hbm>> -> memref<1x125x80xi32, #tpu.memory_space<hbm>>
      %dma_start3A_12 = tpu.memref_squeeze %dma_start3A_11 : memref<1x125x80xi32, #tpu.memory_space<hbm>> -> memref<125x80xi32, #tpu.memory_space<hbm>>
      tpu.enqueue_dma source(%dma_start3A_12 : memref<125x80xi32, #tpu.memory_space<hbm>>) target(%arg8 : memref<125x80xi32, #tpu.memory_space<vmem>>) target_semaphore(%run_scoped3A : memref<!tpu.dma_semaphore, #tpu.memory_space<semaphore_mem>>)
      %dma_wait3A = arith.constant 0 : i32
      %dma_wait3A_13 = arith.constant 0 : i32
      %dma_wait3A_14 = tpu.memref_slice %arg5[%add3A, %dma_wait3A, %dma_wait3A_13] : memref<32x125x80xi32, #tpu.memory_space<hbm>> -> memref<1x125x80xi32, #tpu.memory_space<hbm>>
      %dma_wait3A_15 = tpu.memref_squeeze %dma_wait3A_14 : memref<1x125x80xi32, #tpu.memory_space<hbm>> -> memref<125x80xi32, #tpu.memory_space<hbm>>
      %dma_wait3A_16 = arith.constant 0 : i32
      %dma_wait3A_17 = arith.constant 0 : i32
      %dma_wait3A_18 = tpu.memref_slice %arg5[%add3A, %dma_wait3A_16, %dma_wait3A_17] : memref<32x125x80xi32, #tpu.memory_space<hbm>> -> memref<1x125x80xi32, #tpu.memory_space<hbm>>
      %dma_wait3A_19 = tpu.memref_squeeze %dma_wait3A_18 : memref<1x125x80xi32, #tpu.memory_space<hbm>> -> memref<125x80xi32, #tpu.memory_space<hbm>>
      tpu.wait_dma2 semaphore(%run_scoped3A : memref<!tpu.dma_semaphore, #tpu.memory_space<semaphore_mem>>) src(%dma_wait3A_19 : memref<125x80xi32, #tpu.memory_space<hbm>>) dst(%arg8 : memref<125x80xi32, #tpu.memory_space<vmem>>)
      tpu.yield
    }) : () -> ()
    %scan3A = arith.constant 0 : i32
    %scan3A_1 = arith.constant 0 : i32
    %scan3A_2 = arith.constant 125 : i32
    %scan3A_3 = arith.addi %scan3A_1, %scan3A_2 : i32
    %scan3A_4 = arith.constant 1 : i32
    scf.for %scan3A_6 = %scan3A_1 to %scan3A_3 step %scan3A_4  : i32 {
      %dma_start3A = arith.constant 0 : i32
      %dma_start3A_7 = tpu.memref_slice %arg7[%scan3A_6, %dma_start3A] : memref<125x80xi32, #tpu.memory_space<vmem>> -> memref<1x80xi32, #tpu.memory_space<vmem>>
      %dma_start3A_8 = tpu.memref_squeeze %dma_start3A_7 : memref<1x80xi32, #tpu.memory_space<vmem>> -> memref<80xi32, #tpu.memory_space<vmem>>
      %dma_start3A_9 = arith.constant 0 : i32
      %dma_start3A_10 = arith.constant 0 : i32
      %dma_start3A_11 = tpu.memref_slice %arg2[%dma_start3A_9, %dma_start3A_10] : memref<10000x64xf32, #tpu.memory_space<hbm>> -> memref<10000x64xf32, #tpu.memory_space<hbm>>
      tpu.enqueue_indirect_dma source(%dma_start3A_11 : memref<10000x64xf32, #tpu.memory_space<hbm>>) target(%arg9 : memref<80x64xf32, #tpu.memory_space<vmem>>) offsets(%dma_start3A_8 : memref<80xi32, #tpu.memory_space<vmem>>) semaphore(%arg10 : memref<!tpu.dma_semaphore, #tpu.memory_space<semaphore_mem>>)
      %dma_wait3A = arith.constant 0 : i32
      %dma_wait3A_12 = tpu.memref_slice %arg7[%scan3A_6, %dma_wait3A] : memref<125x80xi32, #tpu.memory_space<vmem>> -> memref<1x80xi32, #tpu.memory_space<vmem>>
      %dma_wait3A_13 = tpu.memref_squeeze %dma_wait3A_12 : memref<1x80xi32, #tpu.memory_space<vmem>> -> memref<80xi32, #tpu.memory_space<vmem>>
      %dma_wait3A_14 = arith.constant 0 : i32
      %dma_wait3A_15 = arith.constant 0 : i32
      %dma_wait3A_16 = tpu.memref_slice %arg2[%dma_wait3A_14, %dma_wait3A_15] : memref<10000x64xf32, #tpu.memory_space<hbm>> -> memref<10000x64xf32, #tpu.memory_space<hbm>>
      tpu.wait_indirect_dma semaphore(%arg10 : memref<!tpu.dma_semaphore, #tpu.memory_space<semaphore_mem>>) src(%dma_wait3A_16 : memref<10000x64xf32, #tpu.memory_space<hbm>>) dst(%arg9 : memref<80x64xf32, #tpu.memory_space<vmem>>)
      %dma_start3A_17 = arith.constant 0 : i32
      %dma_start3A_18 = tpu.memref_slice %arg8[%scan3A_6, %dma_start3A_17] : memref<125x80xi32, #tpu.memory_space<vmem>> -> memref<1x80xi32, #tpu.memory_space<vmem>>
      %dma_start3A_19 = tpu.memref_squeeze %dma_start3A_18 : memref<1x80xi32, #tpu.memory_space<vmem>> -> memref<80xi32, #tpu.memory_space<vmem>>
      %dma_start3A_20 = arith.constant 0 : i32
      %dma_start3A_21 = arith.constant 0 : i32
      %dma_start3A_22 = tpu.memref_slice %arg3[%dma_start3A_20, %dma_start3A_21] : memref<10000x64xf32, #tpu.memory_space<hbm>> -> memref<10000x64xf32, #tpu.memory_space<hbm>>
      tpu.enqueue_indirect_dma source(%dma_start3A_22 : memref<10000x64xf32, #tpu.memory_space<hbm>>) target(%arg9 : memref<80x64xf32, #tpu.memory_space<vmem>>) offsets(%dma_start3A_19 : memref<80xi32, #tpu.memory_space<vmem>>) semaphore(%arg10 : memref<!tpu.dma_semaphore, #tpu.memory_space<semaphore_mem>>) {add = true}
      %dma_wait3A_23 = arith.constant 0 : i32
      %dma_wait3A_24 = tpu.memref_slice %arg8[%scan3A_6, %dma_wait3A_23] : memref<125x80xi32, #tpu.memory_space<vmem>> -> memref<1x80xi32, #tpu.memory_space<vmem>>
      %dma_wait3A_25 = tpu.memref_squeeze %dma_wait3A_24 : memref<1x80xi32, #tpu.memory_space<vmem>> -> memref<80xi32, #tpu.memory_space<vmem>>
      %dma_wait3A_26 = arith.constant 0 : i32
      %dma_wait3A_27 = arith.constant 0 : i32
      %dma_wait3A_28 = tpu.memref_slice %arg3[%dma_wait3A_26, %dma_wait3A_27] : memref<10000x64xf32, #tpu.memory_space<hbm>> -> memref<10000x64xf32, #tpu.memory_space<hbm>>
      tpu.wait_indirect_dma semaphore(%arg10 : memref<!tpu.dma_semaphore, #tpu.memory_space<semaphore_mem>>) src(%dma_wait3A_28 : memref<10000x64xf32, #tpu.memory_space<hbm>>) dst(%arg9 : memref<80x64xf32, #tpu.memory_space<vmem>>)
      %mul3A_29 = arith.constant 10000 : i32
      %mul3A_30 = arith.muli %add3A, %mul3A_29 : i32
      %mul3A_31 = arith.constant 80 : i32
      %mul3A_32 = arith.muli %scan3A_6, %mul3A_31 : i32
      %add3A_33 = arith.addi %mul3A_30, %mul3A_32 : i32
      "tpu.region"() ({
        %run_scoped3A = tpu.sem_alloc : memref<!tpu.dma_semaphore, #tpu.memory_space<semaphore_mem>>
        %dma_start3A_34 = arith.constant 0 : i32
        %dma_start3A_35 = tpu.memref_slice %arg6[%add3A_33, %dma_start3A_34] : memref<320000x64xf32, #tpu.memory_space<hbm>> -> memref<80x64xf32, #tpu.memory_space<hbm>>
        %dma_start3A_36 = arith.constant 0 : i32
        %dma_start3A_37 = tpu.memref_slice %arg6[%add3A_33, %dma_start3A_36] : memref<320000x64xf32, #tpu.memory_space<hbm>> -> memref<80x64xf32, #tpu.memory_space<hbm>>
        tpu.enqueue_dma source(%arg9 : memref<80x64xf32, #tpu.memory_space<vmem>>) target(%dma_start3A_37 : memref<80x64xf32, #tpu.memory_space<hbm>>) target_semaphore(%run_scoped3A : memref<!tpu.dma_semaphore, #tpu.memory_space<semaphore_mem>>)
        %dma_wait3A_38 = arith.constant 0 : i32
        %dma_wait3A_39 = tpu.memref_slice %arg6[%add3A_33, %dma_wait3A_38] : memref<320000x64xf32, #tpu.memory_space<hbm>> -> memref<80x64xf32, #tpu.memory_space<hbm>>
        %dma_wait3A_40 = arith.constant 0 : i32
        %dma_wait3A_41 = tpu.memref_slice %arg6[%add3A_33, %dma_wait3A_40] : memref<320000x64xf32, #tpu.memory_space<hbm>> -> memref<80x64xf32, #tpu.memory_space<hbm>>
        tpu.wait_dma2 semaphore(%run_scoped3A : memref<!tpu.dma_semaphore, #tpu.memory_space<semaphore_mem>>) src(%arg9 : memref<80x64xf32, #tpu.memory_space<vmem>>) dst(%dma_wait3A_41 : memref<80x64xf32, #tpu.memory_space<hbm>>)
        tpu.yield
      }) : () -> ()
    }
    %scan3A_5 = arith.constant 125 : i32
    return
  }
}

module attributes {stable_mosaic.version = 14 : i64} {
  func.func @_node_enc_body(%arg0: memref<10000x128xf32, #tpu.memory_space<vmem>>, %arg1: memref<128x64xf32, #tpu.memory_space<vmem>>, %arg2: memref<1x64xf32, #tpu.memory_space<vmem>>, %arg3: memref<64x64xf32, #tpu.memory_space<vmem>>, %arg4: memref<1x64xf32, #tpu.memory_space<vmem>>, %arg5: memref<64x64xf32, #tpu.memory_space<vmem>>, %arg6: memref<1x64xf32, #tpu.memory_space<vmem>>, %arg7: memref<1x64xf32, #tpu.memory_space<vmem>>, %arg8: memref<1x64xf32, #tpu.memory_space<vmem>>, %arg9: memref<64x64xf32, #tpu.memory_space<vmem>>, %arg10: memref<64x64xf32, #tpu.memory_space<vmem>>, %arg11: memref<10000x64xf32, #tpu.memory_space<vmem>>, %arg12: memref<10000x64xf32, #tpu.memory_space<vmem>>, %arg13: memref<10000x64xf32, #tpu.memory_space<vmem>>) attributes {dimension_semantics = [], scalar_prefetch = 0 : i64, scratch_operands = 0 : i64, tpu.core_type = #tpu.core_type<tc>} {
    %get3A = arith.constant 0 : index
    %get3A_0 = arith.constant 0 : index
    %get3A_1 = vector.load %arg0[%get3A, %get3A_0] : memref<10000x128xf32, #tpu.memory_space<vmem>>, vector<10000x128xf32>
    %get3A_2 = arith.constant 0 : index
    %get3A_3 = arith.constant 0 : index
    %get3A_4 = vector.load %arg1[%get3A_2, %get3A_3] : memref<128x64xf32, #tpu.memory_space<vmem>>, vector<128x64xf32>
    %dot_general3A = arith.constant dense<0.000000e+00> : vector<10000x64xf32>
    %dot_general3A_5 = tpu.matmul %get3A_1, %get3A_4, %dot_general3A {dimension_numbers = #tpu.dot_dimension_numbers<[1], [0], [0], [1], [0, 0, 1, 1], [], []>, transpose_lhs_hint = false} : vector<10000x128xf32>, vector<128x64xf32>, vector<10000x64xf32> -> vector<10000x64xf32>
    %get3A_6 = arith.constant 0 : index
    %get3A_7 = arith.constant 0 : index
    %get3A_8 = vector.load %arg2[%get3A_6, %get3A_7] : memref<1x64xf32, #tpu.memory_space<vmem>>, vector<1x64xf32>
    %add3A = vector.broadcast %get3A_8 : vector<1x64xf32> to vector<10000x64xf32>
    %add3A_9 = arith.addf %dot_general3A_5, %add3A : vector<10000x64xf32>
    %max3A = arith.constant 0.000000e+00 : f32
    %max3A_10 = vector.broadcast %max3A : f32 to vector<10000x64xf32>
    %max3A_11 = arith.maximumf %add3A_9, %max3A_10 : vector<10000x64xf32>
    %get3A_12 = arith.constant 0 : index
    %get3A_13 = arith.constant 0 : index
    %get3A_14 = vector.load %arg3[%get3A_12, %get3A_13] : memref<64x64xf32, #tpu.memory_space<vmem>>, vector<64x64xf32>
    %dot_general3A_15 = arith.constant dense<0.000000e+00> : vector<10000x64xf32>
    %dot_general3A_16 = tpu.matmul %max3A_11, %get3A_14, %dot_general3A_15 {dimension_numbers = #tpu.dot_dimension_numbers<[1], [0], [0], [1], [0, 0, 1, 1], [], []>, transpose_lhs_hint = false} : vector<10000x64xf32>, vector<64x64xf32>, vector<10000x64xf32> -> vector<10000x64xf32>
    %get3A_17 = arith.constant 0 : index
    %get3A_18 = arith.constant 0 : index
    %get3A_19 = vector.load %arg4[%get3A_17, %get3A_18] : memref<1x64xf32, #tpu.memory_space<vmem>>, vector<1x64xf32>
    %add3A_20 = vector.broadcast %get3A_19 : vector<1x64xf32> to vector<10000x64xf32>
    %add3A_21 = arith.addf %dot_general3A_16, %add3A_20 : vector<10000x64xf32>
    %max3A_22 = arith.constant 0.000000e+00 : f32
    %max3A_23 = vector.broadcast %max3A_22 : f32 to vector<10000x64xf32>
    %max3A_24 = arith.maximumf %add3A_21, %max3A_23 : vector<10000x64xf32>
    %get3A_25 = arith.constant 0 : index
    %get3A_26 = arith.constant 0 : index
    %get3A_27 = vector.load %arg5[%get3A_25, %get3A_26] : memref<64x64xf32, #tpu.memory_space<vmem>>, vector<64x64xf32>
    %dot_general3A_28 = arith.constant dense<0.000000e+00> : vector<10000x64xf32>
    %dot_general3A_29 = tpu.matmul %max3A_24, %get3A_27, %dot_general3A_28 {dimension_numbers = #tpu.dot_dimension_numbers<[1], [0], [0], [1], [0, 0, 1, 1], [], []>, transpose_lhs_hint = false} : vector<10000x64xf32>, vector<64x64xf32>, vector<10000x64xf32> -> vector<10000x64xf32>
    %get3A_30 = arith.constant 0 : index
    %get3A_31 = arith.constant 0 : index
    %get3A_32 = vector.load %arg6[%get3A_30, %get3A_31] : memref<1x64xf32, #tpu.memory_space<vmem>>, vector<1x64xf32>
    %add3A_33 = vector.broadcast %get3A_32 : vector<1x64xf32> to vector<10000x64xf32>
    %add3A_34 = arith.addf %dot_general3A_29, %add3A_33 : vector<10000x64xf32>
    %get3A_35 = arith.constant 0 : index
    %get3A_36 = arith.constant 0 : index
    %get3A_37 = vector.load %arg7[%get3A_35, %get3A_36] : memref<1x64xf32, #tpu.memory_space<vmem>>, vector<1x64xf32>
    %get3A_38 = arith.constant 0 : index
    %get3A_39 = arith.constant 0 : index
    %get3A_40 = vector.load %arg8[%get3A_38, %get3A_39] : memref<1x64xf32, #tpu.memory_space<vmem>>, vector<1x64xf32>
    %reduce_sum3A = arith.constant dense<0.000000e+00> : vector<10000xf32>
    %reduce_sum3A_41 = vector.multi_reduction <add>, %add3A_34, %reduce_sum3A [1] : vector<10000x64xf32> to vector<10000xf32>
    %broadcast_in_dim3A = vector.shape_cast %reduce_sum3A_41 : vector<10000xf32> to vector<10000x1xf32>
    %div3A = arith.constant 6.400000e+01 : f32
    %div3A_42 = vector.broadcast %div3A : f32 to vector<10000x1xf32>
    %div3A_43 = arith.divf %broadcast_in_dim3A, %div3A_42 : vector<10000x1xf32>
    %sub3A = vector.broadcast %div3A_43 : vector<10000x1xf32> to vector<10000x64xf32>
    %sub3A_44 = arith.subf %add3A_34, %sub3A : vector<10000x64xf32>
    %integer_pow3A = arith.mulf %sub3A_44, %sub3A_44 : vector<10000x64xf32>
    %reduce_sum3A_45 = arith.constant dense<0.000000e+00> : vector<10000xf32>
    %reduce_sum3A_46 = vector.multi_reduction <add>, %integer_pow3A, %reduce_sum3A_45 [1] : vector<10000x64xf32> to vector<10000xf32>
    %broadcast_in_dim3A_47 = vector.shape_cast %reduce_sum3A_46 : vector<10000xf32> to vector<10000x1xf32>
    %div3A_48 = arith.constant 6.400000e+01 : f32
    %div3A_49 = vector.broadcast %div3A_48 : f32 to vector<10000x1xf32>
    %div3A_50 = arith.divf %broadcast_in_dim3A_47, %div3A_49 : vector<10000x1xf32>
    %sub3A_51 = vector.broadcast %div3A_43 : vector<10000x1xf32> to vector<10000x64xf32>
    %sub3A_52 = arith.subf %add3A_34, %sub3A_51 : vector<10000x64xf32>
    %add3A_53 = arith.constant 9.99999974E-6 : f32
    %add3A_54 = vector.broadcast %add3A_53 : f32 to vector<10000x1xf32>
    %add3A_55 = arith.addf %div3A_50, %add3A_54 : vector<10000x1xf32>
    %sqrt3A = math.sqrt %add3A_55 : vector<10000x1xf32>
    %div3A_56 = vector.broadcast %sqrt3A : vector<10000x1xf32> to vector<10000x64xf32>
    %div3A_57 = arith.divf %sub3A_52, %div3A_56 : vector<10000x64xf32>
    %mul3A = vector.broadcast %get3A_37 : vector<1x64xf32> to vector<10000x64xf32>
    %mul3A_58 = arith.mulf %div3A_57, %mul3A : vector<10000x64xf32>
    %add3A_59 = vector.broadcast %get3A_40 : vector<1x64xf32> to vector<10000x64xf32>
    %add3A_60 = arith.addf %mul3A_58, %add3A_59 : vector<10000x64xf32>
    %swap3A = arith.constant 0 : index
    %swap3A_61 = arith.constant 0 : index
    %swap3A_62 = vector.load %arg11[%swap3A, %swap3A_61] : memref<10000x64xf32, #tpu.memory_space<vmem>>, vector<10000x64xf32>
    tpu.vector_store %arg11[%swap3A, %swap3A_61], %add3A_60 {strides = array<i32>} : memref<10000x64xf32, #tpu.memory_space<vmem>>, vector<10000x64xf32>,
    %get3A_63 = arith.constant 0 : index
    %get3A_64 = arith.constant 0 : index
    %get3A_65 = vector.load %arg9[%get3A_63, %get3A_64] : memref<64x64xf32, #tpu.memory_space<vmem>>, vector<64x64xf32>
    %dot_general3A_66 = arith.constant dense<0.000000e+00> : vector<10000x64xf32>
    %dot_general3A_67 = tpu.matmul %add3A_60, %get3A_65, %dot_general3A_66 {dimension_numbers = #tpu.dot_dimension_numbers<[1], [0], [0], [1], [0, 0, 1, 1], [], []>, transpose_lhs_hint = false} : vector<10000x64xf32>, vector<64x64xf32>, vector<10000x64xf32> -> vector<10000x64xf32>
    %swap3A_68 = arith.constant 0 : index
    %swap3A_69 = arith.constant 0 : index
    %swap3A_70 = vector.load %arg12[%swap3A_68, %swap3A_69] : memref<10000x64xf32, #tpu.memory_space<vmem>>, vector<10000x64xf32>
    tpu.vector_store %arg12[%swap3A_68, %swap3A_69], %dot_general3A_67 {strides = array<i32>} : memref<10000x64xf32, #tpu.memory_space<vmem>>, vector<10000x64xf32>,
    %get3A_71 = arith.constant 0 : index
    %get3A_72 = arith.constant 0 : index
    %get3A_73 = vector.load %arg10[%get3A_71, %get3A_72] : memref<64x64xf32, #tpu.memory_space<vmem>>, vector<64x64xf32>
    %dot_general3A_74 = arith.constant dense<0.000000e+00> : vector<10000x64xf32>
    %dot_general3A_75 = tpu.matmul %add3A_60, %get3A_73, %dot_general3A_74 {dimension_numbers = #tpu.dot_dimension_numbers<[1], [0], [0], [1], [0, 0, 1, 1], [], []>, transpose_lhs_hint = false} : vector<10000x64xf32>, vector<64x64xf32>, vector<10000x64xf32> -> vector<10000x64xf32>
    %swap3A_76 = arith.constant 0 : index
    %swap3A_77 = arith.constant 0 : index
    %swap3A_78 = vector.load %arg13[%swap3A_76, %swap3A_77] : memref<10000x64xf32, #tpu.memory_space<vmem>>, vector<10000x64xf32>
    tpu.vector_store %arg13[%swap3A_76, %swap3A_77], %dot_general3A_75 {strides = array<i32>} : memref<10000x64xf32, #tpu.memory_space<vmem>>, vector<10000x64xf32>,
    return
  }
}

module attributes {stable_mosaic.version = 14 : i64} {
  func.func @_edge_enc_body(%arg0: i32, %arg1: memref<4000x16xf32, #tpu.memory_space<vmem>>, %arg2: memref<16x64xf32, #tpu.memory_space<vmem>>, %arg3: memref<1x64xf32, #tpu.memory_space<vmem>>, %arg4: memref<64x64xf32, #tpu.memory_space<vmem>>, %arg5: memref<1x64xf32, #tpu.memory_space<vmem>>, %arg6: memref<64x64xf32, #tpu.memory_space<vmem>>, %arg7: memref<1x64xf32, #tpu.memory_space<vmem>>, %arg8: memref<1x64xf32, #tpu.memory_space<vmem>>, %arg9: memref<1x64xf32, #tpu.memory_space<vmem>>, %arg10: memref<4000x64xf32, #tpu.memory_space<vmem>>) attributes {dimension_semantics = [#tpu.dimension_semantics<arbitrary>], iteration_bounds = array<i64: 80>, scalar_prefetch = 0 : i64, scratch_operands = 0 : i64, tpu.core_type = #tpu.core_type<tc>, window_params = [{transform_indices = @transform_0, window_bounds = array<i64: 4000, 16>}, {pipeline_mode = #tpu.pipeline_mode<synchronous>, transform_indices = @transform_1, window_bounds = array<i64: 16, 64>}, {pipeline_mode = #tpu.pipeline_mode<synchronous>, transform_indices = @transform_2, window_bounds = array<i64: 1, 64>}, {pipeline_mode = #tpu.pipeline_mode<synchronous>, transform_indices = @transform_3, window_bounds = array<i64: 64, 64>}, {pipeline_mode = #tpu.pipeline_mode<synchronous>, transform_indices = @transform_4, window_bounds = array<i64: 1, 64>}, {pipeline_mode = #tpu.pipeline_mode<synchronous>, transform_indices = @transform_5, window_bounds = array<i64: 64, 64>}, {pipeline_mode = #tpu.pipeline_mode<synchronous>, transform_indices = @transform_6, window_bounds = array<i64: 1, 64>}, {pipeline_mode = #tpu.pipeline_mode<synchronous>, transform_indices = @transform_7, window_bounds = array<i64: 1, 64>}, {pipeline_mode = #tpu.pipeline_mode<synchronous>, transform_indices = @transform_8, window_bounds = array<i64: 1, 64>}, {transform_indices = @transform_9, window_bounds = array<i64: 4000, 64>}]} {
    %get3A = arith.constant 0 : index
    %get3A_0 = arith.constant 0 : index
    %get3A_1 = vector.load %arg1[%get3A, %get3A_0] : memref<4000x16xf32, #tpu.memory_space<vmem>>, vector<4000x16xf32>
    %get3A_2 = arith.constant 0 : index
    %get3A_3 = arith.constant 0 : index
    %get3A_4 = vector.load %arg2[%get3A_2, %get3A_3] : memref<16x64xf32, #tpu.memory_space<vmem>>, vector<16x64xf32>
    %dot_general3A = arith.constant dense<0.000000e+00> : vector<4000x64xf32>
    %dot_general3A_5 = tpu.matmul %get3A_1, %get3A_4, %dot_general3A {dimension_numbers = #tpu.dot_dimension_numbers<[1], [0], [0], [1], [0, 0, 1, 1], [], []>, transpose_lhs_hint = false} : vector<4000x16xf32>, vector<16x64xf32>, vector<4000x64xf32> -> vector<4000x64xf32>
    %get3A_6 = arith.constant 0 : index
    %get3A_7 = arith.constant 0 : index
    %get3A_8 = vector.load %arg3[%get3A_6, %get3A_7] : memref<1x64xf32, #tpu.memory_space<vmem>>, vector<1x64xf32>
    %add3A = vector.broadcast %get3A_8 : vector<1x64xf32> to vector<4000x64xf32>
    %add3A_9 = arith.addf %dot_general3A_5, %add3A : vector<4000x64xf32>
    %max3A = arith.constant 0.000000e+00 : f32
    %max3A_10 = vector.broadcast %max3A : f32 to vector<4000x64xf32>
    %max3A_11 = arith.maximumf %add3A_9, %max3A_10 : vector<4000x64xf32>
    %get3A_12 = arith.constant 0 : index
    %get3A_13 = arith.constant 0 : index
    %get3A_14 = vector.load %arg4[%get3A_12, %get3A_13] : memref<64x64xf32, #tpu.memory_space<vmem>>, vector<64x64xf32>
    %dot_general3A_15 = arith.constant dense<0.000000e+00> : vector<4000x64xf32>
    %dot_general3A_16 = tpu.matmul %max3A_11, %get3A_14, %dot_general3A_15 {dimension_numbers = #tpu.dot_dimension_numbers<[1], [0], [0], [1], [0, 0, 1, 1], [], []>, transpose_lhs_hint = false} : vector<4000x64xf32>, vector<64x64xf32>, vector<4000x64xf32> -> vector<4000x64xf32>
    %get3A_17 = arith.constant 0 : index
    %get3A_18 = arith.constant 0 : index
    %get3A_19 = vector.load %arg5[%get3A_17, %get3A_18] : memref<1x64xf32, #tpu.memory_space<vmem>>, vector<1x64xf32>
    %add3A_20 = vector.broadcast %get3A_19 : vector<1x64xf32> to vector<4000x64xf32>
    %add3A_21 = arith.addf %dot_general3A_16, %add3A_20 : vector<4000x64xf32>
    %max3A_22 = arith.constant 0.000000e+00 : f32
    %max3A_23 = vector.broadcast %max3A_22 : f32 to vector<4000x64xf32>
    %max3A_24 = arith.maximumf %add3A_21, %max3A_23 : vector<4000x64xf32>
    %get3A_25 = arith.constant 0 : index
    %get3A_26 = arith.constant 0 : index
    %get3A_27 = vector.load %arg6[%get3A_25, %get3A_26] : memref<64x64xf32, #tpu.memory_space<vmem>>, vector<64x64xf32>
    %dot_general3A_28 = arith.constant dense<0.000000e+00> : vector<4000x64xf32>
    %dot_general3A_29 = tpu.matmul %max3A_24, %get3A_27, %dot_general3A_28 {dimension_numbers = #tpu.dot_dimension_numbers<[1], [0], [0], [1], [0, 0, 1, 1], [], []>, transpose_lhs_hint = false} : vector<4000x64xf32>, vector<64x64xf32>, vector<4000x64xf32> -> vector<4000x64xf32>
    %get3A_30 = arith.constant 0 : index
    %get3A_31 = arith.constant 0 : index
    %get3A_32 = vector.load %arg7[%get3A_30, %get3A_31] : memref<1x64xf32, #tpu.memory_space<vmem>>, vector<1x64xf32>
    %add3A_33 = vector.broadcast %get3A_32 : vector<1x64xf32> to vector<4000x64xf32>
    %add3A_34 = arith.addf %dot_general3A_29, %add3A_33 : vector<4000x64xf32>
    %get3A_35 = arith.constant 0 : index
    %get3A_36 = arith.constant 0 : index
    %get3A_37 = vector.load %arg8[%get3A_35, %get3A_36] : memref<1x64xf32, #tpu.memory_space<vmem>>, vector<1x64xf32>
    %get3A_38 = arith.constant 0 : index
    %get3A_39 = arith.constant 0 : index
    %get3A_40 = vector.load %arg9[%get3A_38, %get3A_39] : memref<1x64xf32, #tpu.memory_space<vmem>>, vector<1x64xf32>
    %reduce_sum3A = arith.constant dense<0.000000e+00> : vector<4000xf32>
    %reduce_sum3A_41 = vector.multi_reduction <add>, %add3A_34, %reduce_sum3A [1] : vector<4000x64xf32> to vector<4000xf32>
    %broadcast_in_dim3A = vector.shape_cast %reduce_sum3A_41 : vector<4000xf32> to vector<4000x1xf32>
    %div3A = arith.constant 6.400000e+01 : f32
    %div3A_42 = vector.broadcast %div3A : f32 to vector<4000x1xf32>
    %div3A_43 = arith.divf %broadcast_in_dim3A, %div3A_42 : vector<4000x1xf32>
    %sub3A = vector.broadcast %div3A_43 : vector<4000x1xf32> to vector<4000x64xf32>
    %sub3A_44 = arith.subf %add3A_34, %sub3A : vector<4000x64xf32>
    %integer_pow3A = arith.mulf %sub3A_44, %sub3A_44 : vector<4000x64xf32>
    %reduce_sum3A_45 = arith.constant dense<0.000000e+00> : vector<4000xf32>
    %reduce_sum3A_46 = vector.multi_reduction <add>, %integer_pow3A, %reduce_sum3A_45 [1] : vector<4000x64xf32> to vector<4000xf32>
    %broadcast_in_dim3A_47 = vector.shape_cast %reduce_sum3A_46 : vector<4000xf32> to vector<4000x1xf32>
    %div3A_48 = arith.constant 6.400000e+01 : f32
    %div3A_49 = vector.broadcast %div3A_48 : f32 to vector<4000x1xf32>
    %div3A_50 = arith.divf %broadcast_in_dim3A_47, %div3A_49 : vector<4000x1xf32>
    %sub3A_51 = vector.broadcast %div3A_43 : vector<4000x1xf32> to vector<4000x64xf32>
    %sub3A_52 = arith.subf %add3A_34, %sub3A_51 : vector<4000x64xf32>
    %add3A_53 = arith.constant 9.99999974E-6 : f32
    %add3A_54 = vector.broadcast %add3A_53 : f32 to vector<4000x1xf32>
    %add3A_55 = arith.addf %div3A_50, %add3A_54 : vector<4000x1xf32>
    %sqrt3A = math.sqrt %add3A_55 : vector<4000x1xf32>
    %div3A_56 = vector.broadcast %sqrt3A : vector<4000x1xf32> to vector<4000x64xf32>
    %div3A_57 = arith.divf %sub3A_52, %div3A_56 : vector<4000x64xf32>
    %mul3A = vector.broadcast %get3A_37 : vector<1x64xf32> to vector<4000x64xf32>
    %mul3A_58 = arith.mulf %div3A_57, %mul3A : vector<4000x64xf32>
    %add3A_59 = vector.broadcast %get3A_40 : vector<1x64xf32> to vector<4000x64xf32>
    %add3A_60 = arith.addf %mul3A_58, %add3A_59 : vector<4000x64xf32>
    %swap3A = arith.constant 0 : index
    %swap3A_61 = arith.constant 0 : index
    %swap3A_62 = vector.load %arg10[%swap3A, %swap3A_61] : memref<4000x64xf32, #tpu.memory_space<vmem>>, vector<4000x64xf32>
    tpu.vector_store %arg10[%swap3A, %swap3A_61], %add3A_60 {strides = array<i32>} : memref<4000x64xf32, #tpu.memory_space<vmem>>, vector<4000x64xf32>,
    return
  }
  func.func @transform_0(%arg0: i32) -> (i32, i32) {
    %c0_i32 = arith.constant 0 : i32
    %c0_i32_0 = arith.constant 0 : i32
    return %arg0, %c0_i32 : i32, i32
  }
  func.func @transform_1(%arg0: i32) -> (i32, i32) {
    %c0_i32 = arith.constant 0 : i32
    %c0_i32_0 = arith.constant 0 : i32
    %c0_i32_1 = arith.constant 0 : i32
    return %c0_i32, %c0_i32_0 : i32, i32
  }
  func.func @transform_2(%arg0: i32) -> (i32, i32) {
    %c0_i32 = arith.constant 0 : i32
    %c0_i32_0 = arith.constant 0 : i32
    %c0_i32_1 = arith.constant 0 : i32
    return %c0_i32, %c0_i32_0 : i32, i32
  }
  func.func @transform_3(%arg0: i32) -> (i32, i32) {
    %c0_i32 = arith.constant 0 : i32
    %c0_i32_0 = arith.constant 0 : i32
    %c0_i32_1 = arith.constant 0 : i32
    return %c0_i32, %c0_i32_0 : i32, i32
  }
  func.func @transform_4(%arg0: i32) -> (i32, i32) {
    %c0_i32 = arith.constant 0 : i32
    %c0_i32_0 = arith.constant 0 : i32
    %c0_i32_1 = arith.constant 0 : i32
    return %c0_i32, %c0_i32_0 : i32, i32
  }
  func.func @transform_5(%arg0: i32) -> (i32, i32) {
    %c0_i32 = arith.constant 0 : i32
    %c0_i32_0 = arith.constant 0 : i32
    %c0_i32_1 = arith.constant 0 : i32
    return %c0_i32, %c0_i32_0 : i32, i32
  }
  func.func @transform_6(%arg0: i32) -> (i32, i32) {
    %c0_i32 = arith.constant 0 : i32
    %c0_i32_0 = arith.constant 0 : i32
    %c0_i32_1 = arith.constant 0 : i32
    return %c0_i32, %c0_i32_0 : i32, i32
  }
  func.func @transform_7(%arg0: i32) -> (i32, i32) {
    %c0_i32 = arith.constant 0 : i32
    %c0_i32_0 = arith.constant 0 : i32
    %c0_i32_1 = arith.constant 0 : i32
    return %c0_i32, %c0_i32_0 : i32, i32
  }
  func.func @transform_8(%arg0: i32) -> (i32, i32) {
    %c0_i32 = arith.constant 0 : i32
    %c0_i32_0 = arith.constant 0 : i32
    %c0_i32_1 = arith.constant 0 : i32
    return %c0_i32, %c0_i32_0 : i32, i32
  }
  func.func @transform_9(%arg0: i32) -> (i32, i32) {
    %c0_i32 = arith.constant 0 : i32
    %c0_i32_0 = arith.constant 0 : i32
    return %arg0, %c0_i32 : i32, i32
  }
}

module attributes {stable_mosaic.version = 14 : i64} {
  func.func @_edge_mlp_body(%arg0: i32, %arg1: memref<4000x64xf32, #tpu.memory_space<vmem>>, %arg2: memref<4000x64xf32, #tpu.memory_space<vmem>>, %arg3: memref<64x64xf32, #tpu.memory_space<vmem>>, %arg4: memref<1x64xf32, #tpu.memory_space<vmem>>, %arg5: memref<64x64xf32, #tpu.memory_space<vmem>>, %arg6: memref<1x64xf32, #tpu.memory_space<vmem>>, %arg7: memref<64x64xf32, #tpu.memory_space<vmem>>, %arg8: memref<1x64xf32, #tpu.memory_space<vmem>>, %arg9: memref<1x64xf32, #tpu.memory_space<vmem>>, %arg10: memref<1x64xf32, #tpu.memory_space<vmem>>, %arg11: memref<4000x64xf32, #tpu.memory_space<vmem>>, %arg12: memref<4000x64xf32, #tpu.memory_space<vmem>>) attributes {dimension_semantics = [#tpu.dimension_semantics<arbitrary>], iteration_bounds = array<i64: 80>, scalar_prefetch = 0 : i64, scratch_operands = 0 : i64, tpu.core_type = #tpu.core_type<tc>, window_params = [{transform_indices = @transform_0, window_bounds = array<i64: 4000, 64>}, {transform_indices = @transform_1, window_bounds = array<i64: 4000, 64>}, {pipeline_mode = #tpu.pipeline_mode<synchronous>, transform_indices = @transform_2, window_bounds = array<i64: 64, 64>}, {pipeline_mode = #tpu.pipeline_mode<synchronous>, transform_indices = @transform_3, window_bounds = array<i64: 1, 64>}, {pipeline_mode = #tpu.pipeline_mode<synchronous>, transform_indices = @transform_4, window_bounds = array<i64: 64, 64>}, {pipeline_mode = #tpu.pipeline_mode<synchronous>, transform_indices = @transform_5, window_bounds = array<i64: 1, 64>}, {pipeline_mode = #tpu.pipeline_mode<synchronous>, transform_indices = @transform_6, window_bounds = array<i64: 64, 64>}, {pipeline_mode = #tpu.pipeline_mode<synchronous>, transform_indices = @transform_7, window_bounds = array<i64: 1, 64>}, {pipeline_mode = #tpu.pipeline_mode<synchronous>, transform_indices = @transform_8, window_bounds = array<i64: 1, 64>}, {pipeline_mode = #tpu.pipeline_mode<synchronous>, transform_indices = @transform_9, window_bounds = array<i64: 1, 64>}, {transform_indices = @transform_10, window_bounds = array<i64: 4000, 64>}, {transform_indices = @transform_11, window_bounds = array<i64: 4000, 64>}]} {
    %get3A = arith.constant 0 : index
    %get3A_0 = arith.constant 0 : index
    %get3A_1 = vector.load %arg2[%get3A, %get3A_0] : memref<4000x64xf32, #tpu.memory_space<vmem>>, vector<4000x64xf32>
    %get3A_2 = arith.constant 0 : index
    %get3A_3 = arith.constant 0 : index
    %get3A_4 = vector.load %arg1[%get3A_2, %get3A_3] : memref<4000x64xf32, #tpu.memory_space<vmem>>, vector<4000x64xf32>
    %get3A_5 = arith.constant 0 : index
    %get3A_6 = arith.constant 0 : index
    %get3A_7 = vector.load %arg3[%get3A_5, %get3A_6] : memref<64x64xf32, #tpu.memory_space<vmem>>, vector<64x64xf32>
    %dot_general3A = arith.constant dense<0.000000e+00> : vector<4000x64xf32>
    %dot_general3A_8 = tpu.matmul %get3A_1, %get3A_7, %dot_general3A {dimension_numbers = #tpu.dot_dimension_numbers<[1], [0], [0], [1], [0, 0, 1, 1], [], []>, transpose_lhs_hint = false} : vector<4000x64xf32>, vector<64x64xf32>, vector<4000x64xf32> -> vector<4000x64xf32>
    %add3A = arith.addf %get3A_4, %dot_general3A_8 : vector<4000x64xf32>
    %get3A_9 = arith.constant 0 : index
    %get3A_10 = arith.constant 0 : index
    %get3A_11 = vector.load %arg4[%get3A_9, %get3A_10] : memref<1x64xf32, #tpu.memory_space<vmem>>, vector<1x64xf32>
    %add3A_12 = vector.broadcast %get3A_11 : vector<1x64xf32> to vector<4000x64xf32>
    %add3A_13 = arith.addf %add3A, %add3A_12 : vector<4000x64xf32>
    %max3A = arith.constant 0.000000e+00 : f32
    %max3A_14 = vector.broadcast %max3A : f32 to vector<4000x64xf32>
    %max3A_15 = arith.maximumf %add3A_13, %max3A_14 : vector<4000x64xf32>
    %get3A_16 = arith.constant 0 : index
    %get3A_17 = arith.constant 0 : index
    %get3A_18 = vector.load %arg5[%get3A_16, %get3A_17] : memref<64x64xf32, #tpu.memory_space<vmem>>, vector<64x64xf32>
    %dot_general3A_19 = arith.constant dense<0.000000e+00> : vector<4000x64xf32>
    %dot_general3A_20 = tpu.matmul %max3A_15, %get3A_18, %dot_general3A_19 {dimension_numbers = #tpu.dot_dimension_numbers<[1], [0], [0], [1], [0, 0, 1, 1], [], []>, transpose_lhs_hint = false} : vector<4000x64xf32>, vector<64x64xf32>, vector<4000x64xf32> -> vector<4000x64xf32>
    %get3A_21 = arith.constant 0 : index
    %get3A_22 = arith.constant 0 : index
    %get3A_23 = vector.load %arg6[%get3A_21, %get3A_22] : memref<1x64xf32, #tpu.memory_space<vmem>>, vector<1x64xf32>
    %add3A_24 = vector.broadcast %get3A_23 : vector<1x64xf32> to vector<4000x64xf32>
    %add3A_25 = arith.addf %dot_general3A_20, %add3A_24 : vector<4000x64xf32>
    %max3A_26 = arith.constant 0.000000e+00 : f32
    %max3A_27 = vector.broadcast %max3A_26 : f32 to vector<4000x64xf32>
    %max3A_28 = arith.maximumf %add3A_25, %max3A_27 : vector<4000x64xf32>
    %get3A_29 = arith.constant 0 : index
    %get3A_30 = arith.constant 0 : index
    %get3A_31 = vector.load %arg7[%get3A_29, %get3A_30] : memref<64x64xf32, #tpu.memory_space<vmem>>, vector<64x64xf32>
    %dot_general3A_32 = arith.constant dense<0.000000e+00> : vector<4000x64xf32>
    %dot_general3A_33 = tpu.matmul %max3A_28, %get3A_31, %dot_general3A_32 {dimension_numbers = #tpu.dot_dimension_numbers<[1], [0], [0], [1], [0, 0, 1, 1], [], []>, transpose_lhs_hint = false} : vector<4000x64xf32>, vector<64x64xf32>, vector<4000x64xf32> -> vector<4000x64xf32>
    %get3A_34 = arith.constant 0 : index
    %get3A_35 = arith.constant 0 : index
    %get3A_36 = vector.load %arg8[%get3A_34, %get3A_35] : memref<1x64xf32, #tpu.memory_space<vmem>>, vector<1x64xf32>
    %add3A_37 = vector.broadcast %get3A_36 : vector<1x64xf32> to vector<4000x64xf32>
    %add3A_38 = arith.addf %dot_general3A_33, %add3A_37 : vector<4000x64xf32>
    %get3A_39 = arith.constant 0 : index
    %get3A_40 = arith.constant 0 : index
    %get3A_41 = vector.load %arg9[%get3A_39, %get3A_40] : memref<1x64xf32, #tpu.memory_space<vmem>>, vector<1x64xf32>
    %get3A_42 = arith.constant 0 : index
    %get3A_43 = arith.constant 0 : index
    %get3A_44 = vector.load %arg10[%get3A_42, %get3A_43] : memref<1x64xf32, #tpu.memory_space<vmem>>, vector<1x64xf32>
    %reduce_sum3A = arith.constant dense<0.000000e+00> : vector<4000xf32>
    %reduce_sum3A_45 = vector.multi_reduction <add>, %add3A_38, %reduce_sum3A [1] : vector<4000x64xf32> to vector<4000xf32>
    %broadcast_in_dim3A = vector.shape_cast %reduce_sum3A_45 : vector<4000xf32> to vector<4000x1xf32>
    %div3A = arith.constant 6.400000e+01 : f32
    %div3A_46 = vector.broadcast %div3A : f32 to vector<4000x1xf32>
    %div3A_47 = arith.divf %broadcast_in_dim3A, %div3A_46 : vector<4000x1xf32>
    %sub3A = vector.broadcast %div3A_47 : vector<4000x1xf32> to vector<4000x64xf32>
    %sub3A_48 = arith.subf %add3A_38, %sub3A : vector<4000x64xf32>
    %integer_pow3A = arith.mulf %sub3A_48, %sub3A_48 : vector<4000x64xf32>
    %reduce_sum3A_49 = arith.constant dense<0.000000e+00> : vector<4000xf32>
    %reduce_sum3A_50 = vector.multi_reduction <add>, %integer_pow3A, %reduce_sum3A_49 [1] : vector<4000x64xf32> to vector<4000xf32>
    %broadcast_in_dim3A_51 = vector.shape_cast %reduce_sum3A_50 : vector<4000xf32> to vector<4000x1xf32>
    %div3A_52 = arith.constant 6.400000e+01 : f32
    %div3A_53 = vector.broadcast %div3A_52 : f32 to vector<4000x1xf32>
    %div3A_54 = arith.divf %broadcast_in_dim3A_51, %div3A_53 : vector<4000x1xf32>
    %sub3A_55 = vector.broadcast %div3A_47 : vector<4000x1xf32> to vector<4000x64xf32>
    %sub3A_56 = arith.subf %add3A_38, %sub3A_55 : vector<4000x64xf32>
    %add3A_57 = arith.constant 9.99999974E-6 : f32
    %add3A_58 = vector.broadcast %add3A_57 : f32 to vector<4000x1xf32>
    %add3A_59 = arith.addf %div3A_54, %add3A_58 : vector<4000x1xf32>
    %sqrt3A = math.sqrt %add3A_59 : vector<4000x1xf32>
    %div3A_60 = vector.broadcast %sqrt3A : vector<4000x1xf32> to vector<4000x64xf32>
    %div3A_61 = arith.divf %sub3A_56, %div3A_60 : vector<4000x64xf32>
    %mul3A = vector.broadcast %get3A_41 : vector<1x64xf32> to vector<4000x64xf32>
    %mul3A_62 = arith.mulf %div3A_61, %mul3A : vector<4000x64xf32>
    %add3A_63 = vector.broadcast %get3A_44 : vector<1x64xf32> to vector<4000x64xf32>
    %add3A_64 = arith.addf %mul3A_62, %add3A_63 : vector<4000x64xf32>
    %swap3A = arith.constant 0 : index
    %swap3A_65 = arith.constant 0 : index
    %swap3A_66 = vector.load %arg11[%swap3A, %swap3A_65] : memref<4000x64xf32, #tpu.memory_space<vmem>>, vector<4000x64xf32>
    tpu.vector_store %arg11[%swap3A, %swap3A_65], %add3A_64 {strides = array<i32>} : memref<4000x64xf32, #tpu.memory_space<vmem>>, vector<4000x64xf32>,
    %add3A_67 = arith.addf %get3A_1, %add3A_64 : vector<4000x64xf32>
    %swap3A_68 = arith.constant 0 : index
    %swap3A_69 = arith.constant 0 : index
    %swap3A_70 = vector.load %arg12[%swap3A_68, %swap3A_69] : memref<4000x64xf32, #tpu.memory_space<vmem>>, vector<4000x64xf32>
    tpu.vector_store %arg12[%swap3A_68, %swap3A_69], %add3A_67 {strides = array<i32>} : memref<4000x64xf32, #tpu.memory_space<vmem>>, vector<4000x64xf32>,
    return
  }
  func.func @transform_0(%arg0: i32) -> (i32, i32) {
    %c0_i32 = arith.constant 0 : i32
    %c0_i32_0 = arith.constant 0 : i32
    return %arg0, %c0_i32 : i32, i32
  }
  func.func @transform_1(%arg0: i32) -> (i32, i32) {
    %c0_i32 = arith.constant 0 : i32
    %c0_i32_0 = arith.constant 0 : i32
    return %arg0, %c0_i32 : i32, i32
  }
  func.func @transform_2(%arg0: i32) -> (i32, i32) {
    %c0_i32 = arith.constant 0 : i32
    %c0_i32_0 = arith.constant 0 : i32
    %c0_i32_1 = arith.constant 0 : i32
    return %c0_i32, %c0_i32_0 : i32, i32
  }
  func.func @transform_3(%arg0: i32) -> (i32, i32) {
    %c0_i32 = arith.constant 0 : i32
    %c0_i32_0 = arith.constant 0 : i32
    %c0_i32_1 = arith.constant 0 : i32
    return %c0_i32, %c0_i32_0 : i32, i32
  }
  func.func @transform_4(%arg0: i32) -> (i32, i32) {
    %c0_i32 = arith.constant 0 : i32
    %c0_i32_0 = arith.constant 0 : i32
    %c0_i32_1 = arith.constant 0 : i32
    return %c0_i32, %c0_i32_0 : i32, i32
  }
  func.func @transform_5(%arg0: i32) -> (i32, i32) {
    %c0_i32 = arith.constant 0 : i32
    %c0_i32_0 = arith.constant 0 : i32
    %c0_i32_1 = arith.constant 0 : i32
    return %c0_i32, %c0_i32_0 : i32, i32
  }
  func.func @transform_6(%arg0: i32) -> (i32, i32) {
    %c0_i32 = arith.constant 0 : i32
    %c0_i32_0 = arith.constant 0 : i32
    %c0_i32_1 = arith.constant 0 : i32
    return %c0_i32, %c0_i32_0 : i32, i32
  }
  func.func @transform_7(%arg0: i32) -> (i32, i32) {
    %c0_i32 = arith.constant 0 : i32
    %c0_i32_0 = arith.constant 0 : i32
    %c0_i32_1 = arith.constant 0 : i32
    return %c0_i32, %c0_i32_0 : i32, i32
  }
  func.func @transform_8(%arg0: i32) -> (i32, i32) {
    %c0_i32 = arith.constant 0 : i32
    %c0_i32_0 = arith.constant 0 : i32
    %c0_i32_1 = arith.constant 0 : i32
    return %c0_i32, %c0_i32_0 : i32, i32
  }
  func.func @transform_9(%arg0: i32) -> (i32, i32) {
    %c0_i32 = arith.constant 0 : i32
    %c0_i32_0 = arith.constant 0 : i32
    %c0_i32_1 = arith.constant 0 : i32
    return %c0_i32, %c0_i32_0 : i32, i32
  }
  func.func @transform_10(%arg0: i32) -> (i32, i32) {
    %c0_i32 = arith.constant 0 : i32
    %c0_i32_0 = arith.constant 0 : i32
    return %arg0, %c0_i32 : i32, i32
  }
  func.func @transform_11(%arg0: i32) -> (i32, i32) {
    %c0_i32 = arith.constant 0 : i32
    %c0_i32_0 = arith.constant 0 : i32
    return %arg0, %c0_i32 : i32, i32
  }
}

module attributes {stable_mosaic.version = 14 : i64} {
  func.func @_node_mlp_body(%arg0: memref<10000x64xf32, #tpu.memory_space<vmem>>, %arg1: memref<2x10240x64xf32, #tpu.memory_space<vmem>>, %arg2: memref<64x64xf32, #tpu.memory_space<vmem>>, %arg3: memref<64x64xf32, #tpu.memory_space<vmem>>, %arg4: memref<1x64xf32, #tpu.memory_space<vmem>>, %arg5: memref<64x64xf32, #tpu.memory_space<vmem>>, %arg6: memref<1x64xf32, #tpu.memory_space<vmem>>, %arg7: memref<64x64xf32, #tpu.memory_space<vmem>>, %arg8: memref<1x64xf32, #tpu.memory_space<vmem>>, %arg9: memref<1x64xf32, #tpu.memory_space<vmem>>, %arg10: memref<1x64xf32, #tpu.memory_space<vmem>>, %arg11: memref<64x64xf32, #tpu.memory_space<vmem>>, %arg12: memref<64x64xf32, #tpu.memory_space<vmem>>, %arg13: memref<10000x64xf32, #tpu.memory_space<vmem>>, %arg14: memref<10000x64xf32, #tpu.memory_space<vmem>>, %arg15: memref<10000x64xf32, #tpu.memory_space<vmem>>) attributes {dimension_semantics = [], scalar_prefetch = 0 : i64, scratch_operands = 0 : i64, tpu.core_type = #tpu.core_type<tc>} {
    %get3A = arith.constant 0 : index
    %get3A_0 = arith.constant 0 : index
    %get3A_1 = vector.load %arg0[%get3A, %get3A_0] : memref<10000x64xf32, #tpu.memory_space<vmem>>, vector<10000x64xf32>
    %get3A_2 = arith.constant 0 : index
    %get3A_3 = arith.constant 0 : index
    %get3A_4 = arith.constant 0 : index
    %get3A_5 = vector.load %arg1[%get3A_2, %get3A_3, %get3A_4] : memref<2x10240x64xf32, #tpu.memory_space<vmem>>, vector<2x10240x64xf32>
    %slice3A = vector.extract_strided_slice %get3A_5 {offsets = [0, 0, 0], sizes = [1, 10000, 64], strides = [1, 1, 1]} : vector<2x10240x64xf32> to vector<1x10000x64xf32>
    %squeeze3A = vector.shape_cast %slice3A : vector<1x10000x64xf32> to vector<10000x64xf32>
    %slice3A_6 = vector.extract_strided_slice %get3A_5 {offsets = [1, 0, 0], sizes = [1, 10000, 64], strides = [1, 1, 1]} : vector<2x10240x64xf32> to vector<1x10000x64xf32>
    %squeeze3A_7 = vector.shape_cast %slice3A_6 : vector<1x10000x64xf32> to vector<10000x64xf32>
    %add3A = arith.addf %squeeze3A, %squeeze3A_7 : vector<10000x64xf32>
    %get3A_8 = arith.constant 0 : index
    %get3A_9 = arith.constant 0 : index
    %get3A_10 = vector.load %arg2[%get3A_8, %get3A_9] : memref<64x64xf32, #tpu.memory_space<vmem>>, vector<64x64xf32>
    %dot_general3A = arith.constant dense<0.000000e+00> : vector<10000x64xf32>
    %dot_general3A_11 = tpu.matmul %get3A_1, %get3A_10, %dot_general3A {dimension_numbers = #tpu.dot_dimension_numbers<[1], [0], [0], [1], [0, 0, 1, 1], [], []>, transpose_lhs_hint = false} : vector<10000x64xf32>, vector<64x64xf32>, vector<10000x64xf32> -> vector<10000x64xf32>
    %get3A_12 = arith.constant 0 : index
    %get3A_13 = arith.constant 0 : index
    %get3A_14 = vector.load %arg3[%get3A_12, %get3A_13] : memref<64x64xf32, #tpu.memory_space<vmem>>, vector<64x64xf32>
    %dot_general3A_15 = arith.constant dense<0.000000e+00> : vector<10000x64xf32>
    %dot_general3A_16 = tpu.matmul %add3A, %get3A_14, %dot_general3A_15 {dimension_numbers = #tpu.dot_dimension_numbers<[1], [0], [0], [1], [0, 0, 1, 1], [], []>, transpose_lhs_hint = false} : vector<10000x64xf32>, vector<64x64xf32>, vector<10000x64xf32> -> vector<10000x64xf32>
    %add3A_17 = arith.addf %dot_general3A_11, %dot_general3A_16 : vector<10000x64xf32>
    %get3A_18 = arith.constant 0 : index
    %get3A_19 = arith.constant 0 : index
    %get3A_20 = vector.load %arg4[%get3A_18, %get3A_19] : memref<1x64xf32, #tpu.memory_space<vmem>>, vector<1x64xf32>
    %add3A_21 = vector.broadcast %get3A_20 : vector<1x64xf32> to vector<10000x64xf32>
    %add3A_22 = arith.addf %add3A_17, %add3A_21 : vector<10000x64xf32>
    %max3A = arith.constant 0.000000e+00 : f32
    %max3A_23 = vector.broadcast %max3A : f32 to vector<10000x64xf32>
    %max3A_24 = arith.maximumf %add3A_22, %max3A_23 : vector<10000x64xf32>
    %get3A_25 = arith.constant 0 : index
    %get3A_26 = arith.constant 0 : index
    %get3A_27 = vector.load %arg5[%get3A_25, %get3A_26] : memref<64x64xf32, #tpu.memory_space<vmem>>, vector<64x64xf32>
    %dot_general3A_28 = arith.constant dense<0.000000e+00> : vector<10000x64xf32>
    %dot_general3A_29 = tpu.matmul %max3A_24, %get3A_27, %dot_general3A_28 {dimension_numbers = #tpu.dot_dimension_numbers<[1], [0], [0], [1], [0, 0, 1, 1], [], []>, transpose_lhs_hint = false} : vector<10000x64xf32>, vector<64x64xf32>, vector<10000x64xf32> -> vector<10000x64xf32>
    %get3A_30 = arith.constant 0 : index
    %get3A_31 = arith.constant 0 : index
    %get3A_32 = vector.load %arg6[%get3A_30, %get3A_31] : memref<1x64xf32, #tpu.memory_space<vmem>>, vector<1x64xf32>
    %add3A_33 = vector.broadcast %get3A_32 : vector<1x64xf32> to vector<10000x64xf32>
    %add3A_34 = arith.addf %dot_general3A_29, %add3A_33 : vector<10000x64xf32>
    %max3A_35 = arith.constant 0.000000e+00 : f32
    %max3A_36 = vector.broadcast %max3A_35 : f32 to vector<10000x64xf32>
    %max3A_37 = arith.maximumf %add3A_34, %max3A_36 : vector<10000x64xf32>
    %get3A_38 = arith.constant 0 : index
    %get3A_39 = arith.constant 0 : index
    %get3A_40 = vector.load %arg7[%get3A_38, %get3A_39] : memref<64x64xf32, #tpu.memory_space<vmem>>, vector<64x64xf32>
    %dot_general3A_41 = arith.constant dense<0.000000e+00> : vector<10000x64xf32>
    %dot_general3A_42 = tpu.matmul %max3A_37, %get3A_40, %dot_general3A_41 {dimension_numbers = #tpu.dot_dimension_numbers<[1], [0], [0], [1], [0, 0, 1, 1], [], []>, transpose_lhs_hint = false} : vector<10000x64xf32>, vector<64x64xf32>, vector<10000x64xf32> -> vector<10000x64xf32>
    %get3A_43 = arith.constant 0 : index
    %get3A_44 = arith.constant 0 : index
    %get3A_45 = vector.load %arg8[%get3A_43, %get3A_44] : memref<1x64xf32, #tpu.memory_space<vmem>>, vector<1x64xf32>
    %add3A_46 = vector.broadcast %get3A_45 : vector<1x64xf32> to vector<10000x64xf32>
    %add3A_47 = arith.addf %dot_general3A_42, %add3A_46 : vector<10000x64xf32>
    %get3A_48 = arith.constant 0 : index
    %get3A_49 = arith.constant 0 : index
    %get3A_50 = vector.load %arg9[%get3A_48, %get3A_49] : memref<1x64xf32, #tpu.memory_space<vmem>>, vector<1x64xf32>
    %get3A_51 = arith.constant 0 : index
    %get3A_52 = arith.constant 0 : index
    %get3A_53 = vector.load %arg10[%get3A_51, %get3A_52] : memref<1x64xf32, #tpu.memory_space<vmem>>, vector<1x64xf32>
    %reduce_sum3A = arith.constant dense<0.000000e+00> : vector<10000xf32>
    %reduce_sum3A_54 = vector.multi_reduction <add>, %add3A_47, %reduce_sum3A [1] : vector<10000x64xf32> to vector<10000xf32>
    %broadcast_in_dim3A = vector.shape_cast %reduce_sum3A_54 : vector<10000xf32> to vector<10000x1xf32>
    %div3A = arith.constant 6.400000e+01 : f32
    %div3A_55 = vector.broadcast %div3A : f32 to vector<10000x1xf32>
    %div3A_56 = arith.divf %broadcast_in_dim3A, %div3A_55 : vector<10000x1xf32>
    %sub3A = vector.broadcast %div3A_56 : vector<10000x1xf32> to vector<10000x64xf32>
    %sub3A_57 = arith.subf %add3A_47, %sub3A : vector<10000x64xf32>
    %integer_pow3A = arith.mulf %sub3A_57, %sub3A_57 : vector<10000x64xf32>
    %reduce_sum3A_58 = arith.constant dense<0.000000e+00> : vector<10000xf32>
    %reduce_sum3A_59 = vector.multi_reduction <add>, %integer_pow3A, %reduce_sum3A_58 [1] : vector<10000x64xf32> to vector<10000xf32>
    %broadcast_in_dim3A_60 = vector.shape_cast %reduce_sum3A_59 : vector<10000xf32> to vector<10000x1xf32>
    %div3A_61 = arith.constant 6.400000e+01 : f32
    %div3A_62 = vector.broadcast %div3A_61 : f32 to vector<10000x1xf32>
    %div3A_63 = arith.divf %broadcast_in_dim3A_60, %div3A_62 : vector<10000x1xf32>
    %sub3A_64 = vector.broadcast %div3A_56 : vector<10000x1xf32> to vector<10000x64xf32>
    %sub3A_65 = arith.subf %add3A_47, %sub3A_64 : vector<10000x64xf32>
    %add3A_66 = arith.constant 9.99999974E-6 : f32
    %add3A_67 = vector.broadcast %add3A_66 : f32 to vector<10000x1xf32>
    %add3A_68 = arith.addf %div3A_63, %add3A_67 : vector<10000x1xf32>
    %sqrt3A = math.sqrt %add3A_68 : vector<10000x1xf32>
    %div3A_69 = vector.broadcast %sqrt3A : vector<10000x1xf32> to vector<10000x64xf32>
    %div3A_70 = arith.divf %sub3A_65, %div3A_69 : vector<10000x64xf32>
    %mul3A = vector.broadcast %get3A_50 : vector<1x64xf32> to vector<10000x64xf32>
    %mul3A_71 = arith.mulf %div3A_70, %mul3A : vector<10000x64xf32>
    %add3A_72 = vector.broadcast %get3A_53 : vector<1x64xf32> to vector<10000x64xf32>
    %add3A_73 = arith.addf %mul3A_71, %add3A_72 : vector<10000x64xf32>
    %add3A_74 = arith.addf %get3A_1, %add3A_73 : vector<10000x64xf32>
    %swap3A = arith.constant 0 : index
    %swap3A_75 = arith.constant 0 : index
    %swap3A_76 = vector.load %arg13[%swap3A, %swap3A_75] : memref<10000x64xf32, #tpu.memory_space<vmem>>, vector<10000x64xf32>
    tpu.vector_store %arg13[%swap3A, %swap3A_75], %add3A_74 {strides = array<i32>} : memref<10000x64xf32, #tpu.memory_space<vmem>>, vector<10000x64xf32>,
    %get3A_77 = arith.constant 0 : index
    %get3A_78 = arith.constant 0 : index
    %get3A_79 = vector.load %arg11[%get3A_77, %get3A_78] : memref<64x64xf32, #tpu.memory_space<vmem>>, vector<64x64xf32>
    %dot_general3A_80 = arith.constant dense<0.000000e+00> : vector<10000x64xf32>
    %dot_general3A_81 = tpu.matmul %add3A_74, %get3A_79, %dot_general3A_80 {dimension_numbers = #tpu.dot_dimension_numbers<[1], [0], [0], [1], [0, 0, 1, 1], [], []>, transpose_lhs_hint = false} : vector<10000x64xf32>, vector<64x64xf32>, vector<10000x64xf32> -> vector<10000x64xf32>
    %swap3A_82 = arith.constant 0 : index
    %swap3A_83 = arith.constant 0 : index
    %swap3A_84 = vector.load %arg14[%swap3A_82, %swap3A_83] : memref<10000x64xf32, #tpu.memory_space<vmem>>, vector<10000x64xf32>
    tpu.vector_store %arg14[%swap3A_82, %swap3A_83], %dot_general3A_81 {strides = array<i32>} : memref<10000x64xf32, #tpu.memory_space<vmem>>, vector<10000x64xf32>,
    %get3A_85 = arith.constant 0 : index
    %get3A_86 = arith.constant 0 : index
    %get3A_87 = vector.load %arg12[%get3A_85, %get3A_86] : memref<64x64xf32, #tpu.memory_space<vmem>>, vector<64x64xf32>
    %dot_general3A_88 = arith.constant dense<0.000000e+00> : vector<10000x64xf32>
    %dot_general3A_89 = tpu.matmul %add3A_74, %get3A_87, %dot_general3A_88 {dimension_numbers = #tpu.dot_dimension_numbers<[1], [0], [0], [1], [0, 0, 1, 1], [], []>, transpose_lhs_hint = false} : vector<10000x64xf32>, vector<64x64xf32>, vector<10000x64xf32> -> vector<10000x64xf32>
    %swap3A_90 = arith.constant 0 : index
    %swap3A_91 = arith.constant 0 : index
    %swap3A_92 = vector.load %arg15[%swap3A_90, %swap3A_91] : memref<10000x64xf32, #tpu.memory_space<vmem>>, vector<10000x64xf32>
    tpu.vector_store %arg15[%swap3A_90, %swap3A_91], %dot_general3A_89 {strides = array<i32>} : memref<10000x64xf32, #tpu.memory_space<vmem>>, vector<10000x64xf32>,
    return
  }
}

module attributes {stable_mosaic.version = 14 : i64} {
  func.func @_node_mlp_body(%arg0: memref<10000x64xf32, #tpu.memory_space<vmem>>, %arg1: memref<2x10240x64xf32, #tpu.memory_space<vmem>>, %arg2: memref<64x64xf32, #tpu.memory_space<vmem>>, %arg3: memref<64x64xf32, #tpu.memory_space<vmem>>, %arg4: memref<1x64xf32, #tpu.memory_space<vmem>>, %arg5: memref<64x64xf32, #tpu.memory_space<vmem>>, %arg6: memref<1x64xf32, #tpu.memory_space<vmem>>, %arg7: memref<64x64xf32, #tpu.memory_space<vmem>>, %arg8: memref<1x64xf32, #tpu.memory_space<vmem>>, %arg9: memref<1x64xf32, #tpu.memory_space<vmem>>, %arg10: memref<1x64xf32, #tpu.memory_space<vmem>>, %arg11: memref<64x64xf32, #tpu.memory_space<vmem>>, %arg12: memref<64x64xf32, #tpu.memory_space<vmem>>, %arg13: memref<10000x64xf32, #tpu.memory_space<vmem>>, %arg14: memref<10000x64xf32, #tpu.memory_space<vmem>>, %arg15: memref<10000x64xf32, #tpu.memory_space<vmem>>) attributes {dimension_semantics = [], scalar_prefetch = 0 : i64, scratch_operands = 0 : i64, tpu.core_type = #tpu.core_type<tc>} {
    %get3A = arith.constant 0 : index
    %get3A_0 = arith.constant 0 : index
    %get3A_1 = vector.load %arg0[%get3A, %get3A_0] : memref<10000x64xf32, #tpu.memory_space<vmem>>, vector<10000x64xf32>
    %get3A_2 = arith.constant 0 : index
    %get3A_3 = arith.constant 0 : index
    %get3A_4 = arith.constant 0 : index
    %get3A_5 = vector.load %arg1[%get3A_2, %get3A_3, %get3A_4] : memref<2x10240x64xf32, #tpu.memory_space<vmem>>, vector<2x10240x64xf32>
    %slice3A = vector.extract_strided_slice %get3A_5 {offsets = [0, 0, 0], sizes = [1, 10000, 64], strides = [1, 1, 1]} : vector<2x10240x64xf32> to vector<1x10000x64xf32>
    %squeeze3A = vector.shape_cast %slice3A : vector<1x10000x64xf32> to vector<10000x64xf32>
    %slice3A_6 = vector.extract_strided_slice %get3A_5 {offsets = [1, 0, 0], sizes = [1, 10000, 64], strides = [1, 1, 1]} : vector<2x10240x64xf32> to vector<1x10000x64xf32>
    %squeeze3A_7 = vector.shape_cast %slice3A_6 : vector<1x10000x64xf32> to vector<10000x64xf32>
    %add3A = arith.addf %squeeze3A, %squeeze3A_7 : vector<10000x64xf32>
    %get3A_8 = arith.constant 0 : index
    %get3A_9 = arith.constant 0 : index
    %get3A_10 = vector.load %arg2[%get3A_8, %get3A_9] : memref<64x64xf32, #tpu.memory_space<vmem>>, vector<64x64xf32>
    %dot_general3A = arith.constant dense<0.000000e+00> : vector<10000x64xf32>
    %dot_general3A_11 = tpu.matmul %get3A_1, %get3A_10, %dot_general3A {dimension_numbers = #tpu.dot_dimension_numbers<[1], [0], [0], [1], [0, 0, 1, 1], [], []>, transpose_lhs_hint = false} : vector<10000x64xf32>, vector<64x64xf32>, vector<10000x64xf32> -> vector<10000x64xf32>
    %get3A_12 = arith.constant 0 : index
    %get3A_13 = arith.constant 0 : index
    %get3A_14 = vector.load %arg3[%get3A_12, %get3A_13] : memref<64x64xf32, #tpu.memory_space<vmem>>, vector<64x64xf32>
    %dot_general3A_15 = arith.constant dense<0.000000e+00> : vector<10000x64xf32>
    %dot_general3A_16 = tpu.matmul %add3A, %get3A_14, %dot_general3A_15 {dimension_numbers = #tpu.dot_dimension_numbers<[1], [0], [0], [1], [0, 0, 1, 1], [], []>, transpose_lhs_hint = false} : vector<10000x64xf32>, vector<64x64xf32>, vector<10000x64xf32> -> vector<10000x64xf32>
    %add3A_17 = arith.addf %dot_general3A_11, %dot_general3A_16 : vector<10000x64xf32>
    %get3A_18 = arith.constant 0 : index
    %get3A_19 = arith.constant 0 : index
    %get3A_20 = vector.load %arg4[%get3A_18, %get3A_19] : memref<1x64xf32, #tpu.memory_space<vmem>>, vector<1x64xf32>
    %add3A_21 = vector.broadcast %get3A_20 : vector<1x64xf32> to vector<10000x64xf32>
    %add3A_22 = arith.addf %add3A_17, %add3A_21 : vector<10000x64xf32>
    %max3A = arith.constant 0.000000e+00 : f32
    %max3A_23 = vector.broadcast %max3A : f32 to vector<10000x64xf32>
    %max3A_24 = arith.maximumf %add3A_22, %max3A_23 : vector<10000x64xf32>
    %get3A_25 = arith.constant 0 : index
    %get3A_26 = arith.constant 0 : index
    %get3A_27 = vector.load %arg5[%get3A_25, %get3A_26] : memref<64x64xf32, #tpu.memory_space<vmem>>, vector<64x64xf32>
    %dot_general3A_28 = arith.constant dense<0.000000e+00> : vector<10000x64xf32>
    %dot_general3A_29 = tpu.matmul %max3A_24, %get3A_27, %dot_general3A_28 {dimension_numbers = #tpu.dot_dimension_numbers<[1], [0], [0], [1], [0, 0, 1, 1], [], []>, transpose_lhs_hint = false} : vector<10000x64xf32>, vector<64x64xf32>, vector<10000x64xf32> -> vector<10000x64xf32>
    %get3A_30 = arith.constant 0 : index
    %get3A_31 = arith.constant 0 : index
    %get3A_32 = vector.load %arg6[%get3A_30, %get3A_31] : memref<1x64xf32, #tpu.memory_space<vmem>>, vector<1x64xf32>
    %add3A_33 = vector.broadcast %get3A_32 : vector<1x64xf32> to vector<10000x64xf32>
    %add3A_34 = arith.addf %dot_general3A_29, %add3A_33 : vector<10000x64xf32>
    %max3A_35 = arith.constant 0.000000e+00 : f32
    %max3A_36 = vector.broadcast %max3A_35 : f32 to vector<10000x64xf32>
    %max3A_37 = arith.maximumf %add3A_34, %max3A_36 : vector<10000x64xf32>
    %get3A_38 = arith.constant 0 : index
    %get3A_39 = arith.constant 0 : index
    %get3A_40 = vector.load %arg7[%get3A_38, %get3A_39] : memref<64x64xf32, #tpu.memory_space<vmem>>, vector<64x64xf32>
    %dot_general3A_41 = arith.constant dense<0.000000e+00> : vector<10000x64xf32>
    %dot_general3A_42 = tpu.matmul %max3A_37, %get3A_40, %dot_general3A_41 {dimension_numbers = #tpu.dot_dimension_numbers<[1], [0], [0], [1], [0, 0, 1, 1], [], []>, transpose_lhs_hint = false} : vector<10000x64xf32>, vector<64x64xf32>, vector<10000x64xf32> -> vector<10000x64xf32>
    %get3A_43 = arith.constant 0 : index
    %get3A_44 = arith.constant 0 : index
    %get3A_45 = vector.load %arg8[%get3A_43, %get3A_44] : memref<1x64xf32, #tpu.memory_space<vmem>>, vector<1x64xf32>
    %add3A_46 = vector.broadcast %get3A_45 : vector<1x64xf32> to vector<10000x64xf32>
    %add3A_47 = arith.addf %dot_general3A_42, %add3A_46 : vector<10000x64xf32>
    %get3A_48 = arith.constant 0 : index
    %get3A_49 = arith.constant 0 : index
    %get3A_50 = vector.load %arg9[%get3A_48, %get3A_49] : memref<1x64xf32, #tpu.memory_space<vmem>>, vector<1x64xf32>
    %get3A_51 = arith.constant 0 : index
    %get3A_52 = arith.constant 0 : index
    %get3A_53 = vector.load %arg10[%get3A_51, %get3A_52] : memref<1x64xf32, #tpu.memory_space<vmem>>, vector<1x64xf32>
    %reduce_sum3A = arith.constant dense<0.000000e+00> : vector<10000xf32>
    %reduce_sum3A_54 = vector.multi_reduction <add>, %add3A_47, %reduce_sum3A [1] : vector<10000x64xf32> to vector<10000xf32>
    %broadcast_in_dim3A = vector.shape_cast %reduce_sum3A_54 : vector<10000xf32> to vector<10000x1xf32>
    %div3A = arith.constant 6.400000e+01 : f32
    %div3A_55 = vector.broadcast %div3A : f32 to vector<10000x1xf32>
    %div3A_56 = arith.divf %broadcast_in_dim3A, %div3A_55 : vector<10000x1xf32>
    %sub3A = vector.broadcast %div3A_56 : vector<10000x1xf32> to vector<10000x64xf32>
    %sub3A_57 = arith.subf %add3A_47, %sub3A : vector<10000x64xf32>
    %integer_pow3A = arith.mulf %sub3A_57, %sub3A_57 : vector<10000x64xf32>
    %reduce_sum3A_58 = arith.constant dense<0.000000e+00> : vector<10000xf32>
    %reduce_sum3A_59 = vector.multi_reduction <add>, %integer_pow3A, %reduce_sum3A_58 [1] : vector<10000x64xf32> to vector<10000xf32>
    %broadcast_in_dim3A_60 = vector.shape_cast %reduce_sum3A_59 : vector<10000xf32> to vector<10000x1xf32>
    %div3A_61 = arith.constant 6.400000e+01 : f32
    %div3A_62 = vector.broadcast %div3A_61 : f32 to vector<10000x1xf32>
    %div3A_63 = arith.divf %broadcast_in_dim3A_60, %div3A_62 : vector<10000x1xf32>
    %sub3A_64 = vector.broadcast %div3A_56 : vector<10000x1xf32> to vector<10000x64xf32>
    %sub3A_65 = arith.subf %add3A_47, %sub3A_64 : vector<10000x64xf32>
    %add3A_66 = arith.constant 9.99999974E-6 : f32
    %add3A_67 = vector.broadcast %add3A_66 : f32 to vector<10000x1xf32>
    %add3A_68 = arith.addf %div3A_63, %add3A_67 : vector<10000x1xf32>
    %sqrt3A = math.sqrt %add3A_68 : vector<10000x1xf32>
    %div3A_69 = vector.broadcast %sqrt3A : vector<10000x1xf32> to vector<10000x64xf32>
    %div3A_70 = arith.divf %sub3A_65, %div3A_69 : vector<10000x64xf32>
    %mul3A = vector.broadcast %get3A_50 : vector<1x64xf32> to vector<10000x64xf32>
    %mul3A_71 = arith.mulf %div3A_70, %mul3A : vector<10000x64xf32>
    %add3A_72 = vector.broadcast %get3A_53 : vector<1x64xf32> to vector<10000x64xf32>
    %add3A_73 = arith.addf %mul3A_71, %add3A_72 : vector<10000x64xf32>
    %add3A_74 = arith.addf %get3A_1, %add3A_73 : vector<10000x64xf32>
    %swap3A = arith.constant 0 : index
    %swap3A_75 = arith.constant 0 : index
    %swap3A_76 = vector.load %arg13[%swap3A, %swap3A_75] : memref<10000x64xf32, #tpu.memory_space<vmem>>, vector<10000x64xf32>
    tpu.vector_store %arg13[%swap3A, %swap3A_75], %add3A_74 {strides = array<i32>} : memref<10000x64xf32, #tpu.memory_space<vmem>>, vector<10000x64xf32>,
    %get3A_77 = arith.constant 0 : index
    %get3A_78 = arith.constant 0 : index
    %get3A_79 = vector.load %arg11[%get3A_77, %get3A_78] : memref<64x64xf32, #tpu.memory_space<vmem>>, vector<64x64xf32>
    %dot_general3A_80 = arith.constant dense<0.000000e+00> : vector<10000x64xf32>
    %dot_general3A_81 = tpu.matmul %add3A_74, %get3A_79, %dot_general3A_80 {dimension_numbers = #tpu.dot_dimension_numbers<[1], [0], [0], [1], [0, 0, 1, 1], [], []>, transpose_lhs_hint = false} : vector<10000x64xf32>, vector<64x64xf32>, vector<10000x64xf32> -> vector<10000x64xf32>
    %swap3A_82 = arith.constant 0 : index
    %swap3A_83 = arith.constant 0 : index
    %swap3A_84 = vector.load %arg14[%swap3A_82, %swap3A_83] : memref<10000x64xf32, #tpu.memory_space<vmem>>, vector<10000x64xf32>
    tpu.vector_store %arg14[%swap3A_82, %swap3A_83], %dot_general3A_81 {strides = array<i32>} : memref<10000x64xf32, #tpu.memory_space<vmem>>, vector<10000x64xf32>,
    %get3A_85 = arith.constant 0 : index
    %get3A_86 = arith.constant 0 : index
    %get3A_87 = vector.load %arg12[%get3A_85, %get3A_86] : memref<64x64xf32, #tpu.memory_space<vmem>>, vector<64x64xf32>
    %dot_general3A_88 = arith.constant dense<0.000000e+00> : vector<10000x64xf32>
    %dot_general3A_89 = tpu.matmul %add3A_74, %get3A_87, %dot_general3A_88 {dimension_numbers = #tpu.dot_dimension_numbers<[1], [0], [0], [1], [0, 0, 1, 1], [], []>, transpose_lhs_hint = false} : vector<10000x64xf32>, vector<64x64xf32>, vector<10000x64xf32> -> vector<10000x64xf32>
    %swap3A_90 = arith.constant 0 : index
    %swap3A_91 = arith.constant 0 : index
    %swap3A_92 = vector.load %arg15[%swap3A_90, %swap3A_91] : memref<10000x64xf32, #tpu.memory_space<vmem>>, vector<10000x64xf32>
    tpu.vector_store %arg15[%swap3A_90, %swap3A_91], %dot_general3A_89 {strides = array<i32>} : memref<10000x64xf32, #tpu.memory_space<vmem>>, vector<10000x64xf32>,
    return
  }
}

module attributes {stable_mosaic.version = 14 : i64} {
  func.func @_decode_body(%arg0: memref<10000x64xf32, #tpu.memory_space<vmem>>, %arg1: memref<64x64xf32, #tpu.memory_space<vmem>>, %arg2: memref<1x64xf32, #tpu.memory_space<vmem>>, %arg3: memref<64x64xf32, #tpu.memory_space<vmem>>, %arg4: memref<1x64xf32, #tpu.memory_space<vmem>>, %arg5: memref<64x3xf32, #tpu.memory_space<vmem>>, %arg6: memref<1x3xf32, #tpu.memory_space<vmem>>, %arg7: memref<10000x3xf32, #tpu.memory_space<vmem>>) attributes {dimension_semantics = [], scalar_prefetch = 0 : i64, scratch_operands = 0 : i64, tpu.core_type = #tpu.core_type<tc>} {
    %get3A = arith.constant 0 : index
    %get3A_0 = arith.constant 0 : index
    %get3A_1 = vector.load %arg0[%get3A, %get3A_0] : memref<10000x64xf32, #tpu.memory_space<vmem>>, vector<10000x64xf32>
    %get3A_2 = arith.constant 0 : index
    %get3A_3 = arith.constant 0 : index
    %get3A_4 = vector.load %arg1[%get3A_2, %get3A_3] : memref<64x64xf32, #tpu.memory_space<vmem>>, vector<64x64xf32>
    %dot_general3A = arith.constant dense<0.000000e+00> : vector<10000x64xf32>
    %dot_general3A_5 = tpu.matmul %get3A_1, %get3A_4, %dot_general3A {dimension_numbers = #tpu.dot_dimension_numbers<[1], [0], [0], [1], [0, 0, 1, 1], [], []>, transpose_lhs_hint = false} : vector<10000x64xf32>, vector<64x64xf32>, vector<10000x64xf32> -> vector<10000x64xf32>
    %get3A_6 = arith.constant 0 : index
    %get3A_7 = arith.constant 0 : index
    %get3A_8 = vector.load %arg2[%get3A_6, %get3A_7] : memref<1x64xf32, #tpu.memory_space<vmem>>, vector<1x64xf32>
    %add3A = vector.broadcast %get3A_8 : vector<1x64xf32> to vector<10000x64xf32>
    %add3A_9 = arith.addf %dot_general3A_5, %add3A : vector<10000x64xf32>
    %max3A = arith.constant 0.000000e+00 : f32
    %max3A_10 = vector.broadcast %max3A : f32 to vector<10000x64xf32>
    %max3A_11 = arith.maximumf %add3A_9, %max3A_10 : vector<10000x64xf32>
    %get3A_12 = arith.constant 0 : index
    %get3A_13 = arith.constant 0 : index
    %get3A_14 = vector.load %arg3[%get3A_12, %get3A_13] : memref<64x64xf32, #tpu.memory_space<vmem>>, vector<64x64xf32>
    %dot_general3A_15 = arith.constant dense<0.000000e+00> : vector<10000x64xf32>
    %dot_general3A_16 = tpu.matmul %max3A_11, %get3A_14, %dot_general3A_15 {dimension_numbers = #tpu.dot_dimension_numbers<[1], [0], [0], [1], [0, 0, 1, 1], [], []>, transpose_lhs_hint = false} : vector<10000x64xf32>, vector<64x64xf32>, vector<10000x64xf32> -> vector<10000x64xf32>
    %get3A_17 = arith.constant 0 : index
    %get3A_18 = arith.constant 0 : index
    %get3A_19 = vector.load %arg4[%get3A_17, %get3A_18] : memref<1x64xf32, #tpu.memory_space<vmem>>, vector<1x64xf32>
    %add3A_20 = vector.broadcast %get3A_19 : vector<1x64xf32> to vector<10000x64xf32>
    %add3A_21 = arith.addf %dot_general3A_16, %add3A_20 : vector<10000x64xf32>
    %max3A_22 = arith.constant 0.000000e+00 : f32
    %max3A_23 = vector.broadcast %max3A_22 : f32 to vector<10000x64xf32>
    %max3A_24 = arith.maximumf %add3A_21, %max3A_23 : vector<10000x64xf32>
    %get3A_25 = arith.constant 0 : index
    %get3A_26 = arith.constant 0 : index
    %get3A_27 = vector.load %arg5[%get3A_25, %get3A_26] : memref<64x3xf32, #tpu.memory_space<vmem>>, vector<64x3xf32>
    %dot_general3A_28 = arith.constant dense<0.000000e+00> : vector<10000x3xf32>
    %dot_general3A_29 = tpu.matmul %max3A_24, %get3A_27, %dot_general3A_28 {dimension_numbers = #tpu.dot_dimension_numbers<[1], [0], [0], [1], [0, 0, 1, 1], [], []>, transpose_lhs_hint = false} : vector<10000x64xf32>, vector<64x3xf32>, vector<10000x3xf32> -> vector<10000x3xf32>
    %get3A_30 = arith.constant 0 : index
    %get3A_31 = arith.constant 0 : index
    %get3A_32 = vector.load %arg6[%get3A_30, %get3A_31] : memref<1x3xf32, #tpu.memory_space<vmem>>, vector<1x3xf32>
    %add3A_33 = vector.broadcast %get3A_32 : vector<1x3xf32> to vector<10000x3xf32>
    %add3A_34 = arith.addf %dot_general3A_29, %add3A_33 : vector<10000x3xf32>
    %swap3A = arith.constant 0 : index
    %swap3A_35 = arith.constant 0 : index
    %swap3A_36 = vector.load %arg7[%swap3A, %swap3A_35] : memref<10000x3xf32, #tpu.memory_space<vmem>>, vector<10000x3xf32>
    tpu.vector_store %arg7[%swap3A, %swap3A_35], %add3A_34 {strides = array<i32>} : memref<10000x3xf32, #tpu.memory_space<vmem>>, vector<10000x3xf32>,
    return
  }
}

</mosaic_0001>

<sc_bundles>
// kernel: kernel.25.cloned.1.call-start
scs
__scs_entry_jumppad:
0x0: {  	(pc) =	sbr.rel $0x88, $3  }
0x1: {  	(tag) =	ssettag $0x0;
	lr =	simm.s32 $0x1  }
0x2: {  	[smem:$0x3F37] =	sst lr;
	_ =	strace $0xD0000000  }
0x3: {  	_ = 	snop  }
0x4: {  	_ = 	snop  }
0x5: {  	_ = 	snop  }
0x6: {  	_ = 	snop  }
0x7: {  	_ = 	snop  }
__scs_overlays_trampoline_lowered:
0x8: {  	[smem:$0x3F46] =	sst s0  }
0x9: {  	[smem:$0x3F47] =	sst s1  }
0xa: {  	[smem:$0x3F48] =	sst s2  }
0xb: {  	[smem:$0x3F49] =	sst s3  }
0xc: {  	[smem:$0x3F4A] =	sst s4  }
0xd: {  	[smem:$0x3F4B] =	sst s5  }
0xe: {  	[smem:$0x3F4C] =	sst s6  }
0xf: {  	[smem:$0x3F4D] =	sst s7  }
0x10: {  	[smem:$0x3F4E] =	sst s8  }
0x11: {  	[smem:$0x3F4F] =	sst s9;
	s0 =	simm.s32 @!p0 $0x0  }
0x12: {  	s1 =	sld [smem:$0x3F35];
	s0 =	simm.s32 @p0 $0x1  }
0x13: {  	[smem:$0x3F50] =	sst s0;
	s0 =	simm.s32 @!p1 $0x0  }
0x14: {  	s2 =	sld [smem:$0x3F34];
	s0 =	simm.s32 @p1 $0x1  }
0x15: {  	[smem:$0x3F51] =	sst s0;
	s0 =	simm.s32 @!p2 $0x0  }
0x16: {  	s3 =	sld [smem:$0x3FDB];
	s0 =	simm.s32 @p2 $0x1  }
0x17: {  	s4 =	simm.s32 $0x1BF5;
	[smem:$0x3F53] =	sst s0  }
0x18: {  	s0 =	sld [smem:$0x3F36];
	_ =	swait.ge [sflag:s4], $0x0  }
0x19: {  	s7 =	sld [smem:$0x3F37]  }
0x1a: {  	s8 =	sadd.s32 $0xFFFFE003, lr  }
0x1b: {  	s9 =	sadd.s32 $0xFFFFFEF7, lr;
	s5 =	simm.s32 $0xFFFFFFFF;
	p2 =	slt.u32 s8, $0xFFFFF086  }
0x1c: {  	p1 =	slt.u32 s9, $0xF7A;
	s5 =	simm.s32 @!p2 $0x0  }
0x1d: {  	s5 =	simm.s32 @p1 $0x1;
	p0 =	seq.s32 s7, s2  }
0x1e: {  	s7 =	smul.u32 @!p0 $0xF7A, s2;
	p2 =	seq.s32 @!p0 s5, $0x0  }
0x1f: {  	s9 =	smul.u32 $0xF7A, s1;
	s8 =	simm.s32 @!p0 $0x1BF5;
	p2 =	por !p2, p0  }
0x20: {  	[sflag:s8] =	ssyncset.s32 @!p0 $0xFFFFF086;
	s6 =	sadd.s32 @!p0 s3, s7;
	s7 =	simm.s32 @!p0 $0x108  }
0x21: {  	s3 =	sadd.s32 s3, s9;
	s6 =	sadd.s32 @!p0 $0x88, s6;
	s7 =	simm.s32 @p2 $0x1082  }
0x22: {  	[simem:s7], [sflag:s8] =	dma.local @!p0 [hbm:s6], $0xF7A  }
0x23: {  	s9 =	sor.u32 $0xD0000000, s2;
	s6 =	simm.s32 $0x108;
	_ =	swait.ge @!p0 [sflag:s8], $0x0  }
0x24: {  	s3 =	sadd.s32 $0x88, s3;
	s6 =	simm.s32 @!p1 $0x1082;
	[sflag:s4] =	ssyncset.s32 $0xFFFFF086  }
0x25: {  	[simem:s6], [sflag:s4] =	dma.local [hbm:s3], $0xF7A  }
0x26: {  	[smem:$0x3F37] =	sst s1;
	(tag) =	ssettag s2;
	_ =	strace s9  }
0x27: {  	s1 =	sld [smem:$0x3F47]  }
0x28: {  	s2 =	sld [smem:$0x3F48]  }
0x29: {  	s4 =	sld [smem:$0x3F4A]  }
0x2a: {  	p0 =	seq.s32 s5, $0x0;
	s5 =	sld [smem:$0x3F4B]  }
0x2b: {  	s6 =	sld [smem:$0x3F4C]  }
0x2c: {  	s7 =	sld [smem:$0x3F4D]  }
0x2d: {  	s3 =	simm.s32 $0x108;
	s8 =	sld [smem:$0x3F4E]  }
0x2e: {  	s3 =	simm.s32 @!p0 $0x1082;
	s9 =	sld [smem:$0x3F4F]  }
0x2f: {  	lr =	sadd.s32 s0, s3;
	s0 =	sld [smem:$0x3F46]  }
0x30: {  	s3 =	sld [smem:$0x3F49]  }
0x31: {  	[smem:$0x3F52] =	sst s10  }
0x32: {  	s10 =	sld [smem:$0x3F50];
	_ =	sdelay $0x3  }
0x33: {  	p0 =	seq.s32 s10, $0x1;
	s10 =	sld [smem:$0x3F52];
	_ =	sdelay $0x3  }
0x34: {  	[smem:$0x3F52] =	sst s10  }
0x35: {  	s10 =	sld [smem:$0x3F51];
	_ =	sdelay $0x3  }
0x36: {  	p1 =	seq.s32 s10, $0x1;
	s10 =	sld [smem:$0x3F52];
	_ =	sdelay $0x3  }
0x37: {  	[smem:$0x3F52] =	sst s10  }
0x38: {  	s10 =	sld [smem:$0x3F53]  }
0x39: {  	_ = 	snop;
	(pc) =	sbr.ind lr, $3  }
0x3a: {  	_ = 	snop  }
0x3b: {  	_ = 	snop  }
0x3c: {  	p2 =	seq.s32 s10, $0x1;
	s10 =	sld [smem:$0x3F52]  }
0x3d: {  	_ =	shalt  }
0x3e: {  	_ =	shalt  }
0x3f: {  	_ =	shalt  }
0x40: {  	_ =	shalt  }
0x41: {  	_ =	shalt  }
0x42: {  	_ =	shalt  }
0x43: {  	_ =	shalt  }
0x44: {  	_ =	shalt  }
0x45: {  	_ =	shalt  }
0x46: {  	_ =	shalt  }
0x47: {  	_ =	shalt  }
0x48: {  	_ =	shalt  }
0x49: {  	_ =	shalt  }
0x4a: {  	_ =	shalt  }
0x4b: {  	_ =	shalt  }
0x4c: {  	_ =	shalt  }
0x4d: {  	_ =	shalt  }
0x4e: {  	_ =	shalt  }
0x4f: {  	_ =	shalt  }
0x50: {  	_ =	shalt  }
0x51: {  	_ =	shalt  }
0x52: {  	_ =	shalt  }
0x53: {  	_ =	shalt  }
0x54: {  	_ =	shalt  }
0x55: {  	_ =	shalt  }
0x56: {  	_ =	shalt  }
0x57: {  	_ =	shalt  }
0x58: {  	_ =	shalt  }
0x59: {  	_ =	shalt  }
0x5a: {  	_ =	shalt  }
0x5b: {  	_ =	shalt  }
0x5c: {  	_ =	shalt  }
0x5d: {  	_ =	shalt  }
0x5e: {  	_ =	shalt  }
0x5f: {  	_ =	shalt  }
0x60: {  	_ =	shalt  }
0x61: {  	_ =	shalt  }
0x62: {  	_ =	shalt  }
0x63: {  	_ =	shalt  }
0x64: {  	_ =	shalt  }
0x65: {  	_ =	shalt  }
0x66: {  	_ =	shalt  }
0x67: {  	_ =	shalt  }
0x68: {  	_ =	shalt  }
0x69: {  	_ =	shalt  }
0x6a: {  	_ =	shalt  }
0x6b: {  	_ =	shalt  }
0x6c: {  	_ =	shalt  }
0x6d: {  	_ =	shalt  }
0x6e: {  	_ =	shalt  }
0x6f: {  	_ =	shalt  }
0x70: {  	_ =	shalt  }
0x71: {  	_ =	shalt  }
0x72: {  	_ =	shalt  }
0x73: {  	_ =	shalt  }
0x74: {  	_ =	shalt  }
0x75: {  	_ =	shalt  }
0x76: {  	_ =	shalt  }
0x77: {  	_ =	shalt  }
0x78: {  	_ =	shalt  }
0x79: {  	_ =	shalt  }
0x7a: {  	_ =	shalt  }
0x7b: {  	_ =	shalt  }
0x7c: {  	_ =	shalt  }
0x7d: {  	_ =	shalt  }
0x7e: {  	_ =	shalt  }
0x7f: {  	_ =	shalt  }
0x80: {  	_ =	shalt  }
0x81: {  	_ =	shalt  }
0x82: {  	_ =	shalt  }
0x83: {  	_ =	shalt  }
0x84: {  	_ =	shalt  }
0x85: {  	_ =	shalt  }
0x86: {  	_ =	shalt  }
0x87: {  	_ =	shalt  }
.Lfunc_end0:
.L_simem_size_0:
called_computation_lowered:
.L_overlay_start_0:
0x88: {  	s2 =	sld [smem:$0x3FD9]  }
0x89: {  	s3 =	sld [smem:$0x3FFE];
	_ =	sdelay $0x1  }
0x8a: {  	s1 =	srdreg.scid  }
0x8b: {  	s0 =	sand.u32 $0x1, s1  }
0x8c: {  	s17 =	sshll.u32 s0, $0xA;
	s2 =	sadd.s32 s3, s2  }
0x8d: {  	s2 =	sadd.s32 s2, s17  }
0x8e: {  	[smem:$0x3F5E] =	sst s2  }
0x8f: {  	_ = 	snop  }
0x90: {  	s2 =	sld [smem:$0x3FC7]  }
0x91: {  	s18 =	sld [smem:$0x3FC6];
	(tm) =	ssettm $0x1  }
0x92: {  	s4 =	sld [smem:$0x3FFB];
	_ =	sdelay $0x3  }
0x93: {  	_ =	strace s4  }
0x94: {  	s4 =	sld [smem:$0x3FFC];
	_ =	sdelay $0x3  }
0x95: {  	_ =	strace s4  }
0x96: {  	s4 =	sld [smem:$0x3FFD];
	_ =	sdelay $0x3  }
0x97: {  	_ =	strace s4  }
0x98: {  	_ =	strace $0x8FFFFFFF  }
0x99: {  	s19 =	sld [smem:$0x3FDB];
	_ =	sdelay $0x1  }
0x9a: {  	s5 =	simm.s32 $_scs_section_size  }
0x9b: {  	s6 =	simm.s32 $_size__tile_overlayer_lowered;
	s7 =	simm.s32 $_tile_overlayer_lowered  }
0x9c: {  	s22 =	simm.s32 $0x1BFF;
	s21 =	sshll.u32 s7, $0x1;
	s4 =	sadd.s32 s5, s19  }
0x9d: {  	s8 =	simm.s32 $0x0;
	s20 =	sshll.u32 s6, $0x1;
	s6 =	sadd.s32 s21, s4  }
0x9e: {  	[timem:s8], [sflag:s22] =	dma.local [hbm:s6], s20  }
0x9f: {  	_ =	swait.ge [sflag:s22], s20  }
0xa0: {  	s5 =	ssub.s32 $0x0, s20;
	[sflag:s22] =	ssyncset.done $0x0  }
0xa1: {  	[sflag:s22] =	ssyncadd.s32 s5;
	_ =	sdelay $0x1  }
0xa2: {  	s23 =	simm.s32 $0x1B8B  }
0xa3: {  	_ =	swait.ge [sflag:s23], $0x1  }
0xa4: {  	[sflag:s23] =	ssyncset.done $0x0  }
0xa5: {  	s25 =	simm.s32 $0x1B8E;
	s24 =	sld [smem:$0x3FFE];
	[sflag:s23] =	ssyncadd.s32 $0xFFFFFFFF  }
0xa6: {  	s26 =	simm.s32 $execute0_lowered;
	[smem:$0x3FD2] =	sst s25  }
0xa7: {  	s6 =	sshll.u32 s26, $0x1;
	_ =	strace $0x80000046;
	[dreg:$0x1] =	wrdreg $0xFFFFFFFF  }
0xa8: {  	s28 =	simm.s32 $_size_execute0_lowered;
	s4 =	sadd.s32 s4, s6;
	[dreg:$0x0] =	wrdreg $0x0  }
0xa9: {  	s6 =	sshll.u32 s28, $0x1;
	[dreg:$0x2] =	wrdreg s4  }
0xaa: {  	[dreg:$0x3] =	wrdreg s6  }
0xab: {  	[dreg:$0x4] =	wrdreg $0xC0  }
0xac: {  	_ =	task [dreg:s8], $0x5FFFF  }
0xad: {  	[dreg:$0x1] =	wrdreg $0xFFFFFFFF  }
0xae: {  	[dreg:$0x0] =	wrdreg $0x60  }
0xaf: {  	[dreg:$0x2] =	wrdreg s24  }
0xb0: {  	[dreg:$0x3] =	wrdreg s2  }
0xb1: {  	[dreg:$0x4] =	wrdreg s18  }
0xb2: {  	[dreg:$0x5] =	wrdreg $0x9  }
0xb3: {  	_ =	task.clear_ibuf [dreg:s8], $0x6FFFF;
	_ =	strace $0x90000046  }
0xb4: {  	s29 =	simm.s32 $0x9;
	_ =	strace $0x80000048  }
0xb5: {  	_ =	swait.ge [sflag:s29], $0x1  }
0xb6: {  	[sflag:s29] =	ssyncadd.s32 $0xFFFFFFFF  }
0xb7: {  	_ =	strace $0x90000048  }
0xb8: {  	_ =	sfence  }
0xb9: {  	s30 =	sld [smem:$0x0];
	_ =	sdelay $0x2  }
0xba: {  	s31 =	sshll.u32 s1, $0xD;
	s1 =	sshrl.u32 s1, $0x2  }
0xbb: {  	s3 =	sand.u32 $0x4000, s31;
	s1 =	sadd.s32 s1, s30  }
0xbc: {  	s0 =	sor.u32 s3, s0;
	s1 =	sshll.u32 s1, $0x11  }
0xbd: {  	s0 =	sor.u32 s1, s0  }
0xbe: {  	s0 =	sadd.s32 $0x8F2B, s0  }
0xbf: {  	[sflag:s0] =	ssyncadd.remote.s32 $0x1  }
0xc0: {  	_ =	sfence.sel $0xFFFF  }
0xc1: {  	[dreg:$0x0] =	wrdreg $0xFFFFFFFF;
	(pc) =	sbr.abs _section_cstart, $3  }
0xc2: {  	[dreg:$0x1] =	wrdreg $0xFFFFFFFF  }
0xc3: {  	_ =	task.clear_ibuf [dreg:s8], $0x2FFFF;
	_ =	strace $0x9FFFFFFF  }
0xc4: {  	(tm) =	ssettm $0x7FFFFFFF  }
0xc5: {  	_ =	shalt  }
tec
execute0_lowered:
.L_overlay_start_1:
0x0: {  	(tag) =	ssettag $0x1  }
0x1: {  	s5 =	rddreg [dreg:$0x0]  }
0x2: {  	s6 =	rddreg [dreg:$0x1]  }
0x3: {  	s7 =	rddreg [dreg:$0x2]  }
0x4: {  	s1 =	srdreg.scid;
	s0 =	rddreg [dreg:$0x3];
	s2 =	simm.s32 $0x0  }
0x5: {  	s12 =	simm.s32 $0x4E20;
	s13 =	simm.s32 $0x1;
	s14 =	simm.s32 $0x0  }
0x6: {  	s8 =	sand.u32 $0x1, s1;
	s1 =	stileid.u32;
	[smem:$0x7FF] =	sst s2  }
0x7: {  	s3 =	sshll.u32 s8, $0x4;
	s9 =	smul.u32 $0x138800, s8;
	_ =	strace $0x80000047  }
0x8: {  	s8 =	ssub.s32 $0x2, s8;
	s11 =	smul.u32 $0x13880, s1;
	s4 =	sor.u32 s1, s3  }
0x9: {  	s3 =	sadd.s32 $0x3E800, s5;
	s31 =	sshrl.u32 s8, $0x1;
	s10 =	smul.u32 $0x2710, s4  }
0xa: {  	s4 =	sadd.s32 $0x52200, s5;
	s9 =	sadd.s32 s9, s5;
	s8 =	ssub.s32 s8, s31  }
0xb: {  	s9 =	sadd.s32 s11, s9;
	s11 =	simm.s32 $0x50;
	s10 =	sshrl.u32 s10, $0x3  }
0xc: {  	s5 =	sadd.s32 s6, s10;
	s6 =	sadd.s32 s7, s10;
	s7 =	smax.u32 s8, $0x1  }
0xd: {  	s8 =	sadd.s32 $0x65C00, s9;
	s9 =	simm.s32 $0x2;
	s10 =	simm.s32 $0x2710  }
.LBB2_1:
0xe: {  	[tilespmem:s2], [sflag:$0x2] =	stream.linear.gather [hbm4b:s5+s2], $0x2710, $0x38;
	[tilespmem:$0x6220] =	vst v63  }
0xf: {  	_ =	swait.ge [sflag:s9], $0x2710  }
0x10: {  	[sflag:s9] =	ssyncset.done $0x0  }
0x11: {  	[sflag:s9] =	ssyncadd.s32 $0xFFFFD8F0  }
0x12: {  	[tilespmem:s10], [sflag:$0x2] =	stream.linear.gather [hbm4b:s6+s2], $0x2710, $0x38;
	[tilespmem:$0x6220] =	vst v63  }
0x13: {  	_ =	swait.ge [sflag:s9], $0x2710  }
0x14: {  	[sflag:s9] =	ssyncset.done $0x0  }
0x15: {  	s15 =	simm.s32 $0x0;
	[sflag:s9] =	ssyncadd.s32 $0xFFFFD8F0  }
0x16: {  	[tilespmem:s12], [sflag:$0x1] =	stream.indirect.gather [hbm4b:s3+s11], $0x40, s15, s11, $0xb8;
	[tilespmem:$0x6220] =	vst v63  }
0x17: {  	_ =	swait.ge [sflag:s13], $0x1400  }
0x18: {  	[sflag:s13] =	ssyncset.done $0x0  }
0x19: {  	s31 =	simm.s32 $0x2710;
	[sflag:s13] =	ssyncadd.s32 $0xFFFFEC00  }
0x1a: {  	[tilespmem:s12], [sflag:$0x1] =	stream.indirect.gather.add.f32 [hbm:s4], $0x40, s31, s11, $0xb8;
	[tilespmem:$0x6220] =	vst v63  }
0x1b: {  	_ =	swait.ge [sflag:s13], $0x1400  }
0x1c: {  	[sflag:s13] =	ssyncset.done $0x0  }
0x1d: {  	[sflag:s13] =	ssyncadd.s32 $0xFFFFEC00  }
0x1e: {  	[hbm4b:s8+s2] =	stream.linear.scatter [tilespmem:s12], [sflag:$0x2], $0x1400, $0x38;
	[tilespmem:$0x6220] =	vst v63  }
0x1f: {  	s16 =	simm.s32 $0x140;
	_ =	swait.ge [sflag:s9], $0x1400  }
0x20: {  	s17 =	simm.s32 $0x280;
	s15 =	sadd.s32 $0x280, s8;
	[sflag:s9] =	ssyncset.done $0x0  }
.LBB2_2:
0x21: {  	s18 =	sshra.s32 s16, $0x2  }
0x22: {  	[sflag:s9] =	ssyncadd.s32 $0xFFFFEC00;
	s16 =	smov.u32 s17;
	s19 =	sadd.s32 $0x140, s17  }
0x23: {  	[tilespmem:s12], [sflag:$0x1] =	stream.indirect.gather [hbm4b:s3+s11], $0x40, s18, s11, $0xb8;
	[tilespmem:$0x6220] =	vst v63  }
0x24: {  	p0 =	sne.s32 s17, $0x9B00;
	_ =	swait.ge [sflag:s13], $0x1400  }
0x25: {  	[sflag:s13] =	ssyncset.done $0x0  }
0x26: {  	s17 =	sadd.s32 $0x2710, s18;
	[sflag:s13] =	ssyncadd.s32 $0xFFFFEC00  }
0x27: {  	[tilespmem:s12], [sflag:$0x1] =	stream.indirect.gather.add.f32 [hbm:s4], $0x40, s17, s11, $0xb8;
	[tilespmem:$0x6220] =	vst v63  }
0x28: {  	_ =	swait.ge [sflag:s13], $0x1400  }
.Ltmp0:
0x29: {  	[sflag:s13] =	ssyncset.done $0x0;
	(pc) =	sbr.rel @p0 .LBB2_2-.Ltmp0, $4  }
0x2a: {  	[sflag:s13] =	ssyncadd.s32 $0xFFFFEC00  }
0x2b: {  	[hbm4b:s15+s2] =	stream.linear.scatter [tilespmem:s12], [sflag:$0x2], $0x1400, $0x38;
	[tilespmem:$0x6220] =	vst v63  }
0x2c: {  	_ =	swait.ge [sflag:s9], $0x1400  }
0x2d: {  	s17 =	smov.u32 s19;
	s15 =	sadd.s32 $0x280, s15;
	[sflag:s9] =	ssyncset.done $0x0  }
0x2e: {  	s16 =	sshra.s32 s16, $0x2;
	[sflag:s9] =	ssyncadd.s32 $0xFFFFEC00  }
0x2f: {  	[tilespmem:s12], [sflag:$0x1] =	stream.indirect.gather [hbm4b:s3+s11], $0x40, s16, s11, $0xb8;
	[tilespmem:$0x6220] =	vst v63  }
0x30: {  	_ =	swait.ge [sflag:s13], $0x1400  }
0x31: {  	[sflag:s13] =	ssyncset.done $0x0  }
0x32: {  	s16 =	sadd.s32 $0x2710, s16;
	[sflag:s13] =	ssyncadd.s32 $0xFFFFEC00  }
0x33: {  	[tilespmem:s12], [sflag:$0x1] =	stream.indirect.gather.add.f32 [hbm:s4], $0x40, s16, s11, $0xb8;
	[tilespmem:$0x6220] =	vst v63  }
0x34: {  	s14 =	sadd.s32 $0x1, s14;
	_ =	swait.ge [sflag:s13], $0x1400  }
0x35: {  	p0 =	sne.s32 s14, s7;
	[sflag:s13] =	ssyncset.done $0x0  }
.Ltmp1:
0x36: {  	[sflag:s13] =	ssyncadd.s32 $0xFFFFEC00;
	(pc) =	sbr.rel @p0 .LBB2_1-.Ltmp1, $4  }
0x37: {  	[hbm4b:s15+s2] =	stream.linear.scatter [tilespmem:s12], [sflag:$0x2], $0x1400, $0x38;
	[tilespmem:$0x6220] =	vst v63  }
0x38: {  	_ =	swait.ge [sflag:s9], $0x1400  }
0x39: {  	[sflag:s9] =	ssyncset.done $0x0  }
0x3a: {  	[sflag:s9] =	ssyncadd.s32 $0xFFFFEC00  }
0x3b: {  	_ =	sfence.sel $0x180000  }
0x3c: {  	[bflag:$0x0] =	sbarrier.arrive $0xFFFF  }
0x3d: {  	p0 =	sne.s32 s1, $0x0;
	_ =	strace $0x90000047  }
0x3e: {  	s0 =	sadd.s32 @!p0 $0x100000, s0;
	[bflag:$0x2] =	sbarrier.arrive $0xFFFF  }
0x3f: {  	[sflag:s0] =	ssyncadd.tile.s32 @!p0 $0x1;
	_ =	shalt  }
.Lfunc_end2:
_tile_overlayer_lowered:
.L_overlay_start_2:
0x40: {  	(tag) =	ssettag $0x2  }
0x41: {  	s0 =	rddreg [dreg:$0x0];
	s2 =	stileid.u32  }
0x42: {  	s1 =	rddreg [dreg:$0x1];
	p0 =	sne.s32 s2, $0x0  }
0x43: {  	s3 =	rddreg [dreg:$0x2];
	[bflag:$0x3] =	sbarrier.arrive $0xFFFF;
	s2 =	simm.s32 @!p0 $0x1C02  }
0x44: {  	[timem:s3], [sflag:s2] =	dma.local @!p0 [hbm:s0], s1  }
0x45: {  	s0 =	simm.s32 @!p0 $0x2  }
0x46: {  	_ =	swait.ge @!p0 [sflag:s0], s1  }
0x47: {  	s1 =	ssub.s32 @!p0 $0x0, s1;
	[sflag:s0] =	ssyncset.done @!p0 $0x0  }
0x48: {  	[sflag:s0] =	ssyncadd.s32 @!p0 s1  }
0x49: {  	[bflag:$0x3] =	sbarrier.arrive $0xFFFF  }
0x4a: {  	_ =	shalt  }

// kernel: kernel.28.cloned.1.call-start
scs
__scs_entry_jumppad:
0x0: {  	(pc) =	sbr.rel $0x88, $3  }
0x1: {  	(tag) =	ssettag $0x0;
	lr =	simm.s32 $0x1  }
0x2: {  	[smem:$0x3F37] =	sst lr;
	_ =	strace $0xD0000000  }
0x3: {  	_ = 	snop  }
0x4: {  	_ = 	snop  }
0x5: {  	_ = 	snop  }
0x6: {  	_ = 	snop  }
0x7: {  	_ = 	snop  }
__scs_overlays_trampoline_lowered:
0x8: {  	[smem:$0x3F46] =	sst s0  }
0x9: {  	[smem:$0x3F47] =	sst s1  }
0xa: {  	[smem:$0x3F48] =	sst s2  }
0xb: {  	[smem:$0x3F49] =	sst s3  }
0xc: {  	[smem:$0x3F4A] =	sst s4  }
0xd: {  	[smem:$0x3F4B] =	sst s5  }
0xe: {  	[smem:$0x3F4C] =	sst s6  }
0xf: {  	[smem:$0x3F4D] =	sst s7  }
0x10: {  	[smem:$0x3F4E] =	sst s8  }
0x11: {  	[smem:$0x3F4F] =	sst s9;
	s0 =	simm.s32 @!p0 $0x0  }
0x12: {  	s1 =	sld [smem:$0x3F35];
	s0 =	simm.s32 @p0 $0x1  }
0x13: {  	[smem:$0x3F50] =	sst s0;
	s0 =	simm.s32 @!p1 $0x0  }
0x14: {  	s2 =	sld [smem:$0x3F34];
	s0 =	simm.s32 @p1 $0x1  }
0x15: {  	[smem:$0x3F51] =	sst s0;
	s0 =	simm.s32 @!p2 $0x0  }
0x16: {  	s3 =	sld [smem:$0x3FDB];
	s0 =	simm.s32 @p2 $0x1  }
0x17: {  	s4 =	simm.s32 $0x1BF5;
	[smem:$0x3F53] =	sst s0  }
0x18: {  	s0 =	sld [smem:$0x3F36];
	_ =	swait.ge [sflag:s4], $0x0  }
0x19: {  	s7 =	sld [smem:$0x3F37]  }
0x1a: {  	s8 =	sadd.s32 $0xFFFFE003, lr  }
0x1b: {  	s9 =	sadd.s32 $0xFFFFFEF7, lr;
	s5 =	simm.s32 $0xFFFFFFFF;
	p2 =	slt.u32 s8, $0xFFFFF086  }
0x1c: {  	p1 =	slt.u32 s9, $0xF7A;
	s5 =	simm.s32 @!p2 $0x0  }
0x1d: {  	s5 =	simm.s32 @p1 $0x1;
	p0 =	seq.s32 s7, s2  }
0x1e: {  	s7 =	smul.u32 @!p0 $0xF7A, s2;
	p2 =	seq.s32 @!p0 s5, $0x0  }
0x1f: {  	s9 =	smul.u32 $0xF7A, s1;
	s8 =	simm.s32 @!p0 $0x1BF5;
	p2 =	por !p2, p0  }
0x20: {  	[sflag:s8] =	ssyncset.s32 @!p0 $0xFFFFF086;
	s6 =	sadd.s32 @!p0 s3, s7;
	s7 =	simm.s32 @!p0 $0x108  }
0x21: {  	s3 =	sadd.s32 s3, s9;
	s6 =	sadd.s32 @!p0 $0x88, s6;
	s7 =	simm.s32 @p2 $0x1082  }
0x22: {  	[simem:s7], [sflag:s8] =	dma.local @!p0 [hbm:s6], $0xF7A  }
0x23: {  	s9 =	sor.u32 $0xD0000000, s2;
	s6 =	simm.s32 $0x108;
	_ =	swait.ge @!p0 [sflag:s8], $0x0  }
0x24: {  	s3 =	sadd.s32 $0x88, s3;
	s6 =	simm.s32 @!p1 $0x1082;
	[sflag:s4] =	ssyncset.s32 $0xFFFFF086  }
0x25: {  	[simem:s6], [sflag:s4] =	dma.local [hbm:s3], $0xF7A  }
0x26: {  	[smem:$0x3F37] =	sst s1;
	(tag) =	ssettag s2;
	_ =	strace s9  }
0x27: {  	s1 =	sld [smem:$0x3F47]  }
0x28: {  	s2 =	sld [smem:$0x3F48]  }
0x29: {  	s4 =	sld [smem:$0x3F4A]  }
0x2a: {  	p0 =	seq.s32 s5, $0x0;
	s5 =	sld [smem:$0x3F4B]  }
0x2b: {  	s6 =	sld [smem:$0x3F4C]  }
0x2c: {  	s7 =	sld [smem:$0x3F4D]  }
0x2d: {  	s3 =	simm.s32 $0x108;
	s8 =	sld [smem:$0x3F4E]  }
0x2e: {  	s3 =	simm.s32 @!p0 $0x1082;
	s9 =	sld [smem:$0x3F4F]  }
0x2f: {  	lr =	sadd.s32 s0, s3;
	s0 =	sld [smem:$0x3F46]  }
0x30: {  	s3 =	sld [smem:$0x3F49]  }
0x31: {  	[smem:$0x3F52] =	sst s10  }
0x32: {  	s10 =	sld [smem:$0x3F50];
	_ =	sdelay $0x3  }
0x33: {  	p0 =	seq.s32 s10, $0x1;
	s10 =	sld [smem:$0x3F52];
	_ =	sdelay $0x3  }
0x34: {  	[smem:$0x3F52] =	sst s10  }
0x35: {  	s10 =	sld [smem:$0x3F51];
	_ =	sdelay $0x3  }
0x36: {  	p1 =	seq.s32 s10, $0x1;
	s10 =	sld [smem:$0x3F52];
	_ =	sdelay $0x3  }
0x37: {  	[smem:$0x3F52] =	sst s10  }
0x38: {  	s10 =	sld [smem:$0x3F53]  }
0x39: {  	_ = 	snop;
	(pc) =	sbr.ind lr, $3  }
0x3a: {  	_ = 	snop  }
0x3b: {  	_ = 	snop  }
0x3c: {  	p2 =	seq.s32 s10, $0x1;
	s10 =	sld [smem:$0x3F52]  }
0x3d: {  	_ =	shalt  }
0x3e: {  	_ =	shalt  }
0x3f: {  	_ =	shalt  }
0x40: {  	_ =	shalt  }
0x41: {  	_ =	shalt  }
0x42: {  	_ =	shalt  }
0x43: {  	_ =	shalt  }
0x44: {  	_ =	shalt  }
0x45: {  	_ =	shalt  }
0x46: {  	_ =	shalt  }
0x47: {  	_ =	shalt  }
0x48: {  	_ =	shalt  }
0x49: {  	_ =	shalt  }
0x4a: {  	_ =	shalt  }
0x4b: {  	_ =	shalt  }
0x4c: {  	_ =	shalt  }
0x4d: {  	_ =	shalt  }
0x4e: {  	_ =	shalt  }
0x4f: {  	_ =	shalt  }
0x50: {  	_ =	shalt  }
0x51: {  	_ =	shalt  }
0x52: {  	_ =	shalt  }
0x53: {  	_ =	shalt  }
0x54: {  	_ =	shalt  }
0x55: {  	_ =	shalt  }
0x56: {  	_ =	shalt  }
0x57: {  	_ =	shalt  }
0x58: {  	_ =	shalt  }
0x59: {  	_ =	shalt  }
0x5a: {  	_ =	shalt  }
0x5b: {  	_ =	shalt  }
0x5c: {  	_ =	shalt  }
0x5d: {  	_ =	shalt  }
0x5e: {  	_ =	shalt  }
0x5f: {  	_ =	shalt  }
0x60: {  	_ =	shalt  }
0x61: {  	_ =	shalt  }
0x62: {  	_ =	shalt  }
0x63: {  	_ =	shalt  }
0x64: {  	_ =	shalt  }
0x65: {  	_ =	shalt  }
0x66: {  	_ =	shalt  }
0x67: {  	_ =	shalt  }
0x68: {  	_ =	shalt  }
0x69: {  	_ =	shalt  }
0x6a: {  	_ =	shalt  }
0x6b: {  	_ =	shalt  }
0x6c: {  	_ =	shalt  }
0x6d: {  	_ =	shalt  }
0x6e: {  	_ =	shalt  }
0x6f: {  	_ =	shalt  }
0x70: {  	_ =	shalt  }
0x71: {  	_ =	shalt  }
0x72: {  	_ =	shalt  }
0x73: {  	_ =	shalt  }
0x74: {  	_ =	shalt  }
0x75: {  	_ =	shalt  }
0x76: {  	_ =	shalt  }
0x77: {  	_ =	shalt  }
0x78: {  	_ =	shalt  }
0x79: {  	_ =	shalt  }
0x7a: {  	_ =	shalt  }
0x7b: {  	_ =	shalt  }
0x7c: {  	_ =	shalt  }
0x7d: {  	_ =	shalt  }
0x7e: {  	_ =	shalt  }
0x7f: {  	_ =	shalt  }
0x80: {  	_ =	shalt  }
0x81: {  	_ =	shalt  }
0x82: {  	_ =	shalt  }
0x83: {  	_ =	shalt  }
0x84: {  	_ =	shalt  }
0x85: {  	_ =	shalt  }
0x86: {  	_ =	shalt  }
0x87: {  	_ =	shalt  }
.Lfunc_end0:
.L_simem_size_0:
called_computation.1_lowered:
.L_overlay_start_0:
0x88: {  	s2 =	sld [smem:$0x3FD9]  }
0x89: {  	s3 =	sld [smem:$0x3FFE];
	_ =	sdelay $0x1  }
0x8a: {  	s1 =	srdreg.scid  }
0x8b: {  	s0 =	sand.u32 $0x1, s1  }
0x8c: {  	s17 =	sshll.u32 s0, $0xA;
	s2 =	sadd.s32 s3, s2  }
0x8d: {  	s2 =	sadd.s32 s2, s17  }
0x8e: {  	[smem:$0x3F5E] =	sst s2  }
0x8f: {  	_ = 	snop  }
0x90: {  	s2 =	sld [smem:$0x3FC6];
	(tm) =	ssettm $0x1  }
0x91: {  	s18 =	sld [smem:$0x3FFB];
	_ =	sdelay $0x3  }
0x92: {  	_ =	strace s18  }
0x93: {  	s3 =	sld [smem:$0x3FFC];
	_ =	sdelay $0x3  }
0x94: {  	_ =	strace s3  }
0x95: {  	s3 =	sld [smem:$0x3FFD];
	_ =	sdelay $0x3  }
0x96: {  	_ =	strace s3  }
0x97: {  	_ =	strace $0x8FFFFFFF  }
0x98: {  	s19 =	sld [smem:$0x3FDB];
	_ =	sdelay $0x1  }
0x99: {  	s4 =	simm.s32 $_scs_section_size  }
0x9a: {  	s5 =	simm.s32 $_size__tile_overlayer_lowered;
	s6 =	simm.s32 $_tile_overlayer_lowered  }
0x9b: {  	s22 =	simm.s32 $0x1BFF;
	s21 =	sshll.u32 s6, $0x1;
	s3 =	sadd.s32 s4, s19  }
0x9c: {  	s7 =	simm.s32 $0x0;
	s20 =	sshll.u32 s5, $0x1;
	s5 =	sadd.s32 s21, s3  }
0x9d: {  	[timem:s7], [sflag:s22] =	dma.local [hbm:s5], s20  }
0x9e: {  	_ =	swait.ge [sflag:s22], s20  }
0x9f: {  	s4 =	ssub.s32 $0x0, s20;
	[sflag:s22] =	ssyncset.done $0x0  }
0xa0: {  	[sflag:s22] =	ssyncadd.s32 s4;
	_ =	sdelay $0x1  }
0xa1: {  	s23 =	simm.s32 $0x1B8B  }
0xa2: {  	_ =	swait.ge [sflag:s23], $0x1  }
0xa3: {  	[sflag:s23] =	ssyncset.done $0x0  }
0xa4: {  	s25 =	simm.s32 $0x1B8E;
	s24 =	sld [smem:$0x3FFE];
	[sflag:s23] =	ssyncadd.s32 $0xFFFFFFFF  }
0xa5: {  	s26 =	simm.s32 $execute0_lowered;
	[smem:$0x3FD2] =	sst s25  }
0xa6: {  	s5 =	sshll.u32 s26, $0x1;
	_ =	strace $0x80000049;
	[dreg:$0x1] =	wrdreg $0xFFFFFFFF  }
0xa7: {  	s28 =	simm.s32 $_size_execute0_lowered;
	s3 =	sadd.s32 s3, s5;
	[dreg:$0x0] =	wrdreg $0x0  }
0xa8: {  	s5 =	sshll.u32 s28, $0x1;
	[dreg:$0x2] =	wrdreg s3  }
0xa9: {  	[dreg:$0x3] =	wrdreg s5  }
0xaa: {  	[dreg:$0x4] =	wrdreg $0xC0  }
0xab: {  	_ =	task [dreg:s7], $0x5FFFF  }
0xac: {  	[dreg:$0x1] =	wrdreg $0xFFFFFFFF  }
0xad: {  	[dreg:$0x0] =	wrdreg $0x60  }
0xae: {  	[dreg:$0x2] =	wrdreg s24  }
0xaf: {  	[dreg:$0x3] =	wrdreg s2  }
0xb0: {  	[dreg:$0x4] =	wrdreg $0x3B100  }
0xb1: {  	[dreg:$0x5] =	wrdreg $0x9  }
0xb2: {  	_ =	task.clear_ibuf [dreg:s7], $0x6FFFF;
	_ =	strace $0x90000049  }
0xb3: {  	s29 =	simm.s32 $0x9;
	_ =	strace $0x8000004B  }
0xb4: {  	_ =	swait.ge [sflag:s29], $0x1  }
0xb5: {  	[sflag:s29] =	ssyncadd.s32 $0xFFFFFFFF  }
0xb6: {  	_ =	strace $0x9000004B  }
0xb7: {  	_ =	sfence  }
0xb8: {  	s30 =	sld [smem:$0x0];
	_ =	sdelay $0x2  }
0xb9: {  	s31 =	sshll.u32 s1, $0xD;
	s1 =	sshrl.u32 s1, $0x2  }
0xba: {  	s3 =	sand.u32 $0x4000, s31;
	s1 =	sadd.s32 s1, s30  }
0xbb: {  	s0 =	sor.u32 s3, s0;
	s1 =	sshll.u32 s1, $0x11  }
0xbc: {  	s0 =	sor.u32 s1, s0  }
0xbd: {  	s0 =	sadd.s32 $0x8F2B, s0  }
0xbe: {  	[sflag:s0] =	ssyncadd.remote.s32 $0x1  }
0xbf: {  	_ =	sfence.sel $0xFFFF  }
0xc0: {  	[dreg:$0x0] =	wrdreg $0xFFFFFFFF;
	(pc) =	sbr.abs _section_cstart, $3  }
0xc1: {  	[dreg:$0x1] =	wrdreg $0xFFFFFFFF  }
0xc2: {  	_ =	task.clear_ibuf [dreg:s7], $0x2FFFF;
	_ =	strace $0x9FFFFFFF  }
0xc3: {  	(tm) =	ssettm $0x7FFFFFFF  }
tec
execute0_lowered:
.L_overlay_start_1:
0x0: {  	(tag) =	ssettag $0x1  }
0x1: {  	s5 =	rddreg [dreg:$0x0]  }
0x2: {  	s6 =	rddreg [dreg:$0x1]  }
0x3: {  	s0 =	srdreg.scid;
	s1 =	rddreg [dreg:$0x2]  }
0x4: {  	s2 =	simm.s32 $0x0;
	s7 =	sand.u32 $0x1, s0;
	s0 =	rddreg [dreg:$0x3]  }
0x5: {  	[smem:$0x7FF] =	sst s2;
	s3 =	smul.u32 $0x138800, s7  }
0x6: {  	s9 =	smul.u32 $0x14000, s7;
	s10 =	sshll.u32 s7, $0x4;
	s7 =	ssub.s32 $0x2, s7  }
0x7: {  	s4 =	sadd.s32 $0x2AF800, s5;
	_ =	strace $0x8000004A;
	s30 =	sshrl.u32 s7, $0x1  }
0x8: {  	s8 =	sadd.s32 s3, s5;
	s3 =	stileid.u32;
	s9 =	sadd.s32 s9, s5  }
0x9: {  	s7 =	ssub.s32 s7, s30;
	s10 =	sor.u32 s3, s10;
	s11 =	smul.u32 $0xA000, s3  }
0xa: {  	s31 =	sshll.u32 s3, $0x6;
	s12 =	smul.u32 $0x13880, s3;
	s14 =	sadd.s32 $0x2B0C00, s9  }
0xb: {  	s7 =	smax.u32 s7, $0x1;
	s10 =	smul.u32 $0x2710, s10;
	s5 =	sor.u32 $0x1C01, s31  }
0xc: {  	s13 =	sadd.s32 s11, s1;
	s8 =	sadd.s32 s12, s8;
	s15 =	sshrl.u32 s11, $0x3  }
0xd: {  	s11 =	simm.s32 $0x2710;
	s12 =	simm.s32 $0x50;
	s10 =	sshrl.u32 s10, $0x3  }
0xe: {  	s8 =	sadd.s32 $0x3E800, s8;
	s9 =	sshrl.u32 s13, $0x3;
	s13 =	sadd.s32 s15, s14  }
0xf: {  	s14 =	simm.s32 $0x0;
	s6 =	sadd.s32 s6, s10;
	s10 =	simm.s32 $0x1  }
.LBB2_1:
0x10: {  	[spmem:s9], [sflag:s5] =	dma.local [hbm:s4], $0x1400  }
0x11: {  	_ =	swait.ge [sflag:s10], $0x1400  }
0x12: {  	[sflag:s10] =	ssyncset.done $0x0  }
0x13: {  	[sflag:s10] =	ssyncadd.s32 $0xFFFFEC00  }
0x14: {  	[tilespmem:s2], [sflag:$0x1] =	stream.linear.gather [hbm4b:s6+s2], $0x2710, $0x38;
	[tilespmem:$0xDB10] =	vst v63  }
0x15: {  	_ =	swait.ge [sflag:s10], $0x2710  }
0x16: {  	[sflag:s10] =	ssyncset.done $0x0  }
0x17: {  	[sflag:s10] =	ssyncadd.s32 $0xFFFFD8F0  }
0x18: {  	[bflag:$0x0] =	sbarrier.arrive $0xFFFF  }
0x19: {  	[tilespmem:s11], [sflag:$0x1] =	stream.linear.gather [hbm4b:s8+s2], $0x1400, $0x38;
	[tilespmem:$0xDB10] =	vst v63  }
0x1a: {  	_ =	swait.ge [sflag:s10], $0x1400  }
0x1b: {  	[sflag:s10] =	ssyncset.done $0x0  }
0x1c: {  	s15 =	simm.s32 $0x0;
	[sflag:s10] =	ssyncadd.s32 $0xFFFFEC00  }
0x1d: {  	[spmem:s1] =	stream.indirect.scatter.add.f32 [tilespmem:s11], [sflag:$0x1], $0x40, s15, s12, $0xb8;
	[tilespmem:$0xDB10] =	vst v63  }
0x1e: {  	_ =	swait.ge [sflag:s10], $0x1400  }
0x1f: {  	s16 =	smov.u32 s8;
	s15 =	simm.s32 $0x140;
	[sflag:s10] =	ssyncset.done $0x0  }
.LBB2_2:
0x20: {  	p0 =	sne.s32 s15, $0x9B00;
	[sflag:s10] =	ssyncadd.s32 $0xFFFFEC00;
	s16 =	sadd.s32 $0x280, s16  }
0x21: {  	[tilespmem:s11], [sflag:$0x1] =	stream.linear.gather [hbm4b:s16+s2], $0x1400, $0x38;
	[tilespmem:$0xDB10] =	vst v63  }
0x22: {  	s17 =	smov.u32 s15;
	s15 =	sadd.s32 $0x140, s15;
	_ =	swait.ge [sflag:s10], $0x1400  }
.Ltmp0:
0x23: {  	[sflag:s10] =	ssyncset.done $0x0;
	(pc) =	sbr.rel @p0 .LBB2_2-.Ltmp0, $4  }
0x24: {  	s17 =	sshra.s32 s17, $0x2;
	[sflag:s10] =	ssyncadd.s32 $0xFFFFEC00  }
0x25: {  	[spmem:s1] =	stream.indirect.scatter.add.f32 [tilespmem:s11], [sflag:$0x1], $0x40, s17, s12, $0xb8;
	[tilespmem:$0xDB10] =	vst v63  }
0x26: {  	_ =	swait.ge [sflag:s10], $0x1400  }
0x27: {  	[sflag:s10] =	ssyncset.done $0x0  }
0x28: {  	s14 =	sadd.s32 $0x1, s14  }
0x29: {  	[sflag:s10] =	ssyncadd.s32 $0xFFFFEC00;
	p0 =	sne.s32 s14, s7  }
.Ltmp1:
0x2a: {  	[bflag:$0x0] =	sbarrier.arrive $0xFFFF;
	(pc) =	sbr.rel @p0 .LBB2_1-.Ltmp1, $4  }
0x2b: {  	[hbm:s13], [sflag:s5] =	dma.local [spmem:s9], $0x1400  }
0x2c: {  	_ =	swait.ge [sflag:s10], $0x1400  }
0x2d: {  	[sflag:s10] =	ssyncset.done $0x0  }
0x2e: {  	[sflag:s10] =	ssyncadd.s32 $0xFFFFEC00  }
0x2f: {  	_ =	sfence.sel $0x180000  }
0x30: {  	[bflag:$0x0] =	sbarrier.arrive $0xFFFF  }
0x31: {  	p0 =	sne.s32 s3, $0x0;
	_ =	strace $0x9000004A  }
0x32: {  	s0 =	sadd.s32 @!p0 $0x100000, s0;
	[bflag:$0x2] =	sbarrier.arrive $0xFFFF  }
0x33: {  	[sflag:s0] =	ssyncadd.tile.s32 @!p0 $0x1;
	_ =	shalt  }
.Lfunc_end2:
_tile_overlayer_lowered:
.L_overlay_start_2:
0x34: {  	(tag) =	ssettag $0x2  }
0x35: {  	s0 =	rddreg [dreg:$0x0];
	s2 =	stileid.u32  }
0x36: {  	s1 =	rddreg [dreg:$0x1];
	p0 =	sne.s32 s2, $0x0  }
0x37: {  	s3 =	rddreg [dreg:$0x2];
	[bflag:$0x3] =	sbarrier.arrive $0xFFFF;
	s2 =	simm.s32 @!p0 $0x1C01  }
0x38: {  	[timem:s3], [sflag:s2] =	dma.local @!p0 [hbm:s0], s1  }
0x39: {  	s0 =	simm.s32 @!p0 $0x1  }
0x3a: {  	_ =	swait.ge @!p0 [sflag:s0], s1  }
0x3b: {  	s1 =	ssub.s32 @!p0 $0x0, s1;
	[sflag:s0] =	ssyncset.done @!p0 $0x0  }
0x3c: {  	[sflag:s0] =	ssyncadd.s32 @!p0 s1  }
0x3d: {  	[bflag:$0x3] =	sbarrier.arrive $0xFFFF  }
0x3e: {  	_ =	shalt  }

// kernel: kernel.31.cloned.1.call-start
scs
__scs_entry_jumppad:
0x0: {  	(pc) =	sbr.rel $0x88, $3  }
0x1: {  	(tag) =	ssettag $0x0;
	lr =	simm.s32 $0x1  }
0x2: {  	[smem:$0x3F37] =	sst lr;
	_ =	strace $0xD0000000  }
0x3: {  	_ = 	snop  }
0x4: {  	_ = 	snop  }
0x5: {  	_ = 	snop  }
0x6: {  	_ = 	snop  }
0x7: {  	_ = 	snop  }
__scs_overlays_trampoline_lowered:
0x8: {  	[smem:$0x3F46] =	sst s0  }
0x9: {  	[smem:$0x3F47] =	sst s1  }
0xa: {  	[smem:$0x3F48] =	sst s2  }
0xb: {  	[smem:$0x3F49] =	sst s3  }
0xc: {  	[smem:$0x3F4A] =	sst s4  }
0xd: {  	[smem:$0x3F4B] =	sst s5  }
0xe: {  	[smem:$0x3F4C] =	sst s6  }
0xf: {  	[smem:$0x3F4D] =	sst s7  }
0x10: {  	[smem:$0x3F4E] =	sst s8  }
0x11: {  	[smem:$0x3F4F] =	sst s9;
	s0 =	simm.s32 @!p0 $0x0  }
0x12: {  	s1 =	sld [smem:$0x3F35];
	s0 =	simm.s32 @p0 $0x1  }
0x13: {  	[smem:$0x3F50] =	sst s0;
	s0 =	simm.s32 @!p1 $0x0  }
0x14: {  	s2 =	sld [smem:$0x3F34];
	s0 =	simm.s32 @p1 $0x1  }
0x15: {  	[smem:$0x3F51] =	sst s0;
	s0 =	simm.s32 @!p2 $0x0  }
0x16: {  	s3 =	sld [smem:$0x3FDB];
	s0 =	simm.s32 @p2 $0x1  }
0x17: {  	s4 =	simm.s32 $0x1BF5;
	[smem:$0x3F53] =	sst s0  }
0x18: {  	s0 =	sld [smem:$0x3F36];
	_ =	swait.ge [sflag:s4], $0x0  }
0x19: {  	s7 =	sld [smem:$0x3F37]  }
0x1a: {  	s8 =	sadd.s32 $0xFFFFE003, lr  }
0x1b: {  	s9 =	sadd.s32 $0xFFFFFEF7, lr;
	s5 =	simm.s32 $0xFFFFFFFF;
	p2 =	slt.u32 s8, $0xFFFFF086  }
0x1c: {  	p1 =	slt.u32 s9, $0xF7A;
	s5 =	simm.s32 @!p2 $0x0  }
0x1d: {  	s5 =	simm.s32 @p1 $0x1;
	p0 =	seq.s32 s7, s2  }
0x1e: {  	s7 =	smul.u32 @!p0 $0xF7A, s2;
	p2 =	seq.s32 @!p0 s5, $0x0  }
0x1f: {  	s9 =	smul.u32 $0xF7A, s1;
	s8 =	simm.s32 @!p0 $0x1BF5;
	p2 =	por !p2, p0  }
0x20: {  	[sflag:s8] =	ssyncset.s32 @!p0 $0xFFFFF086;
	s6 =	sadd.s32 @!p0 s3, s7;
	s7 =	simm.s32 @!p0 $0x108  }
0x21: {  	s3 =	sadd.s32 s3, s9;
	s6 =	sadd.s32 @!p0 $0x88, s6;
	s7 =	simm.s32 @p2 $0x1082  }
0x22: {  	[simem:s7], [sflag:s8] =	dma.local @!p0 [hbm:s6], $0xF7A  }
0x23: {  	s9 =	sor.u32 $0xD0000000, s2;
	s6 =	simm.s32 $0x108;
	_ =	swait.ge @!p0 [sflag:s8], $0x0  }
0x24: {  	s3 =	sadd.s32 $0x88, s3;
	s6 =	simm.s32 @!p1 $0x1082;
	[sflag:s4] =	ssyncset.s32 $0xFFFFF086  }
0x25: {  	[simem:s6], [sflag:s4] =	dma.local [hbm:s3], $0xF7A  }
0x26: {  	[smem:$0x3F37] =	sst s1;
	(tag) =	ssettag s2;
	_ =	strace s9  }
0x27: {  	s1 =	sld [smem:$0x3F47]  }
0x28: {  	s2 =	sld [smem:$0x3F48]  }
0x29: {  	s4 =	sld [smem:$0x3F4A]  }
0x2a: {  	p0 =	seq.s32 s5, $0x0;
	s5 =	sld [smem:$0x3F4B]  }
0x2b: {  	s6 =	sld [smem:$0x3F4C]  }
0x2c: {  	s7 =	sld [smem:$0x3F4D]  }
0x2d: {  	s3 =	simm.s32 $0x108;
	s8 =	sld [smem:$0x3F4E]  }
0x2e: {  	s3 =	simm.s32 @!p0 $0x1082;
	s9 =	sld [smem:$0x3F4F]  }
0x2f: {  	lr =	sadd.s32 s0, s3;
	s0 =	sld [smem:$0x3F46]  }
0x30: {  	s3 =	sld [smem:$0x3F49]  }
0x31: {  	[smem:$0x3F52] =	sst s10  }
0x32: {  	s10 =	sld [smem:$0x3F50];
	_ =	sdelay $0x3  }
0x33: {  	p0 =	seq.s32 s10, $0x1;
	s10 =	sld [smem:$0x3F52];
	_ =	sdelay $0x3  }
0x34: {  	[smem:$0x3F52] =	sst s10  }
0x35: {  	s10 =	sld [smem:$0x3F51];
	_ =	sdelay $0x3  }
0x36: {  	p1 =	seq.s32 s10, $0x1;
	s10 =	sld [smem:$0x3F52];
	_ =	sdelay $0x3  }
0x37: {  	[smem:$0x3F52] =	sst s10  }
0x38: {  	s10 =	sld [smem:$0x3F53]  }
0x39: {  	_ = 	snop;
	(pc) =	sbr.ind lr, $3  }
0x3a: {  	_ = 	snop  }
0x3b: {  	_ = 	snop  }
0x3c: {  	p2 =	seq.s32 s10, $0x1;
	s10 =	sld [smem:$0x3F52]  }
0x3d: {  	_ =	shalt  }
0x3e: {  	_ =	shalt  }
0x3f: {  	_ =	shalt  }
0x40: {  	_ =	shalt  }
0x41: {  	_ =	shalt  }
0x42: {  	_ =	shalt  }
0x43: {  	_ =	shalt  }
0x44: {  	_ =	shalt  }
0x45: {  	_ =	shalt  }
0x46: {  	_ =	shalt  }
0x47: {  	_ =	shalt  }
0x48: {  	_ =	shalt  }
0x49: {  	_ =	shalt  }
0x4a: {  	_ =	shalt  }
0x4b: {  	_ =	shalt  }
0x4c: {  	_ =	shalt  }
0x4d: {  	_ =	shalt  }
0x4e: {  	_ =	shalt  }
0x4f: {  	_ =	shalt  }
0x50: {  	_ =	shalt  }
0x51: {  	_ =	shalt  }
0x52: {  	_ =	shalt  }
0x53: {  	_ =	shalt  }
0x54: {  	_ =	shalt  }
0x55: {  	_ =	shalt  }
0x56: {  	_ =	shalt  }
0x57: {  	_ =	shalt  }
0x58: {  	_ =	shalt  }
0x59: {  	_ =	shalt  }
0x5a: {  	_ =	shalt  }
0x5b: {  	_ =	shalt  }
0x5c: {  	_ =	shalt  }
0x5d: {  	_ =	shalt  }
0x5e: {  	_ =	shalt  }
0x5f: {  	_ =	shalt  }
0x60: {  	_ =	shalt  }
0x61: {  	_ =	shalt  }
0x62: {  	_ =	shalt  }
0x63: {  	_ =	shalt  }
0x64: {  	_ =	shalt  }
0x65: {  	_ =	shalt  }
0x66: {  	_ =	shalt  }
0x67: {  	_ =	shalt  }
0x68: {  	_ =	shalt  }
0x69: {  	_ =	shalt  }
0x6a: {  	_ =	shalt  }
0x6b: {  	_ =	shalt  }
0x6c: {  	_ =	shalt  }
0x6d: {  	_ =	shalt  }
0x6e: {  	_ =	shalt  }
0x6f: {  	_ =	shalt  }
0x70: {  	_ =	shalt  }
0x71: {  	_ =	shalt  }
0x72: {  	_ =	shalt  }
0x73: {  	_ =	shalt  }
0x74: {  	_ =	shalt  }
0x75: {  	_ =	shalt  }
0x76: {  	_ =	shalt  }
0x77: {  	_ =	shalt  }
0x78: {  	_ =	shalt  }
0x79: {  	_ =	shalt  }
0x7a: {  	_ =	shalt  }
0x7b: {  	_ =	shalt  }
0x7c: {  	_ =	shalt  }
0x7d: {  	_ =	shalt  }
0x7e: {  	_ =	shalt  }
0x7f: {  	_ =	shalt  }
0x80: {  	_ =	shalt  }
0x81: {  	_ =	shalt  }
0x82: {  	_ =	shalt  }
0x83: {  	_ =	shalt  }
0x84: {  	_ =	shalt  }
0x85: {  	_ =	shalt  }
0x86: {  	_ =	shalt  }
0x87: {  	_ =	shalt  }
.Lfunc_end0:
.L_simem_size_0:
called_computation.2_lowered:
.L_overlay_start_0:
0x88: {  	s2 =	sld [smem:$0x3FD9]  }
0x89: {  	s3 =	sld [smem:$0x3FFE];
	_ =	sdelay $0x1  }
0x8a: {  	s1 =	srdreg.scid  }
0x8b: {  	s0 =	sand.u32 $0x1, s1  }
0x8c: {  	s17 =	sshll.u32 s0, $0xA;
	s2 =	sadd.s32 s3, s2  }
0x8d: {  	s2 =	sadd.s32 s2, s17  }
0x8e: {  	[smem:$0x3F5E] =	sst s2  }
0x8f: {  	_ = 	snop  }
0x90: {  	s2 =	sld [smem:$0x3FC7]  }
0x91: {  	s18 =	sld [smem:$0x3FC6];
	(tm) =	ssettm $0x1  }
0x92: {  	s4 =	sld [smem:$0x3FFB];
	_ =	sdelay $0x3  }
0x93: {  	_ =	strace s4  }
0x94: {  	s4 =	sld [smem:$0x3FFC];
	_ =	sdelay $0x3  }
0x95: {  	_ =	strace s4  }
0x96: {  	s4 =	sld [smem:$0x3FFD];
	_ =	sdelay $0x3  }
0x97: {  	_ =	strace s4  }
0x98: {  	_ =	strace $0x8FFFFFFF  }
0x99: {  	s19 =	sld [smem:$0x3FDB];
	_ =	sdelay $0x1  }
0x9a: {  	s5 =	simm.s32 $_scs_section_size  }
0x9b: {  	s6 =	simm.s32 $_size__tile_overlayer_lowered;
	s7 =	simm.s32 $_tile_overlayer_lowered  }
0x9c: {  	s22 =	simm.s32 $0x1BFF;
	s21 =	sshll.u32 s7, $0x1;
	s4 =	sadd.s32 s5, s19  }
0x9d: {  	s8 =	simm.s32 $0x0;
	s20 =	sshll.u32 s6, $0x1;
	s6 =	sadd.s32 s21, s4  }
0x9e: {  	[timem:s8], [sflag:s22] =	dma.local [hbm:s6], s20  }
0x9f: {  	_ =	swait.ge [sflag:s22], s20  }
0xa0: {  	s5 =	ssub.s32 $0x0, s20;
	[sflag:s22] =	ssyncset.done $0x0  }
0xa1: {  	[sflag:s22] =	ssyncadd.s32 s5;
	_ =	sdelay $0x1  }
0xa2: {  	s23 =	simm.s32 $0x1B8B  }
0xa3: {  	_ =	swait.ge [sflag:s23], $0x1  }
0xa4: {  	[sflag:s23] =	ssyncset.done $0x0  }
0xa5: {  	s25 =	simm.s32 $0x1B8E;
	s24 =	sld [smem:$0x3FFE];
	[sflag:s23] =	ssyncadd.s32 $0xFFFFFFFF  }
0xa6: {  	s26 =	simm.s32 $execute0_lowered;
	[smem:$0x3FD2] =	sst s25  }
0xa7: {  	s6 =	sshll.u32 s26, $0x1;
	_ =	strace $0x8000004C;
	[dreg:$0x1] =	wrdreg $0xFFFFFFFF  }
0xa8: {  	s28 =	simm.s32 $_size_execute0_lowered;
	s4 =	sadd.s32 s4, s6;
	[dreg:$0x0] =	wrdreg $0x0  }
0xa9: {  	s6 =	sshll.u32 s28, $0x1;
	[dreg:$0x2] =	wrdreg s4  }
0xaa: {  	[dreg:$0x3] =	wrdreg s6  }
0xab: {  	[dreg:$0x4] =	wrdreg $0xC0  }
0xac: {  	_ =	task [dreg:s8], $0x5FFFF  }
0xad: {  	[dreg:$0x1] =	wrdreg $0xFFFFFFFF  }
0xae: {  	[dreg:$0x0] =	wrdreg $0x60  }
0xaf: {  	[dreg:$0x2] =	wrdreg s24  }
0xb0: {  	[dreg:$0x3] =	wrdreg s2  }
0xb1: {  	[dreg:$0x4] =	wrdreg s18  }
0xb2: {  	[dreg:$0x5] =	wrdreg $0x9  }
0xb3: {  	_ =	task.clear_ibuf [dreg:s8], $0x6FFFF;
	_ =	strace $0x9000004C  }
0xb4: {  	s29 =	simm.s32 $0x9;
	_ =	strace $0x8000004E  }
0xb5: {  	_ =	swait.ge [sflag:s29], $0x1  }
0xb6: {  	[sflag:s29] =	ssyncadd.s32 $0xFFFFFFFF  }
0xb7: {  	_ =	strace $0x9000004E  }
0xb8: {  	_ =	sfence  }
0xb9: {  	s30 =	sld [smem:$0x0];
	_ =	sdelay $0x2  }
0xba: {  	s31 =	sshll.u32 s1, $0xD;
	s1 =	sshrl.u32 s1, $0x2  }
0xbb: {  	s3 =	sand.u32 $0x4000, s31;
	s1 =	sadd.s32 s1, s30  }
0xbc: {  	s0 =	sor.u32 s3, s0;
	s1 =	sshll.u32 s1, $0x11  }
0xbd: {  	s0 =	sor.u32 s1, s0  }
0xbe: {  	s0 =	sadd.s32 $0x8F2B, s0  }
0xbf: {  	[sflag:s0] =	ssyncadd.remote.s32 $0x1  }
0xc0: {  	_ =	sfence.sel $0xFFFF  }
0xc1: {  	[dreg:$0x0] =	wrdreg $0xFFFFFFFF;
	(pc) =	sbr.abs _section_cstart, $3  }
0xc2: {  	[dreg:$0x1] =	wrdreg $0xFFFFFFFF  }
0xc3: {  	_ =	task.clear_ibuf [dreg:s8], $0x2FFFF;
	_ =	strace $0x9FFFFFFF  }
0xc4: {  	(tm) =	ssettm $0x7FFFFFFF  }
0xc5: {  	_ =	shalt  }
tec
execute0_lowered:
.L_overlay_start_1:
0x0: {  	(tag) =	ssettag $0x1  }
0x1: {  	s5 =	rddreg [dreg:$0x0]  }
0x2: {  	s6 =	rddreg [dreg:$0x1]  }
0x3: {  	s7 =	rddreg [dreg:$0x2]  }
0x4: {  	s1 =	srdreg.scid;
	s0 =	rddreg [dreg:$0x3];
	s2 =	simm.s32 $0x0  }
0x5: {  	s12 =	simm.s32 $0x4E20;
	s13 =	simm.s32 $0x1;
	s14 =	simm.s32 $0x0  }
0x6: {  	s8 =	sand.u32 $0x1, s1;
	s1 =	stileid.u32;
	[smem:$0x7FF] =	sst s2  }
0x7: {  	s3 =	sshll.u32 s8, $0x4;
	s9 =	smul.u32 $0x138800, s8;
	_ =	strace $0x8000004D  }
0x8: {  	s8 =	ssub.s32 $0x2, s8;
	s11 =	smul.u32 $0x13880, s1;
	s4 =	sor.u32 s1, s3  }
0x9: {  	s3 =	sadd.s32 $0x3E800, s5;
	s31 =	sshrl.u32 s8, $0x1;
	s10 =	smul.u32 $0x2710, s4  }
0xa: {  	s4 =	sadd.s32 $0x52200, s5;
	s9 =	sadd.s32 s9, s5;
	s8 =	ssub.s32 s8, s31  }
0xb: {  	s9 =	sadd.s32 s11, s9;
	s11 =	simm.s32 $0x50;
	s10 =	sshrl.u32 s10, $0x3  }
0xc: {  	s5 =	sadd.s32 s6, s10;
	s6 =	sadd.s32 s7, s10;
	s7 =	smax.u32 s8, $0x1  }
0xd: {  	s8 =	sadd.s32 $0x2B0C00, s9;
	s9 =	simm.s32 $0x2;
	s10 =	simm.s32 $0x2710  }
.LBB2_1:
0xe: {  	[tilespmem:s2], [sflag:$0x2] =	stream.linear.gather [hbm4b:s5+s2], $0x2710, $0x38;
	[tilespmem:$0x6220] =	vst v63  }
0xf: {  	_ =	swait.ge [sflag:s9], $0x2710  }
0x10: {  	[sflag:s9] =	ssyncset.done $0x0  }
0x11: {  	[sflag:s9] =	ssyncadd.s32 $0xFFFFD8F0  }
0x12: {  	[tilespmem:s10], [sflag:$0x2] =	stream.linear.gather [hbm4b:s6+s2], $0x2710, $0x38;
	[tilespmem:$0x6220] =	vst v63  }
0x13: {  	_ =	swait.ge [sflag:s9], $0x2710  }
0x14: {  	[sflag:s9] =	ssyncset.done $0x0  }
0x15: {  	s15 =	simm.s32 $0x0;
	[sflag:s9] =	ssyncadd.s32 $0xFFFFD8F0  }
0x16: {  	[tilespmem:s12], [sflag:$0x1] =	stream.indirect.gather [hbm4b:s3+s11], $0x40, s15, s11, $0xb8;
	[tilespmem:$0x6220] =	vst v63  }
0x17: {  	_ =	swait.ge [sflag:s13], $0x1400  }
0x18: {  	[sflag:s13] =	ssyncset.done $0x0  }
0x19: {  	s31 =	simm.s32 $0x2710;
	[sflag:s13] =	ssyncadd.s32 $0xFFFFEC00  }
0x1a: {  	[tilespmem:s12], [sflag:$0x1] =	stream.indirect.gather.add.f32 [hbm:s4], $0x40, s31, s11, $0xb8;
	[tilespmem:$0x6220] =	vst v63  }
0x1b: {  	_ =	swait.ge [sflag:s13], $0x1400  }
0x1c: {  	[sflag:s13] =	ssyncset.done $0x0  }
0x1d: {  	[sflag:s13] =	ssyncadd.s32 $0xFFFFEC00  }
0x1e: {  	[hbm4b:s8+s2] =	stream.linear.scatter [tilespmem:s12], [sflag:$0x2], $0x1400, $0x38;
	[tilespmem:$0x6220] =	vst v63  }
0x1f: {  	s16 =	simm.s32 $0x140;
	_ =	swait.ge [sflag:s9], $0x1400  }
0x20: {  	s17 =	simm.s32 $0x280;
	s15 =	sadd.s32 $0x280, s8;
	[sflag:s9] =	ssyncset.done $0x0  }
.LBB2_2:
0x21: {  	s18 =	sshra.s32 s16, $0x2  }
0x22: {  	[sflag:s9] =	ssyncadd.s32 $0xFFFFEC00;
	s16 =	smov.u32 s17;
	s19 =	sadd.s32 $0x140, s17  }
0x23: {  	[tilespmem:s12], [sflag:$0x1] =	stream.indirect.gather [hbm4b:s3+s11], $0x40, s18, s11, $0xb8;
	[tilespmem:$0x6220] =	vst v63  }
0x24: {  	p0 =	sne.s32 s17, $0x9B00;
	_ =	swait.ge [sflag:s13], $0x1400  }
0x25: {  	[sflag:s13] =	ssyncset.done $0x0  }
0x26: {  	s17 =	sadd.s32 $0x2710, s18;
	[sflag:s13] =	ssyncadd.s32 $0xFFFFEC00  }
0x27: {  	[tilespmem:s12], [sflag:$0x1] =	stream.indirect.gather.add.f32 [hbm:s4], $0x40, s17, s11, $0xb8;
	[tilespmem:$0x6220] =	vst v63  }
0x28: {  	_ =	swait.ge [sflag:s13], $0x1400  }
.Ltmp0:
0x29: {  	[sflag:s13] =	ssyncset.done $0x0;
	(pc) =	sbr.rel @p0 .LBB2_2-.Ltmp0, $4  }
0x2a: {  	[sflag:s13] =	ssyncadd.s32 $0xFFFFEC00  }
0x2b: {  	[hbm4b:s15+s2] =	stream.linear.scatter [tilespmem:s12], [sflag:$0x2], $0x1400, $0x38;
	[tilespmem:$0x6220] =	vst v63  }
0x2c: {  	_ =	swait.ge [sflag:s9], $0x1400  }
0x2d: {  	s17 =	smov.u32 s19;
	s15 =	sadd.s32 $0x280, s15;
	[sflag:s9] =	ssyncset.done $0x0  }
0x2e: {  	s16 =	sshra.s32 s16, $0x2;
	[sflag:s9] =	ssyncadd.s32 $0xFFFFEC00  }
0x2f: {  	[tilespmem:s12], [sflag:$0x1] =	stream.indirect.gather [hbm4b:s3+s11], $0x40, s16, s11, $0xb8;
	[tilespmem:$0x6220] =	vst v63  }
0x30: {  	_ =	swait.ge [sflag:s13], $0x1400  }
0x31: {  	[sflag:s13] =	ssyncset.done $0x0  }
0x32: {  	s16 =	sadd.s32 $0x2710, s16;
	[sflag:s13] =	ssyncadd.s32 $0xFFFFEC00  }
0x33: {  	[tilespmem:s12], [sflag:$0x1] =	stream.indirect.gather.add.f32 [hbm:s4], $0x40, s16, s11, $0xb8;
	[tilespmem:$0x6220] =	vst v63  }
0x34: {  	s14 =	sadd.s32 $0x1, s14;
	_ =	swait.ge [sflag:s13], $0x1400  }
0x35: {  	p0 =	sne.s32 s14, s7;
	[sflag:s13] =	ssyncset.done $0x0  }
.Ltmp1:
0x36: {  	[sflag:s13] =	ssyncadd.s32 $0xFFFFEC00;
	(pc) =	sbr.rel @p0 .LBB2_1-.Ltmp1, $4  }
0x37: {  	[hbm4b:s15+s2] =	stream.linear.scatter [tilespmem:s12], [sflag:$0x2], $0x1400, $0x38;
	[tilespmem:$0x6220] =	vst v63  }
0x38: {  	_ =	swait.ge [sflag:s9], $0x1400  }
0x39: {  	[sflag:s9] =	ssyncset.done $0x0  }
0x3a: {  	[sflag:s9] =	ssyncadd.s32 $0xFFFFEC00  }
0x3b: {  	_ =	sfence.sel $0x180000  }
0x3c: {  	[bflag:$0x0] =	sbarrier.arrive $0xFFFF  }
0x3d: {  	p0 =	sne.s32 s1, $0x0;
	_ =	strace $0x9000004D  }
0x3e: {  	s0 =	sadd.s32 @!p0 $0x100000, s0;
	[bflag:$0x2] =	sbarrier.arrive $0xFFFF  }
0x3f: {  	[sflag:s0] =	ssyncadd.tile.s32 @!p0 $0x1;
	_ =	shalt  }
.Lfunc_end2:
_tile_overlayer_lowered:
.L_overlay_start_2:
0x40: {  	(tag) =	ssettag $0x2  }
0x41: {  	s0 =	rddreg [dreg:$0x0];
	s2 =	stileid.u32  }
0x42: {  	s1 =	rddreg [dreg:$0x1];
	p0 =	sne.s32 s2, $0x0  }
0x43: {  	s3 =	rddreg [dreg:$0x2];
	[bflag:$0x3] =	sbarrier.arrive $0xFFFF;
	s2 =	simm.s32 @!p0 $0x1C02  }
0x44: {  	[timem:s3], [sflag:s2] =	dma.local @!p0 [hbm:s0], s1  }
0x45: {  	s0 =	simm.s32 @!p0 $0x2  }
0x46: {  	_ =	swait.ge @!p0 [sflag:s0], s1  }
0x47: {  	s1 =	ssub.s32 @!p0 $0x0, s1;
	[sflag:s0] =	ssyncset.done @!p0 $0x0  }
0x48: {  	[sflag:s0] =	ssyncadd.s32 @!p0 s1  }
0x49: {  	[bflag:$0x3] =	sbarrier.arrive $0xFFFF  }
0x4a: {  	_ =	shalt  }

// kernel: kernel.34.cloned.1.call-start
scs
__scs_entry_jumppad:
0x0: {  	(pc) =	sbr.rel $0x88, $3  }
0x1: {  	(tag) =	ssettag $0x0;
	lr =	simm.s32 $0x1  }
0x2: {  	[smem:$0x3F37] =	sst lr;
	_ =	strace $0xD0000000  }
0x3: {  	_ = 	snop  }
0x4: {  	_ = 	snop  }
0x5: {  	_ = 	snop  }
0x6: {  	_ = 	snop  }
0x7: {  	_ = 	snop  }
__scs_overlays_trampoline_lowered:
0x8: {  	[smem:$0x3F46] =	sst s0  }
0x9: {  	[smem:$0x3F47] =	sst s1  }
0xa: {  	[smem:$0x3F48] =	sst s2  }
0xb: {  	[smem:$0x3F49] =	sst s3  }
0xc: {  	[smem:$0x3F4A] =	sst s4  }
0xd: {  	[smem:$0x3F4B] =	sst s5  }
0xe: {  	[smem:$0x3F4C] =	sst s6  }
0xf: {  	[smem:$0x3F4D] =	sst s7  }
0x10: {  	[smem:$0x3F4E] =	sst s8  }
0x11: {  	[smem:$0x3F4F] =	sst s9;
	s0 =	simm.s32 @!p0 $0x0  }
0x12: {  	s1 =	sld [smem:$0x3F35];
	s0 =	simm.s32 @p0 $0x1  }
0x13: {  	[smem:$0x3F50] =	sst s0;
	s0 =	simm.s32 @!p1 $0x0  }
0x14: {  	s2 =	sld [smem:$0x3F34];
	s0 =	simm.s32 @p1 $0x1  }
0x15: {  	[smem:$0x3F51] =	sst s0;
	s0 =	simm.s32 @!p2 $0x0  }
0x16: {  	s3 =	sld [smem:$0x3FDB];
	s0 =	simm.s32 @p2 $0x1  }
0x17: {  	s4 =	simm.s32 $0x1BF5;
	[smem:$0x3F53] =	sst s0  }
0x18: {  	s0 =	sld [smem:$0x3F36];
	_ =	swait.ge [sflag:s4], $0x0  }
0x19: {  	s7 =	sld [smem:$0x3F37]  }
0x1a: {  	s8 =	sadd.s32 $0xFFFFE003, lr  }
0x1b: {  	s9 =	sadd.s32 $0xFFFFFEF7, lr;
	s5 =	simm.s32 $0xFFFFFFFF;
	p2 =	slt.u32 s8, $0xFFFFF086  }
0x1c: {  	p1 =	slt.u32 s9, $0xF7A;
	s5 =	simm.s32 @!p2 $0x0  }
0x1d: {  	s5 =	simm.s32 @p1 $0x1;
	p0 =	seq.s32 s7, s2  }
0x1e: {  	s7 =	smul.u32 @!p0 $0xF7A, s2;
	p2 =	seq.s32 @!p0 s5, $0x0  }
0x1f: {  	s9 =	smul.u32 $0xF7A, s1;
	s8 =	simm.s32 @!p0 $0x1BF5;
	p2 =	por !p2, p0  }
0x20: {  	[sflag:s8] =	ssyncset.s32 @!p0 $0xFFFFF086;
	s6 =	sadd.s32 @!p0 s3, s7;
	s7 =	simm.s32 @!p0 $0x108  }
0x21: {  	s3 =	sadd.s32 s3, s9;
	s6 =	sadd.s32 @!p0 $0x88, s6;
	s7 =	simm.s32 @p2 $0x1082  }
0x22: {  	[simem:s7], [sflag:s8] =	dma.local @!p0 [hbm:s6], $0xF7A  }
0x23: {  	s9 =	sor.u32 $0xD0000000, s2;
	s6 =	simm.s32 $0x108;
	_ =	swait.ge @!p0 [sflag:s8], $0x0  }
0x24: {  	s3 =	sadd.s32 $0x88, s3;
	s6 =	simm.s32 @!p1 $0x1082;
	[sflag:s4] =	ssyncset.s32 $0xFFFFF086  }
0x25: {  	[simem:s6], [sflag:s4] =	dma.local [hbm:s3], $0xF7A  }
0x26: {  	[smem:$0x3F37] =	sst s1;
	(tag) =	ssettag s2;
	_ =	strace s9  }
0x27: {  	s1 =	sld [smem:$0x3F47]  }
0x28: {  	s2 =	sld [smem:$0x3F48]  }
0x29: {  	s4 =	sld [smem:$0x3F4A]  }
0x2a: {  	p0 =	seq.s32 s5, $0x0;
	s5 =	sld [smem:$0x3F4B]  }
0x2b: {  	s6 =	sld [smem:$0x3F4C]  }
0x2c: {  	s7 =	sld [smem:$0x3F4D]  }
0x2d: {  	s3 =	simm.s32 $0x108;
	s8 =	sld [smem:$0x3F4E]  }
0x2e: {  	s3 =	simm.s32 @!p0 $0x1082;
	s9 =	sld [smem:$0x3F4F]  }
0x2f: {  	lr =	sadd.s32 s0, s3;
	s0 =	sld [smem:$0x3F46]  }
0x30: {  	s3 =	sld [smem:$0x3F49]  }
0x31: {  	[smem:$0x3F52] =	sst s10  }
0x32: {  	s10 =	sld [smem:$0x3F50];
	_ =	sdelay $0x3  }
0x33: {  	p0 =	seq.s32 s10, $0x1;
	s10 =	sld [smem:$0x3F52];
	_ =	sdelay $0x3  }
0x34: {  	[smem:$0x3F52] =	sst s10  }
0x35: {  	s10 =	sld [smem:$0x3F51];
	_ =	sdelay $0x3  }
0x36: {  	p1 =	seq.s32 s10, $0x1;
	s10 =	sld [smem:$0x3F52];
	_ =	sdelay $0x3  }
0x37: {  	[smem:$0x3F52] =	sst s10  }
0x38: {  	s10 =	sld [smem:$0x3F53]  }
0x39: {  	_ = 	snop;
	(pc) =	sbr.ind lr, $3  }
0x3a: {  	_ = 	snop  }
0x3b: {  	_ = 	snop  }
0x3c: {  	p2 =	seq.s32 s10, $0x1;
	s10 =	sld [smem:$0x3F52]  }
0x3d: {  	_ =	shalt  }
0x3e: {  	_ =	shalt  }
0x3f: {  	_ =	shalt  }
0x40: {  	_ =	shalt  }
0x41: {  	_ =	shalt  }
0x42: {  	_ =	shalt  }
0x43: {  	_ =	shalt  }
0x44: {  	_ =	shalt  }
0x45: {  	_ =	shalt  }
0x46: {  	_ =	shalt  }
0x47: {  	_ =	shalt  }
0x48: {  	_ =	shalt  }
0x49: {  	_ =	shalt  }
0x4a: {  	_ =	shalt  }
0x4b: {  	_ =	shalt  }
0x4c: {  	_ =	shalt  }
0x4d: {  	_ =	shalt  }
0x4e: {  	_ =	shalt  }
0x4f: {  	_ =	shalt  }
0x50: {  	_ =	shalt  }
0x51: {  	_ =	shalt  }
0x52: {  	_ =	shalt  }
0x53: {  	_ =	shalt  }
0x54: {  	_ =	shalt  }
0x55: {  	_ =	shalt  }
0x56: {  	_ =	shalt  }
0x57: {  	_ =	shalt  }
0x58: {  	_ =	shalt  }
0x59: {  	_ =	shalt  }
0x5a: {  	_ =	shalt  }
0x5b: {  	_ =	shalt  }
0x5c: {  	_ =	shalt  }
0x5d: {  	_ =	shalt  }
0x5e: {  	_ =	shalt  }
0x5f: {  	_ =	shalt  }
0x60: {  	_ =	shalt  }
0x61: {  	_ =	shalt  }
0x62: {  	_ =	shalt  }
0x63: {  	_ =	shalt  }
0x64: {  	_ =	shalt  }
0x65: {  	_ =	shalt  }
0x66: {  	_ =	shalt  }
0x67: {  	_ =	shalt  }
0x68: {  	_ =	shalt  }
0x69: {  	_ =	shalt  }
0x6a: {  	_ =	shalt  }
0x6b: {  	_ =	shalt  }
0x6c: {  	_ =	shalt  }
0x6d: {  	_ =	shalt  }
0x6e: {  	_ =	shalt  }
0x6f: {  	_ =	shalt  }
0x70: {  	_ =	shalt  }
0x71: {  	_ =	shalt  }
0x72: {  	_ =	shalt  }
0x73: {  	_ =	shalt  }
0x74: {  	_ =	shalt  }
0x75: {  	_ =	shalt  }
0x76: {  	_ =	shalt  }
0x77: {  	_ =	shalt  }
0x78: {  	_ =	shalt  }
0x79: {  	_ =	shalt  }
0x7a: {  	_ =	shalt  }
0x7b: {  	_ =	shalt  }
0x7c: {  	_ =	shalt  }
0x7d: {  	_ =	shalt  }
0x7e: {  	_ =	shalt  }
0x7f: {  	_ =	shalt  }
0x80: {  	_ =	shalt  }
0x81: {  	_ =	shalt  }
0x82: {  	_ =	shalt  }
0x83: {  	_ =	shalt  }
0x84: {  	_ =	shalt  }
0x85: {  	_ =	shalt  }
0x86: {  	_ =	shalt  }
0x87: {  	_ =	shalt  }
.Lfunc_end0:
.L_simem_size_0:
called_computation.3_lowered:
.L_overlay_start_0:
0x88: {  	s2 =	sld [smem:$0x3FD9]  }
0x89: {  	s3 =	sld [smem:$0x3FFE];
	_ =	sdelay $0x1  }
0x8a: {  	s1 =	srdreg.scid  }
0x8b: {  	s0 =	sand.u32 $0x1, s1  }
0x8c: {  	s17 =	sshll.u32 s0, $0xA;
	s2 =	sadd.s32 s3, s2  }
0x8d: {  	s2 =	sadd.s32 s2, s17  }
0x8e: {  	[smem:$0x3F5E] =	sst s2  }
0x8f: {  	_ = 	snop  }
0x90: {  	s2 =	sld [smem:$0x3FC6];
	(tm) =	ssettm $0x1  }
0x91: {  	s18 =	sld [smem:$0x3FFB];
	_ =	sdelay $0x3  }
0x92: {  	_ =	strace s18  }
0x93: {  	s3 =	sld [smem:$0x3FFC];
	_ =	sdelay $0x3  }
0x94: {  	_ =	strace s3  }
0x95: {  	s3 =	sld [smem:$0x3FFD];
	_ =	sdelay $0x3  }
0x96: {  	_ =	strace s3  }
0x97: {  	_ =	strace $0x8FFFFFFF  }
0x98: {  	s19 =	sld [smem:$0x3FDB];
	_ =	sdelay $0x1  }
0x99: {  	s4 =	simm.s32 $_scs_section_size  }
0x9a: {  	s5 =	simm.s32 $_size__tile_overlayer_lowered;
	s6 =	simm.s32 $_tile_overlayer_lowered  }
0x9b: {  	s22 =	simm.s32 $0x1BFF;
	s21 =	sshll.u32 s6, $0x1;
	s3 =	sadd.s32 s4, s19  }
0x9c: {  	s7 =	simm.s32 $0x0;
	s20 =	sshll.u32 s5, $0x1;
	s5 =	sadd.s32 s21, s3  }
0x9d: {  	[timem:s7], [sflag:s22] =	dma.local [hbm:s5], s20  }
0x9e: {  	_ =	swait.ge [sflag:s22], s20  }
0x9f: {  	s4 =	ssub.s32 $0x0, s20;
	[sflag:s22] =	ssyncset.done $0x0  }
0xa0: {  	[sflag:s22] =	ssyncadd.s32 s4;
	_ =	sdelay $0x1  }
0xa1: {  	s23 =	simm.s32 $0x1B8B  }
0xa2: {  	_ =	swait.ge [sflag:s23], $0x1  }
0xa3: {  	[sflag:s23] =	ssyncset.done $0x0  }
0xa4: {  	s25 =	simm.s32 $0x1B8E;
	s24 =	sld [smem:$0x3FFE];
	[sflag:s23] =	ssyncadd.s32 $0xFFFFFFFF  }
0xa5: {  	s26 =	simm.s32 $execute0_lowered;
	[smem:$0x3FD2] =	sst s25  }
0xa6: {  	s5 =	sshll.u32 s26, $0x1;
	_ =	strace $0x8000004F;
	[dreg:$0x1] =	wrdreg $0xFFFFFFFF  }
0xa7: {  	s28 =	simm.s32 $_size_execute0_lowered;
	s3 =	sadd.s32 s3, s5;
	[dreg:$0x0] =	wrdreg $0x0  }
0xa8: {  	s5 =	sshll.u32 s28, $0x1;
	[dreg:$0x2] =	wrdreg s3  }
0xa9: {  	[dreg:$0x3] =	wrdreg s5  }
0xaa: {  	[dreg:$0x4] =	wrdreg $0xC0  }
0xab: {  	_ =	task [dreg:s7], $0x5FFFF  }
0xac: {  	[dreg:$0x1] =	wrdreg $0xFFFFFFFF  }
0xad: {  	[dreg:$0x0] =	wrdreg $0x60  }
0xae: {  	[dreg:$0x2] =	wrdreg s24  }
0xaf: {  	[dreg:$0x3] =	wrdreg s2  }
0xb0: {  	[dreg:$0x4] =	wrdreg $0x3B100  }
0xb1: {  	[dreg:$0x5] =	wrdreg $0x9  }
0xb2: {  	_ =	task.clear_ibuf [dreg:s7], $0x6FFFF;
	_ =	strace $0x9000004F  }
0xb3: {  	s29 =	simm.s32 $0x9;
	_ =	strace $0x80000051  }
0xb4: {  	_ =	swait.ge [sflag:s29], $0x1  }
0xb5: {  	[sflag:s29] =	ssyncadd.s32 $0xFFFFFFFF  }
0xb6: {  	_ =	strace $0x90000051  }
0xb7: {  	_ =	sfence  }
0xb8: {  	s30 =	sld [smem:$0x0];
	_ =	sdelay $0x2  }
0xb9: {  	s31 =	sshll.u32 s1, $0xD;
	s1 =	sshrl.u32 s1, $0x2  }
0xba: {  	s3 =	sand.u32 $0x4000, s31;
	s1 =	sadd.s32 s1, s30  }
0xbb: {  	s0 =	sor.u32 s3, s0;
	s1 =	sshll.u32 s1, $0x11  }
0xbc: {  	s0 =	sor.u32 s1, s0  }
0xbd: {  	s0 =	sadd.s32 $0x8F2B, s0  }
0xbe: {  	[sflag:s0] =	ssyncadd.remote.s32 $0x1  }
0xbf: {  	_ =	sfence.sel $0xFFFF  }
0xc0: {  	[dreg:$0x0] =	wrdreg $0xFFFFFFFF;
	(pc) =	sbr.abs _section_cstart, $3  }
0xc1: {  	[dreg:$0x1] =	wrdreg $0xFFFFFFFF  }
0xc2: {  	_ =	task.clear_ibuf [dreg:s7], $0x2FFFF;
	_ =	strace $0x9FFFFFFF  }
0xc3: {  	(tm) =	ssettm $0x7FFFFFFF  }
tec
execute0_lowered:
.L_overlay_start_1:
0x0: {  	(tag) =	ssettag $0x1  }
0x1: {  	s5 =	rddreg [dreg:$0x0]  }
0x2: {  	s6 =	rddreg [dreg:$0x1]  }
0x3: {  	s0 =	srdreg.scid;
	s1 =	rddreg [dreg:$0x2]  }
0x4: {  	s2 =	simm.s32 $0x0;
	s7 =	sand.u32 $0x1, s0;
	s0 =	rddreg [dreg:$0x3]  }
0x5: {  	[smem:$0x7FF] =	sst s2;
	s3 =	smul.u32 $0x138800, s7  }
0x6: {  	s9 =	smul.u32 $0x14000, s7;
	s10 =	sshll.u32 s7, $0x4;
	s7 =	ssub.s32 $0x2, s7  }
0x7: {  	s4 =	sadd.s32 $0x2AF800, s5;
	_ =	strace $0x80000050;
	s30 =	sshrl.u32 s7, $0x1  }
0x8: {  	s8 =	sadd.s32 s3, s5;
	s3 =	stileid.u32;
	s9 =	sadd.s32 s9, s5  }
0x9: {  	s7 =	ssub.s32 s7, s30;
	s10 =	sor.u32 s3, s10;
	s11 =	smul.u32 $0xA000, s3  }
0xa: {  	s31 =	sshll.u32 s3, $0x6;
	s12 =	smul.u32 $0x13880, s3;
	s14 =	sadd.s32 $0x2B0C00, s9  }
0xb: {  	s7 =	smax.u32 s7, $0x1;
	s10 =	smul.u32 $0x2710, s10;
	s5 =	sor.u32 $0x1C01, s31  }
0xc: {  	s13 =	sadd.s32 s11, s1;
	s8 =	sadd.s32 s12, s8;
	s15 =	sshrl.u32 s11, $0x3  }
0xd: {  	s11 =	simm.s32 $0x2710;
	s12 =	simm.s32 $0x50;
	s10 =	sshrl.u32 s10, $0x3  }
0xe: {  	s8 =	sadd.s32 $0x3E800, s8;
	s9 =	sshrl.u32 s13, $0x3;
	s13 =	sadd.s32 s15, s14  }
0xf: {  	s14 =	simm.s32 $0x0;
	s6 =	sadd.s32 s6, s10;
	s10 =	simm.s32 $0x1  }
.LBB2_1:
0x10: {  	[spmem:s9], [sflag:s5] =	dma.local [hbm:s4], $0x1400  }
0x11: {  	_ =	swait.ge [sflag:s10], $0x1400  }
0x12: {  	[sflag:s10] =	ssyncset.done $0x0  }
0x13: {  	[sflag:s10] =	ssyncadd.s32 $0xFFFFEC00  }
0x14: {  	[tilespmem:s2], [sflag:$0x1] =	stream.linear.gather [hbm4b:s6+s2], $0x2710, $0x38;
	[tilespmem:$0xDB10] =	vst v63  }
0x15: {  	_ =	swait.ge [sflag:s10], $0x2710  }
0x16: {  	[sflag:s10] =	ssyncset.done $0x0  }
0x17: {  	[sflag:s10] =	ssyncadd.s32 $0xFFFFD8F0  }
0x18: {  	[bflag:$0x0] =	sbarrier.arrive $0xFFFF  }
0x19: {  	[tilespmem:s11], [sflag:$0x1] =	stream.linear.gather [hbm4b:s8+s2], $0x1400, $0x38;
	[tilespmem:$0xDB10] =	vst v63  }
0x1a: {  	_ =	swait.ge [sflag:s10], $0x1400  }
0x1b: {  	[sflag:s10] =	ssyncset.done $0x0  }
0x1c: {  	s15 =	simm.s32 $0x0;
	[sflag:s10] =	ssyncadd.s32 $0xFFFFEC00  }
0x1d: {  	[spmem:s1] =	stream.indirect.scatter.add.f32 [tilespmem:s11], [sflag:$0x1], $0x40, s15, s12, $0xb8;
	[tilespmem:$0xDB10] =	vst v63  }
0x1e: {  	_ =	swait.ge [sflag:s10], $0x1400  }
0x1f: {  	s16 =	smov.u32 s8;
	s15 =	simm.s32 $0x140;
	[sflag:s10] =	ssyncset.done $0x0  }
.LBB2_2:
0x20: {  	p0 =	sne.s32 s15, $0x9B00;
	[sflag:s10] =	ssyncadd.s32 $0xFFFFEC00;
	s16 =	sadd.s32 $0x280, s16  }
0x21: {  	[tilespmem:s11], [sflag:$0x1] =	stream.linear.gather [hbm4b:s16+s2], $0x1400, $0x38;
	[tilespmem:$0xDB10] =	vst v63  }
0x22: {  	s17 =	smov.u32 s15;
	s15 =	sadd.s32 $0x140, s15;
	_ =	swait.ge [sflag:s10], $0x1400  }
.Ltmp0:
0x23: {  	[sflag:s10] =	ssyncset.done $0x0;
	(pc) =	sbr.rel @p0 .LBB2_2-.Ltmp0, $4  }
0x24: {  	s17 =	sshra.s32 s17, $0x2;
	[sflag:s10] =	ssyncadd.s32 $0xFFFFEC00  }
0x25: {  	[spmem:s1] =	stream.indirect.scatter.add.f32 [tilespmem:s11], [sflag:$0x1], $0x40, s17, s12, $0xb8;
	[tilespmem:$0xDB10] =	vst v63  }
0x26: {  	_ =	swait.ge [sflag:s10], $0x1400  }
0x27: {  	[sflag:s10] =	ssyncset.done $0x0  }
0x28: {  	s14 =	sadd.s32 $0x1, s14  }
0x29: {  	[sflag:s10] =	ssyncadd.s32 $0xFFFFEC00;
	p0 =	sne.s32 s14, s7  }
.Ltmp1:
0x2a: {  	[bflag:$0x0] =	sbarrier.arrive $0xFFFF;
	(pc) =	sbr.rel @p0 .LBB2_1-.Ltmp1, $4  }
0x2b: {  	[hbm:s13], [sflag:s5] =	dma.local [spmem:s9], $0x1400  }
0x2c: {  	_ =	swait.ge [sflag:s10], $0x1400  }
0x2d: {  	[sflag:s10] =	ssyncset.done $0x0  }
0x2e: {  	[sflag:s10] =	ssyncadd.s32 $0xFFFFEC00  }
0x2f: {  	_ =	sfence.sel $0x180000  }
0x30: {  	[bflag:$0x0] =	sbarrier.arrive $0xFFFF  }
0x31: {  	p0 =	sne.s32 s3, $0x0;
	_ =	strace $0x90000050  }
0x32: {  	s0 =	sadd.s32 @!p0 $0x100000, s0;
	[bflag:$0x2] =	sbarrier.arrive $0xFFFF  }
0x33: {  	[sflag:s0] =	ssyncadd.tile.s32 @!p0 $0x1;
	_ =	shalt  }
.Lfunc_end2:
_tile_overlayer_lowered:
.L_overlay_start_2:
0x34: {  	(tag) =	ssettag $0x2  }
0x35: {  	s0 =	rddreg [dreg:$0x0];
	s2 =	stileid.u32  }
0x36: {  	s1 =	rddreg [dreg:$0x1];
	p0 =	sne.s32 s2, $0x0  }
0x37: {  	s3 =	rddreg [dreg:$0x2];
	[bflag:$0x3] =	sbarrier.arrive $0xFFFF;
	s2 =	simm.s32 @!p0 $0x1C01  }
0x38: {  	[timem:s3], [sflag:s2] =	dma.local @!p0 [hbm:s0], s1  }
0x39: {  	s0 =	simm.s32 @!p0 $0x1  }
0x3a: {  	_ =	swait.ge @!p0 [sflag:s0], s1  }
0x3b: {  	s1 =	ssub.s32 @!p0 $0x0, s1;
	[sflag:s0] =	ssyncset.done @!p0 $0x0  }
0x3c: {  	[sflag:s0] =	ssyncadd.s32 @!p0 s1  }
0x3d: {  	[bflag:$0x3] =	sbarrier.arrive $0xFFFF  }
0x3e: {  	_ =	shalt  }

// kernel: kernel.37.cloned.1.call-start
scs
__scs_entry_jumppad:
0x0: {  	(pc) =	sbr.rel $0x88, $3  }
0x1: {  	(tag) =	ssettag $0x0;
	lr =	simm.s32 $0x1  }
0x2: {  	[smem:$0x3F37] =	sst lr;
	_ =	strace $0xD0000000  }
0x3: {  	_ = 	snop  }
0x4: {  	_ = 	snop  }
0x5: {  	_ = 	snop  }
0x6: {  	_ = 	snop  }
0x7: {  	_ = 	snop  }
__scs_overlays_trampoline_lowered:
0x8: {  	[smem:$0x3F46] =	sst s0  }
0x9: {  	[smem:$0x3F47] =	sst s1  }
0xa: {  	[smem:$0x3F48] =	sst s2  }
0xb: {  	[smem:$0x3F49] =	sst s3  }
0xc: {  	[smem:$0x3F4A] =	sst s4  }
0xd: {  	[smem:$0x3F4B] =	sst s5  }
0xe: {  	[smem:$0x3F4C] =	sst s6  }
0xf: {  	[smem:$0x3F4D] =	sst s7  }
0x10: {  	[smem:$0x3F4E] =	sst s8  }
0x11: {  	[smem:$0x3F4F] =	sst s9;
	s0 =	simm.s32 @!p0 $0x0  }
0x12: {  	s1 =	sld [smem:$0x3F35];
	s0 =	simm.s32 @p0 $0x1  }
0x13: {  	[smem:$0x3F50] =	sst s0;
	s0 =	simm.s32 @!p1 $0x0  }
0x14: {  	s2 =	sld [smem:$0x3F34];
	s0 =	simm.s32 @p1 $0x1  }
0x15: {  	[smem:$0x3F51] =	sst s0;
	s0 =	simm.s32 @!p2 $0x0  }
0x16: {  	s3 =	sld [smem:$0x3FDB];
	s0 =	simm.s32 @p2 $0x1  }
0x17: {  	s4 =	simm.s32 $0x1BF5;
	[smem:$0x3F53] =	sst s0  }
0x18: {  	s0 =	sld [smem:$0x3F36];
	_ =	swait.ge [sflag:s4], $0x0  }
0x19: {  	s7 =	sld [smem:$0x3F37]  }
0x1a: {  	s8 =	sadd.s32 $0xFFFFE003, lr  }
0x1b: {  	s9 =	sadd.s32 $0xFFFFFEF7, lr;
	s5 =	simm.s32 $0xFFFFFFFF;
	p2 =	slt.u32 s8, $0xFFFFF086  }
0x1c: {  	p1 =	slt.u32 s9, $0xF7A;
	s5 =	simm.s32 @!p2 $0x0  }
0x1d: {  	s5 =	simm.s32 @p1 $0x1;
	p0 =	seq.s32 s7, s2  }
0x1e: {  	s7 =	smul.u32 @!p0 $0xF7A, s2;
	p2 =	seq.s32 @!p0 s5, $0x0  }
0x1f: {  	s9 =	smul.u32 $0xF7A, s1;
	s8 =	simm.s32 @!p0 $0x1BF5;
	p2 =	por !p2, p0  }
0x20: {  	[sflag:s8] =	ssyncset.s32 @!p0 $0xFFFFF086;
	s6 =	sadd.s32 @!p0 s3, s7;
	s7 =	simm.s32 @!p0 $0x108  }
0x21: {  	s3 =	sadd.s32 s3, s9;
	s6 =	sadd.s32 @!p0 $0x88, s6;
	s7 =	simm.s32 @p2 $0x1082  }
0x22: {  	[simem:s7], [sflag:s8] =	dma.local @!p0 [hbm:s6], $0xF7A  }
0x23: {  	s9 =	sor.u32 $0xD0000000, s2;
	s6 =	simm.s32 $0x108;
	_ =	swait.ge @!p0 [sflag:s8], $0x0  }
0x24: {  	s3 =	sadd.s32 $0x88, s3;
	s6 =	simm.s32 @!p1 $0x1082;
	[sflag:s4] =	ssyncset.s32 $0xFFFFF086  }
0x25: {  	[simem:s6], [sflag:s4] =	dma.local [hbm:s3], $0xF7A  }
0x26: {  	[smem:$0x3F37] =	sst s1;
	(tag) =	ssettag s2;
	_ =	strace s9  }
0x27: {  	s1 =	sld [smem:$0x3F47]  }
0x28: {  	s2 =	sld [smem:$0x3F48]  }
0x29: {  	s4 =	sld [smem:$0x3F4A]  }
0x2a: {  	p0 =	seq.s32 s5, $0x0;
	s5 =	sld [smem:$0x3F4B]  }
0x2b: {  	s6 =	sld [smem:$0x3F4C]  }
0x2c: {  	s7 =	sld [smem:$0x3F4D]  }
0x2d: {  	s3 =	simm.s32 $0x108;
	s8 =	sld [smem:$0x3F4E]  }
0x2e: {  	s3 =	simm.s32 @!p0 $0x1082;
	s9 =	sld [smem:$0x3F4F]  }
0x2f: {  	lr =	sadd.s32 s0, s3;
	s0 =	sld [smem:$0x3F46]  }
0x30: {  	s3 =	sld [smem:$0x3F49]  }
0x31: {  	[smem:$0x3F52] =	sst s10  }
0x32: {  	s10 =	sld [smem:$0x3F50];
	_ =	sdelay $0x3  }
0x33: {  	p0 =	seq.s32 s10, $0x1;
	s10 =	sld [smem:$0x3F52];
	_ =	sdelay $0x3  }
0x34: {  	[smem:$0x3F52] =	sst s10  }
0x35: {  	s10 =	sld [smem:$0x3F51];
	_ =	sdelay $0x3  }
0x36: {  	p1 =	seq.s32 s10, $0x1;
	s10 =	sld [smem:$0x3F52];
	_ =	sdelay $0x3  }
0x37: {  	[smem:$0x3F52] =	sst s10  }
0x38: {  	s10 =	sld [smem:$0x3F53]  }
0x39: {  	_ = 	snop;
	(pc) =	sbr.ind lr, $3  }
0x3a: {  	_ = 	snop  }
0x3b: {  	_ = 	snop  }
0x3c: {  	p2 =	seq.s32 s10, $0x1;
	s10 =	sld [smem:$0x3F52]  }
0x3d: {  	_ =	shalt  }
0x3e: {  	_ =	shalt  }
0x3f: {  	_ =	shalt  }
0x40: {  	_ =	shalt  }
0x41: {  	_ =	shalt  }
0x42: {  	_ =	shalt  }
0x43: {  	_ =	shalt  }
0x44: {  	_ =	shalt  }
0x45: {  	_ =	shalt  }
0x46: {  	_ =	shalt  }
0x47: {  	_ =	shalt  }
0x48: {  	_ =	shalt  }
0x49: {  	_ =	shalt  }
0x4a: {  	_ =	shalt  }
0x4b: {  	_ =	shalt  }
0x4c: {  	_ =	shalt  }
0x4d: {  	_ =	shalt  }
0x4e: {  	_ =	shalt  }
0x4f: {  	_ =	shalt  }
0x50: {  	_ =	shalt  }
0x51: {  	_ =	shalt  }
0x52: {  	_ =	shalt  }
0x53: {  	_ =	shalt  }
0x54: {  	_ =	shalt  }
0x55: {  	_ =	shalt  }
0x56: {  	_ =	shalt  }
0x57: {  	_ =	shalt  }
0x58: {  	_ =	shalt  }
0x59: {  	_ =	shalt  }
0x5a: {  	_ =	shalt  }
0x5b: {  	_ =	shalt  }
0x5c: {  	_ =	shalt  }
0x5d: {  	_ =	shalt  }
0x5e: {  	_ =	shalt  }
0x5f: {  	_ =	shalt  }
0x60: {  	_ =	shalt  }
0x61: {  	_ =	shalt  }
0x62: {  	_ =	shalt  }
0x63: {  	_ =	shalt  }
0x64: {  	_ =	shalt  }
0x65: {  	_ =	shalt  }
0x66: {  	_ =	shalt  }
0x67: {  	_ =	shalt  }
0x68: {  	_ =	shalt  }
0x69: {  	_ =	shalt  }
0x6a: {  	_ =	shalt  }
0x6b: {  	_ =	shalt  }
0x6c: {  	_ =	shalt  }
0x6d: {  	_ =	shalt  }
0x6e: {  	_ =	shalt  }
0x6f: {  	_ =	shalt  }
0x70: {  	_ =	shalt  }
0x71: {  	_ =	shalt  }
0x72: {  	_ =	shalt  }
0x73: {  	_ =	shalt  }
0x74: {  	_ =	shalt  }
0x75: {  	_ =	shalt  }
0x76: {  	_ =	shalt  }
0x77: {  	_ =	shalt  }
0x78: {  	_ =	shalt  }
0x79: {  	_ =	shalt  }
0x7a: {  	_ =	shalt  }
0x7b: {  	_ =	shalt  }
0x7c: {  	_ =	shalt  }
0x7d: {  	_ =	shalt  }
0x7e: {  	_ =	shalt  }
0x7f: {  	_ =	shalt  }
0x80: {  	_ =	shalt  }
0x81: {  	_ =	shalt  }
0x82: {  	_ =	shalt  }
0x83: {  	_ =	shalt  }
0x84: {  	_ =	shalt  }
0x85: {  	_ =	shalt  }
0x86: {  	_ =	shalt  }
0x87: {  	_ =	shalt  }
.Lfunc_end0:
.L_simem_size_0:
called_computation.4_lowered:
.L_overlay_start_0:
0x88: {  	s2 =	sld [smem:$0x3FD9]  }
0x89: {  	s3 =	sld [smem:$0x3FFE];
	_ =	sdelay $0x1  }
0x8a: {  	s1 =	srdreg.scid  }
0x8b: {  	s0 =	sand.u32 $0x1, s1  }
0x8c: {  	s17 =	sshll.u32 s0, $0xA;
	s2 =	sadd.s32 s3, s2  }
0x8d: {  	s2 =	sadd.s32 s2, s17  }
0x8e: {  	[smem:$0x3F5E] =	sst s2  }
0x8f: {  	_ = 	snop  }
0x90: {  	s2 =	sld [smem:$0x3FC7]  }
0x91: {  	s18 =	sld [smem:$0x3FC6];
	(tm) =	ssettm $0x1  }
0x92: {  	s4 =	sld [smem:$0x3FFB];
	_ =	sdelay $0x3  }
0x93: {  	_ =	strace s4  }
0x94: {  	s4 =	sld [smem:$0x3FFC];
	_ =	sdelay $0x3  }
0x95: {  	_ =	strace s4  }
0x96: {  	s4 =	sld [smem:$0x3FFD];
	_ =	sdelay $0x3  }
0x97: {  	_ =	strace s4  }
0x98: {  	_ =	strace $0x8FFFFFFF  }
0x99: {  	s19 =	sld [smem:$0x3FDB];
	_ =	sdelay $0x1  }
0x9a: {  	s5 =	simm.s32 $_scs_section_size  }
0x9b: {  	s6 =	simm.s32 $_size__tile_overlayer_lowered;
	s7 =	simm.s32 $_tile_overlayer_lowered  }
0x9c: {  	s22 =	simm.s32 $0x1BFF;
	s21 =	sshll.u32 s7, $0x1;
	s4 =	sadd.s32 s5, s19  }
0x9d: {  	s8 =	simm.s32 $0x0;
	s20 =	sshll.u32 s6, $0x1;
	s6 =	sadd.s32 s21, s4  }
0x9e: {  	[timem:s8], [sflag:s22] =	dma.local [hbm:s6], s20  }
0x9f: {  	_ =	swait.ge [sflag:s22], s20  }
0xa0: {  	s5 =	ssub.s32 $0x0, s20;
	[sflag:s22] =	ssyncset.done $0x0  }
0xa1: {  	[sflag:s22] =	ssyncadd.s32 s5;
	_ =	sdelay $0x1  }
0xa2: {  	s23 =	simm.s32 $0x1B8B  }
0xa3: {  	_ =	swait.ge [sflag:s23], $0x1  }
0xa4: {  	[sflag:s23] =	ssyncset.done $0x0  }
0xa5: {  	s25 =	simm.s32 $0x1B8E;
	s24 =	sld [smem:$0x3FFE];
	[sflag:s23] =	ssyncadd.s32 $0xFFFFFFFF  }
0xa6: {  	s26 =	simm.s32 $execute0_lowered;
	[smem:$0x3FD2] =	sst s25  }
0xa7: {  	s6 =	sshll.u32 s26, $0x1;
	_ =	strace $0x80000052;
	[dreg:$0x1] =	wrdreg $0xFFFFFFFF  }
0xa8: {  	s28 =	simm.s32 $_size_execute0_lowered;
	s4 =	sadd.s32 s4, s6;
	[dreg:$0x0] =	wrdreg $0x0  }
0xa9: {  	s6 =	sshll.u32 s28, $0x1;
	[dreg:$0x2] =	wrdreg s4  }
0xaa: {  	[dreg:$0x3] =	wrdreg s6  }
0xab: {  	[dreg:$0x4] =	wrdreg $0xC0  }
0xac: {  	_ =	task [dreg:s8], $0x5FFFF  }
0xad: {  	[dreg:$0x1] =	wrdreg $0xFFFFFFFF  }
0xae: {  	[dreg:$0x0] =	wrdreg $0x60  }
0xaf: {  	[dreg:$0x2] =	wrdreg s24  }
0xb0: {  	[dreg:$0x3] =	wrdreg s2  }
0xb1: {  	[dreg:$0x4] =	wrdreg s18  }
0xb2: {  	[dreg:$0x5] =	wrdreg $0x9  }
0xb3: {  	_ =	task.clear_ibuf [dreg:s8], $0x6FFFF;
	_ =	strace $0x90000052  }
0xb4: {  	s29 =	simm.s32 $0x9;
	_ =	strace $0x80000054  }
0xb5: {  	_ =	swait.ge [sflag:s29], $0x1  }
0xb6: {  	[sflag:s29] =	ssyncadd.s32 $0xFFFFFFFF  }
0xb7: {  	_ =	strace $0x90000054  }
0xb8: {  	_ =	sfence  }
0xb9: {  	s30 =	sld [smem:$0x0];
	_ =	sdelay $0x2  }
0xba: {  	s31 =	sshll.u32 s1, $0xD;
	s1 =	sshrl.u32 s1, $0x2  }
0xbb: {  	s3 =	sand.u32 $0x4000, s31;
	s1 =	sadd.s32 s1, s30  }
0xbc: {  	s0 =	sor.u32 s3, s0;
	s1 =	sshll.u32 s1, $0x11  }
0xbd: {  	s0 =	sor.u32 s1, s0  }
0xbe: {  	s0 =	sadd.s32 $0x8F2B, s0  }
0xbf: {  	[sflag:s0] =	ssyncadd.remote.s32 $0x1  }
0xc0: {  	_ =	sfence.sel $0xFFFF  }
0xc1: {  	[dreg:$0x0] =	wrdreg $0xFFFFFFFF;
	(pc) =	sbr.abs _section_cstart, $3  }
0xc2: {  	[dreg:$0x1] =	wrdreg $0xFFFFFFFF  }
0xc3: {  	_ =	task.clear_ibuf [dreg:s8], $0x2FFFF;
	_ =	strace $0x9FFFFFFF  }
0xc4: {  	(tm) =	ssettm $0x7FFFFFFF  }
0xc5: {  	_ =	shalt  }
tec
execute0_lowered:
.L_overlay_start_1:
0x0: {  	(tag) =	ssettag $0x1  }
0x1: {  	s5 =	rddreg [dreg:$0x0]  }
0x2: {  	s6 =	rddreg [dreg:$0x1]  }
0x3: {  	s7 =	rddreg [dreg:$0x2]  }
0x4: {  	s1 =	srdreg.scid;
	s0 =	rddreg [dreg:$0x3];
	s2 =	simm.s32 $0x0  }
0x5: {  	s12 =	simm.s32 $0x4E20;
	s13 =	simm.s32 $0x1;
	s14 =	simm.s32 $0x0  }
0x6: {  	s8 =	sand.u32 $0x1, s1;
	s1 =	stileid.u32;
	[smem:$0x7FF] =	sst s2  }
0x7: {  	s3 =	sshll.u32 s8, $0x4;
	s9 =	smul.u32 $0x138800, s8;
	_ =	strace $0x80000053  }
0x8: {  	s8 =	ssub.s32 $0x2, s8;
	s11 =	smul.u32 $0x13880, s1;
	s4 =	sor.u32 s1, s3  }
0x9: {  	s3 =	sadd.s32 $0x3E800, s5;
	s31 =	sshrl.u32 s8, $0x1;
	s10 =	smul.u32 $0x2710, s4  }
0xa: {  	s4 =	sadd.s32 $0x52200, s5;
	s9 =	sadd.s32 s9, s5;
	s8 =	ssub.s32 s8, s31  }
0xb: {  	s9 =	sadd.s32 s11, s9;
	s11 =	simm.s32 $0x50;
	s10 =	sshrl.u32 s10, $0x3  }
0xc: {  	s5 =	sadd.s32 s6, s10;
	s6 =	sadd.s32 s7, s10;
	s7 =	smax.u32 s8, $0x1  }
0xd: {  	s8 =	sadd.s32 $0x2B0C00, s9;
	s9 =	simm.s32 $0x2;
	s10 =	simm.s32 $0x2710  }
.LBB2_1:
0xe: {  	[tilespmem:s2], [sflag:$0x2] =	stream.linear.gather [hbm4b:s5+s2], $0x2710, $0x38;
	[tilespmem:$0x6220] =	vst v63  }
0xf: {  	_ =	swait.ge [sflag:s9], $0x2710  }
0x10: {  	[sflag:s9] =	ssyncset.done $0x0  }
0x11: {  	[sflag:s9] =	ssyncadd.s32 $0xFFFFD8F0  }
0x12: {  	[tilespmem:s10], [sflag:$0x2] =	stream.linear.gather [hbm4b:s6+s2], $0x2710, $0x38;
	[tilespmem:$0x6220] =	vst v63  }
0x13: {  	_ =	swait.ge [sflag:s9], $0x2710  }
0x14: {  	[sflag:s9] =	ssyncset.done $0x0  }
0x15: {  	s15 =	simm.s32 $0x0;
	[sflag:s9] =	ssyncadd.s32 $0xFFFFD8F0  }
0x16: {  	[tilespmem:s12], [sflag:$0x1] =	stream.indirect.gather [hbm4b:s3+s11], $0x40, s15, s11, $0xb8;
	[tilespmem:$0x6220] =	vst v63  }
0x17: {  	_ =	swait.ge [sflag:s13], $0x1400  }
0x18: {  	[sflag:s13] =	ssyncset.done $0x0  }
0x19: {  	s31 =	simm.s32 $0x2710;
	[sflag:s13] =	ssyncadd.s32 $0xFFFFEC00  }
0x1a: {  	[tilespmem:s12], [sflag:$0x1] =	stream.indirect.gather.add.f32 [hbm:s4], $0x40, s31, s11, $0xb8;
	[tilespmem:$0x6220] =	vst v63  }
0x1b: {  	_ =	swait.ge [sflag:s13], $0x1400  }
0x1c: {  	[sflag:s13] =	ssyncset.done $0x0  }
0x1d: {  	[sflag:s13] =	ssyncadd.s32 $0xFFFFEC00  }
0x1e: {  	[hbm4b:s8+s2] =	stream.linear.scatter [tilespmem:s12], [sflag:$0x2], $0x1400, $0x38;
	[tilespmem:$0x6220] =	vst v63  }
0x1f: {  	s16 =	simm.s32 $0x140;
	_ =	swait.ge [sflag:s9], $0x1400  }
0x20: {  	s17 =	simm.s32 $0x280;
	s15 =	sadd.s32 $0x280, s8;
	[sflag:s9] =	ssyncset.done $0x0  }
.LBB2_2:
0x21: {  	s18 =	sshra.s32 s16, $0x2  }
0x22: {  	[sflag:s9] =	ssyncadd.s32 $0xFFFFEC00;
	s16 =	smov.u32 s17;
	s19 =	sadd.s32 $0x140, s17  }
0x23: {  	[tilespmem:s12], [sflag:$0x1] =	stream.indirect.gather [hbm4b:s3+s11], $0x40, s18, s11, $0xb8;
	[tilespmem:$0x6220] =	vst v63  }
0x24: {  	p0 =	sne.s32 s17, $0x9B00;
	_ =	swait.ge [sflag:s13], $0x1400  }
0x25: {  	[sflag:s13] =	ssyncset.done $0x0  }
0x26: {  	s17 =	sadd.s32 $0x2710, s18;
	[sflag:s13] =	ssyncadd.s32 $0xFFFFEC00  }
0x27: {  	[tilespmem:s12], [sflag:$0x1] =	stream.indirect.gather.add.f32 [hbm:s4], $0x40, s17, s11, $0xb8;
	[tilespmem:$0x6220] =	vst v63  }
0x28: {  	_ =	swait.ge [sflag:s13], $0x1400  }
.Ltmp0:
0x29: {  	[sflag:s13] =	ssyncset.done $0x0;
	(pc) =	sbr.rel @p0 .LBB2_2-.Ltmp0, $4  }
0x2a: {  	[sflag:s13] =	ssyncadd.s32 $0xFFFFEC00  }
0x2b: {  	[hbm4b:s15+s2] =	stream.linear.scatter [tilespmem:s12], [sflag:$0x2], $0x1400, $0x38;
	[tilespmem:$0x6220] =	vst v63  }
0x2c: {  	_ =	swait.ge [sflag:s9], $0x1400  }
0x2d: {  	s17 =	smov.u32 s19;
	s15 =	sadd.s32 $0x280, s15;
	[sflag:s9] =	ssyncset.done $0x0  }
0x2e: {  	s16 =	sshra.s32 s16, $0x2;
	[sflag:s9] =	ssyncadd.s32 $0xFFFFEC00  }
0x2f: {  	[tilespmem:s12], [sflag:$0x1] =	stream.indirect.gather [hbm4b:s3+s11], $0x40, s16, s11, $0xb8;
	[tilespmem:$0x6220] =	vst v63  }
0x30: {  	_ =	swait.ge [sflag:s13], $0x1400  }
0x31: {  	[sflag:s13] =	ssyncset.done $0x0  }
0x32: {  	s16 =	sadd.s32 $0x2710, s16;
	[sflag:s13] =	ssyncadd.s32 $0xFFFFEC00  }
0x33: {  	[tilespmem:s12], [sflag:$0x1] =	stream.indirect.gather.add.f32 [hbm:s4], $0x40, s16, s11, $0xb8;
	[tilespmem:$0x6220] =	vst v63  }
0x34: {  	s14 =	sadd.s32 $0x1, s14;
	_ =	swait.ge [sflag:s13], $0x1400  }
0x35: {  	p0 =	sne.s32 s14, s7;
	[sflag:s13] =	ssyncset.done $0x0  }
.Ltmp1:
0x36: {  	[sflag:s13] =	ssyncadd.s32 $0xFFFFEC00;
	(pc) =	sbr.rel @p0 .LBB2_1-.Ltmp1, $4  }
0x37: {  	[hbm4b:s15+s2] =	stream.linear.scatter [tilespmem:s12], [sflag:$0x2], $0x1400, $0x38;
	[tilespmem:$0x6220] =	vst v63  }
0x38: {  	_ =	swait.ge [sflag:s9], $0x1400  }
0x39: {  	[sflag:s9] =	ssyncset.done $0x0  }
0x3a: {  	[sflag:s9] =	ssyncadd.s32 $0xFFFFEC00  }
0x3b: {  	_ =	sfence.sel $0x180000  }
0x3c: {  	[bflag:$0x0] =	sbarrier.arrive $0xFFFF  }
0x3d: {  	p0 =	sne.s32 s1, $0x0;
	_ =	strace $0x90000053  }
0x3e: {  	s0 =	sadd.s32 @!p0 $0x100000, s0;
	[bflag:$0x2] =	sbarrier.arrive $0xFFFF  }
0x3f: {  	[sflag:s0] =	ssyncadd.tile.s32 @!p0 $0x1;
	_ =	shalt  }
.Lfunc_end2:
_tile_overlayer_lowered:
.L_overlay_start_2:
0x40: {  	(tag) =	ssettag $0x2  }
0x41: {  	s0 =	rddreg [dreg:$0x0];
	s2 =	stileid.u32  }
0x42: {  	s1 =	rddreg [dreg:$0x1];
	p0 =	sne.s32 s2, $0x0  }
0x43: {  	s3 =	rddreg [dreg:$0x2];
	[bflag:$0x3] =	sbarrier.arrive $0xFFFF;
	s2 =	simm.s32 @!p0 $0x1C02  }
0x44: {  	[timem:s3], [sflag:s2] =	dma.local @!p0 [hbm:s0], s1  }
0x45: {  	s0 =	simm.s32 @!p0 $0x2  }
0x46: {  	_ =	swait.ge @!p0 [sflag:s0], s1  }
0x47: {  	s1 =	ssub.s32 @!p0 $0x0, s1;
	[sflag:s0] =	ssyncset.done @!p0 $0x0  }
0x48: {  	[sflag:s0] =	ssyncadd.s32 @!p0 s1  }
0x49: {  	[bflag:$0x3] =	sbarrier.arrive $0xFFFF  }
0x4a: {  	_ =	shalt  }

// kernel: kernel.40.cloned.1.call-start
scs
__scs_entry_jumppad:
0x0: {  	(pc) =	sbr.rel $0x88, $3  }
0x1: {  	(tag) =	ssettag $0x0;
	lr =	simm.s32 $0x1  }
0x2: {  	[smem:$0x3F37] =	sst lr;
	_ =	strace $0xD0000000  }
0x3: {  	_ = 	snop  }
0x4: {  	_ = 	snop  }
0x5: {  	_ = 	snop  }
0x6: {  	_ = 	snop  }
0x7: {  	_ = 	snop  }
__scs_overlays_trampoline_lowered:
0x8: {  	[smem:$0x3F46] =	sst s0  }
0x9: {  	[smem:$0x3F47] =	sst s1  }
0xa: {  	[smem:$0x3F48] =	sst s2  }
0xb: {  	[smem:$0x3F49] =	sst s3  }
0xc: {  	[smem:$0x3F4A] =	sst s4  }
0xd: {  	[smem:$0x3F4B] =	sst s5  }
0xe: {  	[smem:$0x3F4C] =	sst s6  }
0xf: {  	[smem:$0x3F4D] =	sst s7  }
0x10: {  	[smem:$0x3F4E] =	sst s8  }
0x11: {  	[smem:$0x3F4F] =	sst s9;
	s0 =	simm.s32 @!p0 $0x0  }
0x12: {  	s1 =	sld [smem:$0x3F35];
	s0 =	simm.s32 @p0 $0x1  }
0x13: {  	[smem:$0x3F50] =	sst s0;
	s0 =	simm.s32 @!p1 $0x0  }
0x14: {  	s2 =	sld [smem:$0x3F34];
	s0 =	simm.s32 @p1 $0x1  }
0x15: {  	[smem:$0x3F51] =	sst s0;
	s0 =	simm.s32 @!p2 $0x0  }
0x16: {  	s3 =	sld [smem:$0x3FDB];
	s0 =	simm.s32 @p2 $0x1  }
0x17: {  	s4 =	simm.s32 $0x1BF5;
	[smem:$0x3F53] =	sst s0  }
0x18: {  	s0 =	sld [smem:$0x3F36];
	_ =	swait.ge [sflag:s4], $0x0  }
0x19: {  	s7 =	sld [smem:$0x3F37]  }
0x1a: {  	s8 =	sadd.s32 $0xFFFFE003, lr  }
0x1b: {  	s9 =	sadd.s32 $0xFFFFFEF7, lr;
	s5 =	simm.s32 $0xFFFFFFFF;
	p2 =	slt.u32 s8, $0xFFFFF086  }
0x1c: {  	p1 =	slt.u32 s9, $0xF7A;
	s5 =	simm.s32 @!p2 $0x0  }
0x1d: {  	s5 =	simm.s32 @p1 $0x1;
	p0 =	seq.s32 s7, s2  }
0x1e: {  	s7 =	smul.u32 @!p0 $0xF7A, s2;
	p2 =	seq.s32 @!p0 s5, $0x0  }
0x1f: {  	s9 =	smul.u32 $0xF7A, s1;
	s8 =	simm.s32 @!p0 $0x1BF5;
	p2 =	por !p2, p0  }
0x20: {  	[sflag:s8] =	ssyncset.s32 @!p0 $0xFFFFF086;
	s6 =	sadd.s32 @!p0 s3, s7;
	s7 =	simm.s32 @!p0 $0x108  }
0x21: {  	s3 =	sadd.s32 s3, s9;
	s6 =	sadd.s32 @!p0 $0x88, s6;
	s7 =	simm.s32 @p2 $0x1082  }
0x22: {  	[simem:s7], [sflag:s8] =	dma.local @!p0 [hbm:s6], $0xF7A  }
0x23: {  	s9 =	sor.u32 $0xD0000000, s2;
	s6 =	simm.s32 $0x108;
	_ =	swait.ge @!p0 [sflag:s8], $0x0  }
0x24: {  	s3 =	sadd.s32 $0x88, s3;
	s6 =	simm.s32 @!p1 $0x1082;
	[sflag:s4] =	ssyncset.s32 $0xFFFFF086  }
0x25: {  	[simem:s6], [sflag:s4] =	dma.local [hbm:s3], $0xF7A  }
0x26: {  	[smem:$0x3F37] =	sst s1;
	(tag) =	ssettag s2;
	_ =	strace s9  }
0x27: {  	s1 =	sld [smem:$0x3F47]  }
0x28: {  	s2 =	sld [smem:$0x3F48]  }
0x29: {  	s4 =	sld [smem:$0x3F4A]  }
0x2a: {  	p0 =	seq.s32 s5, $0x0;
	s5 =	sld [smem:$0x3F4B]  }
0x2b: {  	s6 =	sld [smem:$0x3F4C]  }
0x2c: {  	s7 =	sld [smem:$0x3F4D]  }
0x2d: {  	s3 =	simm.s32 $0x108;
	s8 =	sld [smem:$0x3F4E]  }
0x2e: {  	s3 =	simm.s32 @!p0 $0x1082;
	s9 =	sld [smem:$0x3F4F]  }
0x2f: {  	lr =	sadd.s32 s0, s3;
	s0 =	sld [smem:$0x3F46]  }
0x30: {  	s3 =	sld [smem:$0x3F49]  }
0x31: {  	[smem:$0x3F52] =	sst s10  }
0x32: {  	s10 =	sld [smem:$0x3F50];
	_ =	sdelay $0x3  }
0x33: {  	p0 =	seq.s32 s10, $0x1;
	s10 =	sld [smem:$0x3F52];
	_ =	sdelay $0x3  }
0x34: {  	[smem:$0x3F52] =	sst s10  }
0x35: {  	s10 =	sld [smem:$0x3F51];
	_ =	sdelay $0x3  }
0x36: {  	p1 =	seq.s32 s10, $0x1;
	s10 =	sld [smem:$0x3F52];
	_ =	sdelay $0x3  }
0x37: {  	[smem:$0x3F52] =	sst s10  }
0x38: {  	s10 =	sld [smem:$0x3F53]  }
0x39: {  	_ = 	snop;
	(pc) =	sbr.ind lr, $3  }
0x3a: {  	_ = 	snop  }
0x3b: {  	_ = 	snop  }
0x3c: {  	p2 =	seq.s32 s10, $0x1;
	s10 =	sld [smem:$0x3F52]  }
0x3d: {  	_ =	shalt  }
0x3e: {  	_ =	shalt  }
0x3f: {  	_ =	shalt  }
0x40: {  	_ =	shalt  }
0x41: {  	_ =	shalt  }
0x42: {  	_ =	shalt  }
0x43: {  	_ =	shalt  }
0x44: {  	_ =	shalt  }
0x45: {  	_ =	shalt  }
0x46: {  	_ =	shalt  }
0x47: {  	_ =	shalt  }
0x48: {  	_ =	shalt  }
0x49: {  	_ =	shalt  }
0x4a: {  	_ =	shalt  }
0x4b: {  	_ =	shalt  }
0x4c: {  	_ =	shalt  }
0x4d: {  	_ =	shalt  }
0x4e: {  	_ =	shalt  }
0x4f: {  	_ =	shalt  }
0x50: {  	_ =	shalt  }
0x51: {  	_ =	shalt  }
0x52: {  	_ =	shalt  }
0x53: {  	_ =	shalt  }
0x54: {  	_ =	shalt  }
0x55: {  	_ =	shalt  }
0x56: {  	_ =	shalt  }
0x57: {  	_ =	shalt  }
0x58: {  	_ =	shalt  }
0x59: {  	_ =	shalt  }
0x5a: {  	_ =	shalt  }
0x5b: {  	_ =	shalt  }
0x5c: {  	_ =	shalt  }
0x5d: {  	_ =	shalt  }
0x5e: {  	_ =	shalt  }
0x5f: {  	_ =	shalt  }
0x60: {  	_ =	shalt  }
0x61: {  	_ =	shalt  }
0x62: {  	_ =	shalt  }
0x63: {  	_ =	shalt  }
0x64: {  	_ =	shalt  }
0x65: {  	_ =	shalt  }
0x66: {  	_ =	shalt  }
0x67: {  	_ =	shalt  }
0x68: {  	_ =	shalt  }
0x69: {  	_ =	shalt  }
0x6a: {  	_ =	shalt  }
0x6b: {  	_ =	shalt  }
0x6c: {  	_ =	shalt  }
0x6d: {  	_ =	shalt  }
0x6e: {  	_ =	shalt  }
0x6f: {  	_ =	shalt  }
0x70: {  	_ =	shalt  }
0x71: {  	_ =	shalt  }
0x72: {  	_ =	shalt  }
0x73: {  	_ =	shalt  }
0x74: {  	_ =	shalt  }
0x75: {  	_ =	shalt  }
0x76: {  	_ =	shalt  }
0x77: {  	_ =	shalt  }
0x78: {  	_ =	shalt  }
0x79: {  	_ =	shalt  }
0x7a: {  	_ =	shalt  }
0x7b: {  	_ =	shalt  }
0x7c: {  	_ =	shalt  }
0x7d: {  	_ =	shalt  }
0x7e: {  	_ =	shalt  }
0x7f: {  	_ =	shalt  }
0x80: {  	_ =	shalt  }
0x81: {  	_ =	shalt  }
0x82: {  	_ =	shalt  }
0x83: {  	_ =	shalt  }
0x84: {  	_ =	shalt  }
0x85: {  	_ =	shalt  }
0x86: {  	_ =	shalt  }
0x87: {  	_ =	shalt  }
.Lfunc_end0:
.L_simem_size_0:
called_computation.5_lowered:
.L_overlay_start_0:
0x88: {  	s2 =	sld [smem:$0x3FD9]  }
0x89: {  	s3 =	sld [smem:$0x3FFE];
	_ =	sdelay $0x1  }
0x8a: {  	s1 =	srdreg.scid  }
0x8b: {  	s0 =	sand.u32 $0x1, s1  }
0x8c: {  	s17 =	sshll.u32 s0, $0xA;
	s2 =	sadd.s32 s3, s2  }
0x8d: {  	s2 =	sadd.s32 s2, s17  }
0x8e: {  	[smem:$0x3F5E] =	sst s2  }
0x8f: {  	_ = 	snop  }
0x90: {  	s2 =	sld [smem:$0x3FC6];
	(tm) =	ssettm $0x1  }
0x91: {  	s18 =	sld [smem:$0x3FFB];
	_ =	sdelay $0x3  }
0x92: {  	_ =	strace s18  }
0x93: {  	s3 =	sld [smem:$0x3FFC];
	_ =	sdelay $0x3  }
0x94: {  	_ =	strace s3  }
0x95: {  	s3 =	sld [smem:$0x3FFD];
	_ =	sdelay $0x3  }
0x96: {  	_ =	strace s3  }
0x97: {  	_ =	strace $0x8FFFFFFF  }
0x98: {  	s19 =	sld [smem:$0x3FDB];
	_ =	sdelay $0x1  }
0x99: {  	s4 =	simm.s32 $_scs_section_size  }
0x9a: {  	s5 =	simm.s32 $_size__tile_overlayer_lowered;
	s6 =	simm.s32 $_tile_overlayer_lowered  }
0x9b: {  	s22 =	simm.s32 $0x1BFF;
	s21 =	sshll.u32 s6, $0x1;
	s3 =	sadd.s32 s4, s19  }
0x9c: {  	s7 =	simm.s32 $0x0;
	s20 =	sshll.u32 s5, $0x1;
	s5 =	sadd.s32 s21, s3  }
0x9d: {  	[timem:s7], [sflag:s22] =	dma.local [hbm:s5], s20  }
0x9e: {  	_ =	swait.ge [sflag:s22], s20  }
0x9f: {  	s4 =	ssub.s32 $0x0, s20;
	[sflag:s22] =	ssyncset.done $0x0  }
0xa0: {  	[sflag:s22] =	ssyncadd.s32 s4;
	_ =	sdelay $0x1  }
0xa1: {  	s23 =	simm.s32 $0x1B8B  }
0xa2: {  	_ =	swait.ge [sflag:s23], $0x1  }
0xa3: {  	[sflag:s23] =	ssyncset.done $0x0  }
0xa4: {  	s25 =	simm.s32 $0x1B8E;
	s24 =	sld [smem:$0x3FFE];
	[sflag:s23] =	ssyncadd.s32 $0xFFFFFFFF  }
0xa5: {  	s26 =	simm.s32 $execute0_lowered;
	[smem:$0x3FD2] =	sst s25  }
0xa6: {  	s5 =	sshll.u32 s26, $0x1;
	_ =	strace $0x80000055;
	[dreg:$0x1] =	wrdreg $0xFFFFFFFF  }
0xa7: {  	s28 =	simm.s32 $_size_execute0_lowered;
	s3 =	sadd.s32 s3, s5;
	[dreg:$0x0] =	wrdreg $0x0  }
0xa8: {  	s5 =	sshll.u32 s28, $0x1;
	[dreg:$0x2] =	wrdreg s3  }
0xa9: {  	[dreg:$0x3] =	wrdreg s5  }
0xaa: {  	[dreg:$0x4] =	wrdreg $0xC0  }
0xab: {  	_ =	task [dreg:s7], $0x5FFFF  }
0xac: {  	[dreg:$0x1] =	wrdreg $0xFFFFFFFF  }
0xad: {  	[dreg:$0x0] =	wrdreg $0x60  }
0xae: {  	[dreg:$0x2] =	wrdreg s24  }
0xaf: {  	[dreg:$0x3] =	wrdreg s2  }
0xb0: {  	[dreg:$0x4] =	wrdreg $0x3B100  }
0xb1: {  	[dreg:$0x5] =	wrdreg $0x9  }
0xb2: {  	_ =	task.clear_ibuf [dreg:s7], $0x6FFFF;
	_ =	strace $0x90000055  }
0xb3: {  	s29 =	simm.s32 $0x9;
	_ =	strace $0x80000057  }
0xb4: {  	_ =	swait.ge [sflag:s29], $0x1  }
0xb5: {  	[sflag:s29] =	ssyncadd.s32 $0xFFFFFFFF  }
0xb6: {  	_ =	strace $0x90000057  }
0xb7: {  	_ =	sfence  }
0xb8: {  	s30 =	sld [smem:$0x0];
	_ =	sdelay $0x2  }
0xb9: {  	s31 =	sshll.u32 s1, $0xD;
	s1 =	sshrl.u32 s1, $0x2  }
0xba: {  	s3 =	sand.u32 $0x4000, s31;
	s1 =	sadd.s32 s1, s30  }
0xbb: {  	s0 =	sor.u32 s3, s0;
	s1 =	sshll.u32 s1, $0x11  }
0xbc: {  	s0 =	sor.u32 s1, s0  }
0xbd: {  	s0 =	sadd.s32 $0x8F2B, s0  }
0xbe: {  	[sflag:s0] =	ssyncadd.remote.s32 $0x1  }
0xbf: {  	_ =	sfence.sel $0xFFFF  }
0xc0: {  	[dreg:$0x0] =	wrdreg $0xFFFFFFFF;
	(pc) =	sbr.abs _section_cstart, $3  }
0xc1: {  	[dreg:$0x1] =	wrdreg $0xFFFFFFFF  }
0xc2: {  	_ =	task.clear_ibuf [dreg:s7], $0x2FFFF;
	_ =	strace $0x9FFFFFFF  }
0xc3: {  	(tm) =	ssettm $0x7FFFFFFF  }
tec
execute0_lowered:
.L_overlay_start_1:
0x0: {  	(tag) =	ssettag $0x1  }
0x1: {  	s5 =	rddreg [dreg:$0x0]  }
0x2: {  	s6 =	rddreg [dreg:$0x1]  }
0x3: {  	s0 =	srdreg.scid;
	s1 =	rddreg [dreg:$0x2]  }
0x4: {  	s2 =	simm.s32 $0x0;
	s7 =	sand.u32 $0x1, s0;
	s0 =	rddreg [dreg:$0x3]  }
0x5: {  	[smem:$0x7FF] =	sst s2;
	s3 =	smul.u32 $0x138800, s7  }
0x6: {  	s9 =	smul.u32 $0x14000, s7;
	s10 =	sshll.u32 s7, $0x4;
	s7 =	ssub.s32 $0x2, s7  }
0x7: {  	s4 =	sadd.s32 $0x2AF800, s5;
	_ =	strace $0x80000056;
	s30 =	sshrl.u32 s7, $0x1  }
0x8: {  	s8 =	sadd.s32 s3, s5;
	s3 =	stileid.u32;
	s9 =	sadd.s32 s9, s5  }
0x9: {  	s7 =	ssub.s32 s7, s30;
	s10 =	sor.u32 s3, s10;
	s11 =	smul.u32 $0xA000, s3  }
0xa: {  	s31 =	sshll.u32 s3, $0x6;
	s12 =	smul.u32 $0x13880, s3;
	s14 =	sadd.s32 $0x2B0C00, s9  }
0xb: {  	s7 =	smax.u32 s7, $0x1;
	s10 =	smul.u32 $0x2710, s10;
	s5 =	sor.u32 $0x1C01, s31  }
0xc: {  	s13 =	sadd.s32 s11, s1;
	s8 =	sadd.s32 s12, s8;
	s15 =	sshrl.u32 s11, $0x3  }
0xd: {  	s11 =	simm.s32 $0x2710;
	s12 =	simm.s32 $0x50;
	s10 =	sshrl.u32 s10, $0x3  }
0xe: {  	s8 =	sadd.s32 $0x3E800, s8;
	s9 =	sshrl.u32 s13, $0x3;
	s13 =	sadd.s32 s15, s14  }
0xf: {  	s14 =	simm.s32 $0x0;
	s6 =	sadd.s32 s6, s10;
	s10 =	simm.s32 $0x1  }
.LBB2_1:
0x10: {  	[spmem:s9], [sflag:s5] =	dma.local [hbm:s4], $0x1400  }
0x11: {  	_ =	swait.ge [sflag:s10], $0x1400  }
0x12: {  	[sflag:s10] =	ssyncset.done $0x0  }
0x13: {  	[sflag:s10] =	ssyncadd.s32 $0xFFFFEC00  }
0x14: {  	[tilespmem:s2], [sflag:$0x1] =	stream.linear.gather [hbm4b:s6+s2], $0x2710, $0x38;
	[tilespmem:$0xDB10] =	vst v63  }
0x15: {  	_ =	swait.ge [sflag:s10], $0x2710  }
0x16: {  	[sflag:s10] =	ssyncset.done $0x0  }
0x17: {  	[sflag:s10] =	ssyncadd.s32 $0xFFFFD8F0  }
0x18: {  	[bflag:$0x0] =	sbarrier.arrive $0xFFFF  }
0x19: {  	[tilespmem:s11], [sflag:$0x1] =	stream.linear.gather [hbm4b:s8+s2], $0x1400, $0x38;
	[tilespmem:$0xDB10] =	vst v63  }
0x1a: {  	_ =	swait.ge [sflag:s10], $0x1400  }
0x1b: {  	[sflag:s10] =	ssyncset.done $0x0  }
0x1c: {  	s15 =	simm.s32 $0x0;
	[sflag:s10] =	ssyncadd.s32 $0xFFFFEC00  }
0x1d: {  	[spmem:s1] =	stream.indirect.scatter.add.f32 [tilespmem:s11], [sflag:$0x1], $0x40, s15, s12, $0xb8;
	[tilespmem:$0xDB10] =	vst v63  }
0x1e: {  	_ =	swait.ge [sflag:s10], $0x1400  }
0x1f: {  	s16 =	smov.u32 s8;
	s15 =	simm.s32 $0x140;
	[sflag:s10] =	ssyncset.done $0x0  }
.LBB2_2:
0x20: {  	p0 =	sne.s32 s15, $0x9B00;
	[sflag:s10] =	ssyncadd.s32 $0xFFFFEC00;
	s16 =	sadd.s32 $0x280, s16  }
0x21: {  	[tilespmem:s11], [sflag:$0x1] =	stream.linear.gather [hbm4b:s16+s2], $0x1400, $0x38;
	[tilespmem:$0xDB10] =	vst v63  }
0x22: {  	s17 =	smov.u32 s15;
	s15 =	sadd.s32 $0x140, s15;
	_ =	swait.ge [sflag:s10], $0x1400  }
.Ltmp0:
0x23: {  	[sflag:s10] =	ssyncset.done $0x0;
	(pc) =	sbr.rel @p0 .LBB2_2-.Ltmp0, $4  }
0x24: {  	s17 =	sshra.s32 s17, $0x2;
	[sflag:s10] =	ssyncadd.s32 $0xFFFFEC00  }
0x25: {  	[spmem:s1] =	stream.indirect.scatter.add.f32 [tilespmem:s11], [sflag:$0x1], $0x40, s17, s12, $0xb8;
	[tilespmem:$0xDB10] =	vst v63  }
0x26: {  	_ =	swait.ge [sflag:s10], $0x1400  }
0x27: {  	[sflag:s10] =	ssyncset.done $0x0  }
0x28: {  	s14 =	sadd.s32 $0x1, s14  }
0x29: {  	[sflag:s10] =	ssyncadd.s32 $0xFFFFEC00;
	p0 =	sne.s32 s14, s7  }
.Ltmp1:
0x2a: {  	[bflag:$0x0] =	sbarrier.arrive $0xFFFF;
	(pc) =	sbr.rel @p0 .LBB2_1-.Ltmp1, $4  }
0x2b: {  	[hbm:s13], [sflag:s5] =	dma.local [spmem:s9], $0x1400  }
0x2c: {  	_ =	swait.ge [sflag:s10], $0x1400  }
0x2d: {  	[sflag:s10] =	ssyncset.done $0x0  }
0x2e: {  	[sflag:s10] =	ssyncadd.s32 $0xFFFFEC00  }
0x2f: {  	_ =	sfence.sel $0x180000  }
0x30: {  	[bflag:$0x0] =	sbarrier.arrive $0xFFFF  }
0x31: {  	p0 =	sne.s32 s3, $0x0;
	_ =	strace $0x90000056  }
0x32: {  	s0 =	sadd.s32 @!p0 $0x100000, s0;
	[bflag:$0x2] =	sbarrier.arrive $0xFFFF  }
0x33: {  	[sflag:s0] =	ssyncadd.tile.s32 @!p0 $0x1;
	_ =	shalt  }
.Lfunc_end2:
_tile_overlayer_lowered:
.L_overlay_start_2:
0x34: {  	(tag) =	ssettag $0x2  }
0x35: {  	s0 =	rddreg [dreg:$0x0];
	s2 =	stileid.u32  }
0x36: {  	s1 =	rddreg [dreg:$0x1];
	p0 =	sne.s32 s2, $0x0  }
0x37: {  	s3 =	rddreg [dreg:$0x2];
	[bflag:$0x3] =	sbarrier.arrive $0xFFFF;
	s2 =	simm.s32 @!p0 $0x1C01  }
0x38: {  	[timem:s3], [sflag:s2] =	dma.local @!p0 [hbm:s0], s1  }
0x39: {  	s0 =	simm.s32 @!p0 $0x1  }
0x3a: {  	_ =	swait.ge @!p0 [sflag:s0], s1  }
0x3b: {  	s1 =	ssub.s32 @!p0 $0x0, s1;
	[sflag:s0] =	ssyncset.done @!p0 $0x0  }
0x3c: {  	[sflag:s0] =	ssyncadd.s32 @!p0 s1  }
0x3d: {  	[bflag:$0x3] =	sbarrier.arrive $0xFFFF  }
0x3e: {  	_ =	shalt  }

// kernel: kernel.43.cloned.1.call-start
scs
__scs_entry_jumppad:
0x0: {  	(pc) =	sbr.rel $0x88, $3  }
0x1: {  	(tag) =	ssettag $0x0;
	lr =	simm.s32 $0x1  }
0x2: {  	[smem:$0x3F37] =	sst lr;
	_ =	strace $0xD0000000  }
0x3: {  	_ = 	snop  }
0x4: {  	_ = 	snop  }
0x5: {  	_ = 	snop  }
0x6: {  	_ = 	snop  }
0x7: {  	_ = 	snop  }
__scs_overlays_trampoline_lowered:
0x8: {  	[smem:$0x3F46] =	sst s0  }
0x9: {  	[smem:$0x3F47] =	sst s1  }
0xa: {  	[smem:$0x3F48] =	sst s2  }
0xb: {  	[smem:$0x3F49] =	sst s3  }
0xc: {  	[smem:$0x3F4A] =	sst s4  }
0xd: {  	[smem:$0x3F4B] =	sst s5  }
0xe: {  	[smem:$0x3F4C] =	sst s6  }
0xf: {  	[smem:$0x3F4D] =	sst s7  }
0x10: {  	[smem:$0x3F4E] =	sst s8  }
0x11: {  	[smem:$0x3F4F] =	sst s9;
	s0 =	simm.s32 @!p0 $0x0  }
0x12: {  	s1 =	sld [smem:$0x3F35];
	s0 =	simm.s32 @p0 $0x1  }
0x13: {  	[smem:$0x3F50] =	sst s0;
	s0 =	simm.s32 @!p1 $0x0  }
0x14: {  	s2 =	sld [smem:$0x3F34];
	s0 =	simm.s32 @p1 $0x1  }
0x15: {  	[smem:$0x3F51] =	sst s0;
	s0 =	simm.s32 @!p2 $0x0  }
0x16: {  	s3 =	sld [smem:$0x3FDB];
	s0 =	simm.s32 @p2 $0x1  }
0x17: {  	s4 =	simm.s32 $0x1BF5;
	[smem:$0x3F53] =	sst s0  }
0x18: {  	s0 =	sld [smem:$0x3F36];
	_ =	swait.ge [sflag:s4], $0x0  }
0x19: {  	s7 =	sld [smem:$0x3F37]  }
0x1a: {  	s8 =	sadd.s32 $0xFFFFE003, lr  }
0x1b: {  	s9 =	sadd.s32 $0xFFFFFEF7, lr;
	s5 =	simm.s32 $0xFFFFFFFF;
	p2 =	slt.u32 s8, $0xFFFFF086  }
0x1c: {  	p1 =	slt.u32 s9, $0xF7A;
	s5 =	simm.s32 @!p2 $0x0  }
0x1d: {  	s5 =	simm.s32 @p1 $0x1;
	p0 =	seq.s32 s7, s2  }
0x1e: {  	s7 =	smul.u32 @!p0 $0xF7A, s2;
	p2 =	seq.s32 @!p0 s5, $0x0  }
0x1f: {  	s9 =	smul.u32 $0xF7A, s1;
	s8 =	simm.s32 @!p0 $0x1BF5;
	p2 =	por !p2, p0  }
0x20: {  	[sflag:s8] =	ssyncset.s32 @!p0 $0xFFFFF086;
	s6 =	sadd.s32 @!p0 s3, s7;
	s7 =	simm.s32 @!p0 $0x108  }
0x21: {  	s3 =	sadd.s32 s3, s9;
	s6 =	sadd.s32 @!p0 $0x88, s6;
	s7 =	simm.s32 @p2 $0x1082  }
0x22: {  	[simem:s7], [sflag:s8] =	dma.local @!p0 [hbm:s6], $0xF7A  }
0x23: {  	s9 =	sor.u32 $0xD0000000, s2;
	s6 =	simm.s32 $0x108;
	_ =	swait.ge @!p0 [sflag:s8], $0x0  }
0x24: {  	s3 =	sadd.s32 $0x88, s3;
	s6 =	simm.s32 @!p1 $0x1082;
	[sflag:s4] =	ssyncset.s32 $0xFFFFF086  }
0x25: {  	[simem:s6], [sflag:s4] =	dma.local [hbm:s3], $0xF7A  }
0x26: {  	[smem:$0x3F37] =	sst s1;
	(tag) =	ssettag s2;
	_ =	strace s9  }
0x27: {  	s1 =	sld [smem:$0x3F47]  }
0x28: {  	s2 =	sld [smem:$0x3F48]  }
0x29: {  	s4 =	sld [smem:$0x3F4A]  }
0x2a: {  	p0 =	seq.s32 s5, $0x0;
	s5 =	sld [smem:$0x3F4B]  }
0x2b: {  	s6 =	sld [smem:$0x3F4C]  }
0x2c: {  	s7 =	sld [smem:$0x3F4D]  }
0x2d: {  	s3 =	simm.s32 $0x108;
	s8 =	sld [smem:$0x3F4E]  }
0x2e: {  	s3 =	simm.s32 @!p0 $0x1082;
	s9 =	sld [smem:$0x3F4F]  }
0x2f: {  	lr =	sadd.s32 s0, s3;
	s0 =	sld [smem:$0x3F46]  }
0x30: {  	s3 =	sld [smem:$0x3F49]  }
0x31: {  	[smem:$0x3F52] =	sst s10  }
0x32: {  	s10 =	sld [smem:$0x3F50];
	_ =	sdelay $0x3  }
0x33: {  	p0 =	seq.s32 s10, $0x1;
	s10 =	sld [smem:$0x3F52];
	_ =	sdelay $0x3  }
0x34: {  	[smem:$0x3F52] =	sst s10  }
0x35: {  	s10 =	sld [smem:$0x3F51];
	_ =	sdelay $0x3  }
0x36: {  	p1 =	seq.s32 s10, $0x1;
	s10 =	sld [smem:$0x3F52];
	_ =	sdelay $0x3  }
0x37: {  	[smem:$0x3F52] =	sst s10  }
0x38: {  	s10 =	sld [smem:$0x3F53]  }
0x39: {  	_ = 	snop;
	(pc) =	sbr.ind lr, $3  }
0x3a: {  	_ = 	snop  }
0x3b: {  	_ = 	snop  }
0x3c: {  	p2 =	seq.s32 s10, $0x1;
	s10 =	sld [smem:$0x3F52]  }
0x3d: {  	_ =	shalt  }
0x3e: {  	_ =	shalt  }
0x3f: {  	_ =	shalt  }
0x40: {  	_ =	shalt  }
0x41: {  	_ =	shalt  }
0x42: {  	_ =	shalt  }
0x43: {  	_ =	shalt  }
0x44: {  	_ =	shalt  }
0x45: {  	_ =	shalt  }
0x46: {  	_ =	shalt  }
0x47: {  	_ =	shalt  }
0x48: {  	_ =	shalt  }
0x49: {  	_ =	shalt  }
0x4a: {  	_ =	shalt  }
0x4b: {  	_ =	shalt  }
0x4c: {  	_ =	shalt  }
0x4d: {  	_ =	shalt  }
0x4e: {  	_ =	shalt  }
0x4f: {  	_ =	shalt  }
0x50: {  	_ =	shalt  }
0x51: {  	_ =	shalt  }
0x52: {  	_ =	shalt  }
0x53: {  	_ =	shalt  }
0x54: {  	_ =	shalt  }
0x55: {  	_ =	shalt  }
0x56: {  	_ =	shalt  }
0x57: {  	_ =	shalt  }
0x58: {  	_ =	shalt  }
0x59: {  	_ =	shalt  }
0x5a: {  	_ =	shalt  }
0x5b: {  	_ =	shalt  }
0x5c: {  	_ =	shalt  }
0x5d: {  	_ =	shalt  }
0x5e: {  	_ =	shalt  }
0x5f: {  	_ =	shalt  }
0x60: {  	_ =	shalt  }
0x61: {  	_ =	shalt  }
0x62: {  	_ =	shalt  }
0x63: {  	_ =	shalt  }
0x64: {  	_ =	shalt  }
0x65: {  	_ =	shalt  }
0x66: {  	_ =	shalt  }
0x67: {  	_ =	shalt  }
0x68: {  	_ =	shalt  }
0x69: {  	_ =	shalt  }
0x6a: {  	_ =	shalt  }
0x6b: {  	_ =	shalt  }
0x6c: {  	_ =	shalt  }
0x6d: {  	_ =	shalt  }
0x6e: {  	_ =	shalt  }
0x6f: {  	_ =	shalt  }
0x70: {  	_ =	shalt  }
0x71: {  	_ =	shalt  }
0x72: {  	_ =	shalt  }
0x73: {  	_ =	shalt  }
0x74: {  	_ =	shalt  }
0x75: {  	_ =	shalt  }
0x76: {  	_ =	shalt  }
0x77: {  	_ =	shalt  }
0x78: {  	_ =	shalt  }
0x79: {  	_ =	shalt  }
0x7a: {  	_ =	shalt  }
0x7b: {  	_ =	shalt  }
0x7c: {  	_ =	shalt  }
0x7d: {  	_ =	shalt  }
0x7e: {  	_ =	shalt  }
0x7f: {  	_ =	shalt  }
0x80: {  	_ =	shalt  }
0x81: {  	_ =	shalt  }
0x82: {  	_ =	shalt  }
0x83: {  	_ =	shalt  }
0x84: {  	_ =	shalt  }
0x85: {  	_ =	shalt  }
0x86: {  	_ =	shalt  }
0x87: {  	_ =	shalt  }
.Lfunc_end0:
.L_simem_size_0:
called_computation.6_lowered:
.L_overlay_start_0:
0x88: {  	s2 =	sld [smem:$0x3FD9]  }
0x89: {  	s3 =	sld [smem:$0x3FFE];
	_ =	sdelay $0x1  }
0x8a: {  	s1 =	srdreg.scid  }
0x8b: {  	s0 =	sand.u32 $0x1, s1  }
0x8c: {  	s17 =	sshll.u32 s0, $0xA;
	s2 =	sadd.s32 s3, s2  }
0x8d: {  	s2 =	sadd.s32 s2, s17  }
0x8e: {  	[smem:$0x3F5E] =	sst s2  }
0x8f: {  	_ = 	snop  }
0x90: {  	s2 =	sld [smem:$0x3FC7]  }
0x91: {  	s18 =	sld [smem:$0x3FC6];
	(tm) =	ssettm $0x1  }
0x92: {  	s4 =	sld [smem:$0x3FFB];
	_ =	sdelay $0x3  }
0x93: {  	_ =	strace s4  }
0x94: {  	s4 =	sld [smem:$0x3FFC];
	_ =	sdelay $0x3  }
0x95: {  	_ =	strace s4  }
0x96: {  	s4 =	sld [smem:$0x3FFD];
	_ =	sdelay $0x3  }
0x97: {  	_ =	strace s4  }
0x98: {  	_ =	strace $0x8FFFFFFF  }
0x99: {  	s19 =	sld [smem:$0x3FDB];
	_ =	sdelay $0x1  }
0x9a: {  	s5 =	simm.s32 $_scs_section_size  }
0x9b: {  	s6 =	simm.s32 $_size__tile_overlayer_lowered;
	s7 =	simm.s32 $_tile_overlayer_lowered  }
0x9c: {  	s22 =	simm.s32 $0x1BFF;
	s21 =	sshll.u32 s7, $0x1;
	s4 =	sadd.s32 s5, s19  }
0x9d: {  	s8 =	simm.s32 $0x0;
	s20 =	sshll.u32 s6, $0x1;
	s6 =	sadd.s32 s21, s4  }
0x9e: {  	[timem:s8], [sflag:s22] =	dma.local [hbm:s6], s20  }
0x9f: {  	_ =	swait.ge [sflag:s22], s20  }
0xa0: {  	s5 =	ssub.s32 $0x0, s20;
	[sflag:s22] =	ssyncset.done $0x0  }
0xa1: {  	[sflag:s22] =	ssyncadd.s32 s5;
	_ =	sdelay $0x1  }
0xa2: {  	s23 =	simm.s32 $0x1B8B  }
0xa3: {  	_ =	swait.ge [sflag:s23], $0x1  }
0xa4: {  	[sflag:s23] =	ssyncset.done $0x0  }
0xa5: {  	s25 =	simm.s32 $0x1B8E;
	s24 =	sld [smem:$0x3FFE];
	[sflag:s23] =	ssyncadd.s32 $0xFFFFFFFF  }
0xa6: {  	s26 =	simm.s32 $execute0_lowered;
	[smem:$0x3FD2] =	sst s25  }
0xa7: {  	s6 =	sshll.u32 s26, $0x1;
	_ =	strace $0x80000058;
	[dreg:$0x1] =	wrdreg $0xFFFFFFFF  }
0xa8: {  	s28 =	simm.s32 $_size_execute0_lowered;
	s4 =	sadd.s32 s4, s6;
	[dreg:$0x0] =	wrdreg $0x0  }
0xa9: {  	s6 =	sshll.u32 s28, $0x1;
	[dreg:$0x2] =	wrdreg s4  }
0xaa: {  	[dreg:$0x3] =	wrdreg s6  }
0xab: {  	[dreg:$0x4] =	wrdreg $0xC0  }
0xac: {  	_ =	task [dreg:s8], $0x5FFFF  }
0xad: {  	[dreg:$0x1] =	wrdreg $0xFFFFFFFF  }
0xae: {  	[dreg:$0x0] =	wrdreg $0x60  }
0xaf: {  	[dreg:$0x2] =	wrdreg s24  }
0xb0: {  	[dreg:$0x3] =	wrdreg s2  }
0xb1: {  	[dreg:$0x4] =	wrdreg s18  }
0xb2: {  	[dreg:$0x5] =	wrdreg $0x9  }
0xb3: {  	_ =	task.clear_ibuf [dreg:s8], $0x6FFFF;
	_ =	strace $0x90000058  }
0xb4: {  	s29 =	simm.s32 $0x9;
	_ =	strace $0x8000005A  }
0xb5: {  	_ =	swait.ge [sflag:s29], $0x1  }
0xb6: {  	[sflag:s29] =	ssyncadd.s32 $0xFFFFFFFF  }
0xb7: {  	_ =	strace $0x9000005A  }
0xb8: {  	_ =	sfence  }
0xb9: {  	s30 =	sld [smem:$0x0];
	_ =	sdelay $0x2  }
0xba: {  	s31 =	sshll.u32 s1, $0xD;
	s1 =	sshrl.u32 s1, $0x2  }
0xbb: {  	s3 =	sand.u32 $0x4000, s31;
	s1 =	sadd.s32 s1, s30  }
0xbc: {  	s0 =	sor.u32 s3, s0;
	s1 =	sshll.u32 s1, $0x11  }
0xbd: {  	s0 =	sor.u32 s1, s0  }
0xbe: {  	s0 =	sadd.s32 $0x8F2B, s0  }
0xbf: {  	[sflag:s0] =	ssyncadd.remote.s32 $0x1  }
0xc0: {  	_ =	sfence.sel $0xFFFF  }
0xc1: {  	[dreg:$0x0] =	wrdreg $0xFFFFFFFF;
	(pc) =	sbr.abs _section_cstart, $3  }
0xc2: {  	[dreg:$0x1] =	wrdreg $0xFFFFFFFF  }
0xc3: {  	_ =	task.clear_ibuf [dreg:s8], $0x2FFFF;
	_ =	strace $0x9FFFFFFF  }
0xc4: {  	(tm) =	ssettm $0x7FFFFFFF  }
0xc5: {  	_ =	shalt  }
tec
execute0_lowered:
.L_overlay_start_1:
0x0: {  	(tag) =	ssettag $0x1  }
0x1: {  	s5 =	rddreg [dreg:$0x0]  }
0x2: {  	s6 =	rddreg [dreg:$0x1]  }
0x3: {  	s7 =	rddreg [dreg:$0x2]  }
0x4: {  	s1 =	srdreg.scid;
	s0 =	rddreg [dreg:$0x3];
	s2 =	simm.s32 $0x0  }
0x5: {  	s12 =	simm.s32 $0x4E20;
	s13 =	simm.s32 $0x1;
	s14 =	simm.s32 $0x0  }
0x6: {  	s8 =	sand.u32 $0x1, s1;
	s1 =	stileid.u32;
	[smem:$0x7FF] =	sst s2  }
0x7: {  	s3 =	sshll.u32 s8, $0x4;
	s9 =	smul.u32 $0x138800, s8;
	_ =	strace $0x80000059  }
0x8: {  	s8 =	ssub.s32 $0x2, s8;
	s11 =	smul.u32 $0x13880, s1;
	s4 =	sor.u32 s1, s3  }
0x9: {  	s3 =	sadd.s32 $0x3E800, s5;
	s31 =	sshrl.u32 s8, $0x1;
	s10 =	smul.u32 $0x2710, s4  }
0xa: {  	s4 =	sadd.s32 $0x52200, s5;
	s9 =	sadd.s32 s9, s5;
	s8 =	ssub.s32 s8, s31  }
0xb: {  	s9 =	sadd.s32 s11, s9;
	s11 =	simm.s32 $0x50;
	s10 =	sshrl.u32 s10, $0x3  }
0xc: {  	s5 =	sadd.s32 s6, s10;
	s6 =	sadd.s32 s7, s10;
	s7 =	smax.u32 s8, $0x1  }
0xd: {  	s8 =	sadd.s32 $0x2B0C00, s9;
	s9 =	simm.s32 $0x2;
	s10 =	simm.s32 $0x2710  }
.LBB2_1:
0xe: {  	[tilespmem:s2], [sflag:$0x2] =	stream.linear.gather [hbm4b:s5+s2], $0x2710, $0x38;
	[tilespmem:$0x6220] =	vst v63  }
0xf: {  	_ =	swait.ge [sflag:s9], $0x2710  }
0x10: {  	[sflag:s9] =	ssyncset.done $0x0  }
0x11: {  	[sflag:s9] =	ssyncadd.s32 $0xFFFFD8F0  }
0x12: {  	[tilespmem:s10], [sflag:$0x2] =	stream.linear.gather [hbm4b:s6+s2], $0x2710, $0x38;
	[tilespmem:$0x6220] =	vst v63  }
0x13: {  	_ =	swait.ge [sflag:s9], $0x2710  }
0x14: {  	[sflag:s9] =	ssyncset.done $0x0  }
0x15: {  	s15 =	simm.s32 $0x0;
	[sflag:s9] =	ssyncadd.s32 $0xFFFFD8F0  }
0x16: {  	[tilespmem:s12], [sflag:$0x1] =	stream.indirect.gather [hbm4b:s3+s11], $0x40, s15, s11, $0xb8;
	[tilespmem:$0x6220] =	vst v63  }
0x17: {  	_ =	swait.ge [sflag:s13], $0x1400  }
0x18: {  	[sflag:s13] =	ssyncset.done $0x0  }
0x19: {  	s31 =	simm.s32 $0x2710;
	[sflag:s13] =	ssyncadd.s32 $0xFFFFEC00  }
0x1a: {  	[tilespmem:s12], [sflag:$0x1] =	stream.indirect.gather.add.f32 [hbm:s4], $0x40, s31, s11, $0xb8;
	[tilespmem:$0x6220] =	vst v63  }
0x1b: {  	_ =	swait.ge [sflag:s13], $0x1400  }
0x1c: {  	[sflag:s13] =	ssyncset.done $0x0  }
0x1d: {  	[sflag:s13] =	ssyncadd.s32 $0xFFFFEC00  }
0x1e: {  	[hbm4b:s8+s2] =	stream.linear.scatter [tilespmem:s12], [sflag:$0x2], $0x1400, $0x38;
	[tilespmem:$0x6220] =	vst v63  }
0x1f: {  	s16 =	simm.s32 $0x140;
	_ =	swait.ge [sflag:s9], $0x1400  }
0x20: {  	s17 =	simm.s32 $0x280;
	s15 =	sadd.s32 $0x280, s8;
	[sflag:s9] =	ssyncset.done $0x0  }
.LBB2_2:
0x21: {  	s18 =	sshra.s32 s16, $0x2  }
0x22: {  	[sflag:s9] =	ssyncadd.s32 $0xFFFFEC00;
	s16 =	smov.u32 s17;
	s19 =	sadd.s32 $0x140, s17  }
0x23: {  	[tilespmem:s12], [sflag:$0x1] =	stream.indirect.gather [hbm4b:s3+s11], $0x40, s18, s11, $0xb8;
	[tilespmem:$0x6220] =	vst v63  }
0x24: {  	p0 =	sne.s32 s17, $0x9B00;
	_ =	swait.ge [sflag:s13], $0x1400  }
0x25: {  	[sflag:s13] =	ssyncset.done $0x0  }
0x26: {  	s17 =	sadd.s32 $0x2710, s18;
	[sflag:s13] =	ssyncadd.s32 $0xFFFFEC00  }
0x27: {  	[tilespmem:s12], [sflag:$0x1] =	stream.indirect.gather.add.f32 [hbm:s4], $0x40, s17, s11, $0xb8;
	[tilespmem:$0x6220] =	vst v63  }
0x28: {  	_ =	swait.ge [sflag:s13], $0x1400  }
.Ltmp0:
0x29: {  	[sflag:s13] =	ssyncset.done $0x0;
	(pc) =	sbr.rel @p0 .LBB2_2-.Ltmp0, $4  }
0x2a: {  	[sflag:s13] =	ssyncadd.s32 $0xFFFFEC00  }
0x2b: {  	[hbm4b:s15+s2] =	stream.linear.scatter [tilespmem:s12], [sflag:$0x2], $0x1400, $0x38;
	[tilespmem:$0x6220] =	vst v63  }
0x2c: {  	_ =	swait.ge [sflag:s9], $0x1400  }
0x2d: {  	s17 =	smov.u32 s19;
	s15 =	sadd.s32 $0x280, s15;
	[sflag:s9] =	ssyncset.done $0x0  }
0x2e: {  	s16 =	sshra.s32 s16, $0x2;
	[sflag:s9] =	ssyncadd.s32 $0xFFFFEC00  }
0x2f: {  	[tilespmem:s12], [sflag:$0x1] =	stream.indirect.gather [hbm4b:s3+s11], $0x40, s16, s11, $0xb8;
	[tilespmem:$0x6220] =	vst v63  }
0x30: {  	_ =	swait.ge [sflag:s13], $0x1400  }
0x31: {  	[sflag:s13] =	ssyncset.done $0x0  }
0x32: {  	s16 =	sadd.s32 $0x2710, s16;
	[sflag:s13] =	ssyncadd.s32 $0xFFFFEC00  }
0x33: {  	[tilespmem:s12], [sflag:$0x1] =	stream.indirect.gather.add.f32 [hbm:s4], $0x40, s16, s11, $0xb8;
	[tilespmem:$0x6220] =	vst v63  }
0x34: {  	s14 =	sadd.s32 $0x1, s14;
	_ =	swait.ge [sflag:s13], $0x1400  }
0x35: {  	p0 =	sne.s32 s14, s7;
	[sflag:s13] =	ssyncset.done $0x0  }
.Ltmp1:
0x36: {  	[sflag:s13] =	ssyncadd.s32 $0xFFFFEC00;
	(pc) =	sbr.rel @p0 .LBB2_1-.Ltmp1, $4  }
0x37: {  	[hbm4b:s15+s2] =	stream.linear.scatter [tilespmem:s12], [sflag:$0x2], $0x1400, $0x38;
	[tilespmem:$0x6220] =	vst v63  }
0x38: {  	_ =	swait.ge [sflag:s9], $0x1400  }
0x39: {  	[sflag:s9] =	ssyncset.done $0x0  }
0x3a: {  	[sflag:s9] =	ssyncadd.s32 $0xFFFFEC00  }
0x3b: {  	_ =	sfence.sel $0x180000  }
0x3c: {  	[bflag:$0x0] =	sbarrier.arrive $0xFFFF  }
0x3d: {  	p0 =	sne.s32 s1, $0x0;
	_ =	strace $0x90000059  }
0x3e: {  	s0 =	sadd.s32 @!p0 $0x100000, s0;
	[bflag:$0x2] =	sbarrier.arrive $0xFFFF  }
0x3f: {  	[sflag:s0] =	ssyncadd.tile.s32 @!p0 $0x1;
	_ =	shalt  }
.Lfunc_end2:
_tile_overlayer_lowered:
.L_overlay_start_2:
0x40: {  	(tag) =	ssettag $0x2  }
0x41: {  	s0 =	rddreg [dreg:$0x0];
	s2 =	stileid.u32  }
0x42: {  	s1 =	rddreg [dreg:$0x1];
	p0 =	sne.s32 s2, $0x0  }
0x43: {  	s3 =	rddreg [dreg:$0x2];
	[bflag:$0x3] =	sbarrier.arrive $0xFFFF;
	s2 =	simm.s32 @!p0 $0x1C02  }
0x44: {  	[timem:s3], [sflag:s2] =	dma.local @!p0 [hbm:s0], s1  }
0x45: {  	s0 =	simm.s32 @!p0 $0x2  }
0x46: {  	_ =	swait.ge @!p0 [sflag:s0], s1  }
0x47: {  	s1 =	ssub.s32 @!p0 $0x0, s1;
	[sflag:s0] =	ssyncset.done @!p0 $0x0  }
0x48: {  	[sflag:s0] =	ssyncadd.s32 @!p0 s1  }
0x49: {  	[bflag:$0x3] =	sbarrier.arrive $0xFFFF  }
0x4a: {  	_ =	shalt  }

// kernel: kernel.46.cloned.1.call-start
scs
__scs_entry_jumppad:
0x0: {  	(pc) =	sbr.rel $0x88, $3  }
0x1: {  	(tag) =	ssettag $0x0;
	lr =	simm.s32 $0x1  }
0x2: {  	[smem:$0x3F37] =	sst lr;
	_ =	strace $0xD0000000  }
0x3: {  	_ = 	snop  }
0x4: {  	_ = 	snop  }
0x5: {  	_ = 	snop  }
0x6: {  	_ = 	snop  }
0x7: {  	_ = 	snop  }
__scs_overlays_trampoline_lowered:
0x8: {  	[smem:$0x3F46] =	sst s0  }
0x9: {  	[smem:$0x3F47] =	sst s1  }
0xa: {  	[smem:$0x3F48] =	sst s2  }
0xb: {  	[smem:$0x3F49] =	sst s3  }
0xc: {  	[smem:$0x3F4A] =	sst s4  }
0xd: {  	[smem:$0x3F4B] =	sst s5  }
0xe: {  	[smem:$0x3F4C] =	sst s6  }
0xf: {  	[smem:$0x3F4D] =	sst s7  }
0x10: {  	[smem:$0x3F4E] =	sst s8  }
0x11: {  	[smem:$0x3F4F] =	sst s9;
	s0 =	simm.s32 @!p0 $0x0  }
0x12: {  	s1 =	sld [smem:$0x3F35];
	s0 =	simm.s32 @p0 $0x1  }
0x13: {  	[smem:$0x3F50] =	sst s0;
	s0 =	simm.s32 @!p1 $0x0  }
0x14: {  	s2 =	sld [smem:$0x3F34];
	s0 =	simm.s32 @p1 $0x1  }
0x15: {  	[smem:$0x3F51] =	sst s0;
	s0 =	simm.s32 @!p2 $0x0  }
0x16: {  	s3 =	sld [smem:$0x3FDB];
	s0 =	simm.s32 @p2 $0x1  }
0x17: {  	s4 =	simm.s32 $0x1BF5;
	[smem:$0x3F53] =	sst s0  }
0x18: {  	s0 =	sld [smem:$0x3F36];
	_ =	swait.ge [sflag:s4], $0x0  }
0x19: {  	s7 =	sld [smem:$0x3F37]  }
0x1a: {  	s8 =	sadd.s32 $0xFFFFE003, lr  }
0x1b: {  	s9 =	sadd.s32 $0xFFFFFEF7, lr;
	s5 =	simm.s32 $0xFFFFFFFF;
	p2 =	slt.u32 s8, $0xFFFFF086  }
0x1c: {  	p1 =	slt.u32 s9, $0xF7A;
	s5 =	simm.s32 @!p2 $0x0  }
0x1d: {  	s5 =	simm.s32 @p1 $0x1;
	p0 =	seq.s32 s7, s2  }
0x1e: {  	s7 =	smul.u32 @!p0 $0xF7A, s2;
	p2 =	seq.s32 @!p0 s5, $0x0  }
0x1f: {  	s9 =	smul.u32 $0xF7A, s1;
	s8 =	simm.s32 @!p0 $0x1BF5;
	p2 =	por !p2, p0  }
0x20: {  	[sflag:s8] =	ssyncset.s32 @!p0 $0xFFFFF086;
	s6 =	sadd.s32 @!p0 s3, s7;
	s7 =	simm.s32 @!p0 $0x108  }
0x21: {  	s3 =	sadd.s32 s3, s9;
	s6 =	sadd.s32 @!p0 $0x88, s6;
	s7 =	simm.s32 @p2 $0x1082  }
0x22: {  	[simem:s7], [sflag:s8] =	dma.local @!p0 [hbm:s6], $0xF7A  }
0x23: {  	s9 =	sor.u32 $0xD0000000, s2;
	s6 =	simm.s32 $0x108;
	_ =	swait.ge @!p0 [sflag:s8], $0x0  }
0x24: {  	s3 =	sadd.s32 $0x88, s3;
	s6 =	simm.s32 @!p1 $0x1082;
	[sflag:s4] =	ssyncset.s32 $0xFFFFF086  }
0x25: {  	[simem:s6], [sflag:s4] =	dma.local [hbm:s3], $0xF7A  }
0x26: {  	[smem:$0x3F37] =	sst s1;
	(tag) =	ssettag s2;
	_ =	strace s9  }
0x27: {  	s1 =	sld [smem:$0x3F47]  }
0x28: {  	s2 =	sld [smem:$0x3F48]  }
0x29: {  	s4 =	sld [smem:$0x3F4A]  }
0x2a: {  	p0 =	seq.s32 s5, $0x0;
	s5 =	sld [smem:$0x3F4B]  }
0x2b: {  	s6 =	sld [smem:$0x3F4C]  }
0x2c: {  	s7 =	sld [smem:$0x3F4D]  }
0x2d: {  	s3 =	simm.s32 $0x108;
	s8 =	sld [smem:$0x3F4E]  }
0x2e: {  	s3 =	simm.s32 @!p0 $0x1082;
	s9 =	sld [smem:$0x3F4F]  }
0x2f: {  	lr =	sadd.s32 s0, s3;
	s0 =	sld [smem:$0x3F46]  }
0x30: {  	s3 =	sld [smem:$0x3F49]  }
0x31: {  	[smem:$0x3F52] =	sst s10  }
0x32: {  	s10 =	sld [smem:$0x3F50];
	_ =	sdelay $0x3  }
0x33: {  	p0 =	seq.s32 s10, $0x1;
	s10 =	sld [smem:$0x3F52];
	_ =	sdelay $0x3  }
0x34: {  	[smem:$0x3F52] =	sst s10  }
0x35: {  	s10 =	sld [smem:$0x3F51];
	_ =	sdelay $0x3  }
0x36: {  	p1 =	seq.s32 s10, $0x1;
	s10 =	sld [smem:$0x3F52];
	_ =	sdelay $0x3  }
0x37: {  	[smem:$0x3F52] =	sst s10  }
0x38: {  	s10 =	sld [smem:$0x3F53]  }
0x39: {  	_ = 	snop;
	(pc) =	sbr.ind lr, $3  }
0x3a: {  	_ = 	snop  }
0x3b: {  	_ = 	snop  }
0x3c: {  	p2 =	seq.s32 s10, $0x1;
	s10 =	sld [smem:$0x3F52]  }
0x3d: {  	_ =	shalt  }
0x3e: {  	_ =	shalt  }
0x3f: {  	_ =	shalt  }
0x40: {  	_ =	shalt  }
0x41: {  	_ =	shalt  }
0x42: {  	_ =	shalt  }
0x43: {  	_ =	shalt  }
0x44: {  	_ =	shalt  }
0x45: {  	_ =	shalt  }
0x46: {  	_ =	shalt  }
0x47: {  	_ =	shalt  }
0x48: {  	_ =	shalt  }
0x49: {  	_ =	shalt  }
0x4a: {  	_ =	shalt  }
0x4b: {  	_ =	shalt  }
0x4c: {  	_ =	shalt  }
0x4d: {  	_ =	shalt  }
0x4e: {  	_ =	shalt  }
0x4f: {  	_ =	shalt  }
0x50: {  	_ =	shalt  }
0x51: {  	_ =	shalt  }
0x52: {  	_ =	shalt  }
0x53: {  	_ =	shalt  }
0x54: {  	_ =	shalt  }
0x55: {  	_ =	shalt  }
0x56: {  	_ =	shalt  }
0x57: {  	_ =	shalt  }
0x58: {  	_ =	shalt  }
0x59: {  	_ =	shalt  }
0x5a: {  	_ =	shalt  }
0x5b: {  	_ =	shalt  }
0x5c: {  	_ =	shalt  }
0x5d: {  	_ =	shalt  }
0x5e: {  	_ =	shalt  }
0x5f: {  	_ =	shalt  }
0x60: {  	_ =	shalt  }
0x61: {  	_ =	shalt  }
0x62: {  	_ =	shalt  }
0x63: {  	_ =	shalt  }
0x64: {  	_ =	shalt  }
0x65: {  	_ =	shalt  }
0x66: {  	_ =	shalt  }
0x67: {  	_ =	shalt  }
0x68: {  	_ =	shalt  }
0x69: {  	_ =	shalt  }
0x6a: {  	_ =	shalt  }
0x6b: {  	_ =	shalt  }
0x6c: {  	_ =	shalt  }
0x6d: {  	_ =	shalt  }
0x6e: {  	_ =	shalt  }
0x6f: {  	_ =	shalt  }
0x70: {  	_ =	shalt  }
0x71: {  	_ =	shalt  }
0x72: {  	_ =	shalt  }
0x73: {  	_ =	shalt  }
0x74: {  	_ =	shalt  }
0x75: {  	_ =	shalt  }
0x76: {  	_ =	shalt  }
0x77: {  	_ =	shalt  }
0x78: {  	_ =	shalt  }
0x79: {  	_ =	shalt  }
0x7a: {  	_ =	shalt  }
0x7b: {  	_ =	shalt  }
0x7c: {  	_ =	shalt  }
0x7d: {  	_ =	shalt  }
0x7e: {  	_ =	shalt  }
0x7f: {  	_ =	shalt  }
0x80: {  	_ =	shalt  }
0x81: {  	_ =	shalt  }
0x82: {  	_ =	shalt  }
0x83: {  	_ =	shalt  }
0x84: {  	_ =	shalt  }
0x85: {  	_ =	shalt  }
0x86: {  	_ =	shalt  }
0x87: {  	_ =	shalt  }
.Lfunc_end0:
.L_simem_size_0:
called_computation.7_lowered:
.L_overlay_start_0:
0x88: {  	s2 =	sld [smem:$0x3FD9]  }
0x89: {  	s3 =	sld [smem:$0x3FFE];
	_ =	sdelay $0x1  }
0x8a: {  	s1 =	srdreg.scid  }
0x8b: {  	s0 =	sand.u32 $0x1, s1  }
0x8c: {  	s17 =	sshll.u32 s0, $0xA;
	s2 =	sadd.s32 s3, s2  }
0x8d: {  	s2 =	sadd.s32 s2, s17  }
0x8e: {  	[smem:$0x3F5E] =	sst s2  }
0x8f: {  	_ = 	snop  }
0x90: {  	s2 =	sld [smem:$0x3FC6];
	(tm) =	ssettm $0x1  }
0x91: {  	s18 =	sld [smem:$0x3FFB];
	_ =	sdelay $0x3  }
0x92: {  	_ =	strace s18  }
0x93: {  	s3 =	sld [smem:$0x3FFC];
	_ =	sdelay $0x3  }
0x94: {  	_ =	strace s3  }
0x95: {  	s3 =	sld [smem:$0x3FFD];
	_ =	sdelay $0x3  }
0x96: {  	_ =	strace s3  }
0x97: {  	_ =	strace $0x8FFFFFFF  }
0x98: {  	s19 =	sld [smem:$0x3FDB];
	_ =	sdelay $0x1  }
0x99: {  	s4 =	simm.s32 $_scs_section_size  }
0x9a: {  	s5 =	simm.s32 $_size__tile_overlayer_lowered;
	s6 =	simm.s32 $_tile_overlayer_lowered  }
0x9b: {  	s22 =	simm.s32 $0x1BFF;
	s21 =	sshll.u32 s6, $0x1;
	s3 =	sadd.s32 s4, s19  }
0x9c: {  	s7 =	simm.s32 $0x0;
	s20 =	sshll.u32 s5, $0x1;
	s5 =	sadd.s32 s21, s3  }
0x9d: {  	[timem:s7], [sflag:s22] =	dma.local [hbm:s5], s20  }
0x9e: {  	_ =	swait.ge [sflag:s22], s20  }
0x9f: {  	s4 =	ssub.s32 $0x0, s20;
	[sflag:s22] =	ssyncset.done $0x0  }
0xa0: {  	[sflag:s22] =	ssyncadd.s32 s4;
	_ =	sdelay $0x1  }
0xa1: {  	s23 =	simm.s32 $0x1B8B  }
0xa2: {  	_ =	swait.ge [sflag:s23], $0x1  }
0xa3: {  	[sflag:s23] =	ssyncset.done $0x0  }
0xa4: {  	s25 =	simm.s32 $0x1B8E;
	s24 =	sld [smem:$0x3FFE];
	[sflag:s23] =	ssyncadd.s32 $0xFFFFFFFF  }
0xa5: {  	s26 =	simm.s32 $execute0_lowered;
	[smem:$0x3FD2] =	sst s25  }
0xa6: {  	s5 =	sshll.u32 s26, $0x1;
	_ =	strace $0x8000005B;
	[dreg:$0x1] =	wrdreg $0xFFFFFFFF  }
0xa7: {  	s28 =	simm.s32 $_size_execute0_lowered;
	s3 =	sadd.s32 s3, s5;
	[dreg:$0x0] =	wrdreg $0x0  }
0xa8: {  	s5 =	sshll.u32 s28, $0x1;
	[dreg:$0x2] =	wrdreg s3  }
0xa9: {  	[dreg:$0x3] =	wrdreg s5  }
0xaa: {  	[dreg:$0x4] =	wrdreg $0xC0  }
0xab: {  	_ =	task [dreg:s7], $0x5FFFF  }
0xac: {  	[dreg:$0x1] =	wrdreg $0xFFFFFFFF  }
0xad: {  	[dreg:$0x0] =	wrdreg $0x60  }
0xae: {  	[dreg:$0x2] =	wrdreg s24  }
0xaf: {  	[dreg:$0x3] =	wrdreg s2  }
0xb0: {  	[dreg:$0x4] =	wrdreg $0x3B100  }
0xb1: {  	[dreg:$0x5] =	wrdreg $0x9  }
0xb2: {  	_ =	task.clear_ibuf [dreg:s7], $0x6FFFF;
	_ =	strace $0x9000005B  }
0xb3: {  	s29 =	simm.s32 $0x9;
	_ =	strace $0x8000005D  }
0xb4: {  	_ =	swait.ge [sflag:s29], $0x1  }
0xb5: {  	[sflag:s29] =	ssyncadd.s32 $0xFFFFFFFF  }
0xb6: {  	_ =	strace $0x9000005D  }
0xb7: {  	_ =	sfence  }
0xb8: {  	s30 =	sld [smem:$0x0];
	_ =	sdelay $0x2  }
0xb9: {  	s31 =	sshll.u32 s1, $0xD;
	s1 =	sshrl.u32 s1, $0x2  }
0xba: {  	s3 =	sand.u32 $0x4000, s31;
	s1 =	sadd.s32 s1, s30  }
0xbb: {  	s0 =	sor.u32 s3, s0;
	s1 =	sshll.u32 s1, $0x11  }
0xbc: {  	s0 =	sor.u32 s1, s0  }
0xbd: {  	s0 =	sadd.s32 $0x8F2B, s0  }
0xbe: {  	[sflag:s0] =	ssyncadd.remote.s32 $0x1  }
0xbf: {  	_ =	sfence.sel $0xFFFF  }
0xc0: {  	[dreg:$0x0] =	wrdreg $0xFFFFFFFF;
	(pc) =	sbr.abs _section_cstart, $3  }
0xc1: {  	[dreg:$0x1] =	wrdreg $0xFFFFFFFF  }
0xc2: {  	_ =	task.clear_ibuf [dreg:s7], $0x2FFFF;
	_ =	strace $0x9FFFFFFF  }
0xc3: {  	(tm) =	ssettm $0x7FFFFFFF  }
tec
execute0_lowered:
.L_overlay_start_1:
0x0: {  	(tag) =	ssettag $0x1  }
0x1: {  	s5 =	rddreg [dreg:$0x0]  }
0x2: {  	s6 =	rddreg [dreg:$0x1]  }
0x3: {  	s0 =	srdreg.scid;
	s1 =	rddreg [dreg:$0x2]  }
0x4: {  	s2 =	simm.s32 $0x0;
	s7 =	sand.u32 $0x1, s0;
	s0 =	rddreg [dreg:$0x3]  }
0x5: {  	[smem:$0x7FF] =	sst s2;
	s3 =	smul.u32 $0x138800, s7  }
0x6: {  	s9 =	smul.u32 $0x14000, s7;
	s10 =	sshll.u32 s7, $0x4;
	s7 =	ssub.s32 $0x2, s7  }
0x7: {  	s4 =	sadd.s32 $0x2AF800, s5;
	_ =	strace $0x8000005C;
	s30 =	sshrl.u32 s7, $0x1  }
0x8: {  	s8 =	sadd.s32 s3, s5;
	s3 =	stileid.u32;
	s9 =	sadd.s32 s9, s5  }
0x9: {  	s7 =	ssub.s32 s7, s30;
	s10 =	sor.u32 s3, s10;
	s11 =	smul.u32 $0xA000, s3  }
0xa: {  	s31 =	sshll.u32 s3, $0x6;
	s12 =	smul.u32 $0x13880, s3;
	s14 =	sadd.s32 $0x2B0C00, s9  }
0xb: {  	s7 =	smax.u32 s7, $0x1;
	s10 =	smul.u32 $0x2710, s10;
	s5 =	sor.u32 $0x1C01, s31  }
0xc: {  	s13 =	sadd.s32 s11, s1;
	s8 =	sadd.s32 s12, s8;
	s15 =	sshrl.u32 s11, $0x3  }
0xd: {  	s11 =	simm.s32 $0x2710;
	s12 =	simm.s32 $0x50;
	s10 =	sshrl.u32 s10, $0x3  }
0xe: {  	s8 =	sadd.s32 $0x3E800, s8;
	s9 =	sshrl.u32 s13, $0x3;
	s13 =	sadd.s32 s15, s14  }
0xf: {  	s14 =	simm.s32 $0x0;
	s6 =	sadd.s32 s6, s10;
	s10 =	simm.s32 $0x1  }
.LBB2_1:
0x10: {  	[spmem:s9], [sflag:s5] =	dma.local [hbm:s4], $0x1400  }
0x11: {  	_ =	swait.ge [sflag:s10], $0x1400  }
0x12: {  	[sflag:s10] =	ssyncset.done $0x0  }
0x13: {  	[sflag:s10] =	ssyncadd.s32 $0xFFFFEC00  }
0x14: {  	[tilespmem:s2], [sflag:$0x1] =	stream.linear.gather [hbm4b:s6+s2], $0x2710, $0x38;
	[tilespmem:$0xDB10] =	vst v63  }
0x15: {  	_ =	swait.ge [sflag:s10], $0x2710  }
0x16: {  	[sflag:s10] =	ssyncset.done $0x0  }
0x17: {  	[sflag:s10] =	ssyncadd.s32 $0xFFFFD8F0  }
0x18: {  	[bflag:$0x0] =	sbarrier.arrive $0xFFFF  }
0x19: {  	[tilespmem:s11], [sflag:$0x1] =	stream.linear.gather [hbm4b:s8+s2], $0x1400, $0x38;
	[tilespmem:$0xDB10] =	vst v63  }
0x1a: {  	_ =	swait.ge [sflag:s10], $0x1400  }
0x1b: {  	[sflag:s10] =	ssyncset.done $0x0  }
0x1c: {  	s15 =	simm.s32 $0x0;
	[sflag:s10] =	ssyncadd.s32 $0xFFFFEC00  }
0x1d: {  	[spmem:s1] =	stream.indirect.scatter.add.f32 [tilespmem:s11], [sflag:$0x1], $0x40, s15, s12, $0xb8;
	[tilespmem:$0xDB10] =	vst v63  }
0x1e: {  	_ =	swait.ge [sflag:s10], $0x1400  }
0x1f: {  	s16 =	smov.u32 s8;
	s15 =	simm.s32 $0x140;
	[sflag:s10] =	ssyncset.done $0x0  }
.LBB2_2:
0x20: {  	p0 =	sne.s32 s15, $0x9B00;
	[sflag:s10] =	ssyncadd.s32 $0xFFFFEC00;
	s16 =	sadd.s32 $0x280, s16  }
0x21: {  	[tilespmem:s11], [sflag:$0x1] =	stream.linear.gather [hbm4b:s16+s2], $0x1400, $0x38;
	[tilespmem:$0xDB10] =	vst v63  }
0x22: {  	s17 =	smov.u32 s15;
	s15 =	sadd.s32 $0x140, s15;
	_ =	swait.ge [sflag:s10], $0x1400  }
.Ltmp0:
0x23: {  	[sflag:s10] =	ssyncset.done $0x0;
	(pc) =	sbr.rel @p0 .LBB2_2-.Ltmp0, $4  }
0x24: {  	s17 =	sshra.s32 s17, $0x2;
	[sflag:s10] =	ssyncadd.s32 $0xFFFFEC00  }
0x25: {  	[spmem:s1] =	stream.indirect.scatter.add.f32 [tilespmem:s11], [sflag:$0x1], $0x40, s17, s12, $0xb8;
	[tilespmem:$0xDB10] =	vst v63  }
0x26: {  	_ =	swait.ge [sflag:s10], $0x1400  }
0x27: {  	[sflag:s10] =	ssyncset.done $0x0  }
0x28: {  	s14 =	sadd.s32 $0x1, s14  }
0x29: {  	[sflag:s10] =	ssyncadd.s32 $0xFFFFEC00;
	p0 =	sne.s32 s14, s7  }
.Ltmp1:
0x2a: {  	[bflag:$0x0] =	sbarrier.arrive $0xFFFF;
	(pc) =	sbr.rel @p0 .LBB2_1-.Ltmp1, $4  }
0x2b: {  	[hbm:s13], [sflag:s5] =	dma.local [spmem:s9], $0x1400  }
0x2c: {  	_ =	swait.ge [sflag:s10], $0x1400  }
0x2d: {  	[sflag:s10] =	ssyncset.done $0x0  }
0x2e: {  	[sflag:s10] =	ssyncadd.s32 $0xFFFFEC00  }
0x2f: {  	_ =	sfence.sel $0x180000  }
0x30: {  	[bflag:$0x0] =	sbarrier.arrive $0xFFFF  }
0x31: {  	p0 =	sne.s32 s3, $0x0;
	_ =	strace $0x9000005C  }
0x32: {  	s0 =	sadd.s32 @!p0 $0x100000, s0;
	[bflag:$0x2] =	sbarrier.arrive $0xFFFF  }
0x33: {  	[sflag:s0] =	ssyncadd.tile.s32 @!p0 $0x1;
	_ =	shalt  }
.Lfunc_end2:
_tile_overlayer_lowered:
.L_overlay_start_2:
0x34: {  	(tag) =	ssettag $0x2  }
0x35: {  	s0 =	rddreg [dreg:$0x0];
	s2 =	stileid.u32  }
0x36: {  	s1 =	rddreg [dreg:$0x1];
	p0 =	sne.s32 s2, $0x0  }
0x37: {  	s3 =	rddreg [dreg:$0x2];
	[bflag:$0x3] =	sbarrier.arrive $0xFFFF;
	s2 =	simm.s32 @!p0 $0x1C01  }
0x38: {  	[timem:s3], [sflag:s2] =	dma.local @!p0 [hbm:s0], s1  }
0x39: {  	s0 =	simm.s32 @!p0 $0x1  }
0x3a: {  	_ =	swait.ge @!p0 [sflag:s0], s1  }
0x3b: {  	s1 =	ssub.s32 @!p0 $0x0, s1;
	[sflag:s0] =	ssyncset.done @!p0 $0x0  }
0x3c: {  	[sflag:s0] =	ssyncadd.s32 @!p0 s1  }
0x3d: {  	[bflag:$0x3] =	sbarrier.arrive $0xFFFF  }
0x3e: {  	_ =	shalt  }

// kernel: kernel.49.cloned.1.call-start
scs
__scs_entry_jumppad:
0x0: {  	(pc) =	sbr.rel $0x88, $3  }
0x1: {  	(tag) =	ssettag $0x0;
	lr =	simm.s32 $0x1  }
0x2: {  	[smem:$0x3F37] =	sst lr;
	_ =	strace $0xD0000000  }
0x3: {  	_ = 	snop  }
0x4: {  	_ = 	snop  }
0x5: {  	_ = 	snop  }
0x6: {  	_ = 	snop  }
0x7: {  	_ = 	snop  }
__scs_overlays_trampoline_lowered:
0x8: {  	[smem:$0x3F46] =	sst s0  }
0x9: {  	[smem:$0x3F47] =	sst s1  }
0xa: {  	[smem:$0x3F48] =	sst s2  }
0xb: {  	[smem:$0x3F49] =	sst s3  }
0xc: {  	[smem:$0x3F4A] =	sst s4  }
0xd: {  	[smem:$0x3F4B] =	sst s5  }
0xe: {  	[smem:$0x3F4C] =	sst s6  }
0xf: {  	[smem:$0x3F4D] =	sst s7  }
0x10: {  	[smem:$0x3F4E] =	sst s8  }
0x11: {  	[smem:$0x3F4F] =	sst s9;
	s0 =	simm.s32 @!p0 $0x0  }
0x12: {  	s1 =	sld [smem:$0x3F35];
	s0 =	simm.s32 @p0 $0x1  }
0x13: {  	[smem:$0x3F50] =	sst s0;
	s0 =	simm.s32 @!p1 $0x0  }
0x14: {  	s2 =	sld [smem:$0x3F34];
	s0 =	simm.s32 @p1 $0x1  }
0x15: {  	[smem:$0x3F51] =	sst s0;
	s0 =	simm.s32 @!p2 $0x0  }
0x16: {  	s3 =	sld [smem:$0x3FDB];
	s0 =	simm.s32 @p2 $0x1  }
0x17: {  	s4 =	simm.s32 $0x1BF5;
	[smem:$0x3F53] =	sst s0  }
0x18: {  	s0 =	sld [smem:$0x3F36];
	_ =	swait.ge [sflag:s4], $0x0  }
0x19: {  	s7 =	sld [smem:$0x3F37]  }
0x1a: {  	s8 =	sadd.s32 $0xFFFFE003, lr  }
0x1b: {  	s9 =	sadd.s32 $0xFFFFFEF7, lr;
	s5 =	simm.s32 $0xFFFFFFFF;
	p2 =	slt.u32 s8, $0xFFFFF086  }
0x1c: {  	p1 =	slt.u32 s9, $0xF7A;
	s5 =	simm.s32 @!p2 $0x0  }
0x1d: {  	s5 =	simm.s32 @p1 $0x1;
	p0 =	seq.s32 s7, s2  }
0x1e: {  	s7 =	smul.u32 @!p0 $0xF7A, s2;
	p2 =	seq.s32 @!p0 s5, $0x0  }
0x1f: {  	s9 =	smul.u32 $0xF7A, s1;
	s8 =	simm.s32 @!p0 $0x1BF5;
	p2 =	por !p2, p0  }
0x20: {  	[sflag:s8] =	ssyncset.s32 @!p0 $0xFFFFF086;
	s6 =	sadd.s32 @!p0 s3, s7;
	s7 =	simm.s32 @!p0 $0x108  }
0x21: {  	s3 =	sadd.s32 s3, s9;
	s6 =	sadd.s32 @!p0 $0x88, s6;
	s7 =	simm.s32 @p2 $0x1082  }
0x22: {  	[simem:s7], [sflag:s8] =	dma.local @!p0 [hbm:s6], $0xF7A  }
0x23: {  	s9 =	sor.u32 $0xD0000000, s2;
	s6 =	simm.s32 $0x108;
	_ =	swait.ge @!p0 [sflag:s8], $0x0  }
0x24: {  	s3 =	sadd.s32 $0x88, s3;
	s6 =	simm.s32 @!p1 $0x1082;
	[sflag:s4] =	ssyncset.s32 $0xFFFFF086  }
0x25: {  	[simem:s6], [sflag:s4] =	dma.local [hbm:s3], $0xF7A  }
0x26: {  	[smem:$0x3F37] =	sst s1;
	(tag) =	ssettag s2;
	_ =	strace s9  }
0x27: {  	s1 =	sld [smem:$0x3F47]  }
0x28: {  	s2 =	sld [smem:$0x3F48]  }
0x29: {  	s4 =	sld [smem:$0x3F4A]  }
0x2a: {  	p0 =	seq.s32 s5, $0x0;
	s5 =	sld [smem:$0x3F4B]  }
0x2b: {  	s6 =	sld [smem:$0x3F4C]  }
0x2c: {  	s7 =	sld [smem:$0x3F4D]  }
0x2d: {  	s3 =	simm.s32 $0x108;
	s8 =	sld [smem:$0x3F4E]  }
0x2e: {  	s3 =	simm.s32 @!p0 $0x1082;
	s9 =	sld [smem:$0x3F4F]  }
0x2f: {  	lr =	sadd.s32 s0, s3;
	s0 =	sld [smem:$0x3F46]  }
0x30: {  	s3 =	sld [smem:$0x3F49]  }
0x31: {  	[smem:$0x3F52] =	sst s10  }
0x32: {  	s10 =	sld [smem:$0x3F50];
	_ =	sdelay $0x3  }
0x33: {  	p0 =	seq.s32 s10, $0x1;
	s10 =	sld [smem:$0x3F52];
	_ =	sdelay $0x3  }
0x34: {  	[smem:$0x3F52] =	sst s10  }
0x35: {  	s10 =	sld [smem:$0x3F51];
	_ =	sdelay $0x3  }
0x36: {  	p1 =	seq.s32 s10, $0x1;
	s10 =	sld [smem:$0x3F52];
	_ =	sdelay $0x3  }
0x37: {  	[smem:$0x3F52] =	sst s10  }
0x38: {  	s10 =	sld [smem:$0x3F53]  }
0x39: {  	_ = 	snop;
	(pc) =	sbr.ind lr, $3  }
0x3a: {  	_ = 	snop  }
0x3b: {  	_ = 	snop  }
0x3c: {  	p2 =	seq.s32 s10, $0x1;
	s10 =	sld [smem:$0x3F52]  }
0x3d: {  	_ =	shalt  }
0x3e: {  	_ =	shalt  }
0x3f: {  	_ =	shalt  }
0x40: {  	_ =	shalt  }
0x41: {  	_ =	shalt  }
0x42: {  	_ =	shalt  }
0x43: {  	_ =	shalt  }
0x44: {  	_ =	shalt  }
0x45: {  	_ =	shalt  }
0x46: {  	_ =	shalt  }
0x47: {  	_ =	shalt  }
0x48: {  	_ =	shalt  }
0x49: {  	_ =	shalt  }
0x4a: {  	_ =	shalt  }
0x4b: {  	_ =	shalt  }
0x4c: {  	_ =	shalt  }
0x4d: {  	_ =	shalt  }
0x4e: {  	_ =	shalt  }
0x4f: {  	_ =	shalt  }
0x50: {  	_ =	shalt  }
0x51: {  	_ =	shalt  }
0x52: {  	_ =	shalt  }
0x53: {  	_ =	shalt  }
0x54: {  	_ =	shalt  }
0x55: {  	_ =	shalt  }
0x56: {  	_ =	shalt  }
0x57: {  	_ =	shalt  }
0x58: {  	_ =	shalt  }
0x59: {  	_ =	shalt  }
0x5a: {  	_ =	shalt  }
0x5b: {  	_ =	shalt  }
0x5c: {  	_ =	shalt  }
0x5d: {  	_ =	shalt  }
0x5e: {  	_ =	shalt  }
0x5f: {  	_ =	shalt  }
0x60: {  	_ =	shalt  }
0x61: {  	_ =	shalt  }
0x62: {  	_ =	shalt  }
0x63: {  	_ =	shalt  }
0x64: {  	_ =	shalt  }
0x65: {  	_ =	shalt  }
0x66: {  	_ =	shalt  }
0x67: {  	_ =	shalt  }
0x68: {  	_ =	shalt  }
0x69: {  	_ =	shalt  }
0x6a: {  	_ =	shalt  }
0x6b: {  	_ =	shalt  }
0x6c: {  	_ =	shalt  }
0x6d: {  	_ =	shalt  }
0x6e: {  	_ =	shalt  }
0x6f: {  	_ =	shalt  }
0x70: {  	_ =	shalt  }
0x71: {  	_ =	shalt  }
0x72: {  	_ =	shalt  }
0x73: {  	_ =	shalt  }
0x74: {  	_ =	shalt  }
0x75: {  	_ =	shalt  }
0x76: {  	_ =	shalt  }
0x77: {  	_ =	shalt  }
0x78: {  	_ =	shalt  }
0x79: {  	_ =	shalt  }
0x7a: {  	_ =	shalt  }
0x7b: {  	_ =	shalt  }
0x7c: {  	_ =	shalt  }
0x7d: {  	_ =	shalt  }
0x7e: {  	_ =	shalt  }
0x7f: {  	_ =	shalt  }
0x80: {  	_ =	shalt  }
0x81: {  	_ =	shalt  }
0x82: {  	_ =	shalt  }
0x83: {  	_ =	shalt  }
0x84: {  	_ =	shalt  }
0x85: {  	_ =	shalt  }
0x86: {  	_ =	shalt  }
0x87: {  	_ =	shalt  }
.Lfunc_end0:
.L_simem_size_0:
called_computation.8_lowered:
.L_overlay_start_0:
0x88: {  	s2 =	sld [smem:$0x3FD9]  }
0x89: {  	s3 =	sld [smem:$0x3FFE];
	_ =	sdelay $0x1  }
0x8a: {  	s1 =	srdreg.scid  }
0x8b: {  	s0 =	sand.u32 $0x1, s1  }
0x8c: {  	s17 =	sshll.u32 s0, $0xA;
	s2 =	sadd.s32 s3, s2  }
0x8d: {  	s2 =	sadd.s32 s2, s17  }
0x8e: {  	[smem:$0x3F5E] =	sst s2  }
0x8f: {  	_ = 	snop  }
0x90: {  	s2 =	sld [smem:$0x3FC7]  }
0x91: {  	s18 =	sld [smem:$0x3FC6];
	(tm) =	ssettm $0x1  }
0x92: {  	s4 =	sld [smem:$0x3FFB];
	_ =	sdelay $0x3  }
0x93: {  	_ =	strace s4  }
0x94: {  	s4 =	sld [smem:$0x3FFC];
	_ =	sdelay $0x3  }
0x95: {  	_ =	strace s4  }
0x96: {  	s4 =	sld [smem:$0x3FFD];
	_ =	sdelay $0x3  }
0x97: {  	_ =	strace s4  }
0x98: {  	_ =	strace $0x8FFFFFFF  }
0x99: {  	s19 =	sld [smem:$0x3FDB];
	_ =	sdelay $0x1  }
0x9a: {  	s5 =	simm.s32 $_scs_section_size  }
0x9b: {  	s6 =	simm.s32 $_size__tile_overlayer_lowered;
	s7 =	simm.s32 $_tile_overlayer_lowered  }
0x9c: {  	s22 =	simm.s32 $0x1BFF;
	s21 =	sshll.u32 s7, $0x1;
	s4 =	sadd.s32 s5, s19  }
0x9d: {  	s8 =	simm.s32 $0x0;
	s20 =	sshll.u32 s6, $0x1;
	s6 =	sadd.s32 s21, s4  }
0x9e: {  	[timem:s8], [sflag:s22] =	dma.local [hbm:s6], s20  }
0x9f: {  	_ =	swait.ge [sflag:s22], s20  }
0xa0: {  	s5 =	ssub.s32 $0x0, s20;
	[sflag:s22] =	ssyncset.done $0x0  }
0xa1: {  	[sflag:s22] =	ssyncadd.s32 s5;
	_ =	sdelay $0x1  }
0xa2: {  	s23 =	simm.s32 $0x1B8B  }
0xa3: {  	_ =	swait.ge [sflag:s23], $0x1  }
0xa4: {  	[sflag:s23] =	ssyncset.done $0x0  }
0xa5: {  	s25 =	simm.s32 $0x1B8E;
	s24 =	sld [smem:$0x3FFE];
	[sflag:s23] =	ssyncadd.s32 $0xFFFFFFFF  }
0xa6: {  	s26 =	simm.s32 $execute0_lowered;
	[smem:$0x3FD2] =	sst s25  }
0xa7: {  	s6 =	sshll.u32 s26, $0x1;
	_ =	strace $0x8000005E;
	[dreg:$0x1] =	wrdreg $0xFFFFFFFF  }
0xa8: {  	s28 =	simm.s32 $_size_execute0_lowered;
	s4 =	sadd.s32 s4, s6;
	[dreg:$0x0] =	wrdreg $0x0  }
0xa9: {  	s6 =	sshll.u32 s28, $0x1;
	[dreg:$0x2] =	wrdreg s4  }
0xaa: {  	[dreg:$0x3] =	wrdreg s6  }
0xab: {  	[dreg:$0x4] =	wrdreg $0xC0  }
0xac: {  	_ =	task [dreg:s8], $0x5FFFF  }
0xad: {  	[dreg:$0x1] =	wrdreg $0xFFFFFFFF  }
0xae: {  	[dreg:$0x0] =	wrdreg $0x60  }
0xaf: {  	[dreg:$0x2] =	wrdreg s24  }
0xb0: {  	[dreg:$0x3] =	wrdreg s2  }
0xb1: {  	[dreg:$0x4] =	wrdreg s18  }
0xb2: {  	[dreg:$0x5] =	wrdreg $0x9  }
0xb3: {  	_ =	task.clear_ibuf [dreg:s8], $0x6FFFF;
	_ =	strace $0x9000005E  }
0xb4: {  	s29 =	simm.s32 $0x9;
	_ =	strace $0x80000060  }
0xb5: {  	_ =	swait.ge [sflag:s29], $0x1  }
0xb6: {  	[sflag:s29] =	ssyncadd.s32 $0xFFFFFFFF  }
0xb7: {  	_ =	strace $0x90000060  }
0xb8: {  	_ =	sfence  }
0xb9: {  	s30 =	sld [smem:$0x0];
	_ =	sdelay $0x2  }
0xba: {  	s31 =	sshll.u32 s1, $0xD;
	s1 =	sshrl.u32 s1, $0x2  }
0xbb: {  	s3 =	sand.u32 $0x4000, s31;
	s1 =	sadd.s32 s1, s30  }
0xbc: {  	s0 =	sor.u32 s3, s0;
	s1 =	sshll.u32 s1, $0x11  }
0xbd: {  	s0 =	sor.u32 s1, s0  }
0xbe: {  	s0 =	sadd.s32 $0x8F2B, s0  }
0xbf: {  	[sflag:s0] =	ssyncadd.remote.s32 $0x1  }
0xc0: {  	_ =	sfence.sel $0xFFFF  }
0xc1: {  	[dreg:$0x0] =	wrdreg $0xFFFFFFFF;
	(pc) =	sbr.abs _section_cstart, $3  }
0xc2: {  	[dreg:$0x1] =	wrdreg $0xFFFFFFFF  }
0xc3: {  	_ =	task.clear_ibuf [dreg:s8], $0x2FFFF;
	_ =	strace $0x9FFFFFFF  }
0xc4: {  	(tm) =	ssettm $0x7FFFFFFF  }
0xc5: {  	_ =	shalt  }
tec
execute0_lowered:
.L_overlay_start_1:
0x0: {  	(tag) =	ssettag $0x1  }
0x1: {  	s5 =	rddreg [dreg:$0x0]  }
0x2: {  	s6 =	rddreg [dreg:$0x1]  }
0x3: {  	s7 =	rddreg [dreg:$0x2]  }
0x4: {  	s1 =	srdreg.scid;
	s0 =	rddreg [dreg:$0x3];
	s2 =	simm.s32 $0x0  }
0x5: {  	s12 =	simm.s32 $0x4E20;
	s13 =	simm.s32 $0x1;
	s14 =	simm.s32 $0x0  }
0x6: {  	s8 =	sand.u32 $0x1, s1;
	s1 =	stileid.u32;
	[smem:$0x7FF] =	sst s2  }
0x7: {  	s3 =	sshll.u32 s8, $0x4;
	s9 =	smul.u32 $0x138800, s8;
	_ =	strace $0x8000005F  }
0x8: {  	s8 =	ssub.s32 $0x2, s8;
	s11 =	smul.u32 $0x13880, s1;
	s4 =	sor.u32 s1, s3  }
0x9: {  	s3 =	sadd.s32 $0x3E800, s5;
	s31 =	sshrl.u32 s8, $0x1;
	s10 =	smul.u32 $0x2710, s4  }
0xa: {  	s4 =	sadd.s32 $0x52200, s5;
	s9 =	sadd.s32 s9, s5;
	s8 =	ssub.s32 s8, s31  }
0xb: {  	s9 =	sadd.s32 s11, s9;
	s11 =	simm.s32 $0x50;
	s10 =	sshrl.u32 s10, $0x3  }
0xc: {  	s5 =	sadd.s32 s6, s10;
	s6 =	sadd.s32 s7, s10;
	s7 =	smax.u32 s8, $0x1  }
0xd: {  	s8 =	sadd.s32 $0x2B0C00, s9;
	s9 =	simm.s32 $0x2;
	s10 =	simm.s32 $0x2710  }
.LBB2_1:
0xe: {  	[tilespmem:s2], [sflag:$0x2] =	stream.linear.gather [hbm4b:s5+s2], $0x2710, $0x38;
	[tilespmem:$0x6220] =	vst v63  }
0xf: {  	_ =	swait.ge [sflag:s9], $0x2710  }
0x10: {  	[sflag:s9] =	ssyncset.done $0x0  }
0x11: {  	[sflag:s9] =	ssyncadd.s32 $0xFFFFD8F0  }
0x12: {  	[tilespmem:s10], [sflag:$0x2] =	stream.linear.gather [hbm4b:s6+s2], $0x2710, $0x38;
	[tilespmem:$0x6220] =	vst v63  }
0x13: {  	_ =	swait.ge [sflag:s9], $0x2710  }
0x14: {  	[sflag:s9] =	ssyncset.done $0x0  }
0x15: {  	s15 =	simm.s32 $0x0;
	[sflag:s9] =	ssyncadd.s32 $0xFFFFD8F0  }
0x16: {  	[tilespmem:s12], [sflag:$0x1] =	stream.indirect.gather [hbm4b:s3+s11], $0x40, s15, s11, $0xb8;
	[tilespmem:$0x6220] =	vst v63  }
0x17: {  	_ =	swait.ge [sflag:s13], $0x1400  }
0x18: {  	[sflag:s13] =	ssyncset.done $0x0  }
0x19: {  	s31 =	simm.s32 $0x2710;
	[sflag:s13] =	ssyncadd.s32 $0xFFFFEC00  }
0x1a: {  	[tilespmem:s12], [sflag:$0x1] =	stream.indirect.gather.add.f32 [hbm:s4], $0x40, s31, s11, $0xb8;
	[tilespmem:$0x6220] =	vst v63  }
0x1b: {  	_ =	swait.ge [sflag:s13], $0x1400  }
0x1c: {  	[sflag:s13] =	ssyncset.done $0x0  }
0x1d: {  	[sflag:s13] =	ssyncadd.s32 $0xFFFFEC00  }
0x1e: {  	[hbm4b:s8+s2] =	stream.linear.scatter [tilespmem:s12], [sflag:$0x2], $0x1400, $0x38;
	[tilespmem:$0x6220] =	vst v63  }
0x1f: {  	s16 =	simm.s32 $0x140;
	_ =	swait.ge [sflag:s9], $0x1400  }
0x20: {  	s17 =	simm.s32 $0x280;
	s15 =	sadd.s32 $0x280, s8;
	[sflag:s9] =	ssyncset.done $0x0  }
.LBB2_2:
0x21: {  	s18 =	sshra.s32 s16, $0x2  }
0x22: {  	[sflag:s9] =	ssyncadd.s32 $0xFFFFEC00;
	s16 =	smov.u32 s17;
	s19 =	sadd.s32 $0x140, s17  }
0x23: {  	[tilespmem:s12], [sflag:$0x1] =	stream.indirect.gather [hbm4b:s3+s11], $0x40, s18, s11, $0xb8;
	[tilespmem:$0x6220] =	vst v63  }
0x24: {  	p0 =	sne.s32 s17, $0x9B00;
	_ =	swait.ge [sflag:s13], $0x1400  }
0x25: {  	[sflag:s13] =	ssyncset.done $0x0  }
0x26: {  	s17 =	sadd.s32 $0x2710, s18;
	[sflag:s13] =	ssyncadd.s32 $0xFFFFEC00  }
0x27: {  	[tilespmem:s12], [sflag:$0x1] =	stream.indirect.gather.add.f32 [hbm:s4], $0x40, s17, s11, $0xb8;
	[tilespmem:$0x6220] =	vst v63  }
0x28: {  	_ =	swait.ge [sflag:s13], $0x1400  }
.Ltmp0:
0x29: {  	[sflag:s13] =	ssyncset.done $0x0;
	(pc) =	sbr.rel @p0 .LBB2_2-.Ltmp0, $4  }
0x2a: {  	[sflag:s13] =	ssyncadd.s32 $0xFFFFEC00  }
0x2b: {  	[hbm4b:s15+s2] =	stream.linear.scatter [tilespmem:s12], [sflag:$0x2], $0x1400, $0x38;
	[tilespmem:$0x6220] =	vst v63  }
0x2c: {  	_ =	swait.ge [sflag:s9], $0x1400  }
0x2d: {  	s17 =	smov.u32 s19;
	s15 =	sadd.s32 $0x280, s15;
	[sflag:s9] =	ssyncset.done $0x0  }
0x2e: {  	s16 =	sshra.s32 s16, $0x2;
	[sflag:s9] =	ssyncadd.s32 $0xFFFFEC00  }
0x2f: {  	[tilespmem:s12], [sflag:$0x1] =	stream.indirect.gather [hbm4b:s3+s11], $0x40, s16, s11, $0xb8;
	[tilespmem:$0x6220] =	vst v63  }
0x30: {  	_ =	swait.ge [sflag:s13], $0x1400  }
0x31: {  	[sflag:s13] =	ssyncset.done $0x0  }
0x32: {  	s16 =	sadd.s32 $0x2710, s16;
	[sflag:s13] =	ssyncadd.s32 $0xFFFFEC00  }
0x33: {  	[tilespmem:s12], [sflag:$0x1] =	stream.indirect.gather.add.f32 [hbm:s4], $0x40, s16, s11, $0xb8;
	[tilespmem:$0x6220] =	vst v63  }
0x34: {  	s14 =	sadd.s32 $0x1, s14;
	_ =	swait.ge [sflag:s13], $0x1400  }
0x35: {  	p0 =	sne.s32 s14, s7;
	[sflag:s13] =	ssyncset.done $0x0  }
.Ltmp1:
0x36: {  	[sflag:s13] =	ssyncadd.s32 $0xFFFFEC00;
	(pc) =	sbr.rel @p0 .LBB2_1-.Ltmp1, $4  }
0x37: {  	[hbm4b:s15+s2] =	stream.linear.scatter [tilespmem:s12], [sflag:$0x2], $0x1400, $0x38;
	[tilespmem:$0x6220] =	vst v63  }
0x38: {  	_ =	swait.ge [sflag:s9], $0x1400  }
0x39: {  	[sflag:s9] =	ssyncset.done $0x0  }
0x3a: {  	[sflag:s9] =	ssyncadd.s32 $0xFFFFEC00  }
0x3b: {  	_ =	sfence.sel $0x180000  }
0x3c: {  	[bflag:$0x0] =	sbarrier.arrive $0xFFFF  }
0x3d: {  	p0 =	sne.s32 s1, $0x0;
	_ =	strace $0x9000005F  }
0x3e: {  	s0 =	sadd.s32 @!p0 $0x100000, s0;
	[bflag:$0x2] =	sbarrier.arrive $0xFFFF  }
0x3f: {  	[sflag:s0] =	ssyncadd.tile.s32 @!p0 $0x1;
	_ =	shalt  }
.Lfunc_end2:
_tile_overlayer_lowered:
.L_overlay_start_2:
0x40: {  	(tag) =	ssettag $0x2  }
0x41: {  	s0 =	rddreg [dreg:$0x0];
	s2 =	stileid.u32  }
0x42: {  	s1 =	rddreg [dreg:$0x1];
	p0 =	sne.s32 s2, $0x0  }
0x43: {  	s3 =	rddreg [dreg:$0x2];
	[bflag:$0x3] =	sbarrier.arrive $0xFFFF;
	s2 =	simm.s32 @!p0 $0x1C02  }
0x44: {  	[timem:s3], [sflag:s2] =	dma.local @!p0 [hbm:s0], s1  }
0x45: {  	s0 =	simm.s32 @!p0 $0x2  }
0x46: {  	_ =	swait.ge @!p0 [sflag:s0], s1  }
0x47: {  	s1 =	ssub.s32 @!p0 $0x0, s1;
	[sflag:s0] =	ssyncset.done @!p0 $0x0  }
0x48: {  	[sflag:s0] =	ssyncadd.s32 @!p0 s1  }
0x49: {  	[bflag:$0x3] =	sbarrier.arrive $0xFFFF  }
0x4a: {  	_ =	shalt  }

// kernel: kernel.52.cloned.1.call-start
scs
__scs_entry_jumppad:
0x0: {  	(pc) =	sbr.rel $0x88, $3  }
0x1: {  	(tag) =	ssettag $0x0;
	lr =	simm.s32 $0x1  }
0x2: {  	[smem:$0x3F37] =	sst lr;
	_ =	strace $0xD0000000  }
0x3: {  	_ = 	snop  }
0x4: {  	_ = 	snop  }
0x5: {  	_ = 	snop  }
0x6: {  	_ = 	snop  }
0x7: {  	_ = 	snop  }
__scs_overlays_trampoline_lowered:
0x8: {  	[smem:$0x3F46] =	sst s0  }
0x9: {  	[smem:$0x3F47] =	sst s1  }
0xa: {  	[smem:$0x3F48] =	sst s2  }
0xb: {  	[smem:$0x3F49] =	sst s3  }
0xc: {  	[smem:$0x3F4A] =	sst s4  }
0xd: {  	[smem:$0x3F4B] =	sst s5  }
0xe: {  	[smem:$0x3F4C] =	sst s6  }
0xf: {  	[smem:$0x3F4D] =	sst s7  }
0x10: {  	[smem:$0x3F4E] =	sst s8  }
0x11: {  	[smem:$0x3F4F] =	sst s9;
	s0 =	simm.s32 @!p0 $0x0  }
0x12: {  	s1 =	sld [smem:$0x3F35];
	s0 =	simm.s32 @p0 $0x1  }
0x13: {  	[smem:$0x3F50] =	sst s0;
	s0 =	simm.s32 @!p1 $0x0  }
0x14: {  	s2 =	sld [smem:$0x3F34];
	s0 =	simm.s32 @p1 $0x1  }
0x15: {  	[smem:$0x3F51] =	sst s0;
	s0 =	simm.s32 @!p2 $0x0  }
0x16: {  	s3 =	sld [smem:$0x3FDB];
	s0 =	simm.s32 @p2 $0x1  }
0x17: {  	s4 =	simm.s32 $0x1BF5;
	[smem:$0x3F53] =	sst s0  }
0x18: {  	s0 =	sld [smem:$0x3F36];
	_ =	swait.ge [sflag:s4], $0x0  }
0x19: {  	s7 =	sld [smem:$0x3F37]  }
0x1a: {  	s8 =	sadd.s32 $0xFFFFE003, lr  }
0x1b: {  	s9 =	sadd.s32 $0xFFFFFEF7, lr;
	s5 =	simm.s32 $0xFFFFFFFF;
	p2 =	slt.u32 s8, $0xFFFFF086  }
0x1c: {  	p1 =	slt.u32 s9, $0xF7A;
	s5 =	simm.s32 @!p2 $0x0  }
0x1d: {  	s5 =	simm.s32 @p1 $0x1;
	p0 =	seq.s32 s7, s2  }
0x1e: {  	s7 =	smul.u32 @!p0 $0xF7A, s2;
	p2 =	seq.s32 @!p0 s5, $0x0  }
0x1f: {  	s9 =	smul.u32 $0xF7A, s1;
	s8 =	simm.s32 @!p0 $0x1BF5;
	p2 =	por !p2, p0  }
0x20: {  	[sflag:s8] =	ssyncset.s32 @!p0 $0xFFFFF086;
	s6 =	sadd.s32 @!p0 s3, s7;
	s7 =	simm.s32 @!p0 $0x108  }
0x21: {  	s3 =	sadd.s32 s3, s9;
	s6 =	sadd.s32 @!p0 $0x88, s6;
	s7 =	simm.s32 @p2 $0x1082  }
0x22: {  	[simem:s7], [sflag:s8] =	dma.local @!p0 [hbm:s6], $0xF7A  }
0x23: {  	s9 =	sor.u32 $0xD0000000, s2;
	s6 =	simm.s32 $0x108;
	_ =	swait.ge @!p0 [sflag:s8], $0x0  }
0x24: {  	s3 =	sadd.s32 $0x88, s3;
	s6 =	simm.s32 @!p1 $0x1082;
	[sflag:s4] =	ssyncset.s32 $0xFFFFF086  }
0x25: {  	[simem:s6], [sflag:s4] =	dma.local [hbm:s3], $0xF7A  }
0x26: {  	[smem:$0x3F37] =	sst s1;
	(tag) =	ssettag s2;
	_ =	strace s9  }
0x27: {  	s1 =	sld [smem:$0x3F47]  }
0x28: {  	s2 =	sld [smem:$0x3F48]  }
0x29: {  	s4 =	sld [smem:$0x3F4A]  }
0x2a: {  	p0 =	seq.s32 s5, $0x0;
	s5 =	sld [smem:$0x3F4B]  }
0x2b: {  	s6 =	sld [smem:$0x3F4C]  }
0x2c: {  	s7 =	sld [smem:$0x3F4D]  }
0x2d: {  	s3 =	simm.s32 $0x108;
	s8 =	sld [smem:$0x3F4E]  }
0x2e: {  	s3 =	simm.s32 @!p0 $0x1082;
	s9 =	sld [smem:$0x3F4F]  }
0x2f: {  	lr =	sadd.s32 s0, s3;
	s0 =	sld [smem:$0x3F46]  }
0x30: {  	s3 =	sld [smem:$0x3F49]  }
0x31: {  	[smem:$0x3F52] =	sst s10  }
0x32: {  	s10 =	sld [smem:$0x3F50];
	_ =	sdelay $0x3  }
0x33: {  	p0 =	seq.s32 s10, $0x1;
	s10 =	sld [smem:$0x3F52];
	_ =	sdelay $0x3  }
0x34: {  	[smem:$0x3F52] =	sst s10  }
0x35: {  	s10 =	sld [smem:$0x3F51];
	_ =	sdelay $0x3  }
0x36: {  	p1 =	seq.s32 s10, $0x1;
	s10 =	sld [smem:$0x3F52];
	_ =	sdelay $0x3  }
0x37: {  	[smem:$0x3F52] =	sst s10  }
0x38: {  	s10 =	sld [smem:$0x3F53]  }
0x39: {  	_ = 	snop;
	(pc) =	sbr.ind lr, $3  }
0x3a: {  	_ = 	snop  }
0x3b: {  	_ = 	snop  }
0x3c: {  	p2 =	seq.s32 s10, $0x1;
	s10 =	sld [smem:$0x3F52]  }
0x3d: {  	_ =	shalt  }
0x3e: {  	_ =	shalt  }
0x3f: {  	_ =	shalt  }
0x40: {  	_ =	shalt  }
0x41: {  	_ =	shalt  }
0x42: {  	_ =	shalt  }
0x43: {  	_ =	shalt  }
0x44: {  	_ =	shalt  }
0x45: {  	_ =	shalt  }
0x46: {  	_ =	shalt  }
0x47: {  	_ =	shalt  }
0x48: {  	_ =	shalt  }
0x49: {  	_ =	shalt  }
0x4a: {  	_ =	shalt  }
0x4b: {  	_ =	shalt  }
0x4c: {  	_ =	shalt  }
0x4d: {  	_ =	shalt  }
0x4e: {  	_ =	shalt  }
0x4f: {  	_ =	shalt  }
0x50: {  	_ =	shalt  }
0x51: {  	_ =	shalt  }
0x52: {  	_ =	shalt  }
0x53: {  	_ =	shalt  }
0x54: {  	_ =	shalt  }
0x55: {  	_ =	shalt  }
0x56: {  	_ =	shalt  }
0x57: {  	_ =	shalt  }
0x58: {  	_ =	shalt  }
0x59: {  	_ =	shalt  }
0x5a: {  	_ =	shalt  }
0x5b: {  	_ =	shalt  }
0x5c: {  	_ =	shalt  }
0x5d: {  	_ =	shalt  }
0x5e: {  	_ =	shalt  }
0x5f: {  	_ =	shalt  }
0x60: {  	_ =	shalt  }
0x61: {  	_ =	shalt  }
0x62: {  	_ =	shalt  }
0x63: {  	_ =	shalt  }
0x64: {  	_ =	shalt  }
0x65: {  	_ =	shalt  }
0x66: {  	_ =	shalt  }
0x67: {  	_ =	shalt  }
0x68: {  	_ =	shalt  }
0x69: {  	_ =	shalt  }
0x6a: {  	_ =	shalt  }
0x6b: {  	_ =	shalt  }
0x6c: {  	_ =	shalt  }
0x6d: {  	_ =	shalt  }
0x6e: {  	_ =	shalt  }
0x6f: {  	_ =	shalt  }
0x70: {  	_ =	shalt  }
0x71: {  	_ =	shalt  }
0x72: {  	_ =	shalt  }
0x73: {  	_ =	shalt  }
0x74: {  	_ =	shalt  }
0x75: {  	_ =	shalt  }
0x76: {  	_ =	shalt  }
0x77: {  	_ =	shalt  }
0x78: {  	_ =	shalt  }
0x79: {  	_ =	shalt  }
0x7a: {  	_ =	shalt  }
0x7b: {  	_ =	shalt  }
0x7c: {  	_ =	shalt  }
0x7d: {  	_ =	shalt  }
0x7e: {  	_ =	shalt  }
0x7f: {  	_ =	shalt  }
0x80: {  	_ =	shalt  }
0x81: {  	_ =	shalt  }
0x82: {  	_ =	shalt  }
0x83: {  	_ =	shalt  }
0x84: {  	_ =	shalt  }
0x85: {  	_ =	shalt  }
0x86: {  	_ =	shalt  }
0x87: {  	_ =	shalt  }
.Lfunc_end0:
.L_simem_size_0:
called_computation.9_lowered:
.L_overlay_start_0:
0x88: {  	s2 =	sld [smem:$0x3FD9]  }
0x89: {  	s3 =	sld [smem:$0x3FFE];
	_ =	sdelay $0x1  }
0x8a: {  	s1 =	srdreg.scid  }
0x8b: {  	s0 =	sand.u32 $0x1, s1  }
0x8c: {  	s17 =	sshll.u32 s0, $0xA;
	s2 =	sadd.s32 s3, s2  }
0x8d: {  	s2 =	sadd.s32 s2, s17  }
0x8e: {  	[smem:$0x3F5E] =	sst s2  }
0x8f: {  	_ = 	snop  }
0x90: {  	s2 =	sld [smem:$0x3FC6];
	(tm) =	ssettm $0x1  }
0x91: {  	s18 =	sld [smem:$0x3FFB];
	_ =	sdelay $0x3  }
0x92: {  	_ =	strace s18  }
0x93: {  	s3 =	sld [smem:$0x3FFC];
	_ =	sdelay $0x3  }
0x94: {  	_ =	strace s3  }
0x95: {  	s3 =	sld [smem:$0x3FFD];
	_ =	sdelay $0x3  }
0x96: {  	_ =	strace s3  }
0x97: {  	_ =	strace $0x8FFFFFFF  }
0x98: {  	s19 =	sld [smem:$0x3FDB];
	_ =	sdelay $0x1  }
0x99: {  	s4 =	simm.s32 $_scs_section_size  }
0x9a: {  	s5 =	simm.s32 $_size__tile_overlayer_lowered;
	s6 =	simm.s32 $_tile_overlayer_lowered  }
0x9b: {  	s22 =	simm.s32 $0x1BFF;
	s21 =	sshll.u32 s6, $0x1;
	s3 =	sadd.s32 s4, s19  }
0x9c: {  	s7 =	simm.s32 $0x0;
	s20 =	sshll.u32 s5, $0x1;
	s5 =	sadd.s32 s21, s3  }
0x9d: {  	[timem:s7], [sflag:s22] =	dma.local [hbm:s5], s20  }
0x9e: {  	_ =	swait.ge [sflag:s22], s20  }
0x9f: {  	s4 =	ssub.s32 $0x0, s20;
	[sflag:s22] =	ssyncset.done $0x0  }
0xa0: {  	[sflag:s22] =	ssyncadd.s32 s4;
	_ =	sdelay $0x1  }
0xa1: {  	s23 =	simm.s32 $0x1B8B  }
0xa2: {  	_ =	swait.ge [sflag:s23], $0x1  }
0xa3: {  	[sflag:s23] =	ssyncset.done $0x0  }
0xa4: {  	s25 =	simm.s32 $0x1B8E;
	s24 =	sld [smem:$0x3FFE];
	[sflag:s23] =	ssyncadd.s32 $0xFFFFFFFF  }
0xa5: {  	s26 =	simm.s32 $execute0_lowered;
	[smem:$0x3FD2] =	sst s25  }
0xa6: {  	s5 =	sshll.u32 s26, $0x1;
	_ =	strace $0x80000061;
	[dreg:$0x1] =	wrdreg $0xFFFFFFFF  }
0xa7: {  	s28 =	simm.s32 $_size_execute0_lowered;
	s3 =	sadd.s32 s3, s5;
	[dreg:$0x0] =	wrdreg $0x0  }
0xa8: {  	s5 =	sshll.u32 s28, $0x1;
	[dreg:$0x2] =	wrdreg s3  }
0xa9: {  	[dreg:$0x3] =	wrdreg s5  }
0xaa: {  	[dreg:$0x4] =	wrdreg $0xC0  }
0xab: {  	_ =	task [dreg:s7], $0x5FFFF  }
0xac: {  	[dreg:$0x1] =	wrdreg $0xFFFFFFFF  }
0xad: {  	[dreg:$0x0] =	wrdreg $0x60  }
0xae: {  	[dreg:$0x2] =	wrdreg s24  }
0xaf: {  	[dreg:$0x3] =	wrdreg s2  }
0xb0: {  	[dreg:$0x4] =	wrdreg $0x3B100  }
0xb1: {  	[dreg:$0x5] =	wrdreg $0x9  }
0xb2: {  	_ =	task.clear_ibuf [dreg:s7], $0x6FFFF;
	_ =	strace $0x90000061  }
0xb3: {  	s29 =	simm.s32 $0x9;
	_ =	strace $0x80000063  }
0xb4: {  	_ =	swait.ge [sflag:s29], $0x1  }
0xb5: {  	[sflag:s29] =	ssyncadd.s32 $0xFFFFFFFF  }
0xb6: {  	_ =	strace $0x90000063  }
0xb7: {  	_ =	sfence  }
0xb8: {  	s30 =	sld [smem:$0x0];
	_ =	sdelay $0x2  }
0xb9: {  	s31 =	sshll.u32 s1, $0xD;
	s1 =	sshrl.u32 s1, $0x2  }
0xba: {  	s3 =	sand.u32 $0x4000, s31;
	s1 =	sadd.s32 s1, s30  }
0xbb: {  	s0 =	sor.u32 s3, s0;
	s1 =	sshll.u32 s1, $0x11  }
0xbc: {  	s0 =	sor.u32 s1, s0  }
0xbd: {  	s0 =	sadd.s32 $0x8F2B, s0  }
0xbe: {  	[sflag:s0] =	ssyncadd.remote.s32 $0x1  }
0xbf: {  	_ =	sfence.sel $0xFFFF  }
0xc0: {  	[dreg:$0x0] =	wrdreg $0xFFFFFFFF;
	(pc) =	sbr.abs _section_cstart, $3  }
0xc1: {  	[dreg:$0x1] =	wrdreg $0xFFFFFFFF  }
0xc2: {  	_ =	task.clear_ibuf [dreg:s7], $0x2FFFF;
	_ =	strace $0x9FFFFFFF  }
0xc3: {  	(tm) =	ssettm $0x7FFFFFFF  }
tec
execute0_lowered:
.L_overlay_start_1:
0x0: {  	(tag) =	ssettag $0x1  }
0x1: {  	s5 =	rddreg [dreg:$0x0]  }
0x2: {  	s6 =	rddreg [dreg:$0x1]  }
0x3: {  	s0 =	srdreg.scid;
	s1 =	rddreg [dreg:$0x2]  }
0x4: {  	s2 =	simm.s32 $0x0;
	s7 =	sand.u32 $0x1, s0;
	s0 =	rddreg [dreg:$0x3]  }
0x5: {  	[smem:$0x7FF] =	sst s2;
	s3 =	smul.u32 $0x138800, s7  }
0x6: {  	s9 =	smul.u32 $0x14000, s7;
	s10 =	sshll.u32 s7, $0x4;
	s7 =	ssub.s32 $0x2, s7  }
0x7: {  	s4 =	sadd.s32 $0x2AF800, s5;
	_ =	strace $0x80000062;
	s30 =	sshrl.u32 s7, $0x1  }
0x8: {  	s8 =	sadd.s32 s3, s5;
	s3 =	stileid.u32;
	s9 =	sadd.s32 s9, s5  }
0x9: {  	s7 =	ssub.s32 s7, s30;
	s10 =	sor.u32 s3, s10;
	s11 =	smul.u32 $0xA000, s3  }
0xa: {  	s31 =	sshll.u32 s3, $0x6;
	s12 =	smul.u32 $0x13880, s3;
	s14 =	sadd.s32 $0x2B0C00, s9  }
0xb: {  	s7 =	smax.u32 s7, $0x1;
	s10 =	smul.u32 $0x2710, s10;
	s5 =	sor.u32 $0x1C01, s31  }
0xc: {  	s13 =	sadd.s32 s11, s1;
	s8 =	sadd.s32 s12, s8;
	s15 =	sshrl.u32 s11, $0x3  }
0xd: {  	s11 =	simm.s32 $0x2710;
	s12 =	simm.s32 $0x50;
	s10 =	sshrl.u32 s10, $0x3  }
0xe: {  	s8 =	sadd.s32 $0x3E800, s8;
	s9 =	sshrl.u32 s13, $0x3;
	s13 =	sadd.s32 s15, s14  }
0xf: {  	s14 =	simm.s32 $0x0;
	s6 =	sadd.s32 s6, s10;
	s10 =	simm.s32 $0x1  }
.LBB2_1:
0x10: {  	[spmem:s9], [sflag:s5] =	dma.local [hbm:s4], $0x1400  }
0x11: {  	_ =	swait.ge [sflag:s10], $0x1400  }
0x12: {  	[sflag:s10] =	ssyncset.done $0x0  }
0x13: {  	[sflag:s10] =	ssyncadd.s32 $0xFFFFEC00  }
0x14: {  	[tilespmem:s2], [sflag:$0x1] =	stream.linear.gather [hbm4b:s6+s2], $0x2710, $0x38;
	[tilespmem:$0xDB10] =	vst v63  }
0x15: {  	_ =	swait.ge [sflag:s10], $0x2710  }
0x16: {  	[sflag:s10] =	ssyncset.done $0x0  }
0x17: {  	[sflag:s10] =	ssyncadd.s32 $0xFFFFD8F0  }
0x18: {  	[bflag:$0x0] =	sbarrier.arrive $0xFFFF  }
0x19: {  	[tilespmem:s11], [sflag:$0x1] =	stream.linear.gather [hbm4b:s8+s2], $0x1400, $0x38;
	[tilespmem:$0xDB10] =	vst v63  }
0x1a: {  	_ =	swait.ge [sflag:s10], $0x1400  }
0x1b: {  	[sflag:s10] =	ssyncset.done $0x0  }
0x1c: {  	s15 =	simm.s32 $0x0;
	[sflag:s10] =	ssyncadd.s32 $0xFFFFEC00  }
0x1d: {  	[spmem:s1] =	stream.indirect.scatter.add.f32 [tilespmem:s11], [sflag:$0x1], $0x40, s15, s12, $0xb8;
	[tilespmem:$0xDB10] =	vst v63  }
0x1e: {  	_ =	swait.ge [sflag:s10], $0x1400  }
0x1f: {  	s16 =	smov.u32 s8;
	s15 =	simm.s32 $0x140;
	[sflag:s10] =	ssyncset.done $0x0  }
.LBB2_2:
0x20: {  	p0 =	sne.s32 s15, $0x9B00;
	[sflag:s10] =	ssyncadd.s32 $0xFFFFEC00;
	s16 =	sadd.s32 $0x280, s16  }
0x21: {  	[tilespmem:s11], [sflag:$0x1] =	stream.linear.gather [hbm4b:s16+s2], $0x1400, $0x38;
	[tilespmem:$0xDB10] =	vst v63  }
0x22: {  	s17 =	smov.u32 s15;
	s15 =	sadd.s32 $0x140, s15;
	_ =	swait.ge [sflag:s10], $0x1400  }
.Ltmp0:
0x23: {  	[sflag:s10] =	ssyncset.done $0x0;
	(pc) =	sbr.rel @p0 .LBB2_2-.Ltmp0, $4  }
0x24: {  	s17 =	sshra.s32 s17, $0x2;
	[sflag:s10] =	ssyncadd.s32 $0xFFFFEC00  }
0x25: {  	[spmem:s1] =	stream.indirect.scatter.add.f32 [tilespmem:s11], [sflag:$0x1], $0x40, s17, s12, $0xb8;
	[tilespmem:$0xDB10] =	vst v63  }
0x26: {  	_ =	swait.ge [sflag:s10], $0x1400  }
0x27: {  	[sflag:s10] =	ssyncset.done $0x0  }
0x28: {  	s14 =	sadd.s32 $0x1, s14  }
0x29: {  	[sflag:s10] =	ssyncadd.s32 $0xFFFFEC00;
	p0 =	sne.s32 s14, s7  }
.Ltmp1:
0x2a: {  	[bflag:$0x0] =	sbarrier.arrive $0xFFFF;
	(pc) =	sbr.rel @p0 .LBB2_1-.Ltmp1, $4  }
0x2b: {  	[hbm:s13], [sflag:s5] =	dma.local [spmem:s9], $0x1400  }
0x2c: {  	_ =	swait.ge [sflag:s10], $0x1400  }
0x2d: {  	[sflag:s10] =	ssyncset.done $0x0  }
0x2e: {  	[sflag:s10] =	ssyncadd.s32 $0xFFFFEC00  }
0x2f: {  	_ =	sfence.sel $0x180000  }
0x30: {  	[bflag:$0x0] =	sbarrier.arrive $0xFFFF  }
0x31: {  	p0 =	sne.s32 s3, $0x0;
	_ =	strace $0x90000062  }
0x32: {  	s0 =	sadd.s32 @!p0 $0x100000, s0;
	[bflag:$0x2] =	sbarrier.arrive $0xFFFF  }
0x33: {  	[sflag:s0] =	ssyncadd.tile.s32 @!p0 $0x1;
	_ =	shalt  }
.Lfunc_end2:
_tile_overlayer_lowered:
.L_overlay_start_2:
0x34: {  	(tag) =	ssettag $0x2  }
0x35: {  	s0 =	rddreg [dreg:$0x0];
	s2 =	stileid.u32  }
0x36: {  	s1 =	rddreg [dreg:$0x1];
	p0 =	sne.s32 s2, $0x0  }
0x37: {  	s3 =	rddreg [dreg:$0x2];
	[bflag:$0x3] =	sbarrier.arrive $0xFFFF;
	s2 =	simm.s32 @!p0 $0x1C01  }
0x38: {  	[timem:s3], [sflag:s2] =	dma.local @!p0 [hbm:s0], s1  }
0x39: {  	s0 =	simm.s32 @!p0 $0x1  }
0x3a: {  	_ =	swait.ge @!p0 [sflag:s0], s1  }
0x3b: {  	s1 =	ssub.s32 @!p0 $0x0, s1;
	[sflag:s0] =	ssyncset.done @!p0 $0x0  }
0x3c: {  	[sflag:s0] =	ssyncadd.s32 @!p0 s1  }
0x3d: {  	[bflag:$0x3] =	sbarrier.arrive $0xFFFF  }
0x3e: {  	_ =	shalt  }

</sc_bundles>
